<compile_context>
chip_gen: v7x
topology: tpu7x:2x2x1
jax: 0.10.2.dev20260603
libtpu: 0.0.44.dev20260713+nightly
codegen_flags: <defaults>
</compile_context>

<pallas_src>
import functools

import jax
import jax.numpy as jnp
from jax import lax
from jax.experimental import pallas as pl
from jax.experimental.pallas import tpu as pltpu
from jax.experimental.pallas import tpu_sc as plsc

_NC, _NS, _LANES = 2, 16, 16
_NW = _NC * _NS
_D = 256
_W = 2 * _D
_P = 64 * 1024
_PPW = _P // _NW
_CH = 64
_NCH = _PPW // _CH
_IDXROWS = _PPW // _CH
_XPT = 64 // _NS


@functools.partial(
    pl.kernel,
    mesh=plsc.VectorSubcoreMesh(core_axis_name="c", subcore_axis_name="s"),
    out_type=(
        jax.ShapeDtypeStruct((_P, _W), jnp.float32),
        jax.ShapeDtypeStruct((64 * 64, _W), jnp.float32),
        jax.ShapeDtypeStruct((64 * 64, _W), jnp.float32),
    ),
    scratch_types=[
        pltpu.VMEM((_IDXROWS, _CH), jnp.int32),
        pltpu.VMEM((_IDXROWS, _CH), jnp.int32),
        pltpu.VMEM((_XPT, _D), jnp.float32),
        pltpu.VMEM((64, _D), jnp.float32),
        pltpu.VMEM((64, _W), jnp.float32),
        pltpu.VMEM((_CH, _W), jnp.float32),
        pltpu.VMEM((_CH, _W), jnp.float32),
        pltpu.SemaphoreType.DMA,
        pltpu.SemaphoreType.DMA,
        pltpu.SemaphoreType.DMA,
        pltpu.SemaphoreType.DMA,
        pltpu.SemaphoreType.DMA,
        pltpu.SemaphoreType.DMA,
    ],
)
def _sc_lookup(idx_x_hbm, idx_y_hbm, col_hbm, row_hbm,
               out_hbm, cross0_hbm, cross1_hbm,
               idxx_v, idxy_v, colblk_v, rowtbl_v, blk_v, buf0, buf1,
               sg0, sg1, sg2, so0, so1, so2):
    bufs = (buf0, buf1, blk_v)
    sgs = (sg0, sg1, sg2)
    sos = (so0, so1, so2)
    cid = lax.axis_index("c")
    sid = lax.axis_index("s")
    wid = sid * _NC + cid
    base = wid * _PPW

    pltpu.sync_copy(col_hbm.at[pl.ds(sid * _XPT, _XPT)], colblk_v)
    pltpu.sync_copy(row_hbm, rowtbl_v)

    def build_into(cross_hbm):
        for xi in range(_XPT):
            left = [colblk_v[xi, pl.ds(k * _LANES, _LANES)]
                    for k in range(_D // _LANES)]

            def fill_row(r, carry):
                for k in range(_D // _LANES):
                    blk_v[r, pl.ds(k * _LANES, _LANES)] = left[k]
                for k in range(_D // _LANES):
                    blk_v[r, pl.ds(_D + k * _LANES, _LANES)] = (
                        rowtbl_v[r, pl.ds(k * _LANES, _LANES)])
                return carry

            lax.fori_loop(0, 64, fill_row, 0)
            pltpu.sync_copy(
                blk_v, cross_hbm.at[pl.ds((sid * _XPT + xi) * 64, 64)])

    @pl.when(cid == 0)
    def _b0():
        build_into(cross0_hbm)

    @pl.when(cid == 1)
    def _b1():
        build_into(cross1_hbm)

    pltpu.sync_copy(idx_x_hbm.at[pl.ds(wid * _IDXROWS, _IDXROWS)], idxx_v)
    pltpu.sync_copy(idx_y_hbm.at[pl.ds(wid * _IDXROWS, _IDXROWS)], idxy_v)

    def comb_row(i, carry):
        def comb_vec(j, c2):
            sl = pl.ds(j * _LANES, _LANES)
            idxx_v[i, sl] = idxx_v[i, sl] * 64 + idxy_v[i, sl]
            return c2
        return lax.fori_loop(0, _CH // _LANES, comb_vec, carry)

    lax.fori_loop(0, _IDXROWS, comb_row, 0)

    plsc.subcore_barrier()

    def gather_phase(cross_hbm):
        def start_gather(c, b):
            pltpu.async_copy(cross_hbm.at[idxx_v.at[c]], bufs[b], sgs[b])

        def wait_gather(b):
            pltpu.make_async_copy(
                cross_hbm.at[idxx_v.at[0]], bufs[b], sgs[b]).wait()

        def out_desc(c, b):
            return pltpu.make_async_copy(
                bufs[b], out_hbm.at[pl.ds(base + c * _CH, _CH)], sos[b])

        start_gather(0, 0)
        start_gather(1, 1)

        wait_gather(0)
        out_desc(0, 0).start()
        start_gather(2, 2)
        wait_gather(1)
        out_desc(1, 1).start()
        out_desc(0, 0).wait()
        start_gather(3, 0)
        wait_gather(2)
        out_desc(2, 2).start()
        out_desc(1, 1).wait()
        start_gather(4, 1)

        def trip(s, carry):
            for b in range(3):
                c = 3 * s + b
                wait_gather(b)
                out_desc(c, b).start()
                bp = (b + 2) % 3
                out_desc(c - 1, bp).wait()
                start_gather(c + 2, bp)
            return carry

        lax.fori_loop(1, _NCH // 3, trip, 0)

        wait_gather(0)
        out_desc(30, 0).start()
        out_desc(29, 2).wait()
        wait_gather(1)
        out_desc(31, 1).start()
        out_desc(30, 0).wait()
        out_desc(31, 1).wait()

    @pl.when(cid == 0)
    def _g0():
        gather_phase(cross0_hbm)

    @pl.when(cid == 1)
    def _g1():
        gather_phase(cross1_hbm)


def kernel(position_inds, col_embed, row_embed):
    pi = position_inds.astype(jnp.int32)
    idx_x = pi[:, :, 0].reshape(_P // _CH, _CH)
    idx_y = pi[:, :, 1].reshape(_P // _CH, _CH)
    out, _, _ = _sc_lookup(idx_x, idx_y, col_embed, row_embed)
    return out.reshape(64, 1024, _W)

# --- scband reference (transcript-rebuilt; emitter-appended) ---
"""Pipeline reference for scband-position-embedding-learned-23149873725970 (READ-ONLY COPY).

The authoritative reference and input builder live on the scoring server;
editing this copy changes nothing except your own understanding.
"""

import jax, jax.numpy as jnp
import numpy as np


def setup_inputs(seed: int = 0) -> dict:
    key = jax.random.key(seed)
    k1, k2, k3 = jax.random.split(key, 3)
    position_inds = jax.random.randint(k1, (64, 1024, 2), 0, 64, dtype=jnp.int64 if jax.config.jax_enable_x64 else jnp.int32)
    # learned params: nn.Embedding(64, num_pos_feats) init'd with uniform_ in [0,1)
    col_embed = jax.random.uniform(k2, (64, 256), dtype=jnp.float32)
    row_embed = jax.random.uniform(k3, (64, 256), dtype=jnp.float32)
    return {"position_inds": position_inds, "col_embed": col_embed, "row_embed": row_embed}


def reference(position_inds, col_embed, row_embed):
    # x_emb = self.col_embed(position_inds[:, :, 0])
    x_emb = jnp.take(col_embed, position_inds[:, :, 0], axis=0)
    # y_emb = self.row_embed(position_inds[:, :, 1])
    y_emb = jnp.take(row_embed, position_inds[:, :, 1], axis=0)
    pos = jnp.concatenate([x_emb, y_emb], axis=-1)
    return pos

if __name__ == "__main__":
    import jax
    _d = setup_inputs()
    print(jax.jit(kernel)(*tuple(_d.values())))

</pallas_src>

<mosaic_0001>
#map = affine_map<(d0, d1) -> (0, 0)>
module attributes {stable_mosaic.version = 14 : i64} {
  func.func @_sc_lookup(%arg0: i32, %arg1: i32, %arg2: memref<1024x64xi32, #tpu.memory_space<hbm>>, %arg3: memref<1024x64xi32, #tpu.memory_space<hbm>>, %arg4: memref<64x256xf32, #tpu.memory_space<hbm>>, %arg5: memref<64x256xf32, #tpu.memory_space<hbm>>, %arg6: memref<65536x512xf32, #tpu.memory_space<hbm>>, %arg7: memref<4096x512xf32, #tpu.memory_space<hbm>>, %arg8: memref<4096x512xf32, #tpu.memory_space<hbm>>, %arg9: memref<32x64xi32, #tpu.memory_space<vmem>>, %arg10: memref<32x64xi32, #tpu.memory_space<vmem>>, %arg11: memref<4x256xf32, #tpu.memory_space<vmem>>, %arg12: memref<64x256xf32, #tpu.memory_space<vmem>>, %arg13: memref<64x512xf32, #tpu.memory_space<vmem>>, %arg14: memref<64x512xf32, #tpu.memory_space<vmem>>, %arg15: memref<64x512xf32, #tpu.memory_space<vmem>>, %arg16: memref<!tpu.dma_semaphore, #tpu.memory_space<semaphore_mem>>, %arg17: memref<!tpu.dma_semaphore, #tpu.memory_space<semaphore_mem>>, %arg18: memref<!tpu.dma_semaphore, #tpu.memory_space<semaphore_mem>>, %arg19: memref<!tpu.dma_semaphore, #tpu.memory_space<semaphore_mem>>, %arg20: memref<!tpu.dma_semaphore, #tpu.memory_space<semaphore_mem>>, %arg21: memref<!tpu.dma_semaphore, #tpu.memory_space<semaphore_mem>>) attributes {dimension_semantics = [#tpu.dimension_semantics<core_parallel>, #tpu.dimension_semantics<subcore_parallel>], iteration_bounds = array<i64: 2, 16>, scalar_prefetch = 0 : i64, scratch_operands = 13 : i64, tpu.core_type = #tpu.core_type<sc_vector_subcore>, window_params = [{transform_indices = #map}, {transform_indices = #map}, {transform_indices = #map}, {transform_indices = #map}, {transform_indices = #map}, {transform_indices = #map}, {transform_indices = #map}]} {
    %mul3A = arith.constant 2 : i32
    %mul3A_0 = arith.muli %arg1, %mul3A : i32
    %add3A = arith.addi %mul3A_0, %arg0 : i32
    %mul3A_1 = arith.constant 2048 : i32
    %mul3A_2 = arith.muli %add3A, %mul3A_1 : i32
    %mul3A_3 = arith.constant 4 : i32
    %mul3A_4 = arith.muli %arg1, %mul3A_3 : i32
    "tpu.region"() ({
      %run_scoped3A = tpu.sem_alloc : memref<!tpu.dma_semaphore, #tpu.memory_space<semaphore_mem>>
      %dma_start3A = arith.constant 0 : i32
      %dma_start3A_31 = tpu.memref_slice %arg4[%mul3A_4, %dma_start3A] : memref<64x256xf32, #tpu.memory_space<hbm>> -> memref<4x256xf32, #tpu.memory_space<hbm>>
      %dma_start3A_32 = arith.constant 0 : i32
      %dma_start3A_33 = tpu.memref_slice %arg4[%mul3A_4, %dma_start3A_32] : memref<64x256xf32, #tpu.memory_space<hbm>> -> memref<4x256xf32, #tpu.memory_space<hbm>>
      tpu.enqueue_dma source(%dma_start3A_33 : memref<4x256xf32, #tpu.memory_space<hbm>>) target(%arg11 : memref<4x256xf32, #tpu.memory_space<vmem>>) target_semaphore(%run_scoped3A : memref<!tpu.dma_semaphore, #tpu.memory_space<semaphore_mem>>)
      %dma_wait3A = arith.constant 0 : i32
      %dma_wait3A_34 = tpu.memref_slice %arg4[%mul3A_4, %dma_wait3A] : memref<64x256xf32, #tpu.memory_space<hbm>> -> memref<4x256xf32, #tpu.memory_space<hbm>>
      %dma_wait3A_35 = arith.constant 0 : i32
      %dma_wait3A_36 = tpu.memref_slice %arg4[%mul3A_4, %dma_wait3A_35] : memref<64x256xf32, #tpu.memory_space<hbm>> -> memref<4x256xf32, #tpu.memory_space<hbm>>
      tpu.wait_dma2 semaphore(%run_scoped3A : memref<!tpu.dma_semaphore, #tpu.memory_space<semaphore_mem>>) src(%dma_wait3A_36 : memref<4x256xf32, #tpu.memory_space<hbm>>) dst(%arg11 : memref<4x256xf32, #tpu.memory_space<vmem>>)
      tpu.yield
    }) : () -> ()
    "tpu.region"() ({
      %run_scoped3A = tpu.sem_alloc : memref<!tpu.dma_semaphore, #tpu.memory_space<semaphore_mem>>
      tpu.enqueue_dma source(%arg5 : memref<64x256xf32, #tpu.memory_space<hbm>>) target(%arg12 : memref<64x256xf32, #tpu.memory_space<vmem>>) target_semaphore(%run_scoped3A : memref<!tpu.dma_semaphore, #tpu.memory_space<semaphore_mem>>)
      tpu.wait_dma2 semaphore(%run_scoped3A : memref<!tpu.dma_semaphore, #tpu.memory_space<semaphore_mem>>) src(%arg5 : memref<64x256xf32, #tpu.memory_space<hbm>>) dst(%arg12 : memref<64x256xf32, #tpu.memory_space<vmem>>)
      tpu.yield
    }) : () -> ()
    %eq3A = arith.constant 0 : i32
    %eq3A_5 = arith.cmpi eq, %arg0, %eq3A : i32
    %convert_element_type3A = arith.extui %eq3A_5 : i1 to i32
    %cond3A = arith.constant 0 : i32
    %cond3A_6 = arith.cmpi ne, %convert_element_type3A, %cond3A : i32
    scf.if %cond3A_6 {
      %get3A = arith.constant 0 : i32
      %get3A_31 = arith.index_cast %get3A : i32 to index
      %get3A_32 = arith.constant 0 : index
      %get3A_33 = tpu.vector_load %arg11[%get3A_31, %get3A_32] {strides = array<i32>} : memref<4x256xf32, #tpu.memory_space<vmem>>, vector<1x16xf32>,
      %get3A_34 = vector.shape_cast %get3A_33 : vector<1x16xf32> to vector<16xf32>
      %get3A_35 = arith.constant 0 : i32
      %get3A_36 = arith.index_cast %get3A_35 : i32 to index
      %get3A_37 = arith.constant 16 : index
      %get3A_38 = tpu.vector_load %arg11[%get3A_36, %get3A_37] {strides = array<i32>} : memref<4x256xf32, #tpu.memory_space<vmem>>, vector<1x16xf32>,
      %get3A_39 = vector.shape_cast %get3A_38 : vector<1x16xf32> to vector<16xf32>
      %get3A_40 = arith.constant 0 : i32
      %get3A_41 = arith.index_cast %get3A_40 : i32 to index
      %get3A_42 = arith.constant 32 : index
      %get3A_43 = tpu.vector_load %arg11[%get3A_41, %get3A_42] {strides = array<i32>} : memref<4x256xf32, #tpu.memory_space<vmem>>, vector<1x16xf32>,
      %get3A_44 = vector.shape_cast %get3A_43 : vector<1x16xf32> to vector<16xf32>
      %get3A_45 = arith.constant 0 : i32
      %get3A_46 = arith.index_cast %get3A_45 : i32 to index
      %get3A_47 = arith.constant 48 : index
      %get3A_48 = tpu.vector_load %arg11[%get3A_46, %get3A_47] {strides = array<i32>} : memref<4x256xf32, #tpu.memory_space<vmem>>, vector<1x16xf32>,
      %get3A_49 = vector.shape_cast %get3A_48 : vector<1x16xf32> to vector<16xf32>
      %get3A_50 = arith.constant 0 : i32
      %get3A_51 = arith.index_cast %get3A_50 : i32 to index
      %get3A_52 = arith.constant 64 : index
      %get3A_53 = tpu.vector_load %arg11[%get3A_51, %get3A_52] {strides = array<i32>} : memref<4x256xf32, #tpu.memory_space<vmem>>, vector<1x16xf32>,
      %get3A_54 = vector.shape_cast %get3A_53 : vector<1x16xf32> to vector<16xf32>
      %get3A_55 = arith.constant 0 : i32
      %get3A_56 = arith.index_cast %get3A_55 : i32 to index
      %get3A_57 = arith.constant 80 : index
      %get3A_58 = tpu.vector_load %arg11[%get3A_56, %get3A_57] {strides = array<i32>} : memref<4x256xf32, #tpu.memory_space<vmem>>, vector<1x16xf32>,
      %get3A_59 = vector.shape_cast %get3A_58 : vector<1x16xf32> to vector<16xf32>
      %get3A_60 = arith.constant 0 : i32
      %get3A_61 = arith.index_cast %get3A_60 : i32 to index
      %get3A_62 = arith.constant 96 : index
      %get3A_63 = tpu.vector_load %arg11[%get3A_61, %get3A_62] {strides = array<i32>} : memref<4x256xf32, #tpu.memory_space<vmem>>, vector<1x16xf32>,
      %get3A_64 = vector.shape_cast %get3A_63 : vector<1x16xf32> to vector<16xf32>
      %get3A_65 = arith.constant 0 : i32
      %get3A_66 = arith.index_cast %get3A_65 : i32 to index
      %get3A_67 = arith.constant 112 : index
      %get3A_68 = tpu.vector_load %arg11[%get3A_66, %get3A_67] {strides = array<i32>} : memref<4x256xf32, #tpu.memory_space<vmem>>, vector<1x16xf32>,
      %get3A_69 = vector.shape_cast %get3A_68 : vector<1x16xf32> to vector<16xf32>
      %get3A_70 = arith.constant 0 : i32
      %get3A_71 = arith.index_cast %get3A_70 : i32 to index
      %get3A_72 = arith.constant 128 : index
      %get3A_73 = tpu.vector_load %arg11[%get3A_71, %get3A_72] {strides = array<i32>} : memref<4x256xf32, #tpu.memory_space<vmem>>, vector<1x16xf32>,
      %get3A_74 = vector.shape_cast %get3A_73 : vector<1x16xf32> to vector<16xf32>
      %get3A_75 = arith.constant 0 : i32
      %get3A_76 = arith.index_cast %get3A_75 : i32 to index
      %get3A_77 = arith.constant 144 : index
      %get3A_78 = tpu.vector_load %arg11[%get3A_76, %get3A_77] {strides = array<i32>} : memref<4x256xf32, #tpu.memory_space<vmem>>, vector<1x16xf32>,
      %get3A_79 = vector.shape_cast %get3A_78 : vector<1x16xf32> to vector<16xf32>
      %get3A_80 = arith.constant 0 : i32
      %get3A_81 = arith.index_cast %get3A_80 : i32 to index
      %get3A_82 = arith.constant 160 : index
      %get3A_83 = tpu.vector_load %arg11[%get3A_81, %get3A_82] {strides = array<i32>} : memref<4x256xf32, #tpu.memory_space<vmem>>, vector<1x16xf32>,
      %get3A_84 = vector.shape_cast %get3A_83 : vector<1x16xf32> to vector<16xf32>
      %get3A_85 = arith.constant 0 : i32
      %get3A_86 = arith.index_cast %get3A_85 : i32 to index
      %get3A_87 = arith.constant 176 : index
      %get3A_88 = tpu.vector_load %arg11[%get3A_86, %get3A_87] {strides = array<i32>} : memref<4x256xf32, #tpu.memory_space<vmem>>, vector<1x16xf32>,
      %get3A_89 = vector.shape_cast %get3A_88 : vector<1x16xf32> to vector<16xf32>
      %get3A_90 = arith.constant 0 : i32
      %get3A_91 = arith.index_cast %get3A_90 : i32 to index
      %get3A_92 = arith.constant 192 : index
      %get3A_93 = tpu.vector_load %arg11[%get3A_91, %get3A_92] {strides = array<i32>} : memref<4x256xf32, #tpu.memory_space<vmem>>, vector<1x16xf32>,
      %get3A_94 = vector.shape_cast %get3A_93 : vector<1x16xf32> to vector<16xf32>
      %get3A_95 = arith.constant 0 : i32
      %get3A_96 = arith.index_cast %get3A_95 : i32 to index
      %get3A_97 = arith.constant 208 : index
      %get3A_98 = tpu.vector_load %arg11[%get3A_96, %get3A_97] {strides = array<i32>} : memref<4x256xf32, #tpu.memory_space<vmem>>, vector<1x16xf32>,
      %get3A_99 = vector.shape_cast %get3A_98 : vector<1x16xf32> to vector<16xf32>
      %get3A_100 = arith.constant 0 : i32
      %get3A_101 = arith.index_cast %get3A_100 : i32 to index
      %get3A_102 = arith.constant 224 : index
      %get3A_103 = tpu.vector_load %arg11[%get3A_101, %get3A_102] {strides = array<i32>} : memref<4x256xf32, #tpu.memory_space<vmem>>, vector<1x16xf32>,
      %get3A_104 = vector.shape_cast %get3A_103 : vector<1x16xf32> to vector<16xf32>
      %get3A_105 = arith.constant 0 : i32
      %get3A_106 = arith.index_cast %get3A_105 : i32 to index
      %get3A_107 = arith.constant 240 : index
      %get3A_108 = tpu.vector_load %arg11[%get3A_106, %get3A_107] {strides = array<i32>} : memref<4x256xf32, #tpu.memory_space<vmem>>, vector<1x16xf32>,
      %get3A_109 = vector.shape_cast %get3A_108 : vector<1x16xf32> to vector<16xf32>
      %scan3A_110 = arith.constant 0 : i32
      %scan3A_111 = arith.constant 0 : i32
      %scan3A_112 = arith.constant 64 : i32
      %scan3A_113 = arith.addi %scan3A_111, %scan3A_112 : i32
      %scan3A_114 = arith.constant 1 : i32
      scf.for %scan3A_398 = %scan3A_111 to %scan3A_113 step %scan3A_114  : i32 {
        %swap3A = arith.index_cast %scan3A_398 : i32 to index
        %swap3A_399 = arith.constant 0 : index
        %swap3A_400 = tpu.vector_load %arg13[%swap3A, %swap3A_399] {strides = array<i32>} : memref<64x512xf32, #tpu.memory_space<vmem>>, vector<1x16xf32>,
        %swap3A_401 = vector.shape_cast %swap3A_400 : vector<1x16xf32> to vector<16xf32>
        %swap3A_402 = vector.shape_cast %get3A_34 : vector<16xf32> to vector<1x16xf32>
        tpu.vector_store %arg13[%swap3A, %swap3A_399], %swap3A_402 {strides = array<i32>} : memref<64x512xf32, #tpu.memory_space<vmem>>, vector<1x16xf32>,
        %swap3A_403 = arith.index_cast %scan3A_398 : i32 to index
        %swap3A_404 = arith.constant 16 : index
        %swap3A_405 = tpu.vector_load %arg13[%swap3A_403, %swap3A_404] {strides = array<i32>} : memref<64x512xf32, #tpu.memory_space<vmem>>, vector<1x16xf32>,
        %swap3A_406 = vector.shape_cast %swap3A_405 : vector<1x16xf32> to vector<16xf32>
        %swap3A_407 = vector.shape_cast %get3A_39 : vector<16xf32> to vector<1x16xf32>
        tpu.vector_store %arg13[%swap3A_403, %swap3A_404], %swap3A_407 {strides = array<i32>} : memref<64x512xf32, #tpu.memory_space<vmem>>, vector<1x16xf32>,
        %swap3A_408 = arith.index_cast %scan3A_398 : i32 to index
        %swap3A_409 = arith.constant 32 : index
        %swap3A_410 = tpu.vector_load %arg13[%swap3A_408, %swap3A_409] {strides = array<i32>} : memref<64x512xf32, #tpu.memory_space<vmem>>, vector<1x16xf32>,
        %swap3A_411 = vector.shape_cast %swap3A_410 : vector<1x16xf32> to vector<16xf32>
        %swap3A_412 = vector.shape_cast %get3A_44 : vector<16xf32> to vector<1x16xf32>
        tpu.vector_store %arg13[%swap3A_408, %swap3A_409], %swap3A_412 {strides = array<i32>} : memref<64x512xf32, #tpu.memory_space<vmem>>, vector<1x16xf32>,
        %swap3A_413 = arith.index_cast %scan3A_398 : i32 to index
        %swap3A_414 = arith.constant 48 : index
        %swap3A_415 = tpu.vector_load %arg13[%swap3A_413, %swap3A_414] {strides = array<i32>} : memref<64x512xf32, #tpu.memory_space<vmem>>, vector<1x16xf32>,
        %swap3A_416 = vector.shape_cast %swap3A_415 : vector<1x16xf32> to vector<16xf32>
        %swap3A_417 = vector.shape_cast %get3A_49 : vector<16xf32> to vector<1x16xf32>
        tpu.vector_store %arg13[%swap3A_413, %swap3A_414], %swap3A_417 {strides = array<i32>} : memref<64x512xf32, #tpu.memory_space<vmem>>, vector<1x16xf32>,
        %swap3A_418 = arith.index_cast %scan3A_398 : i32 to index
        %swap3A_419 = arith.constant 64 : index
        %swap3A_420 = tpu.vector_load %arg13[%swap3A_418, %swap3A_419] {strides = array<i32>} : memref<64x512xf32, #tpu.memory_space<vmem>>, vector<1x16xf32>,
        %swap3A_421 = vector.shape_cast %swap3A_420 : vector<1x16xf32> to vector<16xf32>
        %swap3A_422 = vector.shape_cast %get3A_54 : vector<16xf32> to vector<1x16xf32>
        tpu.vector_store %arg13[%swap3A_418, %swap3A_419], %swap3A_422 {strides = array<i32>} : memref<64x512xf32, #tpu.memory_space<vmem>>, vector<1x16xf32>,
        %swap3A_423 = arith.index_cast %scan3A_398 : i32 to index
        %swap3A_424 = arith.constant 80 : index
        %swap3A_425 = tpu.vector_load %arg13[%swap3A_423, %swap3A_424] {strides = array<i32>} : memref<64x512xf32, #tpu.memory_space<vmem>>, vector<1x16xf32>,
        %swap3A_426 = vector.shape_cast %swap3A_425 : vector<1x16xf32> to vector<16xf32>
        %swap3A_427 = vector.shape_cast %get3A_59 : vector<16xf32> to vector<1x16xf32>
        tpu.vector_store %arg13[%swap3A_423, %swap3A_424], %swap3A_427 {strides = array<i32>} : memref<64x512xf32, #tpu.memory_space<vmem>>, vector<1x16xf32>,
        %swap3A_428 = arith.index_cast %scan3A_398 : i32 to index
        %swap3A_429 = arith.constant 96 : index
        %swap3A_430 = tpu.vector_load %arg13[%swap3A_428, %swap3A_429] {strides = array<i32>} : memref<64x512xf32, #tpu.memory_space<vmem>>, vector<1x16xf32>,
        %swap3A_431 = vector.shape_cast %swap3A_430 : vector<1x16xf32> to vector<16xf32>
        %swap3A_432 = vector.shape_cast %get3A_64 : vector<16xf32> to vector<1x16xf32>
        tpu.vector_store %arg13[%swap3A_428, %swap3A_429], %swap3A_432 {strides = array<i32>} : memref<64x512xf32, #tpu.memory_space<vmem>>, vector<1x16xf32>,
        %swap3A_433 = arith.index_cast %scan3A_398 : i32 to index
        %swap3A_434 = arith.constant 112 : index
        %swap3A_435 = tpu.vector_load %arg13[%swap3A_433, %swap3A_434] {strides = array<i32>} : memref<64x512xf32, #tpu.memory_space<vmem>>, vector<1x16xf32>,
        %swap3A_436 = vector.shape_cast %swap3A_435 : vector<1x16xf32> to vector<16xf32>
        %swap3A_437 = vector.shape_cast %get3A_69 : vector<16xf32> to vector<1x16xf32>
        tpu.vector_store %arg13[%swap3A_433, %swap3A_434], %swap3A_437 {strides = array<i32>} : memref<64x512xf32, #tpu.memory_space<vmem>>, vector<1x16xf32>,
        %swap3A_438 = arith.index_cast %scan3A_398 : i32 to index
        %swap3A_439 = arith.constant 128 : index
        %swap3A_440 = tpu.vector_load %arg13[%swap3A_438, %swap3A_439] {strides = array<i32>} : memref<64x512xf32, #tpu.memory_space<vmem>>, vector<1x16xf32>,
        %swap3A_441 = vector.shape_cast %swap3A_440 : vector<1x16xf32> to vector<16xf32>
        %swap3A_442 = vector.shape_cast %get3A_74 : vector<16xf32> to vector<1x16xf32>
        tpu.vector_store %arg13[%swap3A_438, %swap3A_439], %swap3A_442 {strides = array<i32>} : memref<64x512xf32, #tpu.memory_space<vmem>>, vector<1x16xf32>,
        %swap3A_443 = arith.index_cast %scan3A_398 : i32 to index
        %swap3A_444 = arith.constant 144 : index
        %swap3A_445 = tpu.vector_load %arg13[%swap3A_443, %swap3A_444] {strides = array<i32>} : memref<64x512xf32, #tpu.memory_space<vmem>>, vector<1x16xf32>,
        %swap3A_446 = vector.shape_cast %swap3A_445 : vector<1x16xf32> to vector<16xf32>
        %swap3A_447 = vector.shape_cast %get3A_79 : vector<16xf32> to vector<1x16xf32>
        tpu.vector_store %arg13[%swap3A_443, %swap3A_444], %swap3A_447 {strides = array<i32>} : memref<64x512xf32, #tpu.memory_space<vmem>>, vector<1x16xf32>,
        %swap3A_448 = arith.index_cast %scan3A_398 : i32 to index
        %swap3A_449 = arith.constant 160 : index
        %swap3A_450 = tpu.vector_load %arg13[%swap3A_448, %swap3A_449] {strides = array<i32>} : memref<64x512xf32, #tpu.memory_space<vmem>>, vector<1x16xf32>,
        %swap3A_451 = vector.shape_cast %swap3A_450 : vector<1x16xf32> to vector<16xf32>
        %swap3A_452 = vector.shape_cast %get3A_84 : vector<16xf32> to vector<1x16xf32>
        tpu.vector_store %arg13[%swap3A_448, %swap3A_449], %swap3A_452 {strides = array<i32>} : memref<64x512xf32, #tpu.memory_space<vmem>>, vector<1x16xf32>,
        %swap3A_453 = arith.index_cast %scan3A_398 : i32 to index
        %swap3A_454 = arith.constant 176 : index
        %swap3A_455 = tpu.vector_load %arg13[%swap3A_453, %swap3A_454] {strides = array<i32>} : memref<64x512xf32, #tpu.memory_space<vmem>>, vector<1x16xf32>,
        %swap3A_456 = vector.shape_cast %swap3A_455 : vector<1x16xf32> to vector<16xf32>
        %swap3A_457 = vector.shape_cast %get3A_89 : vector<16xf32> to vector<1x16xf32>
        tpu.vector_store %arg13[%swap3A_453, %swap3A_454], %swap3A_457 {strides = array<i32>} : memref<64x512xf32, #tpu.memory_space<vmem>>, vector<1x16xf32>,
        %swap3A_458 = arith.index_cast %scan3A_398 : i32 to index
        %swap3A_459 = arith.constant 192 : index
        %swap3A_460 = tpu.vector_load %arg13[%swap3A_458, %swap3A_459] {strides = array<i32>} : memref<64x512xf32, #tpu.memory_space<vmem>>, vector<1x16xf32>,
        %swap3A_461 = vector.shape_cast %swap3A_460 : vector<1x16xf32> to vector<16xf32>
        %swap3A_462 = vector.shape_cast %get3A_94 : vector<16xf32> to vector<1x16xf32>
        tpu.vector_store %arg13[%swap3A_458, %swap3A_459], %swap3A_462 {strides = array<i32>} : memref<64x512xf32, #tpu.memory_space<vmem>>, vector<1x16xf32>,
        %swap3A_463 = arith.index_cast %scan3A_398 : i32 to index
        %swap3A_464 = arith.constant 208 : index
        %swap3A_465 = tpu.vector_load %arg13[%swap3A_463, %swap3A_464] {strides = array<i32>} : memref<64x512xf32, #tpu.memory_space<vmem>>, vector<1x16xf32>,
        %swap3A_466 = vector.shape_cast %swap3A_465 : vector<1x16xf32> to vector<16xf32>
        %swap3A_467 = vector.shape_cast %get3A_99 : vector<16xf32> to vector<1x16xf32>
        tpu.vector_store %arg13[%swap3A_463, %swap3A_464], %swap3A_467 {strides = array<i32>} : memref<64x512xf32, #tpu.memory_space<vmem>>, vector<1x16xf32>,
        %swap3A_468 = arith.index_cast %scan3A_398 : i32 to index
        %swap3A_469 = arith.constant 224 : index
        %swap3A_470 = tpu.vector_load %arg13[%swap3A_468, %swap3A_469] {strides = array<i32>} : memref<64x512xf32, #tpu.memory_space<vmem>>, vector<1x16xf32>,
        %swap3A_471 = vector.shape_cast %swap3A_470 : vector<1x16xf32> to vector<16xf32>
        %swap3A_472 = vector.shape_cast %get3A_104 : vector<16xf32> to vector<1x16xf32>
        tpu.vector_store %arg13[%swap3A_468, %swap3A_469], %swap3A_472 {strides = array<i32>} : memref<64x512xf32, #tpu.memory_space<vmem>>, vector<1x16xf32>,
        %swap3A_473 = arith.index_cast %scan3A_398 : i32 to index
        %swap3A_474 = arith.constant 240 : index
        %swap3A_475 = tpu.vector_load %arg13[%swap3A_473, %swap3A_474] {strides = array<i32>} : memref<64x512xf32, #tpu.memory_space<vmem>>, vector<1x16xf32>,
        %swap3A_476 = vector.shape_cast %swap3A_475 : vector<1x16xf32> to vector<16xf32>
        %swap3A_477 = vector.shape_cast %get3A_109 : vector<16xf32> to vector<1x16xf32>
        tpu.vector_store %arg13[%swap3A_473, %swap3A_474], %swap3A_477 {strides = array<i32>} : memref<64x512xf32, #tpu.memory_space<vmem>>, vector<1x16xf32>,
        %get3A_478 = arith.index_cast %scan3A_398 : i32 to index
        %get3A_479 = arith.constant 0 : index
        %get3A_480 = tpu.vector_load %arg12[%get3A_478, %get3A_479] {strides = array<i32>} : memref<64x256xf32, #tpu.memory_space<vmem>>, vector<1x16xf32>,
        %get3A_481 = vector.shape_cast %get3A_480 : vector<1x16xf32> to vector<16xf32>
        %swap3A_482 = arith.index_cast %scan3A_398 : i32 to index
        %swap3A_483 = arith.constant 256 : index
        %swap3A_484 = tpu.vector_load %arg13[%swap3A_482, %swap3A_483] {strides = array<i32>} : memref<64x512xf32, #tpu.memory_space<vmem>>, vector<1x16xf32>,
        %swap3A_485 = vector.shape_cast %swap3A_484 : vector<1x16xf32> to vector<16xf32>
        %swap3A_486 = vector.shape_cast %get3A_481 : vector<16xf32> to vector<1x16xf32>
        tpu.vector_store %arg13[%swap3A_482, %swap3A_483], %swap3A_486 {strides = array<i32>} : memref<64x512xf32, #tpu.memory_space<vmem>>, vector<1x16xf32>,
        %get3A_487 = arith.index_cast %scan3A_398 : i32 to index
        %get3A_488 = arith.constant 16 : index
        %get3A_489 = tpu.vector_load %arg12[%get3A_487, %get3A_488] {strides = array<i32>} : memref<64x256xf32, #tpu.memory_space<vmem>>, vector<1x16xf32>,
        %get3A_490 = vector.shape_cast %get3A_489 : vector<1x16xf32> to vector<16xf32>
        %swap3A_491 = arith.index_cast %scan3A_398 : i32 to index
        %swap3A_492 = arith.constant 272 : index
        %swap3A_493 = tpu.vector_load %arg13[%swap3A_491, %swap3A_492] {strides = array<i32>} : memref<64x512xf32, #tpu.memory_space<vmem>>, vector<1x16xf32>,
        %swap3A_494 = vector.shape_cast %swap3A_493 : vector<1x16xf32> to vector<16xf32>
        %swap3A_495 = vector.shape_cast %get3A_490 : vector<16xf32> to vector<1x16xf32>
        tpu.vector_store %arg13[%swap3A_491, %swap3A_492], %swap3A_495 {strides = array<i32>} : memref<64x512xf32, #tpu.memory_space<vmem>>, vector<1x16xf32>,
        %get3A_496 = arith.index_cast %scan3A_398 : i32 to index
        %get3A_497 = arith.constant 32 : index
        %get3A_498 = tpu.vector_load %arg12[%get3A_496, %get3A_497] {strides = array<i32>} : memref<64x256xf32, #tpu.memory_space<vmem>>, vector<1x16xf32>,
        %get3A_499 = vector.shape_cast %get3A_498 : vector<1x16xf32> to vector<16xf32>
        %swap3A_500 = arith.index_cast %scan3A_398 : i32 to index
        %swap3A_501 = arith.constant 288 : index
        %swap3A_502 = tpu.vector_load %arg13[%swap3A_500, %swap3A_501] {strides = array<i32>} : memref<64x512xf32, #tpu.memory_space<vmem>>, vector<1x16xf32>,
        %swap3A_503 = vector.shape_cast %swap3A_502 : vector<1x16xf32> to vector<16xf32>
        %swap3A_504 = vector.shape_cast %get3A_499 : vector<16xf32> to vector<1x16xf32>
        tpu.vector_store %arg13[%swap3A_500, %swap3A_501], %swap3A_504 {strides = array<i32>} : memref<64x512xf32, #tpu.memory_space<vmem>>, vector<1x16xf32>,
        %get3A_505 = arith.index_cast %scan3A_398 : i32 to index
        %get3A_506 = arith.constant 48 : index
        %get3A_507 = tpu.vector_load %arg12[%get3A_505, %get3A_506] {strides = array<i32>} : memref<64x256xf32, #tpu.memory_space<vmem>>, vector<1x16xf32>,
        %get3A_508 = vector.shape_cast %get3A_507 : vector<1x16xf32> to vector<16xf32>
        %swap3A_509 = arith.index_cast %scan3A_398 : i32 to index
        %swap3A_510 = arith.constant 304 : index
        %swap3A_511 = tpu.vector_load %arg13[%swap3A_509, %swap3A_510] {strides = array<i32>} : memref<64x512xf32, #tpu.memory_space<vmem>>, vector<1x16xf32>,
        %swap3A_512 = vector.shape_cast %swap3A_511 : vector<1x16xf32> to vector<16xf32>
        %swap3A_513 = vector.shape_cast %get3A_508 : vector<16xf32> to vector<1x16xf32>
        tpu.vector_store %arg13[%swap3A_509, %swap3A_510], %swap3A_513 {strides = array<i32>} : memref<64x512xf32, #tpu.memory_space<vmem>>, vector<1x16xf32>,
        %get3A_514 = arith.index_cast %scan3A_398 : i32 to index
        %get3A_515 = arith.constant 64 : index
        %get3A_516 = tpu.vector_load %arg12[%get3A_514, %get3A_515] {strides = array<i32>} : memref<64x256xf32, #tpu.memory_space<vmem>>, vector<1x16xf32>,
        %get3A_517 = vector.shape_cast %get3A_516 : vector<1x16xf32> to vector<16xf32>
        %swap3A_518 = arith.index_cast %scan3A_398 : i32 to index
        %swap3A_519 = arith.constant 320 : index
        %swap3A_520 = tpu.vector_load %arg13[%swap3A_518, %swap3A_519] {strides = array<i32>} : memref<64x512xf32, #tpu.memory_space<vmem>>, vector<1x16xf32>,
        %swap3A_521 = vector.shape_cast %swap3A_520 : vector<1x16xf32> to vector<16xf32>
        %swap3A_522 = vector.shape_cast %get3A_517 : vector<16xf32> to vector<1x16xf32>
        tpu.vector_store %arg13[%swap3A_518, %swap3A_519], %swap3A_522 {strides = array<i32>} : memref<64x512xf32, #tpu.memory_space<vmem>>, vector<1x16xf32>,
        %get3A_523 = arith.index_cast %scan3A_398 : i32 to index
        %get3A_524 = arith.constant 80 : index
        %get3A_525 = tpu.vector_load %arg12[%get3A_523, %get3A_524] {strides = array<i32>} : memref<64x256xf32, #tpu.memory_space<vmem>>, vector<1x16xf32>,
        %get3A_526 = vector.shape_cast %get3A_525 : vector<1x16xf32> to vector<16xf32>
        %swap3A_527 = arith.index_cast %scan3A_398 : i32 to index
        %swap3A_528 = arith.constant 336 : index
        %swap3A_529 = tpu.vector_load %arg13[%swap3A_527, %swap3A_528] {strides = array<i32>} : memref<64x512xf32, #tpu.memory_space<vmem>>, vector<1x16xf32>,
        %swap3A_530 = vector.shape_cast %swap3A_529 : vector<1x16xf32> to vector<16xf32>
        %swap3A_531 = vector.shape_cast %get3A_526 : vector<16xf32> to vector<1x16xf32>
        tpu.vector_store %arg13[%swap3A_527, %swap3A_528], %swap3A_531 {strides = array<i32>} : memref<64x512xf32, #tpu.memory_space<vmem>>, vector<1x16xf32>,
        %get3A_532 = arith.index_cast %scan3A_398 : i32 to index
        %get3A_533 = arith.constant 96 : index
        %get3A_534 = tpu.vector_load %arg12[%get3A_532, %get3A_533] {strides = array<i32>} : memref<64x256xf32, #tpu.memory_space<vmem>>, vector<1x16xf32>,
        %get3A_535 = vector.shape_cast %get3A_534 : vector<1x16xf32> to vector<16xf32>
        %swap3A_536 = arith.index_cast %scan3A_398 : i32 to index
        %swap3A_537 = arith.constant 352 : index
        %swap3A_538 = tpu.vector_load %arg13[%swap3A_536, %swap3A_537] {strides = array<i32>} : memref<64x512xf32, #tpu.memory_space<vmem>>, vector<1x16xf32>,
        %swap3A_539 = vector.shape_cast %swap3A_538 : vector<1x16xf32> to vector<16xf32>
        %swap3A_540 = vector.shape_cast %get3A_535 : vector<16xf32> to vector<1x16xf32>
        tpu.vector_store %arg13[%swap3A_536, %swap3A_537], %swap3A_540 {strides = array<i32>} : memref<64x512xf32, #tpu.memory_space<vmem>>, vector<1x16xf32>,
        %get3A_541 = arith.index_cast %scan3A_398 : i32 to index
        %get3A_542 = arith.constant 112 : index
        %get3A_543 = tpu.vector_load %arg12[%get3A_541, %get3A_542] {strides = array<i32>} : memref<64x256xf32, #tpu.memory_space<vmem>>, vector<1x16xf32>,
        %get3A_544 = vector.shape_cast %get3A_543 : vector<1x16xf32> to vector<16xf32>
        %swap3A_545 = arith.index_cast %scan3A_398 : i32 to index
        %swap3A_546 = arith.constant 368 : index
        %swap3A_547 = tpu.vector_load %arg13[%swap3A_545, %swap3A_546] {strides = array<i32>} : memref<64x512xf32, #tpu.memory_space<vmem>>, vector<1x16xf32>,
        %swap3A_548 = vector.shape_cast %swap3A_547 : vector<1x16xf32> to vector<16xf32>
        %swap3A_549 = vector.shape_cast %get3A_544 : vector<16xf32> to vector<1x16xf32>
        tpu.vector_store %arg13[%swap3A_545, %swap3A_546], %swap3A_549 {strides = array<i32>} : memref<64x512xf32, #tpu.memory_space<vmem>>, vector<1x16xf32>,
        %get3A_550 = arith.index_cast %scan3A_398 : i32 to index
        %get3A_551 = arith.constant 128 : index
        %get3A_552 = tpu.vector_load %arg12[%get3A_550, %get3A_551] {strides = array<i32>} : memref<64x256xf32, #tpu.memory_space<vmem>>, vector<1x16xf32>,
        %get3A_553 = vector.shape_cast %get3A_552 : vector<1x16xf32> to vector<16xf32>
        %swap3A_554 = arith.index_cast %scan3A_398 : i32 to index
        %swap3A_555 = arith.constant 384 : index
        %swap3A_556 = tpu.vector_load %arg13[%swap3A_554, %swap3A_555] {strides = array<i32>} : memref<64x512xf32, #tpu.memory_space<vmem>>, vector<1x16xf32>,
        %swap3A_557 = vector.shape_cast %swap3A_556 : vector<1x16xf32> to vector<16xf32>
        %swap3A_558 = vector.shape_cast %get3A_553 : vector<16xf32> to vector<1x16xf32>
        tpu.vector_store %arg13[%swap3A_554, %swap3A_555], %swap3A_558 {strides = array<i32>} : memref<64x512xf32, #tpu.memory_space<vmem>>, vector<1x16xf32>,
        %get3A_559 = arith.index_cast %scan3A_398 : i32 to index
        %get3A_560 = arith.constant 144 : index
        %get3A_561 = tpu.vector_load %arg12[%get3A_559, %get3A_560] {strides = array<i32>} : memref<64x256xf32, #tpu.memory_space<vmem>>, vector<1x16xf32>,
        %get3A_562 = vector.shape_cast %get3A_561 : vector<1x16xf32> to vector<16xf32>
        %swap3A_563 = arith.index_cast %scan3A_398 : i32 to index
        %swap3A_564 = arith.constant 400 : index
        %swap3A_565 = tpu.vector_load %arg13[%swap3A_563, %swap3A_564] {strides = array<i32>} : memref<64x512xf32, #tpu.memory_space<vmem>>, vector<1x16xf32>,
        %swap3A_566 = vector.shape_cast %swap3A_565 : vector<1x16xf32> to vector<16xf32>
        %swap3A_567 = vector.shape_cast %get3A_562 : vector<16xf32> to vector<1x16xf32>
        tpu.vector_store %arg13[%swap3A_563, %swap3A_564], %swap3A_567 {strides = array<i32>} : memref<64x512xf32, #tpu.memory_space<vmem>>, vector<1x16xf32>,
        %get3A_568 = arith.index_cast %scan3A_398 : i32 to index
        %get3A_569 = arith.constant 160 : index
        %get3A_570 = tpu.vector_load %arg12[%get3A_568, %get3A_569] {strides = array<i32>} : memref<64x256xf32, #tpu.memory_space<vmem>>, vector<1x16xf32>,
        %get3A_571 = vector.shape_cast %get3A_570 : vector<1x16xf32> to vector<16xf32>
        %swap3A_572 = arith.index_cast %scan3A_398 : i32 to index
        %swap3A_573 = arith.constant 416 : index
        %swap3A_574 = tpu.vector_load %arg13[%swap3A_572, %swap3A_573] {strides = array<i32>} : memref<64x512xf32, #tpu.memory_space<vmem>>, vector<1x16xf32>,
        %swap3A_575 = vector.shape_cast %swap3A_574 : vector<1x16xf32> to vector<16xf32>
        %swap3A_576 = vector.shape_cast %get3A_571 : vector<16xf32> to vector<1x16xf32>
        tpu.vector_store %arg13[%swap3A_572, %swap3A_573], %swap3A_576 {strides = array<i32>} : memref<64x512xf32, #tpu.memory_space<vmem>>, vector<1x16xf32>,
        %get3A_577 = arith.index_cast %scan3A_398 : i32 to index
        %get3A_578 = arith.constant 176 : index
        %get3A_579 = tpu.vector_load %arg12[%get3A_577, %get3A_578] {strides = array<i32>} : memref<64x256xf32, #tpu.memory_space<vmem>>, vector<1x16xf32>,
        %get3A_580 = vector.shape_cast %get3A_579 : vector<1x16xf32> to vector<16xf32>
        %swap3A_581 = arith.index_cast %scan3A_398 : i32 to index
        %swap3A_582 = arith.constant 432 : index
        %swap3A_583 = tpu.vector_load %arg13[%swap3A_581, %swap3A_582] {strides = array<i32>} : memref<64x512xf32, #tpu.memory_space<vmem>>, vector<1x16xf32>,
        %swap3A_584 = vector.shape_cast %swap3A_583 : vector<1x16xf32> to vector<16xf32>
        %swap3A_585 = vector.shape_cast %get3A_580 : vector<16xf32> to vector<1x16xf32>
        tpu.vector_store %arg13[%swap3A_581, %swap3A_582], %swap3A_585 {strides = array<i32>} : memref<64x512xf32, #tpu.memory_space<vmem>>, vector<1x16xf32>,
        %get3A_586 = arith.index_cast %scan3A_398 : i32 to index
        %get3A_587 = arith.constant 192 : index
        %get3A_588 = tpu.vector_load %arg12[%get3A_586, %get3A_587] {strides = array<i32>} : memref<64x256xf32, #tpu.memory_space<vmem>>, vector<1x16xf32>,
        %get3A_589 = vector.shape_cast %get3A_588 : vector<1x16xf32> to vector<16xf32>
        %swap3A_590 = arith.index_cast %scan3A_398 : i32 to index
        %swap3A_591 = arith.constant 448 : index
        %swap3A_592 = tpu.vector_load %arg13[%swap3A_590, %swap3A_591] {strides = array<i32>} : memref<64x512xf32, #tpu.memory_space<vmem>>, vector<1x16xf32>,
        %swap3A_593 = vector.shape_cast %swap3A_592 : vector<1x16xf32> to vector<16xf32>
        %swap3A_594 = vector.shape_cast %get3A_589 : vector<16xf32> to vector<1x16xf32>
        tpu.vector_store %arg13[%swap3A_590, %swap3A_591], %swap3A_594 {strides = array<i32>} : memref<64x512xf32, #tpu.memory_space<vmem>>, vector<1x16xf32>,
        %get3A_595 = arith.index_cast %scan3A_398 : i32 to index
        %get3A_596 = arith.constant 208 : index
        %get3A_597 = tpu.vector_load %arg12[%get3A_595, %get3A_596] {strides = array<i32>} : memref<64x256xf32, #tpu.memory_space<vmem>>, vector<1x16xf32>,
        %get3A_598 = vector.shape_cast %get3A_597 : vector<1x16xf32> to vector<16xf32>
        %swap3A_599 = arith.index_cast %scan3A_398 : i32 to index
        %swap3A_600 = arith.constant 464 : index
        %swap3A_601 = tpu.vector_load %arg13[%swap3A_599, %swap3A_600] {strides = array<i32>} : memref<64x512xf32, #tpu.memory_space<vmem>>, vector<1x16xf32>,
        %swap3A_602 = vector.shape_cast %swap3A_601 : vector<1x16xf32> to vector<16xf32>
        %swap3A_603 = vector.shape_cast %get3A_598 : vector<16xf32> to vector<1x16xf32>
        tpu.vector_store %arg13[%swap3A_599, %swap3A_600], %swap3A_603 {strides = array<i32>} : memref<64x512xf32, #tpu.memory_space<vmem>>, vector<1x16xf32>,
        %get3A_604 = arith.index_cast %scan3A_398 : i32 to index
        %get3A_605 = arith.constant 224 : index
        %get3A_606 = tpu.vector_load %arg12[%get3A_604, %get3A_605] {strides = array<i32>} : memref<64x256xf32, #tpu.memory_space<vmem>>, vector<1x16xf32>,
        %get3A_607 = vector.shape_cast %get3A_606 : vector<1x16xf32> to vector<16xf32>
        %swap3A_608 = arith.index_cast %scan3A_398 : i32 to index
        %swap3A_609 = arith.constant 480 : index
        %swap3A_610 = tpu.vector_load %arg13[%swap3A_608, %swap3A_609] {strides = array<i32>} : memref<64x512xf32, #tpu.memory_space<vmem>>, vector<1x16xf32>,
        %swap3A_611 = vector.shape_cast %swap3A_610 : vector<1x16xf32> to vector<16xf32>
        %swap3A_612 = vector.shape_cast %get3A_607 : vector<16xf32> to vector<1x16xf32>
        tpu.vector_store %arg13[%swap3A_608, %swap3A_609], %swap3A_612 {strides = array<i32>} : memref<64x512xf32, #tpu.memory_space<vmem>>, vector<1x16xf32>,
        %get3A_613 = arith.index_cast %scan3A_398 : i32 to index
        %get3A_614 = arith.constant 240 : index
        %get3A_615 = tpu.vector_load %arg12[%get3A_613, %get3A_614] {strides = array<i32>} : memref<64x256xf32, #tpu.memory_space<vmem>>, vector<1x16xf32>,
        %get3A_616 = vector.shape_cast %get3A_615 : vector<1x16xf32> to vector<16xf32>
        %swap3A_617 = arith.index_cast %scan3A_398 : i32 to index
        %swap3A_618 = arith.constant 496 : index
        %swap3A_619 = tpu.vector_load %arg13[%swap3A_617, %swap3A_618] {strides = array<i32>} : memref<64x512xf32, #tpu.memory_space<vmem>>, vector<1x16xf32>,
        %swap3A_620 = vector.shape_cast %swap3A_619 : vector<1x16xf32> to vector<16xf32>
        %swap3A_621 = vector.shape_cast %get3A_616 : vector<16xf32> to vector<1x16xf32>
        tpu.vector_store %arg13[%swap3A_617, %swap3A_618], %swap3A_621 {strides = array<i32>} : memref<64x512xf32, #tpu.memory_space<vmem>>, vector<1x16xf32>,
      }
      %scan3A_115 = arith.constant 64 : i32
      %mul3A_116 = arith.constant 4 : i32
      %mul3A_117 = arith.muli %arg1, %mul3A_116 : i32
      %add3A_118 = arith.constant 0 : i32
      %add3A_119 = arith.addi %mul3A_117, %add3A_118 : i32
      %mul3A_120 = arith.constant 64 : i32
      %mul3A_121 = arith.muli %add3A_119, %mul3A_120 : i32
      "tpu.region"() ({
        %run_scoped3A = tpu.sem_alloc : memref<!tpu.dma_semaphore, #tpu.memory_space<semaphore_mem>>
        %dma_start3A = arith.constant 0 : i32
        %dma_start3A_398 = tpu.memref_slice %arg7[%mul3A_121, %dma_start3A] : memref<4096x512xf32, #tpu.memory_space<hbm>> -> memref<64x512xf32, #tpu.memory_space<hbm>>
        %dma_start3A_399 = arith.constant 0 : i32
        %dma_start3A_400 = tpu.memref_slice %arg7[%mul3A_121, %dma_start3A_399] : memref<4096x512xf32, #tpu.memory_space<hbm>> -> memref<64x512xf32, #tpu.memory_space<hbm>>
        tpu.enqueue_dma source(%arg13 : memref<64x512xf32, #tpu.memory_space<vmem>>) target(%dma_start3A_400 : memref<64x512xf32, #tpu.memory_space<hbm>>) target_semaphore(%run_scoped3A : memref<!tpu.dma_semaphore, #tpu.memory_space<semaphore_mem>>)
        %dma_wait3A = arith.constant 0 : i32
        %dma_wait3A_401 = tpu.memref_slice %arg7[%mul3A_121, %dma_wait3A] : memref<4096x512xf32, #tpu.memory_space<hbm>> -> memref<64x512xf32, #tpu.memory_space<hbm>>
        %dma_wait3A_402 = arith.constant 0 : i32
        %dma_wait3A_403 = tpu.memref_slice %arg7[%mul3A_121, %dma_wait3A_402] : memref<4096x512xf32, #tpu.memory_space<hbm>> -> memref<64x512xf32, #tpu.memory_space<hbm>>
        tpu.wait_dma2 semaphore(%run_scoped3A : memref<!tpu.dma_semaphore, #tpu.memory_space<semaphore_mem>>) src(%arg13 : memref<64x512xf32, #tpu.memory_space<vmem>>) dst(%dma_wait3A_403 : memref<64x512xf32, #tpu.memory_space<hbm>>)
        tpu.yield
      }) : () -> ()
      %get3A_122 = arith.constant 1 : i32
      %get3A_123 = arith.index_cast %get3A_122 : i32 to index
      %get3A_124 = arith.constant 0 : index
      %get3A_125 = tpu.vector_load %arg11[%get3A_123, %get3A_124] {strides = array<i32>} : memref<4x256xf32, #tpu.memory_space<vmem>>, vector<1x16xf32>,
      %get3A_126 = vector.shape_cast %get3A_125 : vector<1x16xf32> to vector<16xf32>
      %get3A_127 = arith.constant 1 : i32
      %get3A_128 = arith.index_cast %get3A_127 : i32 to index
      %get3A_129 = arith.constant 16 : index
      %get3A_130 = tpu.vector_load %arg11[%get3A_128, %get3A_129] {strides = array<i32>} : memref<4x256xf32, #tpu.memory_space<vmem>>, vector<1x16xf32>,
      %get3A_131 = vector.shape_cast %get3A_130 : vector<1x16xf32> to vector<16xf32>
      %get3A_132 = arith.constant 1 : i32
      %get3A_133 = arith.index_cast %get3A_132 : i32 to index
      %get3A_134 = arith.constant 32 : index
      %get3A_135 = tpu.vector_load %arg11[%get3A_133, %get3A_134] {strides = array<i32>} : memref<4x256xf32, #tpu.memory_space<vmem>>, vector<1x16xf32>,
      %get3A_136 = vector.shape_cast %get3A_135 : vector<1x16xf32> to vector<16xf32>
      %get3A_137 = arith.constant 1 : i32
      %get3A_138 = arith.index_cast %get3A_137 : i32 to index
      %get3A_139 = arith.constant 48 : index
      %get3A_140 = tpu.vector_load %arg11[%get3A_138, %get3A_139] {strides = array<i32>} : memref<4x256xf32, #tpu.memory_space<vmem>>, vector<1x16xf32>,
      %get3A_141 = vector.shape_cast %get3A_140 : vector<1x16xf32> to vector<16xf32>
      %get3A_142 = arith.constant 1 : i32
      %get3A_143 = arith.index_cast %get3A_142 : i32 to index
      %get3A_144 = arith.constant 64 : index
      %get3A_145 = tpu.vector_load %arg11[%get3A_143, %get3A_144] {strides = array<i32>} : memref<4x256xf32, #tpu.memory_space<vmem>>, vector<1x16xf32>,
      %get3A_146 = vector.shape_cast %get3A_145 : vector<1x16xf32> to vector<16xf32>
      %get3A_147 = arith.constant 1 : i32
      %get3A_148 = arith.index_cast %get3A_147 : i32 to index
      %get3A_149 = arith.constant 80 : index
      %get3A_150 = tpu.vector_load %arg11[%get3A_148, %get3A_149] {strides = array<i32>} : memref<4x256xf32, #tpu.memory_space<vmem>>, vector<1x16xf32>,
      %get3A_151 = vector.shape_cast %get3A_150 : vector<1x16xf32> to vector<16xf32>
      %get3A_152 = arith.constant 1 : i32
      %get3A_153 = arith.index_cast %get3A_152 : i32 to index
      %get3A_154 = arith.constant 96 : index
      %get3A_155 = tpu.vector_load %arg11[%get3A_153, %get3A_154] {strides = array<i32>} : memref<4x256xf32, #tpu.memory_space<vmem>>, vector<1x16xf32>,
      %get3A_156 = vector.shape_cast %get3A_155 : vector<1x16xf32> to vector<16xf32>
      %get3A_157 = arith.constant 1 : i32
      %get3A_158 = arith.index_cast %get3A_157 : i32 to index
      %get3A_159 = arith.constant 112 : index
      %get3A_160 = tpu.vector_load %arg11[%get3A_158, %get3A_159] {strides = array<i32>} : memref<4x256xf32, #tpu.memory_space<vmem>>, vector<1x16xf32>,
      %get3A_161 = vector.shape_cast %get3A_160 : vector<1x16xf32> to vector<16xf32>
      %get3A_162 = arith.constant 1 : i32
      %get3A_163 = arith.index_cast %get3A_162 : i32 to index
      %get3A_164 = arith.constant 128 : index
      %get3A_165 = tpu.vector_load %arg11[%get3A_163, %get3A_164] {strides = array<i32>} : memref<4x256xf32, #tpu.memory_space<vmem>>, vector<1x16xf32>,
      %get3A_166 = vector.shape_cast %get3A_165 : vector<1x16xf32> to vector<16xf32>
      %get3A_167 = arith.constant 1 : i32
      %get3A_168 = arith.index_cast %get3A_167 : i32 to index
      %get3A_169 = arith.constant 144 : index
      %get3A_170 = tpu.vector_load %arg11[%get3A_168, %get3A_169] {strides = array<i32>} : memref<4x256xf32, #tpu.memory_space<vmem>>, vector<1x16xf32>,
      %get3A_171 = vector.shape_cast %get3A_170 : vector<1x16xf32> to vector<16xf32>
      %get3A_172 = arith.constant 1 : i32
      %get3A_173 = arith.index_cast %get3A_172 : i32 to index
      %get3A_174 = arith.constant 160 : index
      %get3A_175 = tpu.vector_load %arg11[%get3A_173, %get3A_174] {strides = array<i32>} : memref<4x256xf32, #tpu.memory_space<vmem>>, vector<1x16xf32>,
      %get3A_176 = vector.shape_cast %get3A_175 : vector<1x16xf32> to vector<16xf32>
      %get3A_177 = arith.constant 1 : i32
      %get3A_178 = arith.index_cast %get3A_177 : i32 to index
      %get3A_179 = arith.constant 176 : index
      %get3A_180 = tpu.vector_load %arg11[%get3A_178, %get3A_179] {strides = array<i32>} : memref<4x256xf32, #tpu.memory_space<vmem>>, vector<1x16xf32>,
      %get3A_181 = vector.shape_cast %get3A_180 : vector<1x16xf32> to vector<16xf32>
      %get3A_182 = arith.constant 1 : i32
      %get3A_183 = arith.index_cast %get3A_182 : i32 to index
      %get3A_184 = arith.constant 192 : index
      %get3A_185 = tpu.vector_load %arg11[%get3A_183, %get3A_184] {strides = array<i32>} : memref<4x256xf32, #tpu.memory_space<vmem>>, vector<1x16xf32>,
      %get3A_186 = vector.shape_cast %get3A_185 : vector<1x16xf32> to vector<16xf32>
      %get3A_187 = arith.constant 1 : i32
      %get3A_188 = arith.index_cast %get3A_187 : i32 to index
      %get3A_189 = arith.constant 208 : index
      %get3A_190 = tpu.vector_load %arg11[%get3A_188, %get3A_189] {strides = array<i32>} : memref<4x256xf32, #tpu.memory_space<vmem>>, vector<1x16xf32>,
      %get3A_191 = vector.shape_cast %get3A_190 : vector<1x16xf32> to vector<16xf32>
      %get3A_192 = arith.constant 1 : i32
      %get3A_193 = arith.index_cast %get3A_192 : i32 to index
      %get3A_194 = arith.constant 224 : index
      %get3A_195 = tpu.vector_load %arg11[%get3A_193, %get3A_194] {strides = array<i32>} : memref<4x256xf32, #tpu.memory_space<vmem>>, vector<1x16xf32>,
      %get3A_196 = vector.shape_cast %get3A_195 : vector<1x16xf32> to vector<16xf32>
      %get3A_197 = arith.constant 1 : i32
      %get3A_198 = arith.index_cast %get3A_197 : i32 to index
      %get3A_199 = arith.constant 240 : index
      %get3A_200 = tpu.vector_load %arg11[%get3A_198, %get3A_199] {strides = array<i32>} : memref<4x256xf32, #tpu.memory_space<vmem>>, vector<1x16xf32>,
      %get3A_201 = vector.shape_cast %get3A_200 : vector<1x16xf32> to vector<16xf32>
      %scan3A_202 = arith.constant 0 : i32
      %scan3A_203 = arith.constant 0 : i32
      %scan3A_204 = arith.constant 64 : i32
      %scan3A_205 = arith.addi %scan3A_203, %scan3A_204 : i32
      %scan3A_206 = arith.constant 1 : i32
      scf.for %scan3A_398 = %scan3A_203 to %scan3A_205 step %scan3A_206  : i32 {
        %swap3A = arith.index_cast %scan3A_398 : i32 to index
        %swap3A_399 = arith.constant 0 : index
        %swap3A_400 = tpu.vector_load %arg13[%swap3A, %swap3A_399] {strides = array<i32>} : memref<64x512xf32, #tpu.memory_space<vmem>>, vector<1x16xf32>,
        %swap3A_401 = vector.shape_cast %swap3A_400 : vector<1x16xf32> to vector<16xf32>
        %swap3A_402 = vector.shape_cast %get3A_126 : vector<16xf32> to vector<1x16xf32>
        tpu.vector_store %arg13[%swap3A, %swap3A_399], %swap3A_402 {strides = array<i32>} : memref<64x512xf32, #tpu.memory_space<vmem>>, vector<1x16xf32>,
        %swap3A_403 = arith.index_cast %scan3A_398 : i32 to index
        %swap3A_404 = arith.constant 16 : index
        %swap3A_405 = tpu.vector_load %arg13[%swap3A_403, %swap3A_404] {strides = array<i32>} : memref<64x512xf32, #tpu.memory_space<vmem>>, vector<1x16xf32>,
        %swap3A_406 = vector.shape_cast %swap3A_405 : vector<1x16xf32> to vector<16xf32>
        %swap3A_407 = vector.shape_cast %get3A_131 : vector<16xf32> to vector<1x16xf32>
        tpu.vector_store %arg13[%swap3A_403, %swap3A_404], %swap3A_407 {strides = array<i32>} : memref<64x512xf32, #tpu.memory_space<vmem>>, vector<1x16xf32>,
        %swap3A_408 = arith.index_cast %scan3A_398 : i32 to index
        %swap3A_409 = arith.constant 32 : index
        %swap3A_410 = tpu.vector_load %arg13[%swap3A_408, %swap3A_409] {strides = array<i32>} : memref<64x512xf32, #tpu.memory_space<vmem>>, vector<1x16xf32>,
        %swap3A_411 = vector.shape_cast %swap3A_410 : vector<1x16xf32> to vector<16xf32>
        %swap3A_412 = vector.shape_cast %get3A_136 : vector<16xf32> to vector<1x16xf32>
        tpu.vector_store %arg13[%swap3A_408, %swap3A_409], %swap3A_412 {strides = array<i32>} : memref<64x512xf32, #tpu.memory_space<vmem>>, vector<1x16xf32>,
        %swap3A_413 = arith.index_cast %scan3A_398 : i32 to index
        %swap3A_414 = arith.constant 48 : index
        %swap3A_415 = tpu.vector_load %arg13[%swap3A_413, %swap3A_414] {strides = array<i32>} : memref<64x512xf32, #tpu.memory_space<vmem>>, vector<1x16xf32>,
        %swap3A_416 = vector.shape_cast %swap3A_415 : vector<1x16xf32> to vector<16xf32>
        %swap3A_417 = vector.shape_cast %get3A_141 : vector<16xf32> to vector<1x16xf32>
        tpu.vector_store %arg13[%swap3A_413, %swap3A_414], %swap3A_417 {strides = array<i32>} : memref<64x512xf32, #tpu.memory_space<vmem>>, vector<1x16xf32>,
        %swap3A_418 = arith.index_cast %scan3A_398 : i32 to index
        %swap3A_419 = arith.constant 64 : index
        %swap3A_420 = tpu.vector_load %arg13[%swap3A_418, %swap3A_419] {strides = array<i32>} : memref<64x512xf32, #tpu.memory_space<vmem>>, vector<1x16xf32>,
        %swap3A_421 = vector.shape_cast %swap3A_420 : vector<1x16xf32> to vector<16xf32>
        %swap3A_422 = vector.shape_cast %get3A_146 : vector<16xf32> to vector<1x16xf32>
        tpu.vector_store %arg13[%swap3A_418, %swap3A_419], %swap3A_422 {strides = array<i32>} : memref<64x512xf32, #tpu.memory_space<vmem>>, vector<1x16xf32>,
        %swap3A_423 = arith.index_cast %scan3A_398 : i32 to index
        %swap3A_424 = arith.constant 80 : index
        %swap3A_425 = tpu.vector_load %arg13[%swap3A_423, %swap3A_424] {strides = array<i32>} : memref<64x512xf32, #tpu.memory_space<vmem>>, vector<1x16xf32>,
        %swap3A_426 = vector.shape_cast %swap3A_425 : vector<1x16xf32> to vector<16xf32>
        %swap3A_427 = vector.shape_cast %get3A_151 : vector<16xf32> to vector<1x16xf32>
        tpu.vector_store %arg13[%swap3A_423, %swap3A_424], %swap3A_427 {strides = array<i32>} : memref<64x512xf32, #tpu.memory_space<vmem>>, vector<1x16xf32>,
        %swap3A_428 = arith.index_cast %scan3A_398 : i32 to index
        %swap3A_429 = arith.constant 96 : index
        %swap3A_430 = tpu.vector_load %arg13[%swap3A_428, %swap3A_429] {strides = array<i32>} : memref<64x512xf32, #tpu.memory_space<vmem>>, vector<1x16xf32>,
        %swap3A_431 = vector.shape_cast %swap3A_430 : vector<1x16xf32> to vector<16xf32>
        %swap3A_432 = vector.shape_cast %get3A_156 : vector<16xf32> to vector<1x16xf32>
        tpu.vector_store %arg13[%swap3A_428, %swap3A_429], %swap3A_432 {strides = array<i32>} : memref<64x512xf32, #tpu.memory_space<vmem>>, vector<1x16xf32>,
        %swap3A_433 = arith.index_cast %scan3A_398 : i32 to index
        %swap3A_434 = arith.constant 112 : index
        %swap3A_435 = tpu.vector_load %arg13[%swap3A_433, %swap3A_434] {strides = array<i32>} : memref<64x512xf32, #tpu.memory_space<vmem>>, vector<1x16xf32>,
        %swap3A_436 = vector.shape_cast %swap3A_435 : vector<1x16xf32> to vector<16xf32>
        %swap3A_437 = vector.shape_cast %get3A_161 : vector<16xf32> to vector<1x16xf32>
        tpu.vector_store %arg13[%swap3A_433, %swap3A_434], %swap3A_437 {strides = array<i32>} : memref<64x512xf32, #tpu.memory_space<vmem>>, vector<1x16xf32>,
        %swap3A_438 = arith.index_cast %scan3A_398 : i32 to index
        %swap3A_439 = arith.constant 128 : index
        %swap3A_440 = tpu.vector_load %arg13[%swap3A_438, %swap3A_439] {strides = array<i32>} : memref<64x512xf32, #tpu.memory_space<vmem>>, vector<1x16xf32>,
        %swap3A_441 = vector.shape_cast %swap3A_440 : vector<1x16xf32> to vector<16xf32>
        %swap3A_442 = vector.shape_cast %get3A_166 : vector<16xf32> to vector<1x16xf32>
        tpu.vector_store %arg13[%swap3A_438, %swap3A_439], %swap3A_442 {strides = array<i32>} : memref<64x512xf32, #tpu.memory_space<vmem>>, vector<1x16xf32>,
        %swap3A_443 = arith.index_cast %scan3A_398 : i32 to index
        %swap3A_444 = arith.constant 144 : index
        %swap3A_445 = tpu.vector_load %arg13[%swap3A_443, %swap3A_444] {strides = array<i32>} : memref<64x512xf32, #tpu.memory_space<vmem>>, vector<1x16xf32>,
        %swap3A_446 = vector.shape_cast %swap3A_445 : vector<1x16xf32> to vector<16xf32>
        %swap3A_447 = vector.shape_cast %get3A_171 : vector<16xf32> to vector<1x16xf32>
        tpu.vector_store %arg13[%swap3A_443, %swap3A_444], %swap3A_447 {strides = array<i32>} : memref<64x512xf32, #tpu.memory_space<vmem>>, vector<1x16xf32>,
        %swap3A_448 = arith.index_cast %scan3A_398 : i32 to index
        %swap3A_449 = arith.constant 160 : index
        %swap3A_450 = tpu.vector_load %arg13[%swap3A_448, %swap3A_449] {strides = array<i32>} : memref<64x512xf32, #tpu.memory_space<vmem>>, vector<1x16xf32>,
        %swap3A_451 = vector.shape_cast %swap3A_450 : vector<1x16xf32> to vector<16xf32>
        %swap3A_452 = vector.shape_cast %get3A_176 : vector<16xf32> to vector<1x16xf32>
        tpu.vector_store %arg13[%swap3A_448, %swap3A_449], %swap3A_452 {strides = array<i32>} : memref<64x512xf32, #tpu.memory_space<vmem>>, vector<1x16xf32>,
        %swap3A_453 = arith.index_cast %scan3A_398 : i32 to index
        %swap3A_454 = arith.constant 176 : index
        %swap3A_455 = tpu.vector_load %arg13[%swap3A_453, %swap3A_454] {strides = array<i32>} : memref<64x512xf32, #tpu.memory_space<vmem>>, vector<1x16xf32>,
        %swap3A_456 = vector.shape_cast %swap3A_455 : vector<1x16xf32> to vector<16xf32>
        %swap3A_457 = vector.shape_cast %get3A_181 : vector<16xf32> to vector<1x16xf32>
        tpu.vector_store %arg13[%swap3A_453, %swap3A_454], %swap3A_457 {strides = array<i32>} : memref<64x512xf32, #tpu.memory_space<vmem>>, vector<1x16xf32>,
        %swap3A_458 = arith.index_cast %scan3A_398 : i32 to index
        %swap3A_459 = arith.constant 192 : index
        %swap3A_460 = tpu.vector_load %arg13[%swap3A_458, %swap3A_459] {strides = array<i32>} : memref<64x512xf32, #tpu.memory_space<vmem>>, vector<1x16xf32>,
        %swap3A_461 = vector.shape_cast %swap3A_460 : vector<1x16xf32> to vector<16xf32>
        %swap3A_462 = vector.shape_cast %get3A_186 : vector<16xf32> to vector<1x16xf32>
        tpu.vector_store %arg13[%swap3A_458, %swap3A_459], %swap3A_462 {strides = array<i32>} : memref<64x512xf32, #tpu.memory_space<vmem>>, vector<1x16xf32>,
        %swap3A_463 = arith.index_cast %scan3A_398 : i32 to index
        %swap3A_464 = arith.constant 208 : index
        %swap3A_465 = tpu.vector_load %arg13[%swap3A_463, %swap3A_464] {strides = array<i32>} : memref<64x512xf32, #tpu.memory_space<vmem>>, vector<1x16xf32>,
        %swap3A_466 = vector.shape_cast %swap3A_465 : vector<1x16xf32> to vector<16xf32>
        %swap3A_467 = vector.shape_cast %get3A_191 : vector<16xf32> to vector<1x16xf32>
        tpu.vector_store %arg13[%swap3A_463, %swap3A_464], %swap3A_467 {strides = array<i32>} : memref<64x512xf32, #tpu.memory_space<vmem>>, vector<1x16xf32>,
        %swap3A_468 = arith.index_cast %scan3A_398 : i32 to index
        %swap3A_469 = arith.constant 224 : index
        %swap3A_470 = tpu.vector_load %arg13[%swap3A_468, %swap3A_469] {strides = array<i32>} : memref<64x512xf32, #tpu.memory_space<vmem>>, vector<1x16xf32>,
        %swap3A_471 = vector.shape_cast %swap3A_470 : vector<1x16xf32> to vector<16xf32>
        %swap3A_472 = vector.shape_cast %get3A_196 : vector<16xf32> to vector<1x16xf32>
        tpu.vector_store %arg13[%swap3A_468, %swap3A_469], %swap3A_472 {strides = array<i32>} : memref<64x512xf32, #tpu.memory_space<vmem>>, vector<1x16xf32>,
        %swap3A_473 = arith.index_cast %scan3A_398 : i32 to index
        %swap3A_474 = arith.constant 240 : index
        %swap3A_475 = tpu.vector_load %arg13[%swap3A_473, %swap3A_474] {strides = array<i32>} : memref<64x512xf32, #tpu.memory_space<vmem>>, vector<1x16xf32>,
        %swap3A_476 = vector.shape_cast %swap3A_475 : vector<1x16xf32> to vector<16xf32>
        %swap3A_477 = vector.shape_cast %get3A_201 : vector<16xf32> to vector<1x16xf32>
        tpu.vector_store %arg13[%swap3A_473, %swap3A_474], %swap3A_477 {strides = array<i32>} : memref<64x512xf32, #tpu.memory_space<vmem>>, vector<1x16xf32>,
        %get3A_478 = arith.index_cast %scan3A_398 : i32 to index
        %get3A_479 = arith.constant 0 : index
        %get3A_480 = tpu.vector_load %arg12[%get3A_478, %get3A_479] {strides = array<i32>} : memref<64x256xf32, #tpu.memory_space<vmem>>, vector<1x16xf32>,
        %get3A_481 = vector.shape_cast %get3A_480 : vector<1x16xf32> to vector<16xf32>
        %swap3A_482 = arith.index_cast %scan3A_398 : i32 to index
        %swap3A_483 = arith.constant 256 : index
        %swap3A_484 = tpu.vector_load %arg13[%swap3A_482, %swap3A_483] {strides = array<i32>} : memref<64x512xf32, #tpu.memory_space<vmem>>, vector<1x16xf32>,
        %swap3A_485 = vector.shape_cast %swap3A_484 : vector<1x16xf32> to vector<16xf32>
        %swap3A_486 = vector.shape_cast %get3A_481 : vector<16xf32> to vector<1x16xf32>
        tpu.vector_store %arg13[%swap3A_482, %swap3A_483], %swap3A_486 {strides = array<i32>} : memref<64x512xf32, #tpu.memory_space<vmem>>, vector<1x16xf32>,
        %get3A_487 = arith.index_cast %scan3A_398 : i32 to index
        %get3A_488 = arith.constant 16 : index
        %get3A_489 = tpu.vector_load %arg12[%get3A_487, %get3A_488] {strides = array<i32>} : memref<64x256xf32, #tpu.memory_space<vmem>>, vector<1x16xf32>,
        %get3A_490 = vector.shape_cast %get3A_489 : vector<1x16xf32> to vector<16xf32>
        %swap3A_491 = arith.index_cast %scan3A_398 : i32 to index
        %swap3A_492 = arith.constant 272 : index
        %swap3A_493 = tpu.vector_load %arg13[%swap3A_491, %swap3A_492] {strides = array<i32>} : memref<64x512xf32, #tpu.memory_space<vmem>>, vector<1x16xf32>,
        %swap3A_494 = vector.shape_cast %swap3A_493 : vector<1x16xf32> to vector<16xf32>
        %swap3A_495 = vector.shape_cast %get3A_490 : vector<16xf32> to vector<1x16xf32>
        tpu.vector_store %arg13[%swap3A_491, %swap3A_492], %swap3A_495 {strides = array<i32>} : memref<64x512xf32, #tpu.memory_space<vmem>>, vector<1x16xf32>,
        %get3A_496 = arith.index_cast %scan3A_398 : i32 to index
        %get3A_497 = arith.constant 32 : index
        %get3A_498 = tpu.vector_load %arg12[%get3A_496, %get3A_497] {strides = array<i32>} : memref<64x256xf32, #tpu.memory_space<vmem>>, vector<1x16xf32>,
        %get3A_499 = vector.shape_cast %get3A_498 : vector<1x16xf32> to vector<16xf32>
        %swap3A_500 = arith.index_cast %scan3A_398 : i32 to index
        %swap3A_501 = arith.constant 288 : index
        %swap3A_502 = tpu.vector_load %arg13[%swap3A_500, %swap3A_501] {strides = array<i32>} : memref<64x512xf32, #tpu.memory_space<vmem>>, vector<1x16xf32>,
        %swap3A_503 = vector.shape_cast %swap3A_502 : vector<1x16xf32> to vector<16xf32>
        %swap3A_504 = vector.shape_cast %get3A_499 : vector<16xf32> to vector<1x16xf32>
        tpu.vector_store %arg13[%swap3A_500, %swap3A_501], %swap3A_504 {strides = array<i32>} : memref<64x512xf32, #tpu.memory_space<vmem>>, vector<1x16xf32>,
        %get3A_505 = arith.index_cast %scan3A_398 : i32 to index
        %get3A_506 = arith.constant 48 : index
        %get3A_507 = tpu.vector_load %arg12[%get3A_505, %get3A_506] {strides = array<i32>} : memref<64x256xf32, #tpu.memory_space<vmem>>, vector<1x16xf32>,
        %get3A_508 = vector.shape_cast %get3A_507 : vector<1x16xf32> to vector<16xf32>
        %swap3A_509 = arith.index_cast %scan3A_398 : i32 to index
        %swap3A_510 = arith.constant 304 : index
        %swap3A_511 = tpu.vector_load %arg13[%swap3A_509, %swap3A_510] {strides = array<i32>} : memref<64x512xf32, #tpu.memory_space<vmem>>, vector<1x16xf32>,
        %swap3A_512 = vector.shape_cast %swap3A_511 : vector<1x16xf32> to vector<16xf32>
        %swap3A_513 = vector.shape_cast %get3A_508 : vector<16xf32> to vector<1x16xf32>
        tpu.vector_store %arg13[%swap3A_509, %swap3A_510], %swap3A_513 {strides = array<i32>} : memref<64x512xf32, #tpu.memory_space<vmem>>, vector<1x16xf32>,
        %get3A_514 = arith.index_cast %scan3A_398 : i32 to index
        %get3A_515 = arith.constant 64 : index
        %get3A_516 = tpu.vector_load %arg12[%get3A_514, %get3A_515] {strides = array<i32>} : memref<64x256xf32, #tpu.memory_space<vmem>>, vector<1x16xf32>,
        %get3A_517 = vector.shape_cast %get3A_516 : vector<1x16xf32> to vector<16xf32>
        %swap3A_518 = arith.index_cast %scan3A_398 : i32 to index
        %swap3A_519 = arith.constant 320 : index
        %swap3A_520 = tpu.vector_load %arg13[%swap3A_518, %swap3A_519] {strides = array<i32>} : memref<64x512xf32, #tpu.memory_space<vmem>>, vector<1x16xf32>,
        %swap3A_521 = vector.shape_cast %swap3A_520 : vector<1x16xf32> to vector<16xf32>
        %swap3A_522 = vector.shape_cast %get3A_517 : vector<16xf32> to vector<1x16xf32>
        tpu.vector_store %arg13[%swap3A_518, %swap3A_519], %swap3A_522 {strides = array<i32>} : memref<64x512xf32, #tpu.memory_space<vmem>>, vector<1x16xf32>,
        %get3A_523 = arith.index_cast %scan3A_398 : i32 to index
        %get3A_524 = arith.constant 80 : index
        %get3A_525 = tpu.vector_load %arg12[%get3A_523, %get3A_524] {strides = array<i32>} : memref<64x256xf32, #tpu.memory_space<vmem>>, vector<1x16xf32>,
        %get3A_526 = vector.shape_cast %get3A_525 : vector<1x16xf32> to vector<16xf32>
        %swap3A_527 = arith.index_cast %scan3A_398 : i32 to index
        %swap3A_528 = arith.constant 336 : index
        %swap3A_529 = tpu.vector_load %arg13[%swap3A_527, %swap3A_528] {strides = array<i32>} : memref<64x512xf32, #tpu.memory_space<vmem>>, vector<1x16xf32>,
        %swap3A_530 = vector.shape_cast %swap3A_529 : vector<1x16xf32> to vector<16xf32>
        %swap3A_531 = vector.shape_cast %get3A_526 : vector<16xf32> to vector<1x16xf32>
        tpu.vector_store %arg13[%swap3A_527, %swap3A_528], %swap3A_531 {strides = array<i32>} : memref<64x512xf32, #tpu.memory_space<vmem>>, vector<1x16xf32>,
        %get3A_532 = arith.index_cast %scan3A_398 : i32 to index
        %get3A_533 = arith.constant 96 : index
        %get3A_534 = tpu.vector_load %arg12[%get3A_532, %get3A_533] {strides = array<i32>} : memref<64x256xf32, #tpu.memory_space<vmem>>, vector<1x16xf32>,
        %get3A_535 = vector.shape_cast %get3A_534 : vector<1x16xf32> to vector<16xf32>
        %swap3A_536 = arith.index_cast %scan3A_398 : i32 to index
        %swap3A_537 = arith.constant 352 : index
        %swap3A_538 = tpu.vector_load %arg13[%swap3A_536, %swap3A_537] {strides = array<i32>} : memref<64x512xf32, #tpu.memory_space<vmem>>, vector<1x16xf32>,
        %swap3A_539 = vector.shape_cast %swap3A_538 : vector<1x16xf32> to vector<16xf32>
        %swap3A_540 = vector.shape_cast %get3A_535 : vector<16xf32> to vector<1x16xf32>
        tpu.vector_store %arg13[%swap3A_536, %swap3A_537], %swap3A_540 {strides = array<i32>} : memref<64x512xf32, #tpu.memory_space<vmem>>, vector<1x16xf32>,
        %get3A_541 = arith.index_cast %scan3A_398 : i32 to index
        %get3A_542 = arith.constant 112 : index
        %get3A_543 = tpu.vector_load %arg12[%get3A_541, %get3A_542] {strides = array<i32>} : memref<64x256xf32, #tpu.memory_space<vmem>>, vector<1x16xf32>,
        %get3A_544 = vector.shape_cast %get3A_543 : vector<1x16xf32> to vector<16xf32>
        %swap3A_545 = arith.index_cast %scan3A_398 : i32 to index
        %swap3A_546 = arith.constant 368 : index
        %swap3A_547 = tpu.vector_load %arg13[%swap3A_545, %swap3A_546] {strides = array<i32>} : memref<64x512xf32, #tpu.memory_space<vmem>>, vector<1x16xf32>,
        %swap3A_548 = vector.shape_cast %swap3A_547 : vector<1x16xf32> to vector<16xf32>
        %swap3A_549 = vector.shape_cast %get3A_544 : vector<16xf32> to vector<1x16xf32>
        tpu.vector_store %arg13[%swap3A_545, %swap3A_546], %swap3A_549 {strides = array<i32>} : memref<64x512xf32, #tpu.memory_space<vmem>>, vector<1x16xf32>,
        %get3A_550 = arith.index_cast %scan3A_398 : i32 to index
        %get3A_551 = arith.constant 128 : index
        %get3A_552 = tpu.vector_load %arg12[%get3A_550, %get3A_551] {strides = array<i32>} : memref<64x256xf32, #tpu.memory_space<vmem>>, vector<1x16xf32>,
        %get3A_553 = vector.shape_cast %get3A_552 : vector<1x16xf32> to vector<16xf32>
        %swap3A_554 = arith.index_cast %scan3A_398 : i32 to index
        %swap3A_555 = arith.constant 384 : index
        %swap3A_556 = tpu.vector_load %arg13[%swap3A_554, %swap3A_555] {strides = array<i32>} : memref<64x512xf32, #tpu.memory_space<vmem>>, vector<1x16xf32>,
        %swap3A_557 = vector.shape_cast %swap3A_556 : vector<1x16xf32> to vector<16xf32>
        %swap3A_558 = vector.shape_cast %get3A_553 : vector<16xf32> to vector<1x16xf32>
        tpu.vector_store %arg13[%swap3A_554, %swap3A_555], %swap3A_558 {strides = array<i32>} : memref<64x512xf32, #tpu.memory_space<vmem>>, vector<1x16xf32>,
        %get3A_559 = arith.index_cast %scan3A_398 : i32 to index
        %get3A_560 = arith.constant 144 : index
        %get3A_561 = tpu.vector_load %arg12[%get3A_559, %get3A_560] {strides = array<i32>} : memref<64x256xf32, #tpu.memory_space<vmem>>, vector<1x16xf32>,
        %get3A_562 = vector.shape_cast %get3A_561 : vector<1x16xf32> to vector<16xf32>
        %swap3A_563 = arith.index_cast %scan3A_398 : i32 to index
        %swap3A_564 = arith.constant 400 : index
        %swap3A_565 = tpu.vector_load %arg13[%swap3A_563, %swap3A_564] {strides = array<i32>} : memref<64x512xf32, #tpu.memory_space<vmem>>, vector<1x16xf32>,
        %swap3A_566 = vector.shape_cast %swap3A_565 : vector<1x16xf32> to vector<16xf32>
        %swap3A_567 = vector.shape_cast %get3A_562 : vector<16xf32> to vector<1x16xf32>
        tpu.vector_store %arg13[%swap3A_563, %swap3A_564], %swap3A_567 {strides = array<i32>} : memref<64x512xf32, #tpu.memory_space<vmem>>, vector<1x16xf32>,
        %get3A_568 = arith.index_cast %scan3A_398 : i32 to index
        %get3A_569 = arith.constant 160 : index
        %get3A_570 = tpu.vector_load %arg12[%get3A_568, %get3A_569] {strides = array<i32>} : memref<64x256xf32, #tpu.memory_space<vmem>>, vector<1x16xf32>,
        %get3A_571 = vector.shape_cast %get3A_570 : vector<1x16xf32> to vector<16xf32>
        %swap3A_572 = arith.index_cast %scan3A_398 : i32 to index
        %swap3A_573 = arith.constant 416 : index
        %swap3A_574 = tpu.vector_load %arg13[%swap3A_572, %swap3A_573] {strides = array<i32>} : memref<64x512xf32, #tpu.memory_space<vmem>>, vector<1x16xf32>,
        %swap3A_575 = vector.shape_cast %swap3A_574 : vector<1x16xf32> to vector<16xf32>
        %swap3A_576 = vector.shape_cast %get3A_571 : vector<16xf32> to vector<1x16xf32>
        tpu.vector_store %arg13[%swap3A_572, %swap3A_573], %swap3A_576 {strides = array<i32>} : memref<64x512xf32, #tpu.memory_space<vmem>>, vector<1x16xf32>,
        %get3A_577 = arith.index_cast %scan3A_398 : i32 to index
        %get3A_578 = arith.constant 176 : index
        %get3A_579 = tpu.vector_load %arg12[%get3A_577, %get3A_578] {strides = array<i32>} : memref<64x256xf32, #tpu.memory_space<vmem>>, vector<1x16xf32>,
        %get3A_580 = vector.shape_cast %get3A_579 : vector<1x16xf32> to vector<16xf32>
        %swap3A_581 = arith.index_cast %scan3A_398 : i32 to index
        %swap3A_582 = arith.constant 432 : index
        %swap3A_583 = tpu.vector_load %arg13[%swap3A_581, %swap3A_582] {strides = array<i32>} : memref<64x512xf32, #tpu.memory_space<vmem>>, vector<1x16xf32>,
        %swap3A_584 = vector.shape_cast %swap3A_583 : vector<1x16xf32> to vector<16xf32>
        %swap3A_585 = vector.shape_cast %get3A_580 : vector<16xf32> to vector<1x16xf32>
        tpu.vector_store %arg13[%swap3A_581, %swap3A_582], %swap3A_585 {strides = array<i32>} : memref<64x512xf32, #tpu.memory_space<vmem>>, vector<1x16xf32>,
        %get3A_586 = arith.index_cast %scan3A_398 : i32 to index
        %get3A_587 = arith.constant 192 : index
        %get3A_588 = tpu.vector_load %arg12[%get3A_586, %get3A_587] {strides = array<i32>} : memref<64x256xf32, #tpu.memory_space<vmem>>, vector<1x16xf32>,
        %get3A_589 = vector.shape_cast %get3A_588 : vector<1x16xf32> to vector<16xf32>
        %swap3A_590 = arith.index_cast %scan3A_398 : i32 to index
        %swap3A_591 = arith.constant 448 : index
        %swap3A_592 = tpu.vector_load %arg13[%swap3A_590, %swap3A_591] {strides = array<i32>} : memref<64x512xf32, #tpu.memory_space<vmem>>, vector<1x16xf32>,
        %swap3A_593 = vector.shape_cast %swap3A_592 : vector<1x16xf32> to vector<16xf32>
        %swap3A_594 = vector.shape_cast %get3A_589 : vector<16xf32> to vector<1x16xf32>
        tpu.vector_store %arg13[%swap3A_590, %swap3A_591], %swap3A_594 {strides = array<i32>} : memref<64x512xf32, #tpu.memory_space<vmem>>, vector<1x16xf32>,
        %get3A_595 = arith.index_cast %scan3A_398 : i32 to index
        %get3A_596 = arith.constant 208 : index
        %get3A_597 = tpu.vector_load %arg12[%get3A_595, %get3A_596] {strides = array<i32>} : memref<64x256xf32, #tpu.memory_space<vmem>>, vector<1x16xf32>,
        %get3A_598 = vector.shape_cast %get3A_597 : vector<1x16xf32> to vector<16xf32>
        %swap3A_599 = arith.index_cast %scan3A_398 : i32 to index
        %swap3A_600 = arith.constant 464 : index
        %swap3A_601 = tpu.vector_load %arg13[%swap3A_599, %swap3A_600] {strides = array<i32>} : memref<64x512xf32, #tpu.memory_space<vmem>>, vector<1x16xf32>,
        %swap3A_602 = vector.shape_cast %swap3A_601 : vector<1x16xf32> to vector<16xf32>
        %swap3A_603 = vector.shape_cast %get3A_598 : vector<16xf32> to vector<1x16xf32>
        tpu.vector_store %arg13[%swap3A_599, %swap3A_600], %swap3A_603 {strides = array<i32>} : memref<64x512xf32, #tpu.memory_space<vmem>>, vector<1x16xf32>,
        %get3A_604 = arith.index_cast %scan3A_398 : i32 to index
        %get3A_605 = arith.constant 224 : index
        %get3A_606 = tpu.vector_load %arg12[%get3A_604, %get3A_605] {strides = array<i32>} : memref<64x256xf32, #tpu.memory_space<vmem>>, vector<1x16xf32>,
        %get3A_607 = vector.shape_cast %get3A_606 : vector<1x16xf32> to vector<16xf32>
        %swap3A_608 = arith.index_cast %scan3A_398 : i32 to index
        %swap3A_609 = arith.constant 480 : index
        %swap3A_610 = tpu.vector_load %arg13[%swap3A_608, %swap3A_609] {strides = array<i32>} : memref<64x512xf32, #tpu.memory_space<vmem>>, vector<1x16xf32>,
        %swap3A_611 = vector.shape_cast %swap3A_610 : vector<1x16xf32> to vector<16xf32>
        %swap3A_612 = vector.shape_cast %get3A_607 : vector<16xf32> to vector<1x16xf32>
        tpu.vector_store %arg13[%swap3A_608, %swap3A_609], %swap3A_612 {strides = array<i32>} : memref<64x512xf32, #tpu.memory_space<vmem>>, vector<1x16xf32>,
        %get3A_613 = arith.index_cast %scan3A_398 : i32 to index
        %get3A_614 = arith.constant 240 : index
        %get3A_615 = tpu.vector_load %arg12[%get3A_613, %get3A_614] {strides = array<i32>} : memref<64x256xf32, #tpu.memory_space<vmem>>, vector<1x16xf32>,
        %get3A_616 = vector.shape_cast %get3A_615 : vector<1x16xf32> to vector<16xf32>
        %swap3A_617 = arith.index_cast %scan3A_398 : i32 to index
        %swap3A_618 = arith.constant 496 : index
        %swap3A_619 = tpu.vector_load %arg13[%swap3A_617, %swap3A_618] {strides = array<i32>} : memref<64x512xf32, #tpu.memory_space<vmem>>, vector<1x16xf32>,
        %swap3A_620 = vector.shape_cast %swap3A_619 : vector<1x16xf32> to vector<16xf32>
        %swap3A_621 = vector.shape_cast %get3A_616 : vector<16xf32> to vector<1x16xf32>
        tpu.vector_store %arg13[%swap3A_617, %swap3A_618], %swap3A_621 {strides = array<i32>} : memref<64x512xf32, #tpu.memory_space<vmem>>, vector<1x16xf32>,
      }
      %scan3A_207 = arith.constant 64 : i32
      %mul3A_208 = arith.constant 4 : i32
      %mul3A_209 = arith.muli %arg1, %mul3A_208 : i32
      %add3A_210 = arith.constant 1 : i32
      %add3A_211 = arith.addi %mul3A_209, %add3A_210 : i32
      %mul3A_212 = arith.constant 64 : i32
      %mul3A_213 = arith.muli %add3A_211, %mul3A_212 : i32
      "tpu.region"() ({
        %run_scoped3A = tpu.sem_alloc : memref<!tpu.dma_semaphore, #tpu.memory_space<semaphore_mem>>
        %dma_start3A = arith.constant 0 : i32
        %dma_start3A_398 = tpu.memref_slice %arg7[%mul3A_213, %dma_start3A] : memref<4096x512xf32, #tpu.memory_space<hbm>> -> memref<64x512xf32, #tpu.memory_space<hbm>>
        %dma_start3A_399 = arith.constant 0 : i32
        %dma_start3A_400 = tpu.memref_slice %arg7[%mul3A_213, %dma_start3A_399] : memref<4096x512xf32, #tpu.memory_space<hbm>> -> memref<64x512xf32, #tpu.memory_space<hbm>>
        tpu.enqueue_dma source(%arg13 : memref<64x512xf32, #tpu.memory_space<vmem>>) target(%dma_start3A_400 : memref<64x512xf32, #tpu.memory_space<hbm>>) target_semaphore(%run_scoped3A : memref<!tpu.dma_semaphore, #tpu.memory_space<semaphore_mem>>)
        %dma_wait3A = arith.constant 0 : i32
        %dma_wait3A_401 = tpu.memref_slice %arg7[%mul3A_213, %dma_wait3A] : memref<4096x512xf32, #tpu.memory_space<hbm>> -> memref<64x512xf32, #tpu.memory_space<hbm>>
        %dma_wait3A_402 = arith.constant 0 : i32
        %dma_wait3A_403 = tpu.memref_slice %arg7[%mul3A_213, %dma_wait3A_402] : memref<4096x512xf32, #tpu.memory_space<hbm>> -> memref<64x512xf32, #tpu.memory_space<hbm>>
        tpu.wait_dma2 semaphore(%run_scoped3A : memref<!tpu.dma_semaphore, #tpu.memory_space<semaphore_mem>>) src(%arg13 : memref<64x512xf32, #tpu.memory_space<vmem>>) dst(%dma_wait3A_403 : memref<64x512xf32, #tpu.memory_space<hbm>>)
        tpu.yield
      }) : () -> ()
      %get3A_214 = arith.constant 2 : i32
      %get3A_215 = arith.index_cast %get3A_214 : i32 to index
      %get3A_216 = arith.constant 0 : index
      %get3A_217 = tpu.vector_load %arg11[%get3A_215, %get3A_216] {strides = array<i32>} : memref<4x256xf32, #tpu.memory_space<vmem>>, vector<1x16xf32>,
      %get3A_218 = vector.shape_cast %get3A_217 : vector<1x16xf32> to vector<16xf32>
      %get3A_219 = arith.constant 2 : i32
      %get3A_220 = arith.index_cast %get3A_219 : i32 to index
      %get3A_221 = arith.constant 16 : index
      %get3A_222 = tpu.vector_load %arg11[%get3A_220, %get3A_221] {strides = array<i32>} : memref<4x256xf32, #tpu.memory_space<vmem>>, vector<1x16xf32>,
      %get3A_223 = vector.shape_cast %get3A_222 : vector<1x16xf32> to vector<16xf32>
      %get3A_224 = arith.constant 2 : i32
      %get3A_225 = arith.index_cast %get3A_224 : i32 to index
      %get3A_226 = arith.constant 32 : index
      %get3A_227 = tpu.vector_load %arg11[%get3A_225, %get3A_226] {strides = array<i32>} : memref<4x256xf32, #tpu.memory_space<vmem>>, vector<1x16xf32>,
      %get3A_228 = vector.shape_cast %get3A_227 : vector<1x16xf32> to vector<16xf32>
      %get3A_229 = arith.constant 2 : i32
      %get3A_230 = arith.index_cast %get3A_229 : i32 to index
      %get3A_231 = arith.constant 48 : index
      %get3A_232 = tpu.vector_load %arg11[%get3A_230, %get3A_231] {strides = array<i32>} : memref<4x256xf32, #tpu.memory_space<vmem>>, vector<1x16xf32>,
      %get3A_233 = vector.shape_cast %get3A_232 : vector<1x16xf32> to vector<16xf32>
      %get3A_234 = arith.constant 2 : i32
      %get3A_235 = arith.index_cast %get3A_234 : i32 to index
      %get3A_236 = arith.constant 64 : index
      %get3A_237 = tpu.vector_load %arg11[%get3A_235, %get3A_236] {strides = array<i32>} : memref<4x256xf32, #tpu.memory_space<vmem>>, vector<1x16xf32>,
      %get3A_238 = vector.shape_cast %get3A_237 : vector<1x16xf32> to vector<16xf32>
      %get3A_239 = arith.constant 2 : i32
      %get3A_240 = arith.index_cast %get3A_239 : i32 to index
      %get3A_241 = arith.constant 80 : index
      %get3A_242 = tpu.vector_load %arg11[%get3A_240, %get3A_241] {strides = array<i32>} : memref<4x256xf32, #tpu.memory_space<vmem>>, vector<1x16xf32>,
      %get3A_243 = vector.shape_cast %get3A_242 : vector<1x16xf32> to vector<16xf32>
      %get3A_244 = arith.constant 2 : i32
      %get3A_245 = arith.index_cast %get3A_244 : i32 to index
      %get3A_246 = arith.constant 96 : index
      %get3A_247 = tpu.vector_load %arg11[%get3A_245, %get3A_246] {strides = array<i32>} : memref<4x256xf32, #tpu.memory_space<vmem>>, vector<1x16xf32>,
      %get3A_248 = vector.shape_cast %get3A_247 : vector<1x16xf32> to vector<16xf32>
      %get3A_249 = arith.constant 2 : i32
      %get3A_250 = arith.index_cast %get3A_249 : i32 to index
      %get3A_251 = arith.constant 112 : index
      %get3A_252 = tpu.vector_load %arg11[%get3A_250, %get3A_251] {strides = array<i32>} : memref<4x256xf32, #tpu.memory_space<vmem>>, vector<1x16xf32>,
      %get3A_253 = vector.shape_cast %get3A_252 : vector<1x16xf32> to vector<16xf32>
      %get3A_254 = arith.constant 2 : i32
      %get3A_255 = arith.index_cast %get3A_254 : i32 to index
      %get3A_256 = arith.constant 128 : index
      %get3A_257 = tpu.vector_load %arg11[%get3A_255, %get3A_256] {strides = array<i32>} : memref<4x256xf32, #tpu.memory_space<vmem>>, vector<1x16xf32>,
      %get3A_258 = vector.shape_cast %get3A_257 : vector<1x16xf32> to vector<16xf32>
      %get3A_259 = arith.constant 2 : i32
      %get3A_260 = arith.index_cast %get3A_259 : i32 to index
      %get3A_261 = arith.constant 144 : index
      %get3A_262 = tpu.vector_load %arg11[%get3A_260, %get3A_261] {strides = array<i32>} : memref<4x256xf32, #tpu.memory_space<vmem>>, vector<1x16xf32>,
      %get3A_263 = vector.shape_cast %get3A_262 : vector<1x16xf32> to vector<16xf32>
      %get3A_264 = arith.constant 2 : i32
      %get3A_265 = arith.index_cast %get3A_264 : i32 to index
      %get3A_266 = arith.constant 160 : index
      %get3A_267 = tpu.vector_load %arg11[%get3A_265, %get3A_266] {strides = array<i32>} : memref<4x256xf32, #tpu.memory_space<vmem>>, vector<1x16xf32>,
      %get3A_268 = vector.shape_cast %get3A_267 : vector<1x16xf32> to vector<16xf32>
      %get3A_269 = arith.constant 2 : i32
      %get3A_270 = arith.index_cast %get3A_269 : i32 to index
      %get3A_271 = arith.constant 176 : index
      %get3A_272 = tpu.vector_load %arg11[%get3A_270, %get3A_271] {strides = array<i32>} : memref<4x256xf32, #tpu.memory_space<vmem>>, vector<1x16xf32>,
      %get3A_273 = vector.shape_cast %get3A_272 : vector<1x16xf32> to vector<16xf32>
      %get3A_274 = arith.constant 2 : i32
      %get3A_275 = arith.index_cast %get3A_274 : i32 to index
      %get3A_276 = arith.constant 192 : index
      %get3A_277 = tpu.vector_load %arg11[%get3A_275, %get3A_276] {strides = array<i32>} : memref<4x256xf32, #tpu.memory_space<vmem>>, vector<1x16xf32>,
      %get3A_278 = vector.shape_cast %get3A_277 : vector<1x16xf32> to vector<16xf32>
      %get3A_279 = arith.constant 2 : i32
      %get3A_280 = arith.index_cast %get3A_279 : i32 to index
      %get3A_281 = arith.constant 208 : index
      %get3A_282 = tpu.vector_load %arg11[%get3A_280, %get3A_281] {strides = array<i32>} : memref<4x256xf32, #tpu.memory_space<vmem>>, vector<1x16xf32>,
      %get3A_283 = vector.shape_cast %get3A_282 : vector<1x16xf32> to vector<16xf32>
      %get3A_284 = arith.constant 2 : i32
      %get3A_285 = arith.index_cast %get3A_284 : i32 to index
      %get3A_286 = arith.constant 224 : index
      %get3A_287 = tpu.vector_load %arg11[%get3A_285, %get3A_286] {strides = array<i32>} : memref<4x256xf32, #tpu.memory_space<vmem>>, vector<1x16xf32>,
      %get3A_288 = vector.shape_cast %get3A_287 : vector<1x16xf32> to vector<16xf32>
      %get3A_289 = arith.constant 2 : i32
      %get3A_290 = arith.index_cast %get3A_289 : i32 to index
      %get3A_291 = arith.constant 240 : index
      %get3A_292 = tpu.vector_load %arg11[%get3A_290, %get3A_291] {strides = array<i32>} : memref<4x256xf32, #tpu.memory_space<vmem>>, vector<1x16xf32>,
      %get3A_293 = vector.shape_cast %get3A_292 : vector<1x16xf32> to vector<16xf32>
      %scan3A_294 = arith.constant 0 : i32
      %scan3A_295 = arith.constant 0 : i32
      %scan3A_296 = arith.constant 64 : i32
      %scan3A_297 = arith.addi %scan3A_295, %scan3A_296 : i32
      %scan3A_298 = arith.constant 1 : i32
      scf.for %scan3A_398 = %scan3A_295 to %scan3A_297 step %scan3A_298  : i32 {
        %swap3A = arith.index_cast %scan3A_398 : i32 to index
        %swap3A_399 = arith.constant 0 : index
        %swap3A_400 = tpu.vector_load %arg13[%swap3A, %swap3A_399] {strides = array<i32>} : memref<64x512xf32, #tpu.memory_space<vmem>>, vector<1x16xf32>,
        %swap3A_401 = vector.shape_cast %swap3A_400 : vector<1x16xf32> to vector<16xf32>
        %swap3A_402 = vector.shape_cast %get3A_218 : vector<16xf32> to vector<1x16xf32>
        tpu.vector_store %arg13[%swap3A, %swap3A_399], %swap3A_402 {strides = array<i32>} : memref<64x512xf32, #tpu.memory_space<vmem>>, vector<1x16xf32>,
        %swap3A_403 = arith.index_cast %scan3A_398 : i32 to index
        %swap3A_404 = arith.constant 16 : index
        %swap3A_405 = tpu.vector_load %arg13[%swap3A_403, %swap3A_404] {strides = array<i32>} : memref<64x512xf32, #tpu.memory_space<vmem>>, vector<1x16xf32>,
        %swap3A_406 = vector.shape_cast %swap3A_405 : vector<1x16xf32> to vector<16xf32>
        %swap3A_407 = vector.shape_cast %get3A_223 : vector<16xf32> to vector<1x16xf32>
        tpu.vector_store %arg13[%swap3A_403, %swap3A_404], %swap3A_407 {strides = array<i32>} : memref<64x512xf32, #tpu.memory_space<vmem>>, vector<1x16xf32>,
        %swap3A_408 = arith.index_cast %scan3A_398 : i32 to index
        %swap3A_409 = arith.constant 32 : index
        %swap3A_410 = tpu.vector_load %arg13[%swap3A_408, %swap3A_409] {strides = array<i32>} : memref<64x512xf32, #tpu.memory_space<vmem>>, vector<1x16xf32>,
        %swap3A_411 = vector.shape_cast %swap3A_410 : vector<1x16xf32> to vector<16xf32>
        %swap3A_412 = vector.shape_cast %get3A_228 : vector<16xf32> to vector<1x16xf32>
        tpu.vector_store %arg13[%swap3A_408, %swap3A_409], %swap3A_412 {strides = array<i32>} : memref<64x512xf32, #tpu.memory_space<vmem>>, vector<1x16xf32>,
        %swap3A_413 = arith.index_cast %scan3A_398 : i32 to index
        %swap3A_414 = arith.constant 48 : index
        %swap3A_415 = tpu.vector_load %arg13[%swap3A_413, %swap3A_414] {strides = array<i32>} : memref<64x512xf32, #tpu.memory_space<vmem>>, vector<1x16xf32>,
        %swap3A_416 = vector.shape_cast %swap3A_415 : vector<1x16xf32> to vector<16xf32>
        %swap3A_417 = vector.shape_cast %get3A_233 : vector<16xf32> to vector<1x16xf32>
        tpu.vector_store %arg13[%swap3A_413, %swap3A_414], %swap3A_417 {strides = array<i32>} : memref<64x512xf32, #tpu.memory_space<vmem>>, vector<1x16xf32>,
        %swap3A_418 = arith.index_cast %scan3A_398 : i32 to index
        %swap3A_419 = arith.constant 64 : index
        %swap3A_420 = tpu.vector_load %arg13[%swap3A_418, %swap3A_419] {strides = array<i32>} : memref<64x512xf32, #tpu.memory_space<vmem>>, vector<1x16xf32>,
        %swap3A_421 = vector.shape_cast %swap3A_420 : vector<1x16xf32> to vector<16xf32>
        %swap3A_422 = vector.shape_cast %get3A_238 : vector<16xf32> to vector<1x16xf32>
        tpu.vector_store %arg13[%swap3A_418, %swap3A_419], %swap3A_422 {strides = array<i32>} : memref<64x512xf32, #tpu.memory_space<vmem>>, vector<1x16xf32>,
        %swap3A_423 = arith.index_cast %scan3A_398 : i32 to index
        %swap3A_424 = arith.constant 80 : index
        %swap3A_425 = tpu.vector_load %arg13[%swap3A_423, %swap3A_424] {strides = array<i32>} : memref<64x512xf32, #tpu.memory_space<vmem>>, vector<1x16xf32>,
        %swap3A_426 = vector.shape_cast %swap3A_425 : vector<1x16xf32> to vector<16xf32>
        %swap3A_427 = vector.shape_cast %get3A_243 : vector<16xf32> to vector<1x16xf32>
        tpu.vector_store %arg13[%swap3A_423, %swap3A_424], %swap3A_427 {strides = array<i32>} : memref<64x512xf32, #tpu.memory_space<vmem>>, vector<1x16xf32>,
        %swap3A_428 = arith.index_cast %scan3A_398 : i32 to index
        %swap3A_429 = arith.constant 96 : index
        %swap3A_430 = tpu.vector_load %arg13[%swap3A_428, %swap3A_429] {strides = array<i32>} : memref<64x512xf32, #tpu.memory_space<vmem>>, vector<1x16xf32>,
        %swap3A_431 = vector.shape_cast %swap3A_430 : vector<1x16xf32> to vector<16xf32>
        %swap3A_432 = vector.shape_cast %get3A_248 : vector<16xf32> to vector<1x16xf32>
        tpu.vector_store %arg13[%swap3A_428, %swap3A_429], %swap3A_432 {strides = array<i32>} : memref<64x512xf32, #tpu.memory_space<vmem>>, vector<1x16xf32>,
        %swap3A_433 = arith.index_cast %scan3A_398 : i32 to index
        %swap3A_434 = arith.constant 112 : index
        %swap3A_435 = tpu.vector_load %arg13[%swap3A_433, %swap3A_434] {strides = array<i32>} : memref<64x512xf32, #tpu.memory_space<vmem>>, vector<1x16xf32>,
        %swap3A_436 = vector.shape_cast %swap3A_435 : vector<1x16xf32> to vector<16xf32>
        %swap3A_437 = vector.shape_cast %get3A_253 : vector<16xf32> to vector<1x16xf32>
        tpu.vector_store %arg13[%swap3A_433, %swap3A_434], %swap3A_437 {strides = array<i32>} : memref<64x512xf32, #tpu.memory_space<vmem>>, vector<1x16xf32>,
        %swap3A_438 = arith.index_cast %scan3A_398 : i32 to index
        %swap3A_439 = arith.constant 128 : index
        %swap3A_440 = tpu.vector_load %arg13[%swap3A_438, %swap3A_439] {strides = array<i32>} : memref<64x512xf32, #tpu.memory_space<vmem>>, vector<1x16xf32>,
        %swap3A_441 = vector.shape_cast %swap3A_440 : vector<1x16xf32> to vector<16xf32>
        %swap3A_442 = vector.shape_cast %get3A_258 : vector<16xf32> to vector<1x16xf32>
        tpu.vector_store %arg13[%swap3A_438, %swap3A_439], %swap3A_442 {strides = array<i32>} : memref<64x512xf32, #tpu.memory_space<vmem>>, vector<1x16xf32>,
        %swap3A_443 = arith.index_cast %scan3A_398 : i32 to index
        %swap3A_444 = arith.constant 144 : index
        %swap3A_445 = tpu.vector_load %arg13[%swap3A_443, %swap3A_444] {strides = array<i32>} : memref<64x512xf32, #tpu.memory_space<vmem>>, vector<1x16xf32>,
        %swap3A_446 = vector.shape_cast %swap3A_445 : vector<1x16xf32> to vector<16xf32>
        %swap3A_447 = vector.shape_cast %get3A_263 : vector<16xf32> to vector<1x16xf32>
        tpu.vector_store %arg13[%swap3A_443, %swap3A_444], %swap3A_447 {strides = array<i32>} : memref<64x512xf32, #tpu.memory_space<vmem>>, vector<1x16xf32>,
        %swap3A_448 = arith.index_cast %scan3A_398 : i32 to index
        %swap3A_449 = arith.constant 160 : index
        %swap3A_450 = tpu.vector_load %arg13[%swap3A_448, %swap3A_449] {strides = array<i32>} : memref<64x512xf32, #tpu.memory_space<vmem>>, vector<1x16xf32>,
        %swap3A_451 = vector.shape_cast %swap3A_450 : vector<1x16xf32> to vector<16xf32>
        %swap3A_452 = vector.shape_cast %get3A_268 : vector<16xf32> to vector<1x16xf32>
        tpu.vector_store %arg13[%swap3A_448, %swap3A_449], %swap3A_452 {strides = array<i32>} : memref<64x512xf32, #tpu.memory_space<vmem>>, vector<1x16xf32>,
        %swap3A_453 = arith.index_cast %scan3A_398 : i32 to index
        %swap3A_454 = arith.constant 176 : index
        %swap3A_455 = tpu.vector_load %arg13[%swap3A_453, %swap3A_454] {strides = array<i32>} : memref<64x512xf32, #tpu.memory_space<vmem>>, vector<1x16xf32>,
        %swap3A_456 = vector.shape_cast %swap3A_455 : vector<1x16xf32> to vector<16xf32>
        %swap3A_457 = vector.shape_cast %get3A_273 : vector<16xf32> to vector<1x16xf32>
        tpu.vector_store %arg13[%swap3A_453, %swap3A_454], %swap3A_457 {strides = array<i32>} : memref<64x512xf32, #tpu.memory_space<vmem>>, vector<1x16xf32>,
        %swap3A_458 = arith.index_cast %scan3A_398 : i32 to index
        %swap3A_459 = arith.constant 192 : index
        %swap3A_460 = tpu.vector_load %arg13[%swap3A_458, %swap3A_459] {strides = array<i32>} : memref<64x512xf32, #tpu.memory_space<vmem>>, vector<1x16xf32>,
        %swap3A_461 = vector.shape_cast %swap3A_460 : vector<1x16xf32> to vector<16xf32>
        %swap3A_462 = vector.shape_cast %get3A_278 : vector<16xf32> to vector<1x16xf32>
        tpu.vector_store %arg13[%swap3A_458, %swap3A_459], %swap3A_462 {strides = array<i32>} : memref<64x512xf32, #tpu.memory_space<vmem>>, vector<1x16xf32>,
        %swap3A_463 = arith.index_cast %scan3A_398 : i32 to index
        %swap3A_464 = arith.constant 208 : index
        %swap3A_465 = tpu.vector_load %arg13[%swap3A_463, %swap3A_464] {strides = array<i32>} : memref<64x512xf32, #tpu.memory_space<vmem>>, vector<1x16xf32>,
        %swap3A_466 = vector.shape_cast %swap3A_465 : vector<1x16xf32> to vector<16xf32>
        %swap3A_467 = vector.shape_cast %get3A_283 : vector<16xf32> to vector<1x16xf32>
        tpu.vector_store %arg13[%swap3A_463, %swap3A_464], %swap3A_467 {strides = array<i32>} : memref<64x512xf32, #tpu.memory_space<vmem>>, vector<1x16xf32>,
        %swap3A_468 = arith.index_cast %scan3A_398 : i32 to index
        %swap3A_469 = arith.constant 224 : index
        %swap3A_470 = tpu.vector_load %arg13[%swap3A_468, %swap3A_469] {strides = array<i32>} : memref<64x512xf32, #tpu.memory_space<vmem>>, vector<1x16xf32>,
        %swap3A_471 = vector.shape_cast %swap3A_470 : vector<1x16xf32> to vector<16xf32>
        %swap3A_472 = vector.shape_cast %get3A_288 : vector<16xf32> to vector<1x16xf32>
        tpu.vector_store %arg13[%swap3A_468, %swap3A_469], %swap3A_472 {strides = array<i32>} : memref<64x512xf32, #tpu.memory_space<vmem>>, vector<1x16xf32>,
        %swap3A_473 = arith.index_cast %scan3A_398 : i32 to index
        %swap3A_474 = arith.constant 240 : index
        %swap3A_475 = tpu.vector_load %arg13[%swap3A_473, %swap3A_474] {strides = array<i32>} : memref<64x512xf32, #tpu.memory_space<vmem>>, vector<1x16xf32>,
        %swap3A_476 = vector.shape_cast %swap3A_475 : vector<1x16xf32> to vector<16xf32>
        %swap3A_477 = vector.shape_cast %get3A_293 : vector<16xf32> to vector<1x16xf32>
        tpu.vector_store %arg13[%swap3A_473, %swap3A_474], %swap3A_477 {strides = array<i32>} : memref<64x512xf32, #tpu.memory_space<vmem>>, vector<1x16xf32>,
        %get3A_478 = arith.index_cast %scan3A_398 : i32 to index
        %get3A_479 = arith.constant 0 : index
        %get3A_480 = tpu.vector_load %arg12[%get3A_478, %get3A_479] {strides = array<i32>} : memref<64x256xf32, #tpu.memory_space<vmem>>, vector<1x16xf32>,
        %get3A_481 = vector.shape_cast %get3A_480 : vector<1x16xf32> to vector<16xf32>
        %swap3A_482 = arith.index_cast %scan3A_398 : i32 to index
        %swap3A_483 = arith.constant 256 : index
        %swap3A_484 = tpu.vector_load %arg13[%swap3A_482, %swap3A_483] {strides = array<i32>} : memref<64x512xf32, #tpu.memory_space<vmem>>, vector<1x16xf32>,
        %swap3A_485 = vector.shape_cast %swap3A_484 : vector<1x16xf32> to vector<16xf32>
        %swap3A_486 = vector.shape_cast %get3A_481 : vector<16xf32> to vector<1x16xf32>
        tpu.vector_store %arg13[%swap3A_482, %swap3A_483], %swap3A_486 {strides = array<i32>} : memref<64x512xf32, #tpu.memory_space<vmem>>, vector<1x16xf32>,
        %get3A_487 = arith.index_cast %scan3A_398 : i32 to index
        %get3A_488 = arith.constant 16 : index
        %get3A_489 = tpu.vector_load %arg12[%get3A_487, %get3A_488] {strides = array<i32>} : memref<64x256xf32, #tpu.memory_space<vmem>>, vector<1x16xf32>,
        %get3A_490 = vector.shape_cast %get3A_489 : vector<1x16xf32> to vector<16xf32>
        %swap3A_491 = arith.index_cast %scan3A_398 : i32 to index
        %swap3A_492 = arith.constant 272 : index
        %swap3A_493 = tpu.vector_load %arg13[%swap3A_491, %swap3A_492] {strides = array<i32>} : memref<64x512xf32, #tpu.memory_space<vmem>>, vector<1x16xf32>,
        %swap3A_494 = vector.shape_cast %swap3A_493 : vector<1x16xf32> to vector<16xf32>
        %swap3A_495 = vector.shape_cast %get3A_490 : vector<16xf32> to vector<1x16xf32>
        tpu.vector_store %arg13[%swap3A_491, %swap3A_492], %swap3A_495 {strides = array<i32>} : memref<64x512xf32, #tpu.memory_space<vmem>>, vector<1x16xf32>,
        %get3A_496 = arith.index_cast %scan3A_398 : i32 to index
        %get3A_497 = arith.constant 32 : index
        %get3A_498 = tpu.vector_load %arg12[%get3A_496, %get3A_497] {strides = array<i32>} : memref<64x256xf32, #tpu.memory_space<vmem>>, vector<1x16xf32>,
        %get3A_499 = vector.shape_cast %get3A_498 : vector<1x16xf32> to vector<16xf32>
        %swap3A_500 = arith.index_cast %scan3A_398 : i32 to index
        %swap3A_501 = arith.constant 288 : index
        %swap3A_502 = tpu.vector_load %arg13[%swap3A_500, %swap3A_501] {strides = array<i32>} : memref<64x512xf32, #tpu.memory_space<vmem>>, vector<1x16xf32>,
        %swap3A_503 = vector.shape_cast %swap3A_502 : vector<1x16xf32> to vector<16xf32>
        %swap3A_504 = vector.shape_cast %get3A_499 : vector<16xf32> to vector<1x16xf32>
        tpu.vector_store %arg13[%swap3A_500, %swap3A_501], %swap3A_504 {strides = array<i32>} : memref<64x512xf32, #tpu.memory_space<vmem>>, vector<1x16xf32>,
        %get3A_505 = arith.index_cast %scan3A_398 : i32 to index
        %get3A_506 = arith.constant 48 : index
        %get3A_507 = tpu.vector_load %arg12[%get3A_505, %get3A_506] {strides = array<i32>} : memref<64x256xf32, #tpu.memory_space<vmem>>, vector<1x16xf32>,
        %get3A_508 = vector.shape_cast %get3A_507 : vector<1x16xf32> to vector<16xf32>
        %swap3A_509 = arith.index_cast %scan3A_398 : i32 to index
        %swap3A_510 = arith.constant 304 : index
        %swap3A_511 = tpu.vector_load %arg13[%swap3A_509, %swap3A_510] {strides = array<i32>} : memref<64x512xf32, #tpu.memory_space<vmem>>, vector<1x16xf32>,
        %swap3A_512 = vector.shape_cast %swap3A_511 : vector<1x16xf32> to vector<16xf32>
        %swap3A_513 = vector.shape_cast %get3A_508 : vector<16xf32> to vector<1x16xf32>
        tpu.vector_store %arg13[%swap3A_509, %swap3A_510], %swap3A_513 {strides = array<i32>} : memref<64x512xf32, #tpu.memory_space<vmem>>, vector<1x16xf32>,
        %get3A_514 = arith.index_cast %scan3A_398 : i32 to index
        %get3A_515 = arith.constant 64 : index
        %get3A_516 = tpu.vector_load %arg12[%get3A_514, %get3A_515] {strides = array<i32>} : memref<64x256xf32, #tpu.memory_space<vmem>>, vector<1x16xf32>,
        %get3A_517 = vector.shape_cast %get3A_516 : vector<1x16xf32> to vector<16xf32>
        %swap3A_518 = arith.index_cast %scan3A_398 : i32 to index
        %swap3A_519 = arith.constant 320 : index
        %swap3A_520 = tpu.vector_load %arg13[%swap3A_518, %swap3A_519] {strides = array<i32>} : memref<64x512xf32, #tpu.memory_space<vmem>>, vector<1x16xf32>,
        %swap3A_521 = vector.shape_cast %swap3A_520 : vector<1x16xf32> to vector<16xf32>
        %swap3A_522 = vector.shape_cast %get3A_517 : vector<16xf32> to vector<1x16xf32>
        tpu.vector_store %arg13[%swap3A_518, %swap3A_519], %swap3A_522 {strides = array<i32>} : memref<64x512xf32, #tpu.memory_space<vmem>>, vector<1x16xf32>,
        %get3A_523 = arith.index_cast %scan3A_398 : i32 to index
        %get3A_524 = arith.constant 80 : index
        %get3A_525 = tpu.vector_load %arg12[%get3A_523, %get3A_524] {strides = array<i32>} : memref<64x256xf32, #tpu.memory_space<vmem>>, vector<1x16xf32>,
        %get3A_526 = vector.shape_cast %get3A_525 : vector<1x16xf32> to vector<16xf32>
        %swap3A_527 = arith.index_cast %scan3A_398 : i32 to index
        %swap3A_528 = arith.constant 336 : index
        %swap3A_529 = tpu.vector_load %arg13[%swap3A_527, %swap3A_528] {strides = array<i32>} : memref<64x512xf32, #tpu.memory_space<vmem>>, vector<1x16xf32>,
        %swap3A_530 = vector.shape_cast %swap3A_529 : vector<1x16xf32> to vector<16xf32>
        %swap3A_531 = vector.shape_cast %get3A_526 : vector<16xf32> to vector<1x16xf32>
        tpu.vector_store %arg13[%swap3A_527, %swap3A_528], %swap3A_531 {strides = array<i32>} : memref<64x512xf32, #tpu.memory_space<vmem>>, vector<1x16xf32>,
        %get3A_532 = arith.index_cast %scan3A_398 : i32 to index
        %get3A_533 = arith.constant 96 : index
        %get3A_534 = tpu.vector_load %arg12[%get3A_532, %get3A_533] {strides = array<i32>} : memref<64x256xf32, #tpu.memory_space<vmem>>, vector<1x16xf32>,
        %get3A_535 = vector.shape_cast %get3A_534 : vector<1x16xf32> to vector<16xf32>
        %swap3A_536 = arith.index_cast %scan3A_398 : i32 to index
        %swap3A_537 = arith.constant 352 : index
        %swap3A_538 = tpu.vector_load %arg13[%swap3A_536, %swap3A_537] {strides = array<i32>} : memref<64x512xf32, #tpu.memory_space<vmem>>, vector<1x16xf32>,
        %swap3A_539 = vector.shape_cast %swap3A_538 : vector<1x16xf32> to vector<16xf32>
        %swap3A_540 = vector.shape_cast %get3A_535 : vector<16xf32> to vector<1x16xf32>
        tpu.vector_store %arg13[%swap3A_536, %swap3A_537], %swap3A_540 {strides = array<i32>} : memref<64x512xf32, #tpu.memory_space<vmem>>, vector<1x16xf32>,
        %get3A_541 = arith.index_cast %scan3A_398 : i32 to index
        %get3A_542 = arith.constant 112 : index
        %get3A_543 = tpu.vector_load %arg12[%get3A_541, %get3A_542] {strides = array<i32>} : memref<64x256xf32, #tpu.memory_space<vmem>>, vector<1x16xf32>,
        %get3A_544 = vector.shape_cast %get3A_543 : vector<1x16xf32> to vector<16xf32>
        %swap3A_545 = arith.index_cast %scan3A_398 : i32 to index
        %swap3A_546 = arith.constant 368 : index
        %swap3A_547 = tpu.vector_load %arg13[%swap3A_545, %swap3A_546] {strides = array<i32>} : memref<64x512xf32, #tpu.memory_space<vmem>>, vector<1x16xf32>,
        %swap3A_548 = vector.shape_cast %swap3A_547 : vector<1x16xf32> to vector<16xf32>
        %swap3A_549 = vector.shape_cast %get3A_544 : vector<16xf32> to vector<1x16xf32>
        tpu.vector_store %arg13[%swap3A_545, %swap3A_546], %swap3A_549 {strides = array<i32>} : memref<64x512xf32, #tpu.memory_space<vmem>>, vector<1x16xf32>,
        %get3A_550 = arith.index_cast %scan3A_398 : i32 to index
        %get3A_551 = arith.constant 128 : index
        %get3A_552 = tpu.vector_load %arg12[%get3A_550, %get3A_551] {strides = array<i32>} : memref<64x256xf32, #tpu.memory_space<vmem>>, vector<1x16xf32>,
        %get3A_553 = vector.shape_cast %get3A_552 : vector<1x16xf32> to vector<16xf32>
        %swap3A_554 = arith.index_cast %scan3A_398 : i32 to index
        %swap3A_555 = arith.constant 384 : index
        %swap3A_556 = tpu.vector_load %arg13[%swap3A_554, %swap3A_555] {strides = array<i32>} : memref<64x512xf32, #tpu.memory_space<vmem>>, vector<1x16xf32>,
        %swap3A_557 = vector.shape_cast %swap3A_556 : vector<1x16xf32> to vector<16xf32>
        %swap3A_558 = vector.shape_cast %get3A_553 : vector<16xf32> to vector<1x16xf32>
        tpu.vector_store %arg13[%swap3A_554, %swap3A_555], %swap3A_558 {strides = array<i32>} : memref<64x512xf32, #tpu.memory_space<vmem>>, vector<1x16xf32>,
        %get3A_559 = arith.index_cast %scan3A_398 : i32 to index
        %get3A_560 = arith.constant 144 : index
        %get3A_561 = tpu.vector_load %arg12[%get3A_559, %get3A_560] {strides = array<i32>} : memref<64x256xf32, #tpu.memory_space<vmem>>, vector<1x16xf32>,
        %get3A_562 = vector.shape_cast %get3A_561 : vector<1x16xf32> to vector<16xf32>
        %swap3A_563 = arith.index_cast %scan3A_398 : i32 to index
        %swap3A_564 = arith.constant 400 : index
        %swap3A_565 = tpu.vector_load %arg13[%swap3A_563, %swap3A_564] {strides = array<i32>} : memref<64x512xf32, #tpu.memory_space<vmem>>, vector<1x16xf32>,
        %swap3A_566 = vector.shape_cast %swap3A_565 : vector<1x16xf32> to vector<16xf32>
        %swap3A_567 = vector.shape_cast %get3A_562 : vector<16xf32> to vector<1x16xf32>
        tpu.vector_store %arg13[%swap3A_563, %swap3A_564], %swap3A_567 {strides = array<i32>} : memref<64x512xf32, #tpu.memory_space<vmem>>, vector<1x16xf32>,
        %get3A_568 = arith.index_cast %scan3A_398 : i32 to index
        %get3A_569 = arith.constant 160 : index
        %get3A_570 = tpu.vector_load %arg12[%get3A_568, %get3A_569] {strides = array<i32>} : memref<64x256xf32, #tpu.memory_space<vmem>>, vector<1x16xf32>,
        %get3A_571 = vector.shape_cast %get3A_570 : vector<1x16xf32> to vector<16xf32>
        %swap3A_572 = arith.index_cast %scan3A_398 : i32 to index
        %swap3A_573 = arith.constant 416 : index
        %swap3A_574 = tpu.vector_load %arg13[%swap3A_572, %swap3A_573] {strides = array<i32>} : memref<64x512xf32, #tpu.memory_space<vmem>>, vector<1x16xf32>,
        %swap3A_575 = vector.shape_cast %swap3A_574 : vector<1x16xf32> to vector<16xf32>
        %swap3A_576 = vector.shape_cast %get3A_571 : vector<16xf32> to vector<1x16xf32>
        tpu.vector_store %arg13[%swap3A_572, %swap3A_573], %swap3A_576 {strides = array<i32>} : memref<64x512xf32, #tpu.memory_space<vmem>>, vector<1x16xf32>,
        %get3A_577 = arith.index_cast %scan3A_398 : i32 to index
        %get3A_578 = arith.constant 176 : index
        %get3A_579 = tpu.vector_load %arg12[%get3A_577, %get3A_578] {strides = array<i32>} : memref<64x256xf32, #tpu.memory_space<vmem>>, vector<1x16xf32>,
        %get3A_580 = vector.shape_cast %get3A_579 : vector<1x16xf32> to vector<16xf32>
        %swap3A_581 = arith.index_cast %scan3A_398 : i32 to index
        %swap3A_582 = arith.constant 432 : index
        %swap3A_583 = tpu.vector_load %arg13[%swap3A_581, %swap3A_582] {strides = array<i32>} : memref<64x512xf32, #tpu.memory_space<vmem>>, vector<1x16xf32>,
        %swap3A_584 = vector.shape_cast %swap3A_583 : vector<1x16xf32> to vector<16xf32>
        %swap3A_585 = vector.shape_cast %get3A_580 : vector<16xf32> to vector<1x16xf32>
        tpu.vector_store %arg13[%swap3A_581, %swap3A_582], %swap3A_585 {strides = array<i32>} : memref<64x512xf32, #tpu.memory_space<vmem>>, vector<1x16xf32>,
        %get3A_586 = arith.index_cast %scan3A_398 : i32 to index
        %get3A_587 = arith.constant 192 : index
        %get3A_588 = tpu.vector_load %arg12[%get3A_586, %get3A_587] {strides = array<i32>} : memref<64x256xf32, #tpu.memory_space<vmem>>, vector<1x16xf32>,
        %get3A_589 = vector.shape_cast %get3A_588 : vector<1x16xf32> to vector<16xf32>
        %swap3A_590 = arith.index_cast %scan3A_398 : i32 to index
        %swap3A_591 = arith.constant 448 : index
        %swap3A_592 = tpu.vector_load %arg13[%swap3A_590, %swap3A_591] {strides = array<i32>} : memref<64x512xf32, #tpu.memory_space<vmem>>, vector<1x16xf32>,
        %swap3A_593 = vector.shape_cast %swap3A_592 : vector<1x16xf32> to vector<16xf32>
        %swap3A_594 = vector.shape_cast %get3A_589 : vector<16xf32> to vector<1x16xf32>
        tpu.vector_store %arg13[%swap3A_590, %swap3A_591], %swap3A_594 {strides = array<i32>} : memref<64x512xf32, #tpu.memory_space<vmem>>, vector<1x16xf32>,
        %get3A_595 = arith.index_cast %scan3A_398 : i32 to index
        %get3A_596 = arith.constant 208 : index
        %get3A_597 = tpu.vector_load %arg12[%get3A_595, %get3A_596] {strides = array<i32>} : memref<64x256xf32, #tpu.memory_space<vmem>>, vector<1x16xf32>,
        %get3A_598 = vector.shape_cast %get3A_597 : vector<1x16xf32> to vector<16xf32>
        %swap3A_599 = arith.index_cast %scan3A_398 : i32 to index
        %swap3A_600 = arith.constant 464 : index
        %swap3A_601 = tpu.vector_load %arg13[%swap3A_599, %swap3A_600] {strides = array<i32>} : memref<64x512xf32, #tpu.memory_space<vmem>>, vector<1x16xf32>,
        %swap3A_602 = vector.shape_cast %swap3A_601 : vector<1x16xf32> to vector<16xf32>
        %swap3A_603 = vector.shape_cast %get3A_598 : vector<16xf32> to vector<1x16xf32>
        tpu.vector_store %arg13[%swap3A_599, %swap3A_600], %swap3A_603 {strides = array<i32>} : memref<64x512xf32, #tpu.memory_space<vmem>>, vector<1x16xf32>,
        %get3A_604 = arith.index_cast %scan3A_398 : i32 to index
        %get3A_605 = arith.constant 224 : index
        %get3A_606 = tpu.vector_load %arg12[%get3A_604, %get3A_605] {strides = array<i32>} : memref<64x256xf32, #tpu.memory_space<vmem>>, vector<1x16xf32>,
        %get3A_607 = vector.shape_cast %get3A_606 : vector<1x16xf32> to vector<16xf32>
        %swap3A_608 = arith.index_cast %scan3A_398 : i32 to index
        %swap3A_609 = arith.constant 480 : index
        %swap3A_610 = tpu.vector_load %arg13[%swap3A_608, %swap3A_609] {strides = array<i32>} : memref<64x512xf32, #tpu.memory_space<vmem>>, vector<1x16xf32>,
        %swap3A_611 = vector.shape_cast %swap3A_610 : vector<1x16xf32> to vector<16xf32>
        %swap3A_612 = vector.shape_cast %get3A_607 : vector<16xf32> to vector<1x16xf32>
        tpu.vector_store %arg13[%swap3A_608, %swap3A_609], %swap3A_612 {strides = array<i32>} : memref<64x512xf32, #tpu.memory_space<vmem>>, vector<1x16xf32>,
        %get3A_613 = arith.index_cast %scan3A_398 : i32 to index
        %get3A_614 = arith.constant 240 : index
        %get3A_615 = tpu.vector_load %arg12[%get3A_613, %get3A_614] {strides = array<i32>} : memref<64x256xf32, #tpu.memory_space<vmem>>, vector<1x16xf32>,
        %get3A_616 = vector.shape_cast %get3A_615 : vector<1x16xf32> to vector<16xf32>
        %swap3A_617 = arith.index_cast %scan3A_398 : i32 to index
        %swap3A_618 = arith.constant 496 : index
        %swap3A_619 = tpu.vector_load %arg13[%swap3A_617, %swap3A_618] {strides = array<i32>} : memref<64x512xf32, #tpu.memory_space<vmem>>, vector<1x16xf32>,
        %swap3A_620 = vector.shape_cast %swap3A_619 : vector<1x16xf32> to vector<16xf32>
        %swap3A_621 = vector.shape_cast %get3A_616 : vector<16xf32> to vector<1x16xf32>
        tpu.vector_store %arg13[%swap3A_617, %swap3A_618], %swap3A_621 {strides = array<i32>} : memref<64x512xf32, #tpu.memory_space<vmem>>, vector<1x16xf32>,
      }
      %scan3A_299 = arith.constant 64 : i32
      %mul3A_300 = arith.constant 4 : i32
      %mul3A_301 = arith.muli %arg1, %mul3A_300 : i32
      %add3A_302 = arith.constant 2 : i32
      %add3A_303 = arith.addi %mul3A_301, %add3A_302 : i32
      %mul3A_304 = arith.constant 64 : i32
      %mul3A_305 = arith.muli %add3A_303, %mul3A_304 : i32
      "tpu.region"() ({
        %run_scoped3A = tpu.sem_alloc : memref<!tpu.dma_semaphore, #tpu.memory_space<semaphore_mem>>
        %dma_start3A = arith.constant 0 : i32
        %dma_start3A_398 = tpu.memref_slice %arg7[%mul3A_305, %dma_start3A] : memref<4096x512xf32, #tpu.memory_space<hbm>> -> memref<64x512xf32, #tpu.memory_space<hbm>>
        %dma_start3A_399 = arith.constant 0 : i32
        %dma_start3A_400 = tpu.memref_slice %arg7[%mul3A_305, %dma_start3A_399] : memref<4096x512xf32, #tpu.memory_space<hbm>> -> memref<64x512xf32, #tpu.memory_space<hbm>>
        tpu.enqueue_dma source(%arg13 : memref<64x512xf32, #tpu.memory_space<vmem>>) target(%dma_start3A_400 : memref<64x512xf32, #tpu.memory_space<hbm>>) target_semaphore(%run_scoped3A : memref<!tpu.dma_semaphore, #tpu.memory_space<semaphore_mem>>)
        %dma_wait3A = arith.constant 0 : i32
        %dma_wait3A_401 = tpu.memref_slice %arg7[%mul3A_305, %dma_wait3A] : memref<4096x512xf32, #tpu.memory_space<hbm>> -> memref<64x512xf32, #tpu.memory_space<hbm>>
        %dma_wait3A_402 = arith.constant 0 : i32
        %dma_wait3A_403 = tpu.memref_slice %arg7[%mul3A_305, %dma_wait3A_402] : memref<4096x512xf32, #tpu.memory_space<hbm>> -> memref<64x512xf32, #tpu.memory_space<hbm>>
        tpu.wait_dma2 semaphore(%run_scoped3A : memref<!tpu.dma_semaphore, #tpu.memory_space<semaphore_mem>>) src(%arg13 : memref<64x512xf32, #tpu.memory_space<vmem>>) dst(%dma_wait3A_403 : memref<64x512xf32, #tpu.memory_space<hbm>>)
        tpu.yield
      }) : () -> ()
      %get3A_306 = arith.constant 3 : i32
      %get3A_307 = arith.index_cast %get3A_306 : i32 to index
      %get3A_308 = arith.constant 0 : index
      %get3A_309 = tpu.vector_load %arg11[%get3A_307, %get3A_308] {strides = array<i32>} : memref<4x256xf32, #tpu.memory_space<vmem>>, vector<1x16xf32>,
      %get3A_310 = vector.shape_cast %get3A_309 : vector<1x16xf32> to vector<16xf32>
      %get3A_311 = arith.constant 3 : i32
      %get3A_312 = arith.index_cast %get3A_311 : i32 to index
      %get3A_313 = arith.constant 16 : index
      %get3A_314 = tpu.vector_load %arg11[%get3A_312, %get3A_313] {strides = array<i32>} : memref<4x256xf32, #tpu.memory_space<vmem>>, vector<1x16xf32>,
      %get3A_315 = vector.shape_cast %get3A_314 : vector<1x16xf32> to vector<16xf32>
      %get3A_316 = arith.constant 3 : i32
      %get3A_317 = arith.index_cast %get3A_316 : i32 to index
      %get3A_318 = arith.constant 32 : index
      %get3A_319 = tpu.vector_load %arg11[%get3A_317, %get3A_318] {strides = array<i32>} : memref<4x256xf32, #tpu.memory_space<vmem>>, vector<1x16xf32>,
      %get3A_320 = vector.shape_cast %get3A_319 : vector<1x16xf32> to vector<16xf32>
      %get3A_321 = arith.constant 3 : i32
      %get3A_322 = arith.index_cast %get3A_321 : i32 to index
      %get3A_323 = arith.constant 48 : index
      %get3A_324 = tpu.vector_load %arg11[%get3A_322, %get3A_323] {strides = array<i32>} : memref<4x256xf32, #tpu.memory_space<vmem>>, vector<1x16xf32>,
      %get3A_325 = vector.shape_cast %get3A_324 : vector<1x16xf32> to vector<16xf32>
      %get3A_326 = arith.constant 3 : i32
      %get3A_327 = arith.index_cast %get3A_326 : i32 to index
      %get3A_328 = arith.constant 64 : index
      %get3A_329 = tpu.vector_load %arg11[%get3A_327, %get3A_328] {strides = array<i32>} : memref<4x256xf32, #tpu.memory_space<vmem>>, vector<1x16xf32>,
      %get3A_330 = vector.shape_cast %get3A_329 : vector<1x16xf32> to vector<16xf32>
      %get3A_331 = arith.constant 3 : i32
      %get3A_332 = arith.index_cast %get3A_331 : i32 to index
      %get3A_333 = arith.constant 80 : index
      %get3A_334 = tpu.vector_load %arg11[%get3A_332, %get3A_333] {strides = array<i32>} : memref<4x256xf32, #tpu.memory_space<vmem>>, vector<1x16xf32>,
      %get3A_335 = vector.shape_cast %get3A_334 : vector<1x16xf32> to vector<16xf32>
      %get3A_336 = arith.constant 3 : i32
      %get3A_337 = arith.index_cast %get3A_336 : i32 to index
      %get3A_338 = arith.constant 96 : index
      %get3A_339 = tpu.vector_load %arg11[%get3A_337, %get3A_338] {strides = array<i32>} : memref<4x256xf32, #tpu.memory_space<vmem>>, vector<1x16xf32>,
      %get3A_340 = vector.shape_cast %get3A_339 : vector<1x16xf32> to vector<16xf32>
      %get3A_341 = arith.constant 3 : i32
      %get3A_342 = arith.index_cast %get3A_341 : i32 to index
      %get3A_343 = arith.constant 112 : index
      %get3A_344 = tpu.vector_load %arg11[%get3A_342, %get3A_343] {strides = array<i32>} : memref<4x256xf32, #tpu.memory_space<vmem>>, vector<1x16xf32>,
      %get3A_345 = vector.shape_cast %get3A_344 : vector<1x16xf32> to vector<16xf32>
      %get3A_346 = arith.constant 3 : i32
      %get3A_347 = arith.index_cast %get3A_346 : i32 to index
      %get3A_348 = arith.constant 128 : index
      %get3A_349 = tpu.vector_load %arg11[%get3A_347, %get3A_348] {strides = array<i32>} : memref<4x256xf32, #tpu.memory_space<vmem>>, vector<1x16xf32>,
      %get3A_350 = vector.shape_cast %get3A_349 : vector<1x16xf32> to vector<16xf32>
      %get3A_351 = arith.constant 3 : i32
      %get3A_352 = arith.index_cast %get3A_351 : i32 to index
      %get3A_353 = arith.constant 144 : index
      %get3A_354 = tpu.vector_load %arg11[%get3A_352, %get3A_353] {strides = array<i32>} : memref<4x256xf32, #tpu.memory_space<vmem>>, vector<1x16xf32>,
      %get3A_355 = vector.shape_cast %get3A_354 : vector<1x16xf32> to vector<16xf32>
      %get3A_356 = arith.constant 3 : i32
      %get3A_357 = arith.index_cast %get3A_356 : i32 to index
      %get3A_358 = arith.constant 160 : index
      %get3A_359 = tpu.vector_load %arg11[%get3A_357, %get3A_358] {strides = array<i32>} : memref<4x256xf32, #tpu.memory_space<vmem>>, vector<1x16xf32>,
      %get3A_360 = vector.shape_cast %get3A_359 : vector<1x16xf32> to vector<16xf32>
      %get3A_361 = arith.constant 3 : i32
      %get3A_362 = arith.index_cast %get3A_361 : i32 to index
      %get3A_363 = arith.constant 176 : index
      %get3A_364 = tpu.vector_load %arg11[%get3A_362, %get3A_363] {strides = array<i32>} : memref<4x256xf32, #tpu.memory_space<vmem>>, vector<1x16xf32>,
      %get3A_365 = vector.shape_cast %get3A_364 : vector<1x16xf32> to vector<16xf32>
      %get3A_366 = arith.constant 3 : i32
      %get3A_367 = arith.index_cast %get3A_366 : i32 to index
      %get3A_368 = arith.constant 192 : index
      %get3A_369 = tpu.vector_load %arg11[%get3A_367, %get3A_368] {strides = array<i32>} : memref<4x256xf32, #tpu.memory_space<vmem>>, vector<1x16xf32>,
      %get3A_370 = vector.shape_cast %get3A_369 : vector<1x16xf32> to vector<16xf32>
      %get3A_371 = arith.constant 3 : i32
      %get3A_372 = arith.index_cast %get3A_371 : i32 to index
      %get3A_373 = arith.constant 208 : index
      %get3A_374 = tpu.vector_load %arg11[%get3A_372, %get3A_373] {strides = array<i32>} : memref<4x256xf32, #tpu.memory_space<vmem>>, vector<1x16xf32>,
      %get3A_375 = vector.shape_cast %get3A_374 : vector<1x16xf32> to vector<16xf32>
      %get3A_376 = arith.constant 3 : i32
      %get3A_377 = arith.index_cast %get3A_376 : i32 to index
      %get3A_378 = arith.constant 224 : index
      %get3A_379 = tpu.vector_load %arg11[%get3A_377, %get3A_378] {strides = array<i32>} : memref<4x256xf32, #tpu.memory_space<vmem>>, vector<1x16xf32>,
      %get3A_380 = vector.shape_cast %get3A_379 : vector<1x16xf32> to vector<16xf32>
      %get3A_381 = arith.constant 3 : i32
      %get3A_382 = arith.index_cast %get3A_381 : i32 to index
      %get3A_383 = arith.constant 240 : index
      %get3A_384 = tpu.vector_load %arg11[%get3A_382, %get3A_383] {strides = array<i32>} : memref<4x256xf32, #tpu.memory_space<vmem>>, vector<1x16xf32>,
      %get3A_385 = vector.shape_cast %get3A_384 : vector<1x16xf32> to vector<16xf32>
      %scan3A_386 = arith.constant 0 : i32
      %scan3A_387 = arith.constant 0 : i32
      %scan3A_388 = arith.constant 64 : i32
      %scan3A_389 = arith.addi %scan3A_387, %scan3A_388 : i32
      %scan3A_390 = arith.constant 1 : i32
      scf.for %scan3A_398 = %scan3A_387 to %scan3A_389 step %scan3A_390  : i32 {
        %swap3A = arith.index_cast %scan3A_398 : i32 to index
        %swap3A_399 = arith.constant 0 : index
        %swap3A_400 = tpu.vector_load %arg13[%swap3A, %swap3A_399] {strides = array<i32>} : memref<64x512xf32, #tpu.memory_space<vmem>>, vector<1x16xf32>,
        %swap3A_401 = vector.shape_cast %swap3A_400 : vector<1x16xf32> to vector<16xf32>
        %swap3A_402 = vector.shape_cast %get3A_310 : vector<16xf32> to vector<1x16xf32>
        tpu.vector_store %arg13[%swap3A, %swap3A_399], %swap3A_402 {strides = array<i32>} : memref<64x512xf32, #tpu.memory_space<vmem>>, vector<1x16xf32>,
        %swap3A_403 = arith.index_cast %scan3A_398 : i32 to index
        %swap3A_404 = arith.constant 16 : index
        %swap3A_405 = tpu.vector_load %arg13[%swap3A_403, %swap3A_404] {strides = array<i32>} : memref<64x512xf32, #tpu.memory_space<vmem>>, vector<1x16xf32>,
        %swap3A_406 = vector.shape_cast %swap3A_405 : vector<1x16xf32> to vector<16xf32>
        %swap3A_407 = vector.shape_cast %get3A_315 : vector<16xf32> to vector<1x16xf32>
        tpu.vector_store %arg13[%swap3A_403, %swap3A_404], %swap3A_407 {strides = array<i32>} : memref<64x512xf32, #tpu.memory_space<vmem>>, vector<1x16xf32>,
        %swap3A_408 = arith.index_cast %scan3A_398 : i32 to index
        %swap3A_409 = arith.constant 32 : index
        %swap3A_410 = tpu.vector_load %arg13[%swap3A_408, %swap3A_409] {strides = array<i32>} : memref<64x512xf32, #tpu.memory_space<vmem>>, vector<1x16xf32>,
        %swap3A_411 = vector.shape_cast %swap3A_410 : vector<1x16xf32> to vector<16xf32>
        %swap3A_412 = vector.shape_cast %get3A_320 : vector<16xf32> to vector<1x16xf32>
        tpu.vector_store %arg13[%swap3A_408, %swap3A_409], %swap3A_412 {strides = array<i32>} : memref<64x512xf32, #tpu.memory_space<vmem>>, vector<1x16xf32>,
        %swap3A_413 = arith.index_cast %scan3A_398 : i32 to index
        %swap3A_414 = arith.constant 48 : index
        %swap3A_415 = tpu.vector_load %arg13[%swap3A_413, %swap3A_414] {strides = array<i32>} : memref<64x512xf32, #tpu.memory_space<vmem>>, vector<1x16xf32>,
        %swap3A_416 = vector.shape_cast %swap3A_415 : vector<1x16xf32> to vector<16xf32>
        %swap3A_417 = vector.shape_cast %get3A_325 : vector<16xf32> to vector<1x16xf32>
        tpu.vector_store %arg13[%swap3A_413, %swap3A_414], %swap3A_417 {strides = array<i32>} : memref<64x512xf32, #tpu.memory_space<vmem>>, vector<1x16xf32>,
        %swap3A_418 = arith.index_cast %scan3A_398 : i32 to index
        %swap3A_419 = arith.constant 64 : index
        %swap3A_420 = tpu.vector_load %arg13[%swap3A_418, %swap3A_419] {strides = array<i32>} : memref<64x512xf32, #tpu.memory_space<vmem>>, vector<1x16xf32>,
        %swap3A_421 = vector.shape_cast %swap3A_420 : vector<1x16xf32> to vector<16xf32>
        %swap3A_422 = vector.shape_cast %get3A_330 : vector<16xf32> to vector<1x16xf32>
        tpu.vector_store %arg13[%swap3A_418, %swap3A_419], %swap3A_422 {strides = array<i32>} : memref<64x512xf32, #tpu.memory_space<vmem>>, vector<1x16xf32>,
        %swap3A_423 = arith.index_cast %scan3A_398 : i32 to index
        %swap3A_424 = arith.constant 80 : index
        %swap3A_425 = tpu.vector_load %arg13[%swap3A_423, %swap3A_424] {strides = array<i32>} : memref<64x512xf32, #tpu.memory_space<vmem>>, vector<1x16xf32>,
        %swap3A_426 = vector.shape_cast %swap3A_425 : vector<1x16xf32> to vector<16xf32>
        %swap3A_427 = vector.shape_cast %get3A_335 : vector<16xf32> to vector<1x16xf32>
        tpu.vector_store %arg13[%swap3A_423, %swap3A_424], %swap3A_427 {strides = array<i32>} : memref<64x512xf32, #tpu.memory_space<vmem>>, vector<1x16xf32>,
        %swap3A_428 = arith.index_cast %scan3A_398 : i32 to index
        %swap3A_429 = arith.constant 96 : index
        %swap3A_430 = tpu.vector_load %arg13[%swap3A_428, %swap3A_429] {strides = array<i32>} : memref<64x512xf32, #tpu.memory_space<vmem>>, vector<1x16xf32>,
        %swap3A_431 = vector.shape_cast %swap3A_430 : vector<1x16xf32> to vector<16xf32>
        %swap3A_432 = vector.shape_cast %get3A_340 : vector<16xf32> to vector<1x16xf32>
        tpu.vector_store %arg13[%swap3A_428, %swap3A_429], %swap3A_432 {strides = array<i32>} : memref<64x512xf32, #tpu.memory_space<vmem>>, vector<1x16xf32>,
        %swap3A_433 = arith.index_cast %scan3A_398 : i32 to index
        %swap3A_434 = arith.constant 112 : index
        %swap3A_435 = tpu.vector_load %arg13[%swap3A_433, %swap3A_434] {strides = array<i32>} : memref<64x512xf32, #tpu.memory_space<vmem>>, vector<1x16xf32>,
        %swap3A_436 = vector.shape_cast %swap3A_435 : vector<1x16xf32> to vector<16xf32>
        %swap3A_437 = vector.shape_cast %get3A_345 : vector<16xf32> to vector<1x16xf32>
        tpu.vector_store %arg13[%swap3A_433, %swap3A_434], %swap3A_437 {strides = array<i32>} : memref<64x512xf32, #tpu.memory_space<vmem>>, vector<1x16xf32>,
        %swap3A_438 = arith.index_cast %scan3A_398 : i32 to index
        %swap3A_439 = arith.constant 128 : index
        %swap3A_440 = tpu.vector_load %arg13[%swap3A_438, %swap3A_439] {strides = array<i32>} : memref<64x512xf32, #tpu.memory_space<vmem>>, vector<1x16xf32>,
        %swap3A_441 = vector.shape_cast %swap3A_440 : vector<1x16xf32> to vector<16xf32>
        %swap3A_442 = vector.shape_cast %get3A_350 : vector<16xf32> to vector<1x16xf32>
        tpu.vector_store %arg13[%swap3A_438, %swap3A_439], %swap3A_442 {strides = array<i32>} : memref<64x512xf32, #tpu.memory_space<vmem>>, vector<1x16xf32>,
        %swap3A_443 = arith.index_cast %scan3A_398 : i32 to index
        %swap3A_444 = arith.constant 144 : index
        %swap3A_445 = tpu.vector_load %arg13[%swap3A_443, %swap3A_444] {strides = array<i32>} : memref<64x512xf32, #tpu.memory_space<vmem>>, vector<1x16xf32>,
        %swap3A_446 = vector.shape_cast %swap3A_445 : vector<1x16xf32> to vector<16xf32>
        %swap3A_447 = vector.shape_cast %get3A_355 : vector<16xf32> to vector<1x16xf32>
        tpu.vector_store %arg13[%swap3A_443, %swap3A_444], %swap3A_447 {strides = array<i32>} : memref<64x512xf32, #tpu.memory_space<vmem>>, vector<1x16xf32>,
        %swap3A_448 = arith.index_cast %scan3A_398 : i32 to index
        %swap3A_449 = arith.constant 160 : index
        %swap3A_450 = tpu.vector_load %arg13[%swap3A_448, %swap3A_449] {strides = array<i32>} : memref<64x512xf32, #tpu.memory_space<vmem>>, vector<1x16xf32>,
        %swap3A_451 = vector.shape_cast %swap3A_450 : vector<1x16xf32> to vector<16xf32>
        %swap3A_452 = vector.shape_cast %get3A_360 : vector<16xf32> to vector<1x16xf32>
        tpu.vector_store %arg13[%swap3A_448, %swap3A_449], %swap3A_452 {strides = array<i32>} : memref<64x512xf32, #tpu.memory_space<vmem>>, vector<1x16xf32>,
        %swap3A_453 = arith.index_cast %scan3A_398 : i32 to index
        %swap3A_454 = arith.constant 176 : index
        %swap3A_455 = tpu.vector_load %arg13[%swap3A_453, %swap3A_454] {strides = array<i32>} : memref<64x512xf32, #tpu.memory_space<vmem>>, vector<1x16xf32>,
        %swap3A_456 = vector.shape_cast %swap3A_455 : vector<1x16xf32> to vector<16xf32>
        %swap3A_457 = vector.shape_cast %get3A_365 : vector<16xf32> to vector<1x16xf32>
        tpu.vector_store %arg13[%swap3A_453, %swap3A_454], %swap3A_457 {strides = array<i32>} : memref<64x512xf32, #tpu.memory_space<vmem>>, vector<1x16xf32>,
        %swap3A_458 = arith.index_cast %scan3A_398 : i32 to index
        %swap3A_459 = arith.constant 192 : index
        %swap3A_460 = tpu.vector_load %arg13[%swap3A_458, %swap3A_459] {strides = array<i32>} : memref<64x512xf32, #tpu.memory_space<vmem>>, vector<1x16xf32>,
        %swap3A_461 = vector.shape_cast %swap3A_460 : vector<1x16xf32> to vector<16xf32>
        %swap3A_462 = vector.shape_cast %get3A_370 : vector<16xf32> to vector<1x16xf32>
        tpu.vector_store %arg13[%swap3A_458, %swap3A_459], %swap3A_462 {strides = array<i32>} : memref<64x512xf32, #tpu.memory_space<vmem>>, vector<1x16xf32>,
        %swap3A_463 = arith.index_cast %scan3A_398 : i32 to index
        %swap3A_464 = arith.constant 208 : index
        %swap3A_465 = tpu.vector_load %arg13[%swap3A_463, %swap3A_464] {strides = array<i32>} : memref<64x512xf32, #tpu.memory_space<vmem>>, vector<1x16xf32>,
        %swap3A_466 = vector.shape_cast %swap3A_465 : vector<1x16xf32> to vector<16xf32>
        %swap3A_467 = vector.shape_cast %get3A_375 : vector<16xf32> to vector<1x16xf32>
        tpu.vector_store %arg13[%swap3A_463, %swap3A_464], %swap3A_467 {strides = array<i32>} : memref<64x512xf32, #tpu.memory_space<vmem>>, vector<1x16xf32>,
        %swap3A_468 = arith.index_cast %scan3A_398 : i32 to index
        %swap3A_469 = arith.constant 224 : index
        %swap3A_470 = tpu.vector_load %arg13[%swap3A_468, %swap3A_469] {strides = array<i32>} : memref<64x512xf32, #tpu.memory_space<vmem>>, vector<1x16xf32>,
        %swap3A_471 = vector.shape_cast %swap3A_470 : vector<1x16xf32> to vector<16xf32>
        %swap3A_472 = vector.shape_cast %get3A_380 : vector<16xf32> to vector<1x16xf32>
        tpu.vector_store %arg13[%swap3A_468, %swap3A_469], %swap3A_472 {strides = array<i32>} : memref<64x512xf32, #tpu.memory_space<vmem>>, vector<1x16xf32>,
        %swap3A_473 = arith.index_cast %scan3A_398 : i32 to index
        %swap3A_474 = arith.constant 240 : index
        %swap3A_475 = tpu.vector_load %arg13[%swap3A_473, %swap3A_474] {strides = array<i32>} : memref<64x512xf32, #tpu.memory_space<vmem>>, vector<1x16xf32>,
        %swap3A_476 = vector.shape_cast %swap3A_475 : vector<1x16xf32> to vector<16xf32>
        %swap3A_477 = vector.shape_cast %get3A_385 : vector<16xf32> to vector<1x16xf32>
        tpu.vector_store %arg13[%swap3A_473, %swap3A_474], %swap3A_477 {strides = array<i32>} : memref<64x512xf32, #tpu.memory_space<vmem>>, vector<1x16xf32>,
        %get3A_478 = arith.index_cast %scan3A_398 : i32 to index
        %get3A_479 = arith.constant 0 : index
        %get3A_480 = tpu.vector_load %arg12[%get3A_478, %get3A_479] {strides = array<i32>} : memref<64x256xf32, #tpu.memory_space<vmem>>, vector<1x16xf32>,
        %get3A_481 = vector.shape_cast %get3A_480 : vector<1x16xf32> to vector<16xf32>
        %swap3A_482 = arith.index_cast %scan3A_398 : i32 to index
        %swap3A_483 = arith.constant 256 : index
        %swap3A_484 = tpu.vector_load %arg13[%swap3A_482, %swap3A_483] {strides = array<i32>} : memref<64x512xf32, #tpu.memory_space<vmem>>, vector<1x16xf32>,
        %swap3A_485 = vector.shape_cast %swap3A_484 : vector<1x16xf32> to vector<16xf32>
        %swap3A_486 = vector.shape_cast %get3A_481 : vector<16xf32> to vector<1x16xf32>
        tpu.vector_store %arg13[%swap3A_482, %swap3A_483], %swap3A_486 {strides = array<i32>} : memref<64x512xf32, #tpu.memory_space<vmem>>, vector<1x16xf32>,
        %get3A_487 = arith.index_cast %scan3A_398 : i32 to index
        %get3A_488 = arith.constant 16 : index
        %get3A_489 = tpu.vector_load %arg12[%get3A_487, %get3A_488] {strides = array<i32>} : memref<64x256xf32, #tpu.memory_space<vmem>>, vector<1x16xf32>,
        %get3A_490 = vector.shape_cast %get3A_489 : vector<1x16xf32> to vector<16xf32>
        %swap3A_491 = arith.index_cast %scan3A_398 : i32 to index
        %swap3A_492 = arith.constant 272 : index
        %swap3A_493 = tpu.vector_load %arg13[%swap3A_491, %swap3A_492] {strides = array<i32>} : memref<64x512xf32, #tpu.memory_space<vmem>>, vector<1x16xf32>,
        %swap3A_494 = vector.shape_cast %swap3A_493 : vector<1x16xf32> to vector<16xf32>
        %swap3A_495 = vector.shape_cast %get3A_490 : vector<16xf32> to vector<1x16xf32>
        tpu.vector_store %arg13[%swap3A_491, %swap3A_492], %swap3A_495 {strides = array<i32>} : memref<64x512xf32, #tpu.memory_space<vmem>>, vector<1x16xf32>,
        %get3A_496 = arith.index_cast %scan3A_398 : i32 to index
        %get3A_497 = arith.constant 32 : index
        %get3A_498 = tpu.vector_load %arg12[%get3A_496, %get3A_497] {strides = array<i32>} : memref<64x256xf32, #tpu.memory_space<vmem>>, vector<1x16xf32>,
        %get3A_499 = vector.shape_cast %get3A_498 : vector<1x16xf32> to vector<16xf32>
        %swap3A_500 = arith.index_cast %scan3A_398 : i32 to index
        %swap3A_501 = arith.constant 288 : index
        %swap3A_502 = tpu.vector_load %arg13[%swap3A_500, %swap3A_501] {strides = array<i32>} : memref<64x512xf32, #tpu.memory_space<vmem>>, vector<1x16xf32>,
        %swap3A_503 = vector.shape_cast %swap3A_502 : vector<1x16xf32> to vector<16xf32>
        %swap3A_504 = vector.shape_cast %get3A_499 : vector<16xf32> to vector<1x16xf32>
        tpu.vector_store %arg13[%swap3A_500, %swap3A_501], %swap3A_504 {strides = array<i32>} : memref<64x512xf32, #tpu.memory_space<vmem>>, vector<1x16xf32>,
        %get3A_505 = arith.index_cast %scan3A_398 : i32 to index
        %get3A_506 = arith.constant 48 : index
        %get3A_507 = tpu.vector_load %arg12[%get3A_505, %get3A_506] {strides = array<i32>} : memref<64x256xf32, #tpu.memory_space<vmem>>, vector<1x16xf32>,
        %get3A_508 = vector.shape_cast %get3A_507 : vector<1x16xf32> to vector<16xf32>
        %swap3A_509 = arith.index_cast %scan3A_398 : i32 to index
        %swap3A_510 = arith.constant 304 : index
        %swap3A_511 = tpu.vector_load %arg13[%swap3A_509, %swap3A_510] {strides = array<i32>} : memref<64x512xf32, #tpu.memory_space<vmem>>, vector<1x16xf32>,
        %swap3A_512 = vector.shape_cast %swap3A_511 : vector<1x16xf32> to vector<16xf32>
        %swap3A_513 = vector.shape_cast %get3A_508 : vector<16xf32> to vector<1x16xf32>
        tpu.vector_store %arg13[%swap3A_509, %swap3A_510], %swap3A_513 {strides = array<i32>} : memref<64x512xf32, #tpu.memory_space<vmem>>, vector<1x16xf32>,
        %get3A_514 = arith.index_cast %scan3A_398 : i32 to index
        %get3A_515 = arith.constant 64 : index
        %get3A_516 = tpu.vector_load %arg12[%get3A_514, %get3A_515] {strides = array<i32>} : memref<64x256xf32, #tpu.memory_space<vmem>>, vector<1x16xf32>,
        %get3A_517 = vector.shape_cast %get3A_516 : vector<1x16xf32> to vector<16xf32>
        %swap3A_518 = arith.index_cast %scan3A_398 : i32 to index
        %swap3A_519 = arith.constant 320 : index
        %swap3A_520 = tpu.vector_load %arg13[%swap3A_518, %swap3A_519] {strides = array<i32>} : memref<64x512xf32, #tpu.memory_space<vmem>>, vector<1x16xf32>,
        %swap3A_521 = vector.shape_cast %swap3A_520 : vector<1x16xf32> to vector<16xf32>
        %swap3A_522 = vector.shape_cast %get3A_517 : vector<16xf32> to vector<1x16xf32>
        tpu.vector_store %arg13[%swap3A_518, %swap3A_519], %swap3A_522 {strides = array<i32>} : memref<64x512xf32, #tpu.memory_space<vmem>>, vector<1x16xf32>,
        %get3A_523 = arith.index_cast %scan3A_398 : i32 to index
        %get3A_524 = arith.constant 80 : index
        %get3A_525 = tpu.vector_load %arg12[%get3A_523, %get3A_524] {strides = array<i32>} : memref<64x256xf32, #tpu.memory_space<vmem>>, vector<1x16xf32>,
        %get3A_526 = vector.shape_cast %get3A_525 : vector<1x16xf32> to vector<16xf32>
        %swap3A_527 = arith.index_cast %scan3A_398 : i32 to index
        %swap3A_528 = arith.constant 336 : index
        %swap3A_529 = tpu.vector_load %arg13[%swap3A_527, %swap3A_528] {strides = array<i32>} : memref<64x512xf32, #tpu.memory_space<vmem>>, vector<1x16xf32>,
        %swap3A_530 = vector.shape_cast %swap3A_529 : vector<1x16xf32> to vector<16xf32>
        %swap3A_531 = vector.shape_cast %get3A_526 : vector<16xf32> to vector<1x16xf32>
        tpu.vector_store %arg13[%swap3A_527, %swap3A_528], %swap3A_531 {strides = array<i32>} : memref<64x512xf32, #tpu.memory_space<vmem>>, vector<1x16xf32>,
        %get3A_532 = arith.index_cast %scan3A_398 : i32 to index
        %get3A_533 = arith.constant 96 : index
        %get3A_534 = tpu.vector_load %arg12[%get3A_532, %get3A_533] {strides = array<i32>} : memref<64x256xf32, #tpu.memory_space<vmem>>, vector<1x16xf32>,
        %get3A_535 = vector.shape_cast %get3A_534 : vector<1x16xf32> to vector<16xf32>
        %swap3A_536 = arith.index_cast %scan3A_398 : i32 to index
        %swap3A_537 = arith.constant 352 : index
        %swap3A_538 = tpu.vector_load %arg13[%swap3A_536, %swap3A_537] {strides = array<i32>} : memref<64x512xf32, #tpu.memory_space<vmem>>, vector<1x16xf32>,
        %swap3A_539 = vector.shape_cast %swap3A_538 : vector<1x16xf32> to vector<16xf32>
        %swap3A_540 = vector.shape_cast %get3A_535 : vector<16xf32> to vector<1x16xf32>
        tpu.vector_store %arg13[%swap3A_536, %swap3A_537], %swap3A_540 {strides = array<i32>} : memref<64x512xf32, #tpu.memory_space<vmem>>, vector<1x16xf32>,
        %get3A_541 = arith.index_cast %scan3A_398 : i32 to index
        %get3A_542 = arith.constant 112 : index
        %get3A_543 = tpu.vector_load %arg12[%get3A_541, %get3A_542] {strides = array<i32>} : memref<64x256xf32, #tpu.memory_space<vmem>>, vector<1x16xf32>,
        %get3A_544 = vector.shape_cast %get3A_543 : vector<1x16xf32> to vector<16xf32>
        %swap3A_545 = arith.index_cast %scan3A_398 : i32 to index
        %swap3A_546 = arith.constant 368 : index
        %swap3A_547 = tpu.vector_load %arg13[%swap3A_545, %swap3A_546] {strides = array<i32>} : memref<64x512xf32, #tpu.memory_space<vmem>>, vector<1x16xf32>,
        %swap3A_548 = vector.shape_cast %swap3A_547 : vector<1x16xf32> to vector<16xf32>
        %swap3A_549 = vector.shape_cast %get3A_544 : vector<16xf32> to vector<1x16xf32>
        tpu.vector_store %arg13[%swap3A_545, %swap3A_546], %swap3A_549 {strides = array<i32>} : memref<64x512xf32, #tpu.memory_space<vmem>>, vector<1x16xf32>,
        %get3A_550 = arith.index_cast %scan3A_398 : i32 to index
        %get3A_551 = arith.constant 128 : index
        %get3A_552 = tpu.vector_load %arg12[%get3A_550, %get3A_551] {strides = array<i32>} : memref<64x256xf32, #tpu.memory_space<vmem>>, vector<1x16xf32>,
        %get3A_553 = vector.shape_cast %get3A_552 : vector<1x16xf32> to vector<16xf32>
        %swap3A_554 = arith.index_cast %scan3A_398 : i32 to index
        %swap3A_555 = arith.constant 384 : index
        %swap3A_556 = tpu.vector_load %arg13[%swap3A_554, %swap3A_555] {strides = array<i32>} : memref<64x512xf32, #tpu.memory_space<vmem>>, vector<1x16xf32>,
        %swap3A_557 = vector.shape_cast %swap3A_556 : vector<1x16xf32> to vector<16xf32>
        %swap3A_558 = vector.shape_cast %get3A_553 : vector<16xf32> to vector<1x16xf32>
        tpu.vector_store %arg13[%swap3A_554, %swap3A_555], %swap3A_558 {strides = array<i32>} : memref<64x512xf32, #tpu.memory_space<vmem>>, vector<1x16xf32>,
        %get3A_559 = arith.index_cast %scan3A_398 : i32 to index
        %get3A_560 = arith.constant 144 : index
        %get3A_561 = tpu.vector_load %arg12[%get3A_559, %get3A_560] {strides = array<i32>} : memref<64x256xf32, #tpu.memory_space<vmem>>, vector<1x16xf32>,
        %get3A_562 = vector.shape_cast %get3A_561 : vector<1x16xf32> to vector<16xf32>
        %swap3A_563 = arith.index_cast %scan3A_398 : i32 to index
        %swap3A_564 = arith.constant 400 : index
        %swap3A_565 = tpu.vector_load %arg13[%swap3A_563, %swap3A_564] {strides = array<i32>} : memref<64x512xf32, #tpu.memory_space<vmem>>, vector<1x16xf32>,
        %swap3A_566 = vector.shape_cast %swap3A_565 : vector<1x16xf32> to vector<16xf32>
        %swap3A_567 = vector.shape_cast %get3A_562 : vector<16xf32> to vector<1x16xf32>
        tpu.vector_store %arg13[%swap3A_563, %swap3A_564], %swap3A_567 {strides = array<i32>} : memref<64x512xf32, #tpu.memory_space<vmem>>, vector<1x16xf32>,
        %get3A_568 = arith.index_cast %scan3A_398 : i32 to index
        %get3A_569 = arith.constant 160 : index
        %get3A_570 = tpu.vector_load %arg12[%get3A_568, %get3A_569] {strides = array<i32>} : memref<64x256xf32, #tpu.memory_space<vmem>>, vector<1x16xf32>,
        %get3A_571 = vector.shape_cast %get3A_570 : vector<1x16xf32> to vector<16xf32>
        %swap3A_572 = arith.index_cast %scan3A_398 : i32 to index
        %swap3A_573 = arith.constant 416 : index
        %swap3A_574 = tpu.vector_load %arg13[%swap3A_572, %swap3A_573] {strides = array<i32>} : memref<64x512xf32, #tpu.memory_space<vmem>>, vector<1x16xf32>,
        %swap3A_575 = vector.shape_cast %swap3A_574 : vector<1x16xf32> to vector<16xf32>
        %swap3A_576 = vector.shape_cast %get3A_571 : vector<16xf32> to vector<1x16xf32>
        tpu.vector_store %arg13[%swap3A_572, %swap3A_573], %swap3A_576 {strides = array<i32>} : memref<64x512xf32, #tpu.memory_space<vmem>>, vector<1x16xf32>,
        %get3A_577 = arith.index_cast %scan3A_398 : i32 to index
        %get3A_578 = arith.constant 176 : index
        %get3A_579 = tpu.vector_load %arg12[%get3A_577, %get3A_578] {strides = array<i32>} : memref<64x256xf32, #tpu.memory_space<vmem>>, vector<1x16xf32>,
        %get3A_580 = vector.shape_cast %get3A_579 : vector<1x16xf32> to vector<16xf32>
        %swap3A_581 = arith.index_cast %scan3A_398 : i32 to index
        %swap3A_582 = arith.constant 432 : index
        %swap3A_583 = tpu.vector_load %arg13[%swap3A_581, %swap3A_582] {strides = array<i32>} : memref<64x512xf32, #tpu.memory_space<vmem>>, vector<1x16xf32>,
        %swap3A_584 = vector.shape_cast %swap3A_583 : vector<1x16xf32> to vector<16xf32>
        %swap3A_585 = vector.shape_cast %get3A_580 : vector<16xf32> to vector<1x16xf32>
        tpu.vector_store %arg13[%swap3A_581, %swap3A_582], %swap3A_585 {strides = array<i32>} : memref<64x512xf32, #tpu.memory_space<vmem>>, vector<1x16xf32>,
        %get3A_586 = arith.index_cast %scan3A_398 : i32 to index
        %get3A_587 = arith.constant 192 : index
        %get3A_588 = tpu.vector_load %arg12[%get3A_586, %get3A_587] {strides = array<i32>} : memref<64x256xf32, #tpu.memory_space<vmem>>, vector<1x16xf32>,
        %get3A_589 = vector.shape_cast %get3A_588 : vector<1x16xf32> to vector<16xf32>
        %swap3A_590 = arith.index_cast %scan3A_398 : i32 to index
        %swap3A_591 = arith.constant 448 : index
        %swap3A_592 = tpu.vector_load %arg13[%swap3A_590, %swap3A_591] {strides = array<i32>} : memref<64x512xf32, #tpu.memory_space<vmem>>, vector<1x16xf32>,
        %swap3A_593 = vector.shape_cast %swap3A_592 : vector<1x16xf32> to vector<16xf32>
        %swap3A_594 = vector.shape_cast %get3A_589 : vector<16xf32> to vector<1x16xf32>
        tpu.vector_store %arg13[%swap3A_590, %swap3A_591], %swap3A_594 {strides = array<i32>} : memref<64x512xf32, #tpu.memory_space<vmem>>, vector<1x16xf32>,
        %get3A_595 = arith.index_cast %scan3A_398 : i32 to index
        %get3A_596 = arith.constant 208 : index
        %get3A_597 = tpu.vector_load %arg12[%get3A_595, %get3A_596] {strides = array<i32>} : memref<64x256xf32, #tpu.memory_space<vmem>>, vector<1x16xf32>,
        %get3A_598 = vector.shape_cast %get3A_597 : vector<1x16xf32> to vector<16xf32>
        %swap3A_599 = arith.index_cast %scan3A_398 : i32 to index
        %swap3A_600 = arith.constant 464 : index
        %swap3A_601 = tpu.vector_load %arg13[%swap3A_599, %swap3A_600] {strides = array<i32>} : memref<64x512xf32, #tpu.memory_space<vmem>>, vector<1x16xf32>,
        %swap3A_602 = vector.shape_cast %swap3A_601 : vector<1x16xf32> to vector<16xf32>
        %swap3A_603 = vector.shape_cast %get3A_598 : vector<16xf32> to vector<1x16xf32>
        tpu.vector_store %arg13[%swap3A_599, %swap3A_600], %swap3A_603 {strides = array<i32>} : memref<64x512xf32, #tpu.memory_space<vmem>>, vector<1x16xf32>,
        %get3A_604 = arith.index_cast %scan3A_398 : i32 to index
        %get3A_605 = arith.constant 224 : index
        %get3A_606 = tpu.vector_load %arg12[%get3A_604, %get3A_605] {strides = array<i32>} : memref<64x256xf32, #tpu.memory_space<vmem>>, vector<1x16xf32>,
        %get3A_607 = vector.shape_cast %get3A_606 : vector<1x16xf32> to vector<16xf32>
        %swap3A_608 = arith.index_cast %scan3A_398 : i32 to index
        %swap3A_609 = arith.constant 480 : index
        %swap3A_610 = tpu.vector_load %arg13[%swap3A_608, %swap3A_609] {strides = array<i32>} : memref<64x512xf32, #tpu.memory_space<vmem>>, vector<1x16xf32>,
        %swap3A_611 = vector.shape_cast %swap3A_610 : vector<1x16xf32> to vector<16xf32>
        %swap3A_612 = vector.shape_cast %get3A_607 : vector<16xf32> to vector<1x16xf32>
        tpu.vector_store %arg13[%swap3A_608, %swap3A_609], %swap3A_612 {strides = array<i32>} : memref<64x512xf32, #tpu.memory_space<vmem>>, vector<1x16xf32>,
        %get3A_613 = arith.index_cast %scan3A_398 : i32 to index
        %get3A_614 = arith.constant 240 : index
        %get3A_615 = tpu.vector_load %arg12[%get3A_613, %get3A_614] {strides = array<i32>} : memref<64x256xf32, #tpu.memory_space<vmem>>, vector<1x16xf32>,
        %get3A_616 = vector.shape_cast %get3A_615 : vector<1x16xf32> to vector<16xf32>
        %swap3A_617 = arith.index_cast %scan3A_398 : i32 to index
        %swap3A_618 = arith.constant 496 : index
        %swap3A_619 = tpu.vector_load %arg13[%swap3A_617, %swap3A_618] {strides = array<i32>} : memref<64x512xf32, #tpu.memory_space<vmem>>, vector<1x16xf32>,
        %swap3A_620 = vector.shape_cast %swap3A_619 : vector<1x16xf32> to vector<16xf32>
        %swap3A_621 = vector.shape_cast %get3A_616 : vector<16xf32> to vector<1x16xf32>
        tpu.vector_store %arg13[%swap3A_617, %swap3A_618], %swap3A_621 {strides = array<i32>} : memref<64x512xf32, #tpu.memory_space<vmem>>, vector<1x16xf32>,
      }
      %scan3A_391 = arith.constant 64 : i32
      %mul3A_392 = arith.constant 4 : i32
      %mul3A_393 = arith.muli %arg1, %mul3A_392 : i32
      %add3A_394 = arith.constant 3 : i32
      %add3A_395 = arith.addi %mul3A_393, %add3A_394 : i32
      %mul3A_396 = arith.constant 64 : i32
      %mul3A_397 = arith.muli %add3A_395, %mul3A_396 : i32
      "tpu.region"() ({
        %run_scoped3A = tpu.sem_alloc : memref<!tpu.dma_semaphore, #tpu.memory_space<semaphore_mem>>
        %dma_start3A = arith.constant 0 : i32
        %dma_start3A_398 = tpu.memref_slice %arg7[%mul3A_397, %dma_start3A] : memref<4096x512xf32, #tpu.memory_space<hbm>> -> memref<64x512xf32, #tpu.memory_space<hbm>>
        %dma_start3A_399 = arith.constant 0 : i32
        %dma_start3A_400 = tpu.memref_slice %arg7[%mul3A_397, %dma_start3A_399] : memref<4096x512xf32, #tpu.memory_space<hbm>> -> memref<64x512xf32, #tpu.memory_space<hbm>>
        tpu.enqueue_dma source(%arg13 : memref<64x512xf32, #tpu.memory_space<vmem>>) target(%dma_start3A_400 : memref<64x512xf32, #tpu.memory_space<hbm>>) target_semaphore(%run_scoped3A : memref<!tpu.dma_semaphore, #tpu.memory_space<semaphore_mem>>)
        %dma_wait3A = arith.constant 0 : i32
        %dma_wait3A_401 = tpu.memref_slice %arg7[%mul3A_397, %dma_wait3A] : memref<4096x512xf32, #tpu.memory_space<hbm>> -> memref<64x512xf32, #tpu.memory_space<hbm>>
        %dma_wait3A_402 = arith.constant 0 : i32
        %dma_wait3A_403 = tpu.memref_slice %arg7[%mul3A_397, %dma_wait3A_402] : memref<4096x512xf32, #tpu.memory_space<hbm>> -> memref<64x512xf32, #tpu.memory_space<hbm>>
        tpu.wait_dma2 semaphore(%run_scoped3A : memref<!tpu.dma_semaphore, #tpu.memory_space<semaphore_mem>>) src(%arg13 : memref<64x512xf32, #tpu.memory_space<vmem>>) dst(%dma_wait3A_403 : memref<64x512xf32, #tpu.memory_space<hbm>>)
        tpu.yield
      }) : () -> ()
    } else {
    }
    %eq3A_7 = arith.constant 1 : i32
    %eq3A_8 = arith.cmpi eq, %arg0, %eq3A_7 : i32
    %convert_element_type3A_9 = arith.extui %eq3A_8 : i1 to i32
    %cond3A_10 = arith.constant 0 : i32
    %cond3A_11 = arith.cmpi ne, %convert_element_type3A_9, %cond3A_10 : i32
    scf.if %cond3A_11 {
      %get3A = arith.constant 0 : i32
      %get3A_31 = arith.index_cast %get3A : i32 to index
      %get3A_32 = arith.constant 0 : index
      %get3A_33 = tpu.vector_load %arg11[%get3A_31, %get3A_32] {strides = array<i32>} : memref<4x256xf32, #tpu.memory_space<vmem>>, vector<1x16xf32>,
      %get3A_34 = vector.shape_cast %get3A_33 : vector<1x16xf32> to vector<16xf32>
      %get3A_35 = arith.constant 0 : i32
      %get3A_36 = arith.index_cast %get3A_35 : i32 to index
      %get3A_37 = arith.constant 16 : index
      %get3A_38 = tpu.vector_load %arg11[%get3A_36, %get3A_37] {strides = array<i32>} : memref<4x256xf32, #tpu.memory_space<vmem>>, vector<1x16xf32>,
      %get3A_39 = vector.shape_cast %get3A_38 : vector<1x16xf32> to vector<16xf32>
      %get3A_40 = arith.constant 0 : i32
      %get3A_41 = arith.index_cast %get3A_40 : i32 to index
      %get3A_42 = arith.constant 32 : index
      %get3A_43 = tpu.vector_load %arg11[%get3A_41, %get3A_42] {strides = array<i32>} : memref<4x256xf32, #tpu.memory_space<vmem>>, vector<1x16xf32>,
      %get3A_44 = vector.shape_cast %get3A_43 : vector<1x16xf32> to vector<16xf32>
      %get3A_45 = arith.constant 0 : i32
      %get3A_46 = arith.index_cast %get3A_45 : i32 to index
      %get3A_47 = arith.constant 48 : index
      %get3A_48 = tpu.vector_load %arg11[%get3A_46, %get3A_47] {strides = array<i32>} : memref<4x256xf32, #tpu.memory_space<vmem>>, vector<1x16xf32>,
      %get3A_49 = vector.shape_cast %get3A_48 : vector<1x16xf32> to vector<16xf32>
      %get3A_50 = arith.constant 0 : i32
      %get3A_51 = arith.index_cast %get3A_50 : i32 to index
      %get3A_52 = arith.constant 64 : index
      %get3A_53 = tpu.vector_load %arg11[%get3A_51, %get3A_52] {strides = array<i32>} : memref<4x256xf32, #tpu.memory_space<vmem>>, vector<1x16xf32>,
      %get3A_54 = vector.shape_cast %get3A_53 : vector<1x16xf32> to vector<16xf32>
      %get3A_55 = arith.constant 0 : i32
      %get3A_56 = arith.index_cast %get3A_55 : i32 to index
      %get3A_57 = arith.constant 80 : index
      %get3A_58 = tpu.vector_load %arg11[%get3A_56, %get3A_57] {strides = array<i32>} : memref<4x256xf32, #tpu.memory_space<vmem>>, vector<1x16xf32>,
      %get3A_59 = vector.shape_cast %get3A_58 : vector<1x16xf32> to vector<16xf32>
      %get3A_60 = arith.constant 0 : i32
      %get3A_61 = arith.index_cast %get3A_60 : i32 to index
      %get3A_62 = arith.constant 96 : index
      %get3A_63 = tpu.vector_load %arg11[%get3A_61, %get3A_62] {strides = array<i32>} : memref<4x256xf32, #tpu.memory_space<vmem>>, vector<1x16xf32>,
      %get3A_64 = vector.shape_cast %get3A_63 : vector<1x16xf32> to vector<16xf32>
      %get3A_65 = arith.constant 0 : i32
      %get3A_66 = arith.index_cast %get3A_65 : i32 to index
      %get3A_67 = arith.constant 112 : index
      %get3A_68 = tpu.vector_load %arg11[%get3A_66, %get3A_67] {strides = array<i32>} : memref<4x256xf32, #tpu.memory_space<vmem>>, vector<1x16xf32>,
      %get3A_69 = vector.shape_cast %get3A_68 : vector<1x16xf32> to vector<16xf32>
      %get3A_70 = arith.constant 0 : i32
      %get3A_71 = arith.index_cast %get3A_70 : i32 to index
      %get3A_72 = arith.constant 128 : index
      %get3A_73 = tpu.vector_load %arg11[%get3A_71, %get3A_72] {strides = array<i32>} : memref<4x256xf32, #tpu.memory_space<vmem>>, vector<1x16xf32>,
      %get3A_74 = vector.shape_cast %get3A_73 : vector<1x16xf32> to vector<16xf32>
      %get3A_75 = arith.constant 0 : i32
      %get3A_76 = arith.index_cast %get3A_75 : i32 to index
      %get3A_77 = arith.constant 144 : index
      %get3A_78 = tpu.vector_load %arg11[%get3A_76, %get3A_77] {strides = array<i32>} : memref<4x256xf32, #tpu.memory_space<vmem>>, vector<1x16xf32>,
      %get3A_79 = vector.shape_cast %get3A_78 : vector<1x16xf32> to vector<16xf32>
      %get3A_80 = arith.constant 0 : i32
      %get3A_81 = arith.index_cast %get3A_80 : i32 to index
      %get3A_82 = arith.constant 160 : index
      %get3A_83 = tpu.vector_load %arg11[%get3A_81, %get3A_82] {strides = array<i32>} : memref<4x256xf32, #tpu.memory_space<vmem>>, vector<1x16xf32>,
      %get3A_84 = vector.shape_cast %get3A_83 : vector<1x16xf32> to vector<16xf32>
      %get3A_85 = arith.constant 0 : i32
      %get3A_86 = arith.index_cast %get3A_85 : i32 to index
      %get3A_87 = arith.constant 176 : index
      %get3A_88 = tpu.vector_load %arg11[%get3A_86, %get3A_87] {strides = array<i32>} : memref<4x256xf32, #tpu.memory_space<vmem>>, vector<1x16xf32>,
      %get3A_89 = vector.shape_cast %get3A_88 : vector<1x16xf32> to vector<16xf32>
      %get3A_90 = arith.constant 0 : i32
      %get3A_91 = arith.index_cast %get3A_90 : i32 to index
      %get3A_92 = arith.constant 192 : index
      %get3A_93 = tpu.vector_load %arg11[%get3A_91, %get3A_92] {strides = array<i32>} : memref<4x256xf32, #tpu.memory_space<vmem>>, vector<1x16xf32>,
      %get3A_94 = vector.shape_cast %get3A_93 : vector<1x16xf32> to vector<16xf32>
      %get3A_95 = arith.constant 0 : i32
      %get3A_96 = arith.index_cast %get3A_95 : i32 to index
      %get3A_97 = arith.constant 208 : index
      %get3A_98 = tpu.vector_load %arg11[%get3A_96, %get3A_97] {strides = array<i32>} : memref<4x256xf32, #tpu.memory_space<vmem>>, vector<1x16xf32>,
      %get3A_99 = vector.shape_cast %get3A_98 : vector<1x16xf32> to vector<16xf32>
      %get3A_100 = arith.constant 0 : i32
      %get3A_101 = arith.index_cast %get3A_100 : i32 to index
      %get3A_102 = arith.constant 224 : index
      %get3A_103 = tpu.vector_load %arg11[%get3A_101, %get3A_102] {strides = array<i32>} : memref<4x256xf32, #tpu.memory_space<vmem>>, vector<1x16xf32>,
      %get3A_104 = vector.shape_cast %get3A_103 : vector<1x16xf32> to vector<16xf32>
      %get3A_105 = arith.constant 0 : i32
      %get3A_106 = arith.index_cast %get3A_105 : i32 to index
      %get3A_107 = arith.constant 240 : index
      %get3A_108 = tpu.vector_load %arg11[%get3A_106, %get3A_107] {strides = array<i32>} : memref<4x256xf32, #tpu.memory_space<vmem>>, vector<1x16xf32>,
      %get3A_109 = vector.shape_cast %get3A_108 : vector<1x16xf32> to vector<16xf32>
      %scan3A_110 = arith.constant 0 : i32
      %scan3A_111 = arith.constant 0 : i32
      %scan3A_112 = arith.constant 64 : i32
      %scan3A_113 = arith.addi %scan3A_111, %scan3A_112 : i32
      %scan3A_114 = arith.constant 1 : i32
      scf.for %scan3A_398 = %scan3A_111 to %scan3A_113 step %scan3A_114  : i32 {
        %swap3A = arith.index_cast %scan3A_398 : i32 to index
        %swap3A_399 = arith.constant 0 : index
        %swap3A_400 = tpu.vector_load %arg13[%swap3A, %swap3A_399] {strides = array<i32>} : memref<64x512xf32, #tpu.memory_space<vmem>>, vector<1x16xf32>,
        %swap3A_401 = vector.shape_cast %swap3A_400 : vector<1x16xf32> to vector<16xf32>
        %swap3A_402 = vector.shape_cast %get3A_34 : vector<16xf32> to vector<1x16xf32>
        tpu.vector_store %arg13[%swap3A, %swap3A_399], %swap3A_402 {strides = array<i32>} : memref<64x512xf32, #tpu.memory_space<vmem>>, vector<1x16xf32>,
        %swap3A_403 = arith.index_cast %scan3A_398 : i32 to index
        %swap3A_404 = arith.constant 16 : index
        %swap3A_405 = tpu.vector_load %arg13[%swap3A_403, %swap3A_404] {strides = array<i32>} : memref<64x512xf32, #tpu.memory_space<vmem>>, vector<1x16xf32>,
        %swap3A_406 = vector.shape_cast %swap3A_405 : vector<1x16xf32> to vector<16xf32>
        %swap3A_407 = vector.shape_cast %get3A_39 : vector<16xf32> to vector<1x16xf32>
        tpu.vector_store %arg13[%swap3A_403, %swap3A_404], %swap3A_407 {strides = array<i32>} : memref<64x512xf32, #tpu.memory_space<vmem>>, vector<1x16xf32>,
        %swap3A_408 = arith.index_cast %scan3A_398 : i32 to index
        %swap3A_409 = arith.constant 32 : index
        %swap3A_410 = tpu.vector_load %arg13[%swap3A_408, %swap3A_409] {strides = array<i32>} : memref<64x512xf32, #tpu.memory_space<vmem>>, vector<1x16xf32>,
        %swap3A_411 = vector.shape_cast %swap3A_410 : vector<1x16xf32> to vector<16xf32>
        %swap3A_412 = vector.shape_cast %get3A_44 : vector<16xf32> to vector<1x16xf32>
        tpu.vector_store %arg13[%swap3A_408, %swap3A_409], %swap3A_412 {strides = array<i32>} : memref<64x512xf32, #tpu.memory_space<vmem>>, vector<1x16xf32>,
        %swap3A_413 = arith.index_cast %scan3A_398 : i32 to index
        %swap3A_414 = arith.constant 48 : index
        %swap3A_415 = tpu.vector_load %arg13[%swap3A_413, %swap3A_414] {strides = array<i32>} : memref<64x512xf32, #tpu.memory_space<vmem>>, vector<1x16xf32>,
        %swap3A_416 = vector.shape_cast %swap3A_415 : vector<1x16xf32> to vector<16xf32>
        %swap3A_417 = vector.shape_cast %get3A_49 : vector<16xf32> to vector<1x16xf32>
        tpu.vector_store %arg13[%swap3A_413, %swap3A_414], %swap3A_417 {strides = array<i32>} : memref<64x512xf32, #tpu.memory_space<vmem>>, vector<1x16xf32>,
        %swap3A_418 = arith.index_cast %scan3A_398 : i32 to index
        %swap3A_419 = arith.constant 64 : index
        %swap3A_420 = tpu.vector_load %arg13[%swap3A_418, %swap3A_419] {strides = array<i32>} : memref<64x512xf32, #tpu.memory_space<vmem>>, vector<1x16xf32>,
        %swap3A_421 = vector.shape_cast %swap3A_420 : vector<1x16xf32> to vector<16xf32>
        %swap3A_422 = vector.shape_cast %get3A_54 : vector<16xf32> to vector<1x16xf32>
        tpu.vector_store %arg13[%swap3A_418, %swap3A_419], %swap3A_422 {strides = array<i32>} : memref<64x512xf32, #tpu.memory_space<vmem>>, vector<1x16xf32>,
        %swap3A_423 = arith.index_cast %scan3A_398 : i32 to index
        %swap3A_424 = arith.constant 80 : index
        %swap3A_425 = tpu.vector_load %arg13[%swap3A_423, %swap3A_424] {strides = array<i32>} : memref<64x512xf32, #tpu.memory_space<vmem>>, vector<1x16xf32>,
        %swap3A_426 = vector.shape_cast %swap3A_425 : vector<1x16xf32> to vector<16xf32>
        %swap3A_427 = vector.shape_cast %get3A_59 : vector<16xf32> to vector<1x16xf32>
        tpu.vector_store %arg13[%swap3A_423, %swap3A_424], %swap3A_427 {strides = array<i32>} : memref<64x512xf32, #tpu.memory_space<vmem>>, vector<1x16xf32>,
        %swap3A_428 = arith.index_cast %scan3A_398 : i32 to index
        %swap3A_429 = arith.constant 96 : index
        %swap3A_430 = tpu.vector_load %arg13[%swap3A_428, %swap3A_429] {strides = array<i32>} : memref<64x512xf32, #tpu.memory_space<vmem>>, vector<1x16xf32>,
        %swap3A_431 = vector.shape_cast %swap3A_430 : vector<1x16xf32> to vector<16xf32>
        %swap3A_432 = vector.shape_cast %get3A_64 : vector<16xf32> to vector<1x16xf32>
        tpu.vector_store %arg13[%swap3A_428, %swap3A_429], %swap3A_432 {strides = array<i32>} : memref<64x512xf32, #tpu.memory_space<vmem>>, vector<1x16xf32>,
        %swap3A_433 = arith.index_cast %scan3A_398 : i32 to index
        %swap3A_434 = arith.constant 112 : index
        %swap3A_435 = tpu.vector_load %arg13[%swap3A_433, %swap3A_434] {strides = array<i32>} : memref<64x512xf32, #tpu.memory_space<vmem>>, vector<1x16xf32>,
        %swap3A_436 = vector.shape_cast %swap3A_435 : vector<1x16xf32> to vector<16xf32>
        %swap3A_437 = vector.shape_cast %get3A_69 : vector<16xf32> to vector<1x16xf32>
        tpu.vector_store %arg13[%swap3A_433, %swap3A_434], %swap3A_437 {strides = array<i32>} : memref<64x512xf32, #tpu.memory_space<vmem>>, vector<1x16xf32>,
        %swap3A_438 = arith.index_cast %scan3A_398 : i32 to index
        %swap3A_439 = arith.constant 128 : index
        %swap3A_440 = tpu.vector_load %arg13[%swap3A_438, %swap3A_439] {strides = array<i32>} : memref<64x512xf32, #tpu.memory_space<vmem>>, vector<1x16xf32>,
        %swap3A_441 = vector.shape_cast %swap3A_440 : vector<1x16xf32> to vector<16xf32>
        %swap3A_442 = vector.shape_cast %get3A_74 : vector<16xf32> to vector<1x16xf32>
        tpu.vector_store %arg13[%swap3A_438, %swap3A_439], %swap3A_442 {strides = array<i32>} : memref<64x512xf32, #tpu.memory_space<vmem>>, vector<1x16xf32>,
        %swap3A_443 = arith.index_cast %scan3A_398 : i32 to index
        %swap3A_444 = arith.constant 144 : index
        %swap3A_445 = tpu.vector_load %arg13[%swap3A_443, %swap3A_444] {strides = array<i32>} : memref<64x512xf32, #tpu.memory_space<vmem>>, vector<1x16xf32>,
        %swap3A_446 = vector.shape_cast %swap3A_445 : vector<1x16xf32> to vector<16xf32>
        %swap3A_447 = vector.shape_cast %get3A_79 : vector<16xf32> to vector<1x16xf32>
        tpu.vector_store %arg13[%swap3A_443, %swap3A_444], %swap3A_447 {strides = array<i32>} : memref<64x512xf32, #tpu.memory_space<vmem>>, vector<1x16xf32>,
        %swap3A_448 = arith.index_cast %scan3A_398 : i32 to index
        %swap3A_449 = arith.constant 160 : index
        %swap3A_450 = tpu.vector_load %arg13[%swap3A_448, %swap3A_449] {strides = array<i32>} : memref<64x512xf32, #tpu.memory_space<vmem>>, vector<1x16xf32>,
        %swap3A_451 = vector.shape_cast %swap3A_450 : vector<1x16xf32> to vector<16xf32>
        %swap3A_452 = vector.shape_cast %get3A_84 : vector<16xf32> to vector<1x16xf32>
        tpu.vector_store %arg13[%swap3A_448, %swap3A_449], %swap3A_452 {strides = array<i32>} : memref<64x512xf32, #tpu.memory_space<vmem>>, vector<1x16xf32>,
        %swap3A_453 = arith.index_cast %scan3A_398 : i32 to index
        %swap3A_454 = arith.constant 176 : index
        %swap3A_455 = tpu.vector_load %arg13[%swap3A_453, %swap3A_454] {strides = array<i32>} : memref<64x512xf32, #tpu.memory_space<vmem>>, vector<1x16xf32>,
        %swap3A_456 = vector.shape_cast %swap3A_455 : vector<1x16xf32> to vector<16xf32>
        %swap3A_457 = vector.shape_cast %get3A_89 : vector<16xf32> to vector<1x16xf32>
        tpu.vector_store %arg13[%swap3A_453, %swap3A_454], %swap3A_457 {strides = array<i32>} : memref<64x512xf32, #tpu.memory_space<vmem>>, vector<1x16xf32>,
        %swap3A_458 = arith.index_cast %scan3A_398 : i32 to index
        %swap3A_459 = arith.constant 192 : index
        %swap3A_460 = tpu.vector_load %arg13[%swap3A_458, %swap3A_459] {strides = array<i32>} : memref<64x512xf32, #tpu.memory_space<vmem>>, vector<1x16xf32>,
        %swap3A_461 = vector.shape_cast %swap3A_460 : vector<1x16xf32> to vector<16xf32>
        %swap3A_462 = vector.shape_cast %get3A_94 : vector<16xf32> to vector<1x16xf32>
        tpu.vector_store %arg13[%swap3A_458, %swap3A_459], %swap3A_462 {strides = array<i32>} : memref<64x512xf32, #tpu.memory_space<vmem>>, vector<1x16xf32>,
        %swap3A_463 = arith.index_cast %scan3A_398 : i32 to index
        %swap3A_464 = arith.constant 208 : index
        %swap3A_465 = tpu.vector_load %arg13[%swap3A_463, %swap3A_464] {strides = array<i32>} : memref<64x512xf32, #tpu.memory_space<vmem>>, vector<1x16xf32>,
        %swap3A_466 = vector.shape_cast %swap3A_465 : vector<1x16xf32> to vector<16xf32>
        %swap3A_467 = vector.shape_cast %get3A_99 : vector<16xf32> to vector<1x16xf32>
        tpu.vector_store %arg13[%swap3A_463, %swap3A_464], %swap3A_467 {strides = array<i32>} : memref<64x512xf32, #tpu.memory_space<vmem>>, vector<1x16xf32>,
        %swap3A_468 = arith.index_cast %scan3A_398 : i32 to index
        %swap3A_469 = arith.constant 224 : index
        %swap3A_470 = tpu.vector_load %arg13[%swap3A_468, %swap3A_469] {strides = array<i32>} : memref<64x512xf32, #tpu.memory_space<vmem>>, vector<1x16xf32>,
        %swap3A_471 = vector.shape_cast %swap3A_470 : vector<1x16xf32> to vector<16xf32>
        %swap3A_472 = vector.shape_cast %get3A_104 : vector<16xf32> to vector<1x16xf32>
        tpu.vector_store %arg13[%swap3A_468, %swap3A_469], %swap3A_472 {strides = array<i32>} : memref<64x512xf32, #tpu.memory_space<vmem>>, vector<1x16xf32>,
        %swap3A_473 = arith.index_cast %scan3A_398 : i32 to index
        %swap3A_474 = arith.constant 240 : index
        %swap3A_475 = tpu.vector_load %arg13[%swap3A_473, %swap3A_474] {strides = array<i32>} : memref<64x512xf32, #tpu.memory_space<vmem>>, vector<1x16xf32>,
        %swap3A_476 = vector.shape_cast %swap3A_475 : vector<1x16xf32> to vector<16xf32>
        %swap3A_477 = vector.shape_cast %get3A_109 : vector<16xf32> to vector<1x16xf32>
        tpu.vector_store %arg13[%swap3A_473, %swap3A_474], %swap3A_477 {strides = array<i32>} : memref<64x512xf32, #tpu.memory_space<vmem>>, vector<1x16xf32>,
        %get3A_478 = arith.index_cast %scan3A_398 : i32 to index
        %get3A_479 = arith.constant 0 : index
        %get3A_480 = tpu.vector_load %arg12[%get3A_478, %get3A_479] {strides = array<i32>} : memref<64x256xf32, #tpu.memory_space<vmem>>, vector<1x16xf32>,
        %get3A_481 = vector.shape_cast %get3A_480 : vector<1x16xf32> to vector<16xf32>
        %swap3A_482 = arith.index_cast %scan3A_398 : i32 to index
        %swap3A_483 = arith.constant 256 : index
        %swap3A_484 = tpu.vector_load %arg13[%swap3A_482, %swap3A_483] {strides = array<i32>} : memref<64x512xf32, #tpu.memory_space<vmem>>, vector<1x16xf32>,
        %swap3A_485 = vector.shape_cast %swap3A_484 : vector<1x16xf32> to vector<16xf32>
        %swap3A_486 = vector.shape_cast %get3A_481 : vector<16xf32> to vector<1x16xf32>
        tpu.vector_store %arg13[%swap3A_482, %swap3A_483], %swap3A_486 {strides = array<i32>} : memref<64x512xf32, #tpu.memory_space<vmem>>, vector<1x16xf32>,
        %get3A_487 = arith.index_cast %scan3A_398 : i32 to index
        %get3A_488 = arith.constant 16 : index
        %get3A_489 = tpu.vector_load %arg12[%get3A_487, %get3A_488] {strides = array<i32>} : memref<64x256xf32, #tpu.memory_space<vmem>>, vector<1x16xf32>,
        %get3A_490 = vector.shape_cast %get3A_489 : vector<1x16xf32> to vector<16xf32>
        %swap3A_491 = arith.index_cast %scan3A_398 : i32 to index
        %swap3A_492 = arith.constant 272 : index
        %swap3A_493 = tpu.vector_load %arg13[%swap3A_491, %swap3A_492] {strides = array<i32>} : memref<64x512xf32, #tpu.memory_space<vmem>>, vector<1x16xf32>,
        %swap3A_494 = vector.shape_cast %swap3A_493 : vector<1x16xf32> to vector<16xf32>
        %swap3A_495 = vector.shape_cast %get3A_490 : vector<16xf32> to vector<1x16xf32>
        tpu.vector_store %arg13[%swap3A_491, %swap3A_492], %swap3A_495 {strides = array<i32>} : memref<64x512xf32, #tpu.memory_space<vmem>>, vector<1x16xf32>,
        %get3A_496 = arith.index_cast %scan3A_398 : i32 to index
        %get3A_497 = arith.constant 32 : index
        %get3A_498 = tpu.vector_load %arg12[%get3A_496, %get3A_497] {strides = array<i32>} : memref<64x256xf32, #tpu.memory_space<vmem>>, vector<1x16xf32>,
        %get3A_499 = vector.shape_cast %get3A_498 : vector<1x16xf32> to vector<16xf32>
        %swap3A_500 = arith.index_cast %scan3A_398 : i32 to index
        %swap3A_501 = arith.constant 288 : index
        %swap3A_502 = tpu.vector_load %arg13[%swap3A_500, %swap3A_501] {strides = array<i32>} : memref<64x512xf32, #tpu.memory_space<vmem>>, vector<1x16xf32>,
        %swap3A_503 = vector.shape_cast %swap3A_502 : vector<1x16xf32> to vector<16xf32>
        %swap3A_504 = vector.shape_cast %get3A_499 : vector<16xf32> to vector<1x16xf32>
        tpu.vector_store %arg13[%swap3A_500, %swap3A_501], %swap3A_504 {strides = array<i32>} : memref<64x512xf32, #tpu.memory_space<vmem>>, vector<1x16xf32>,
        %get3A_505 = arith.index_cast %scan3A_398 : i32 to index
        %get3A_506 = arith.constant 48 : index
        %get3A_507 = tpu.vector_load %arg12[%get3A_505, %get3A_506] {strides = array<i32>} : memref<64x256xf32, #tpu.memory_space<vmem>>, vector<1x16xf32>,
        %get3A_508 = vector.shape_cast %get3A_507 : vector<1x16xf32> to vector<16xf32>
        %swap3A_509 = arith.index_cast %scan3A_398 : i32 to index
        %swap3A_510 = arith.constant 304 : index
        %swap3A_511 = tpu.vector_load %arg13[%swap3A_509, %swap3A_510] {strides = array<i32>} : memref<64x512xf32, #tpu.memory_space<vmem>>, vector<1x16xf32>,
        %swap3A_512 = vector.shape_cast %swap3A_511 : vector<1x16xf32> to vector<16xf32>
        %swap3A_513 = vector.shape_cast %get3A_508 : vector<16xf32> to vector<1x16xf32>
        tpu.vector_store %arg13[%swap3A_509, %swap3A_510], %swap3A_513 {strides = array<i32>} : memref<64x512xf32, #tpu.memory_space<vmem>>, vector<1x16xf32>,
        %get3A_514 = arith.index_cast %scan3A_398 : i32 to index
        %get3A_515 = arith.constant 64 : index
        %get3A_516 = tpu.vector_load %arg12[%get3A_514, %get3A_515] {strides = array<i32>} : memref<64x256xf32, #tpu.memory_space<vmem>>, vector<1x16xf32>,
        %get3A_517 = vector.shape_cast %get3A_516 : vector<1x16xf32> to vector<16xf32>
        %swap3A_518 = arith.index_cast %scan3A_398 : i32 to index
        %swap3A_519 = arith.constant 320 : index
        %swap3A_520 = tpu.vector_load %arg13[%swap3A_518, %swap3A_519] {strides = array<i32>} : memref<64x512xf32, #tpu.memory_space<vmem>>, vector<1x16xf32>,
        %swap3A_521 = vector.shape_cast %swap3A_520 : vector<1x16xf32> to vector<16xf32>
        %swap3A_522 = vector.shape_cast %get3A_517 : vector<16xf32> to vector<1x16xf32>
        tpu.vector_store %arg13[%swap3A_518, %swap3A_519], %swap3A_522 {strides = array<i32>} : memref<64x512xf32, #tpu.memory_space<vmem>>, vector<1x16xf32>,
        %get3A_523 = arith.index_cast %scan3A_398 : i32 to index
        %get3A_524 = arith.constant 80 : index
        %get3A_525 = tpu.vector_load %arg12[%get3A_523, %get3A_524] {strides = array<i32>} : memref<64x256xf32, #tpu.memory_space<vmem>>, vector<1x16xf32>,
        %get3A_526 = vector.shape_cast %get3A_525 : vector<1x16xf32> to vector<16xf32>
        %swap3A_527 = arith.index_cast %scan3A_398 : i32 to index
        %swap3A_528 = arith.constant 336 : index
        %swap3A_529 = tpu.vector_load %arg13[%swap3A_527, %swap3A_528] {strides = array<i32>} : memref<64x512xf32, #tpu.memory_space<vmem>>, vector<1x16xf32>,
        %swap3A_530 = vector.shape_cast %swap3A_529 : vector<1x16xf32> to vector<16xf32>
        %swap3A_531 = vector.shape_cast %get3A_526 : vector<16xf32> to vector<1x16xf32>
        tpu.vector_store %arg13[%swap3A_527, %swap3A_528], %swap3A_531 {strides = array<i32>} : memref<64x512xf32, #tpu.memory_space<vmem>>, vector<1x16xf32>,
        %get3A_532 = arith.index_cast %scan3A_398 : i32 to index
        %get3A_533 = arith.constant 96 : index
        %get3A_534 = tpu.vector_load %arg12[%get3A_532, %get3A_533] {strides = array<i32>} : memref<64x256xf32, #tpu.memory_space<vmem>>, vector<1x16xf32>,
        %get3A_535 = vector.shape_cast %get3A_534 : vector<1x16xf32> to vector<16xf32>
        %swap3A_536 = arith.index_cast %scan3A_398 : i32 to index
        %swap3A_537 = arith.constant 352 : index
        %swap3A_538 = tpu.vector_load %arg13[%swap3A_536, %swap3A_537] {strides = array<i32>} : memref<64x512xf32, #tpu.memory_space<vmem>>, vector<1x16xf32>,
        %swap3A_539 = vector.shape_cast %swap3A_538 : vector<1x16xf32> to vector<16xf32>
        %swap3A_540 = vector.shape_cast %get3A_535 : vector<16xf32> to vector<1x16xf32>
        tpu.vector_store %arg13[%swap3A_536, %swap3A_537], %swap3A_540 {strides = array<i32>} : memref<64x512xf32, #tpu.memory_space<vmem>>, vector<1x16xf32>,
        %get3A_541 = arith.index_cast %scan3A_398 : i32 to index
        %get3A_542 = arith.constant 112 : index
        %get3A_543 = tpu.vector_load %arg12[%get3A_541, %get3A_542] {strides = array<i32>} : memref<64x256xf32, #tpu.memory_space<vmem>>, vector<1x16xf32>,
        %get3A_544 = vector.shape_cast %get3A_543 : vector<1x16xf32> to vector<16xf32>
        %swap3A_545 = arith.index_cast %scan3A_398 : i32 to index
        %swap3A_546 = arith.constant 368 : index
        %swap3A_547 = tpu.vector_load %arg13[%swap3A_545, %swap3A_546] {strides = array<i32>} : memref<64x512xf32, #tpu.memory_space<vmem>>, vector<1x16xf32>,
        %swap3A_548 = vector.shape_cast %swap3A_547 : vector<1x16xf32> to vector<16xf32>
        %swap3A_549 = vector.shape_cast %get3A_544 : vector<16xf32> to vector<1x16xf32>
        tpu.vector_store %arg13[%swap3A_545, %swap3A_546], %swap3A_549 {strides = array<i32>} : memref<64x512xf32, #tpu.memory_space<vmem>>, vector<1x16xf32>,
        %get3A_550 = arith.index_cast %scan3A_398 : i32 to index
        %get3A_551 = arith.constant 128 : index
        %get3A_552 = tpu.vector_load %arg12[%get3A_550, %get3A_551] {strides = array<i32>} : memref<64x256xf32, #tpu.memory_space<vmem>>, vector<1x16xf32>,
        %get3A_553 = vector.shape_cast %get3A_552 : vector<1x16xf32> to vector<16xf32>
        %swap3A_554 = arith.index_cast %scan3A_398 : i32 to index
        %swap3A_555 = arith.constant 384 : index
        %swap3A_556 = tpu.vector_load %arg13[%swap3A_554, %swap3A_555] {strides = array<i32>} : memref<64x512xf32, #tpu.memory_space<vmem>>, vector<1x16xf32>,
        %swap3A_557 = vector.shape_cast %swap3A_556 : vector<1x16xf32> to vector<16xf32>
        %swap3A_558 = vector.shape_cast %get3A_553 : vector<16xf32> to vector<1x16xf32>
        tpu.vector_store %arg13[%swap3A_554, %swap3A_555], %swap3A_558 {strides = array<i32>} : memref<64x512xf32, #tpu.memory_space<vmem>>, vector<1x16xf32>,
        %get3A_559 = arith.index_cast %scan3A_398 : i32 to index
        %get3A_560 = arith.constant 144 : index
        %get3A_561 = tpu.vector_load %arg12[%get3A_559, %get3A_560] {strides = array<i32>} : memref<64x256xf32, #tpu.memory_space<vmem>>, vector<1x16xf32>,
        %get3A_562 = vector.shape_cast %get3A_561 : vector<1x16xf32> to vector<16xf32>
        %swap3A_563 = arith.index_cast %scan3A_398 : i32 to index
        %swap3A_564 = arith.constant 400 : index
        %swap3A_565 = tpu.vector_load %arg13[%swap3A_563, %swap3A_564] {strides = array<i32>} : memref<64x512xf32, #tpu.memory_space<vmem>>, vector<1x16xf32>,
        %swap3A_566 = vector.shape_cast %swap3A_565 : vector<1x16xf32> to vector<16xf32>
        %swap3A_567 = vector.shape_cast %get3A_562 : vector<16xf32> to vector<1x16xf32>
        tpu.vector_store %arg13[%swap3A_563, %swap3A_564], %swap3A_567 {strides = array<i32>} : memref<64x512xf32, #tpu.memory_space<vmem>>, vector<1x16xf32>,
        %get3A_568 = arith.index_cast %scan3A_398 : i32 to index
        %get3A_569 = arith.constant 160 : index
        %get3A_570 = tpu.vector_load %arg12[%get3A_568, %get3A_569] {strides = array<i32>} : memref<64x256xf32, #tpu.memory_space<vmem>>, vector<1x16xf32>,
        %get3A_571 = vector.shape_cast %get3A_570 : vector<1x16xf32> to vector<16xf32>
        %swap3A_572 = arith.index_cast %scan3A_398 : i32 to index
        %swap3A_573 = arith.constant 416 : index
        %swap3A_574 = tpu.vector_load %arg13[%swap3A_572, %swap3A_573] {strides = array<i32>} : memref<64x512xf32, #tpu.memory_space<vmem>>, vector<1x16xf32>,
        %swap3A_575 = vector.shape_cast %swap3A_574 : vector<1x16xf32> to vector<16xf32>
        %swap3A_576 = vector.shape_cast %get3A_571 : vector<16xf32> to vector<1x16xf32>
        tpu.vector_store %arg13[%swap3A_572, %swap3A_573], %swap3A_576 {strides = array<i32>} : memref<64x512xf32, #tpu.memory_space<vmem>>, vector<1x16xf32>,
        %get3A_577 = arith.index_cast %scan3A_398 : i32 to index
        %get3A_578 = arith.constant 176 : index
        %get3A_579 = tpu.vector_load %arg12[%get3A_577, %get3A_578] {strides = array<i32>} : memref<64x256xf32, #tpu.memory_space<vmem>>, vector<1x16xf32>,
        %get3A_580 = vector.shape_cast %get3A_579 : vector<1x16xf32> to vector<16xf32>
        %swap3A_581 = arith.index_cast %scan3A_398 : i32 to index
        %swap3A_582 = arith.constant 432 : index
        %swap3A_583 = tpu.vector_load %arg13[%swap3A_581, %swap3A_582] {strides = array<i32>} : memref<64x512xf32, #tpu.memory_space<vmem>>, vector<1x16xf32>,
        %swap3A_584 = vector.shape_cast %swap3A_583 : vector<1x16xf32> to vector<16xf32>
        %swap3A_585 = vector.shape_cast %get3A_580 : vector<16xf32> to vector<1x16xf32>
        tpu.vector_store %arg13[%swap3A_581, %swap3A_582], %swap3A_585 {strides = array<i32>} : memref<64x512xf32, #tpu.memory_space<vmem>>, vector<1x16xf32>,
        %get3A_586 = arith.index_cast %scan3A_398 : i32 to index
        %get3A_587 = arith.constant 192 : index
        %get3A_588 = tpu.vector_load %arg12[%get3A_586, %get3A_587] {strides = array<i32>} : memref<64x256xf32, #tpu.memory_space<vmem>>, vector<1x16xf32>,
        %get3A_589 = vector.shape_cast %get3A_588 : vector<1x16xf32> to vector<16xf32>
        %swap3A_590 = arith.index_cast %scan3A_398 : i32 to index
        %swap3A_591 = arith.constant 448 : index
        %swap3A_592 = tpu.vector_load %arg13[%swap3A_590, %swap3A_591] {strides = array<i32>} : memref<64x512xf32, #tpu.memory_space<vmem>>, vector<1x16xf32>,
        %swap3A_593 = vector.shape_cast %swap3A_592 : vector<1x16xf32> to vector<16xf32>
        %swap3A_594 = vector.shape_cast %get3A_589 : vector<16xf32> to vector<1x16xf32>
        tpu.vector_store %arg13[%swap3A_590, %swap3A_591], %swap3A_594 {strides = array<i32>} : memref<64x512xf32, #tpu.memory_space<vmem>>, vector<1x16xf32>,
        %get3A_595 = arith.index_cast %scan3A_398 : i32 to index
        %get3A_596 = arith.constant 208 : index
        %get3A_597 = tpu.vector_load %arg12[%get3A_595, %get3A_596] {strides = array<i32>} : memref<64x256xf32, #tpu.memory_space<vmem>>, vector<1x16xf32>,
        %get3A_598 = vector.shape_cast %get3A_597 : vector<1x16xf32> to vector<16xf32>
        %swap3A_599 = arith.index_cast %scan3A_398 : i32 to index
        %swap3A_600 = arith.constant 464 : index
        %swap3A_601 = tpu.vector_load %arg13[%swap3A_599, %swap3A_600] {strides = array<i32>} : memref<64x512xf32, #tpu.memory_space<vmem>>, vector<1x16xf32>,
        %swap3A_602 = vector.shape_cast %swap3A_601 : vector<1x16xf32> to vector<16xf32>
        %swap3A_603 = vector.shape_cast %get3A_598 : vector<16xf32> to vector<1x16xf32>
        tpu.vector_store %arg13[%swap3A_599, %swap3A_600], %swap3A_603 {strides = array<i32>} : memref<64x512xf32, #tpu.memory_space<vmem>>, vector<1x16xf32>,
        %get3A_604 = arith.index_cast %scan3A_398 : i32 to index
        %get3A_605 = arith.constant 224 : index
        %get3A_606 = tpu.vector_load %arg12[%get3A_604, %get3A_605] {strides = array<i32>} : memref<64x256xf32, #tpu.memory_space<vmem>>, vector<1x16xf32>,
        %get3A_607 = vector.shape_cast %get3A_606 : vector<1x16xf32> to vector<16xf32>
        %swap3A_608 = arith.index_cast %scan3A_398 : i32 to index
        %swap3A_609 = arith.constant 480 : index
        %swap3A_610 = tpu.vector_load %arg13[%swap3A_608, %swap3A_609] {strides = array<i32>} : memref<64x512xf32, #tpu.memory_space<vmem>>, vector<1x16xf32>,
        %swap3A_611 = vector.shape_cast %swap3A_610 : vector<1x16xf32> to vector<16xf32>
        %swap3A_612 = vector.shape_cast %get3A_607 : vector<16xf32> to vector<1x16xf32>
        tpu.vector_store %arg13[%swap3A_608, %swap3A_609], %swap3A_612 {strides = array<i32>} : memref<64x512xf32, #tpu.memory_space<vmem>>, vector<1x16xf32>,
        %get3A_613 = arith.index_cast %scan3A_398 : i32 to index
        %get3A_614 = arith.constant 240 : index
        %get3A_615 = tpu.vector_load %arg12[%get3A_613, %get3A_614] {strides = array<i32>} : memref<64x256xf32, #tpu.memory_space<vmem>>, vector<1x16xf32>,
        %get3A_616 = vector.shape_cast %get3A_615 : vector<1x16xf32> to vector<16xf32>
        %swap3A_617 = arith.index_cast %scan3A_398 : i32 to index
        %swap3A_618 = arith.constant 496 : index
        %swap3A_619 = tpu.vector_load %arg13[%swap3A_617, %swap3A_618] {strides = array<i32>} : memref<64x512xf32, #tpu.memory_space<vmem>>, vector<1x16xf32>,
        %swap3A_620 = vector.shape_cast %swap3A_619 : vector<1x16xf32> to vector<16xf32>
        %swap3A_621 = vector.shape_cast %get3A_616 : vector<16xf32> to vector<1x16xf32>
        tpu.vector_store %arg13[%swap3A_617, %swap3A_618], %swap3A_621 {strides = array<i32>} : memref<64x512xf32, #tpu.memory_space<vmem>>, vector<1x16xf32>,
      }
      %scan3A_115 = arith.constant 64 : i32
      %mul3A_116 = arith.constant 4 : i32
      %mul3A_117 = arith.muli %arg1, %mul3A_116 : i32
      %add3A_118 = arith.constant 0 : i32
      %add3A_119 = arith.addi %mul3A_117, %add3A_118 : i32
      %mul3A_120 = arith.constant 64 : i32
      %mul3A_121 = arith.muli %add3A_119, %mul3A_120 : i32
      "tpu.region"() ({
        %run_scoped3A = tpu.sem_alloc : memref<!tpu.dma_semaphore, #tpu.memory_space<semaphore_mem>>
        %dma_start3A = arith.constant 0 : i32
        %dma_start3A_398 = tpu.memref_slice %arg8[%mul3A_121, %dma_start3A] : memref<4096x512xf32, #tpu.memory_space<hbm>> -> memref<64x512xf32, #tpu.memory_space<hbm>>
        %dma_start3A_399 = arith.constant 0 : i32
        %dma_start3A_400 = tpu.memref_slice %arg8[%mul3A_121, %dma_start3A_399] : memref<4096x512xf32, #tpu.memory_space<hbm>> -> memref<64x512xf32, #tpu.memory_space<hbm>>
        tpu.enqueue_dma source(%arg13 : memref<64x512xf32, #tpu.memory_space<vmem>>) target(%dma_start3A_400 : memref<64x512xf32, #tpu.memory_space<hbm>>) target_semaphore(%run_scoped3A : memref<!tpu.dma_semaphore, #tpu.memory_space<semaphore_mem>>)
        %dma_wait3A = arith.constant 0 : i32
        %dma_wait3A_401 = tpu.memref_slice %arg8[%mul3A_121, %dma_wait3A] : memref<4096x512xf32, #tpu.memory_space<hbm>> -> memref<64x512xf32, #tpu.memory_space<hbm>>
        %dma_wait3A_402 = arith.constant 0 : i32
        %dma_wait3A_403 = tpu.memref_slice %arg8[%mul3A_121, %dma_wait3A_402] : memref<4096x512xf32, #tpu.memory_space<hbm>> -> memref<64x512xf32, #tpu.memory_space<hbm>>
        tpu.wait_dma2 semaphore(%run_scoped3A : memref<!tpu.dma_semaphore, #tpu.memory_space<semaphore_mem>>) src(%arg13 : memref<64x512xf32, #tpu.memory_space<vmem>>) dst(%dma_wait3A_403 : memref<64x512xf32, #tpu.memory_space<hbm>>)
        tpu.yield
      }) : () -> ()
      %get3A_122 = arith.constant 1 : i32
      %get3A_123 = arith.index_cast %get3A_122 : i32 to index
      %get3A_124 = arith.constant 0 : index
      %get3A_125 = tpu.vector_load %arg11[%get3A_123, %get3A_124] {strides = array<i32>} : memref<4x256xf32, #tpu.memory_space<vmem>>, vector<1x16xf32>,
      %get3A_126 = vector.shape_cast %get3A_125 : vector<1x16xf32> to vector<16xf32>
      %get3A_127 = arith.constant 1 : i32
      %get3A_128 = arith.index_cast %get3A_127 : i32 to index
      %get3A_129 = arith.constant 16 : index
      %get3A_130 = tpu.vector_load %arg11[%get3A_128, %get3A_129] {strides = array<i32>} : memref<4x256xf32, #tpu.memory_space<vmem>>, vector<1x16xf32>,
      %get3A_131 = vector.shape_cast %get3A_130 : vector<1x16xf32> to vector<16xf32>
      %get3A_132 = arith.constant 1 : i32
      %get3A_133 = arith.index_cast %get3A_132 : i32 to index
      %get3A_134 = arith.constant 32 : index
      %get3A_135 = tpu.vector_load %arg11[%get3A_133, %get3A_134] {strides = array<i32>} : memref<4x256xf32, #tpu.memory_space<vmem>>, vector<1x16xf32>,
      %get3A_136 = vector.shape_cast %get3A_135 : vector<1x16xf32> to vector<16xf32>
      %get3A_137 = arith.constant 1 : i32
      %get3A_138 = arith.index_cast %get3A_137 : i32 to index
      %get3A_139 = arith.constant 48 : index
      %get3A_140 = tpu.vector_load %arg11[%get3A_138, %get3A_139] {strides = array<i32>} : memref<4x256xf32, #tpu.memory_space<vmem>>, vector<1x16xf32>,
      %get3A_141 = vector.shape_cast %get3A_140 : vector<1x16xf32> to vector<16xf32>
      %get3A_142 = arith.constant 1 : i32
      %get3A_143 = arith.index_cast %get3A_142 : i32 to index
      %get3A_144 = arith.constant 64 : index
      %get3A_145 = tpu.vector_load %arg11[%get3A_143, %get3A_144] {strides = array<i32>} : memref<4x256xf32, #tpu.memory_space<vmem>>, vector<1x16xf32>,
      %get3A_146 = vector.shape_cast %get3A_145 : vector<1x16xf32> to vector<16xf32>
      %get3A_147 = arith.constant 1 : i32
      %get3A_148 = arith.index_cast %get3A_147 : i32 to index
      %get3A_149 = arith.constant 80 : index
      %get3A_150 = tpu.vector_load %arg11[%get3A_148, %get3A_149] {strides = array<i32>} : memref<4x256xf32, #tpu.memory_space<vmem>>, vector<1x16xf32>,
      %get3A_151 = vector.shape_cast %get3A_150 : vector<1x16xf32> to vector<16xf32>
      %get3A_152 = arith.constant 1 : i32
      %get3A_153 = arith.index_cast %get3A_152 : i32 to index
      %get3A_154 = arith.constant 96 : index
      %get3A_155 = tpu.vector_load %arg11[%get3A_153, %get3A_154] {strides = array<i32>} : memref<4x256xf32, #tpu.memory_space<vmem>>, vector<1x16xf32>,
      %get3A_156 = vector.shape_cast %get3A_155 : vector<1x16xf32> to vector<16xf32>
      %get3A_157 = arith.constant 1 : i32
      %get3A_158 = arith.index_cast %get3A_157 : i32 to index
      %get3A_159 = arith.constant 112 : index
      %get3A_160 = tpu.vector_load %arg11[%get3A_158, %get3A_159] {strides = array<i32>} : memref<4x256xf32, #tpu.memory_space<vmem>>, vector<1x16xf32>,
      %get3A_161 = vector.shape_cast %get3A_160 : vector<1x16xf32> to vector<16xf32>
      %get3A_162 = arith.constant 1 : i32
      %get3A_163 = arith.index_cast %get3A_162 : i32 to index
      %get3A_164 = arith.constant 128 : index
      %get3A_165 = tpu.vector_load %arg11[%get3A_163, %get3A_164] {strides = array<i32>} : memref<4x256xf32, #tpu.memory_space<vmem>>, vector<1x16xf32>,
      %get3A_166 = vector.shape_cast %get3A_165 : vector<1x16xf32> to vector<16xf32>
      %get3A_167 = arith.constant 1 : i32
      %get3A_168 = arith.index_cast %get3A_167 : i32 to index
      %get3A_169 = arith.constant 144 : index
      %get3A_170 = tpu.vector_load %arg11[%get3A_168, %get3A_169] {strides = array<i32>} : memref<4x256xf32, #tpu.memory_space<vmem>>, vector<1x16xf32>,
      %get3A_171 = vector.shape_cast %get3A_170 : vector<1x16xf32> to vector<16xf32>
      %get3A_172 = arith.constant 1 : i32
      %get3A_173 = arith.index_cast %get3A_172 : i32 to index
      %get3A_174 = arith.constant 160 : index
      %get3A_175 = tpu.vector_load %arg11[%get3A_173, %get3A_174] {strides = array<i32>} : memref<4x256xf32, #tpu.memory_space<vmem>>, vector<1x16xf32>,
      %get3A_176 = vector.shape_cast %get3A_175 : vector<1x16xf32> to vector<16xf32>
      %get3A_177 = arith.constant 1 : i32
      %get3A_178 = arith.index_cast %get3A_177 : i32 to index
      %get3A_179 = arith.constant 176 : index
      %get3A_180 = tpu.vector_load %arg11[%get3A_178, %get3A_179] {strides = array<i32>} : memref<4x256xf32, #tpu.memory_space<vmem>>, vector<1x16xf32>,
      %get3A_181 = vector.shape_cast %get3A_180 : vector<1x16xf32> to vector<16xf32>
      %get3A_182 = arith.constant 1 : i32
      %get3A_183 = arith.index_cast %get3A_182 : i32 to index
      %get3A_184 = arith.constant 192 : index
      %get3A_185 = tpu.vector_load %arg11[%get3A_183, %get3A_184] {strides = array<i32>} : memref<4x256xf32, #tpu.memory_space<vmem>>, vector<1x16xf32>,
      %get3A_186 = vector.shape_cast %get3A_185 : vector<1x16xf32> to vector<16xf32>
      %get3A_187 = arith.constant 1 : i32
      %get3A_188 = arith.index_cast %get3A_187 : i32 to index
      %get3A_189 = arith.constant 208 : index
      %get3A_190 = tpu.vector_load %arg11[%get3A_188, %get3A_189] {strides = array<i32>} : memref<4x256xf32, #tpu.memory_space<vmem>>, vector<1x16xf32>,
      %get3A_191 = vector.shape_cast %get3A_190 : vector<1x16xf32> to vector<16xf32>
      %get3A_192 = arith.constant 1 : i32
      %get3A_193 = arith.index_cast %get3A_192 : i32 to index
      %get3A_194 = arith.constant 224 : index
      %get3A_195 = tpu.vector_load %arg11[%get3A_193, %get3A_194] {strides = array<i32>} : memref<4x256xf32, #tpu.memory_space<vmem>>, vector<1x16xf32>,
      %get3A_196 = vector.shape_cast %get3A_195 : vector<1x16xf32> to vector<16xf32>
      %get3A_197 = arith.constant 1 : i32
      %get3A_198 = arith.index_cast %get3A_197 : i32 to index
      %get3A_199 = arith.constant 240 : index
      %get3A_200 = tpu.vector_load %arg11[%get3A_198, %get3A_199] {strides = array<i32>} : memref<4x256xf32, #tpu.memory_space<vmem>>, vector<1x16xf32>,
      %get3A_201 = vector.shape_cast %get3A_200 : vector<1x16xf32> to vector<16xf32>
      %scan3A_202 = arith.constant 0 : i32
      %scan3A_203 = arith.constant 0 : i32
      %scan3A_204 = arith.constant 64 : i32
      %scan3A_205 = arith.addi %scan3A_203, %scan3A_204 : i32
      %scan3A_206 = arith.constant 1 : i32
      scf.for %scan3A_398 = %scan3A_203 to %scan3A_205 step %scan3A_206  : i32 {
        %swap3A = arith.index_cast %scan3A_398 : i32 to index
        %swap3A_399 = arith.constant 0 : index
        %swap3A_400 = tpu.vector_load %arg13[%swap3A, %swap3A_399] {strides = array<i32>} : memref<64x512xf32, #tpu.memory_space<vmem>>, vector<1x16xf32>,
        %swap3A_401 = vector.shape_cast %swap3A_400 : vector<1x16xf32> to vector<16xf32>
        %swap3A_402 = vector.shape_cast %get3A_126 : vector<16xf32> to vector<1x16xf32>
        tpu.vector_store %arg13[%swap3A, %swap3A_399], %swap3A_402 {strides = array<i32>} : memref<64x512xf32, #tpu.memory_space<vmem>>, vector<1x16xf32>,
        %swap3A_403 = arith.index_cast %scan3A_398 : i32 to index
        %swap3A_404 = arith.constant 16 : index
        %swap3A_405 = tpu.vector_load %arg13[%swap3A_403, %swap3A_404] {strides = array<i32>} : memref<64x512xf32, #tpu.memory_space<vmem>>, vector<1x16xf32>,
        %swap3A_406 = vector.shape_cast %swap3A_405 : vector<1x16xf32> to vector<16xf32>
        %swap3A_407 = vector.shape_cast %get3A_131 : vector<16xf32> to vector<1x16xf32>
        tpu.vector_store %arg13[%swap3A_403, %swap3A_404], %swap3A_407 {strides = array<i32>} : memref<64x512xf32, #tpu.memory_space<vmem>>, vector<1x16xf32>,
        %swap3A_408 = arith.index_cast %scan3A_398 : i32 to index
        %swap3A_409 = arith.constant 32 : index
        %swap3A_410 = tpu.vector_load %arg13[%swap3A_408, %swap3A_409] {strides = array<i32>} : memref<64x512xf32, #tpu.memory_space<vmem>>, vector<1x16xf32>,
        %swap3A_411 = vector.shape_cast %swap3A_410 : vector<1x16xf32> to vector<16xf32>
        %swap3A_412 = vector.shape_cast %get3A_136 : vector<16xf32> to vector<1x16xf32>
        tpu.vector_store %arg13[%swap3A_408, %swap3A_409], %swap3A_412 {strides = array<i32>} : memref<64x512xf32, #tpu.memory_space<vmem>>, vector<1x16xf32>,
        %swap3A_413 = arith.index_cast %scan3A_398 : i32 to index
        %swap3A_414 = arith.constant 48 : index
        %swap3A_415 = tpu.vector_load %arg13[%swap3A_413, %swap3A_414] {strides = array<i32>} : memref<64x512xf32, #tpu.memory_space<vmem>>, vector<1x16xf32>,
        %swap3A_416 = vector.shape_cast %swap3A_415 : vector<1x16xf32> to vector<16xf32>
        %swap3A_417 = vector.shape_cast %get3A_141 : vector<16xf32> to vector<1x16xf32>
        tpu.vector_store %arg13[%swap3A_413, %swap3A_414], %swap3A_417 {strides = array<i32>} : memref<64x512xf32, #tpu.memory_space<vmem>>, vector<1x16xf32>,
        %swap3A_418 = arith.index_cast %scan3A_398 : i32 to index
        %swap3A_419 = arith.constant 64 : index
        %swap3A_420 = tpu.vector_load %arg13[%swap3A_418, %swap3A_419] {strides = array<i32>} : memref<64x512xf32, #tpu.memory_space<vmem>>, vector<1x16xf32>,
        %swap3A_421 = vector.shape_cast %swap3A_420 : vector<1x16xf32> to vector<16xf32>
        %swap3A_422 = vector.shape_cast %get3A_146 : vector<16xf32> to vector<1x16xf32>
        tpu.vector_store %arg13[%swap3A_418, %swap3A_419], %swap3A_422 {strides = array<i32>} : memref<64x512xf32, #tpu.memory_space<vmem>>, vector<1x16xf32>,
        %swap3A_423 = arith.index_cast %scan3A_398 : i32 to index
        %swap3A_424 = arith.constant 80 : index
        %swap3A_425 = tpu.vector_load %arg13[%swap3A_423, %swap3A_424] {strides = array<i32>} : memref<64x512xf32, #tpu.memory_space<vmem>>, vector<1x16xf32>,
        %swap3A_426 = vector.shape_cast %swap3A_425 : vector<1x16xf32> to vector<16xf32>
        %swap3A_427 = vector.shape_cast %get3A_151 : vector<16xf32> to vector<1x16xf32>
        tpu.vector_store %arg13[%swap3A_423, %swap3A_424], %swap3A_427 {strides = array<i32>} : memref<64x512xf32, #tpu.memory_space<vmem>>, vector<1x16xf32>,
        %swap3A_428 = arith.index_cast %scan3A_398 : i32 to index
        %swap3A_429 = arith.constant 96 : index
        %swap3A_430 = tpu.vector_load %arg13[%swap3A_428, %swap3A_429] {strides = array<i32>} : memref<64x512xf32, #tpu.memory_space<vmem>>, vector<1x16xf32>,
        %swap3A_431 = vector.shape_cast %swap3A_430 : vector<1x16xf32> to vector<16xf32>
        %swap3A_432 = vector.shape_cast %get3A_156 : vector<16xf32> to vector<1x16xf32>
        tpu.vector_store %arg13[%swap3A_428, %swap3A_429], %swap3A_432 {strides = array<i32>} : memref<64x512xf32, #tpu.memory_space<vmem>>, vector<1x16xf32>,
        %swap3A_433 = arith.index_cast %scan3A_398 : i32 to index
        %swap3A_434 = arith.constant 112 : index
        %swap3A_435 = tpu.vector_load %arg13[%swap3A_433, %swap3A_434] {strides = array<i32>} : memref<64x512xf32, #tpu.memory_space<vmem>>, vector<1x16xf32>,
        %swap3A_436 = vector.shape_cast %swap3A_435 : vector<1x16xf32> to vector<16xf32>
        %swap3A_437 = vector.shape_cast %get3A_161 : vector<16xf32> to vector<1x16xf32>
        tpu.vector_store %arg13[%swap3A_433, %swap3A_434], %swap3A_437 {strides = array<i32>} : memref<64x512xf32, #tpu.memory_space<vmem>>, vector<1x16xf32>,
        %swap3A_438 = arith.index_cast %scan3A_398 : i32 to index
        %swap3A_439 = arith.constant 128 : index
        %swap3A_440 = tpu.vector_load %arg13[%swap3A_438, %swap3A_439] {strides = array<i32>} : memref<64x512xf32, #tpu.memory_space<vmem>>, vector<1x16xf32>,
        %swap3A_441 = vector.shape_cast %swap3A_440 : vector<1x16xf32> to vector<16xf32>
        %swap3A_442 = vector.shape_cast %get3A_166 : vector<16xf32> to vector<1x16xf32>
        tpu.vector_store %arg13[%swap3A_438, %swap3A_439], %swap3A_442 {strides = array<i32>} : memref<64x512xf32, #tpu.memory_space<vmem>>, vector<1x16xf32>,
        %swap3A_443 = arith.index_cast %scan3A_398 : i32 to index
        %swap3A_444 = arith.constant 144 : index
        %swap3A_445 = tpu.vector_load %arg13[%swap3A_443, %swap3A_444] {strides = array<i32>} : memref<64x512xf32, #tpu.memory_space<vmem>>, vector<1x16xf32>,
        %swap3A_446 = vector.shape_cast %swap3A_445 : vector<1x16xf32> to vector<16xf32>
        %swap3A_447 = vector.shape_cast %get3A_171 : vector<16xf32> to vector<1x16xf32>
        tpu.vector_store %arg13[%swap3A_443, %swap3A_444], %swap3A_447 {strides = array<i32>} : memref<64x512xf32, #tpu.memory_space<vmem>>, vector<1x16xf32>,
        %swap3A_448 = arith.index_cast %scan3A_398 : i32 to index
        %swap3A_449 = arith.constant 160 : index
        %swap3A_450 = tpu.vector_load %arg13[%swap3A_448, %swap3A_449] {strides = array<i32>} : memref<64x512xf32, #tpu.memory_space<vmem>>, vector<1x16xf32>,
        %swap3A_451 = vector.shape_cast %swap3A_450 : vector<1x16xf32> to vector<16xf32>
        %swap3A_452 = vector.shape_cast %get3A_176 : vector<16xf32> to vector<1x16xf32>
        tpu.vector_store %arg13[%swap3A_448, %swap3A_449], %swap3A_452 {strides = array<i32>} : memref<64x512xf32, #tpu.memory_space<vmem>>, vector<1x16xf32>,
        %swap3A_453 = arith.index_cast %scan3A_398 : i32 to index
        %swap3A_454 = arith.constant 176 : index
        %swap3A_455 = tpu.vector_load %arg13[%swap3A_453, %swap3A_454] {strides = array<i32>} : memref<64x512xf32, #tpu.memory_space<vmem>>, vector<1x16xf32>,
        %swap3A_456 = vector.shape_cast %swap3A_455 : vector<1x16xf32> to vector<16xf32>
        %swap3A_457 = vector.shape_cast %get3A_181 : vector<16xf32> to vector<1x16xf32>
        tpu.vector_store %arg13[%swap3A_453, %swap3A_454], %swap3A_457 {strides = array<i32>} : memref<64x512xf32, #tpu.memory_space<vmem>>, vector<1x16xf32>,
        %swap3A_458 = arith.index_cast %scan3A_398 : i32 to index
        %swap3A_459 = arith.constant 192 : index
        %swap3A_460 = tpu.vector_load %arg13[%swap3A_458, %swap3A_459] {strides = array<i32>} : memref<64x512xf32, #tpu.memory_space<vmem>>, vector<1x16xf32>,
        %swap3A_461 = vector.shape_cast %swap3A_460 : vector<1x16xf32> to vector<16xf32>
        %swap3A_462 = vector.shape_cast %get3A_186 : vector<16xf32> to vector<1x16xf32>
        tpu.vector_store %arg13[%swap3A_458, %swap3A_459], %swap3A_462 {strides = array<i32>} : memref<64x512xf32, #tpu.memory_space<vmem>>, vector<1x16xf32>,
        %swap3A_463 = arith.index_cast %scan3A_398 : i32 to index
        %swap3A_464 = arith.constant 208 : index
        %swap3A_465 = tpu.vector_load %arg13[%swap3A_463, %swap3A_464] {strides = array<i32>} : memref<64x512xf32, #tpu.memory_space<vmem>>, vector<1x16xf32>,
        %swap3A_466 = vector.shape_cast %swap3A_465 : vector<1x16xf32> to vector<16xf32>
        %swap3A_467 = vector.shape_cast %get3A_191 : vector<16xf32> to vector<1x16xf32>
        tpu.vector_store %arg13[%swap3A_463, %swap3A_464], %swap3A_467 {strides = array<i32>} : memref<64x512xf32, #tpu.memory_space<vmem>>, vector<1x16xf32>,
        %swap3A_468 = arith.index_cast %scan3A_398 : i32 to index
        %swap3A_469 = arith.constant 224 : index
        %swap3A_470 = tpu.vector_load %arg13[%swap3A_468, %swap3A_469] {strides = array<i32>} : memref<64x512xf32, #tpu.memory_space<vmem>>, vector<1x16xf32>,
        %swap3A_471 = vector.shape_cast %swap3A_470 : vector<1x16xf32> to vector<16xf32>
        %swap3A_472 = vector.shape_cast %get3A_196 : vector<16xf32> to vector<1x16xf32>
        tpu.vector_store %arg13[%swap3A_468, %swap3A_469], %swap3A_472 {strides = array<i32>} : memref<64x512xf32, #tpu.memory_space<vmem>>, vector<1x16xf32>,
        %swap3A_473 = arith.index_cast %scan3A_398 : i32 to index
        %swap3A_474 = arith.constant 240 : index
        %swap3A_475 = tpu.vector_load %arg13[%swap3A_473, %swap3A_474] {strides = array<i32>} : memref<64x512xf32, #tpu.memory_space<vmem>>, vector<1x16xf32>,
        %swap3A_476 = vector.shape_cast %swap3A_475 : vector<1x16xf32> to vector<16xf32>
        %swap3A_477 = vector.shape_cast %get3A_201 : vector<16xf32> to vector<1x16xf32>
        tpu.vector_store %arg13[%swap3A_473, %swap3A_474], %swap3A_477 {strides = array<i32>} : memref<64x512xf32, #tpu.memory_space<vmem>>, vector<1x16xf32>,
        %get3A_478 = arith.index_cast %scan3A_398 : i32 to index
        %get3A_479 = arith.constant 0 : index
        %get3A_480 = tpu.vector_load %arg12[%get3A_478, %get3A_479] {strides = array<i32>} : memref<64x256xf32, #tpu.memory_space<vmem>>, vector<1x16xf32>,
        %get3A_481 = vector.shape_cast %get3A_480 : vector<1x16xf32> to vector<16xf32>
        %swap3A_482 = arith.index_cast %scan3A_398 : i32 to index
        %swap3A_483 = arith.constant 256 : index
        %swap3A_484 = tpu.vector_load %arg13[%swap3A_482, %swap3A_483] {strides = array<i32>} : memref<64x512xf32, #tpu.memory_space<vmem>>, vector<1x16xf32>,
        %swap3A_485 = vector.shape_cast %swap3A_484 : vector<1x16xf32> to vector<16xf32>
        %swap3A_486 = vector.shape_cast %get3A_481 : vector<16xf32> to vector<1x16xf32>
        tpu.vector_store %arg13[%swap3A_482, %swap3A_483], %swap3A_486 {strides = array<i32>} : memref<64x512xf32, #tpu.memory_space<vmem>>, vector<1x16xf32>,
        %get3A_487 = arith.index_cast %scan3A_398 : i32 to index
        %get3A_488 = arith.constant 16 : index
        %get3A_489 = tpu.vector_load %arg12[%get3A_487, %get3A_488] {strides = array<i32>} : memref<64x256xf32, #tpu.memory_space<vmem>>, vector<1x16xf32>,
        %get3A_490 = vector.shape_cast %get3A_489 : vector<1x16xf32> to vector<16xf32>
        %swap3A_491 = arith.index_cast %scan3A_398 : i32 to index
        %swap3A_492 = arith.constant 272 : index
        %swap3A_493 = tpu.vector_load %arg13[%swap3A_491, %swap3A_492] {strides = array<i32>} : memref<64x512xf32, #tpu.memory_space<vmem>>, vector<1x16xf32>,
        %swap3A_494 = vector.shape_cast %swap3A_493 : vector<1x16xf32> to vector<16xf32>
        %swap3A_495 = vector.shape_cast %get3A_490 : vector<16xf32> to vector<1x16xf32>
        tpu.vector_store %arg13[%swap3A_491, %swap3A_492], %swap3A_495 {strides = array<i32>} : memref<64x512xf32, #tpu.memory_space<vmem>>, vector<1x16xf32>,
        %get3A_496 = arith.index_cast %scan3A_398 : i32 to index
        %get3A_497 = arith.constant 32 : index
        %get3A_498 = tpu.vector_load %arg12[%get3A_496, %get3A_497] {strides = array<i32>} : memref<64x256xf32, #tpu.memory_space<vmem>>, vector<1x16xf32>,
        %get3A_499 = vector.shape_cast %get3A_498 : vector<1x16xf32> to vector<16xf32>
        %swap3A_500 = arith.index_cast %scan3A_398 : i32 to index
        %swap3A_501 = arith.constant 288 : index
        %swap3A_502 = tpu.vector_load %arg13[%swap3A_500, %swap3A_501] {strides = array<i32>} : memref<64x512xf32, #tpu.memory_space<vmem>>, vector<1x16xf32>,
        %swap3A_503 = vector.shape_cast %swap3A_502 : vector<1x16xf32> to vector<16xf32>
        %swap3A_504 = vector.shape_cast %get3A_499 : vector<16xf32> to vector<1x16xf32>
        tpu.vector_store %arg13[%swap3A_500, %swap3A_501], %swap3A_504 {strides = array<i32>} : memref<64x512xf32, #tpu.memory_space<vmem>>, vector<1x16xf32>,
        %get3A_505 = arith.index_cast %scan3A_398 : i32 to index
        %get3A_506 = arith.constant 48 : index
        %get3A_507 = tpu.vector_load %arg12[%get3A_505, %get3A_506] {strides = array<i32>} : memref<64x256xf32, #tpu.memory_space<vmem>>, vector<1x16xf32>,
        %get3A_508 = vector.shape_cast %get3A_507 : vector<1x16xf32> to vector<16xf32>
        %swap3A_509 = arith.index_cast %scan3A_398 : i32 to index
        %swap3A_510 = arith.constant 304 : index
        %swap3A_511 = tpu.vector_load %arg13[%swap3A_509, %swap3A_510] {strides = array<i32>} : memref<64x512xf32, #tpu.memory_space<vmem>>, vector<1x16xf32>,
        %swap3A_512 = vector.shape_cast %swap3A_511 : vector<1x16xf32> to vector<16xf32>
        %swap3A_513 = vector.shape_cast %get3A_508 : vector<16xf32> to vector<1x16xf32>
        tpu.vector_store %arg13[%swap3A_509, %swap3A_510], %swap3A_513 {strides = array<i32>} : memref<64x512xf32, #tpu.memory_space<vmem>>, vector<1x16xf32>,
        %get3A_514 = arith.index_cast %scan3A_398 : i32 to index
        %get3A_515 = arith.constant 64 : index
        %get3A_516 = tpu.vector_load %arg12[%get3A_514, %get3A_515] {strides = array<i32>} : memref<64x256xf32, #tpu.memory_space<vmem>>, vector<1x16xf32>,
        %get3A_517 = vector.shape_cast %get3A_516 : vector<1x16xf32> to vector<16xf32>
        %swap3A_518 = arith.index_cast %scan3A_398 : i32 to index
        %swap3A_519 = arith.constant 320 : index
        %swap3A_520 = tpu.vector_load %arg13[%swap3A_518, %swap3A_519] {strides = array<i32>} : memref<64x512xf32, #tpu.memory_space<vmem>>, vector<1x16xf32>,
        %swap3A_521 = vector.shape_cast %swap3A_520 : vector<1x16xf32> to vector<16xf32>
        %swap3A_522 = vector.shape_cast %get3A_517 : vector<16xf32> to vector<1x16xf32>
        tpu.vector_store %arg13[%swap3A_518, %swap3A_519], %swap3A_522 {strides = array<i32>} : memref<64x512xf32, #tpu.memory_space<vmem>>, vector<1x16xf32>,
        %get3A_523 = arith.index_cast %scan3A_398 : i32 to index
        %get3A_524 = arith.constant 80 : index
        %get3A_525 = tpu.vector_load %arg12[%get3A_523, %get3A_524] {strides = array<i32>} : memref<64x256xf32, #tpu.memory_space<vmem>>, vector<1x16xf32>,
        %get3A_526 = vector.shape_cast %get3A_525 : vector<1x16xf32> to vector<16xf32>
        %swap3A_527 = arith.index_cast %scan3A_398 : i32 to index
        %swap3A_528 = arith.constant 336 : index
        %swap3A_529 = tpu.vector_load %arg13[%swap3A_527, %swap3A_528] {strides = array<i32>} : memref<64x512xf32, #tpu.memory_space<vmem>>, vector<1x16xf32>,
        %swap3A_530 = vector.shape_cast %swap3A_529 : vector<1x16xf32> to vector<16xf32>
        %swap3A_531 = vector.shape_cast %get3A_526 : vector<16xf32> to vector<1x16xf32>
        tpu.vector_store %arg13[%swap3A_527, %swap3A_528], %swap3A_531 {strides = array<i32>} : memref<64x512xf32, #tpu.memory_space<vmem>>, vector<1x16xf32>,
        %get3A_532 = arith.index_cast %scan3A_398 : i32 to index
        %get3A_533 = arith.constant 96 : index
        %get3A_534 = tpu.vector_load %arg12[%get3A_532, %get3A_533] {strides = array<i32>} : memref<64x256xf32, #tpu.memory_space<vmem>>, vector<1x16xf32>,
        %get3A_535 = vector.shape_cast %get3A_534 : vector<1x16xf32> to vector<16xf32>
        %swap3A_536 = arith.index_cast %scan3A_398 : i32 to index
        %swap3A_537 = arith.constant 352 : index
        %swap3A_538 = tpu.vector_load %arg13[%swap3A_536, %swap3A_537] {strides = array<i32>} : memref<64x512xf32, #tpu.memory_space<vmem>>, vector<1x16xf32>,
        %swap3A_539 = vector.shape_cast %swap3A_538 : vector<1x16xf32> to vector<16xf32>
        %swap3A_540 = vector.shape_cast %get3A_535 : vector<16xf32> to vector<1x16xf32>
        tpu.vector_store %arg13[%swap3A_536, %swap3A_537], %swap3A_540 {strides = array<i32>} : memref<64x512xf32, #tpu.memory_space<vmem>>, vector<1x16xf32>,
        %get3A_541 = arith.index_cast %scan3A_398 : i32 to index
        %get3A_542 = arith.constant 112 : index
        %get3A_543 = tpu.vector_load %arg12[%get3A_541, %get3A_542] {strides = array<i32>} : memref<64x256xf32, #tpu.memory_space<vmem>>, vector<1x16xf32>,
        %get3A_544 = vector.shape_cast %get3A_543 : vector<1x16xf32> to vector<16xf32>
        %swap3A_545 = arith.index_cast %scan3A_398 : i32 to index
        %swap3A_546 = arith.constant 368 : index
        %swap3A_547 = tpu.vector_load %arg13[%swap3A_545, %swap3A_546] {strides = array<i32>} : memref<64x512xf32, #tpu.memory_space<vmem>>, vector<1x16xf32>,
        %swap3A_548 = vector.shape_cast %swap3A_547 : vector<1x16xf32> to vector<16xf32>
        %swap3A_549 = vector.shape_cast %get3A_544 : vector<16xf32> to vector<1x16xf32>
        tpu.vector_store %arg13[%swap3A_545, %swap3A_546], %swap3A_549 {strides = array<i32>} : memref<64x512xf32, #tpu.memory_space<vmem>>, vector<1x16xf32>,
        %get3A_550 = arith.index_cast %scan3A_398 : i32 to index
        %get3A_551 = arith.constant 128 : index
        %get3A_552 = tpu.vector_load %arg12[%get3A_550, %get3A_551] {strides = array<i32>} : memref<64x256xf32, #tpu.memory_space<vmem>>, vector<1x16xf32>,
        %get3A_553 = vector.shape_cast %get3A_552 : vector<1x16xf32> to vector<16xf32>
        %swap3A_554 = arith.index_cast %scan3A_398 : i32 to index
        %swap3A_555 = arith.constant 384 : index
        %swap3A_556 = tpu.vector_load %arg13[%swap3A_554, %swap3A_555] {strides = array<i32>} : memref<64x512xf32, #tpu.memory_space<vmem>>, vector<1x16xf32>,
        %swap3A_557 = vector.shape_cast %swap3A_556 : vector<1x16xf32> to vector<16xf32>
        %swap3A_558 = vector.shape_cast %get3A_553 : vector<16xf32> to vector<1x16xf32>
        tpu.vector_store %arg13[%swap3A_554, %swap3A_555], %swap3A_558 {strides = array<i32>} : memref<64x512xf32, #tpu.memory_space<vmem>>, vector<1x16xf32>,
        %get3A_559 = arith.index_cast %scan3A_398 : i32 to index
        %get3A_560 = arith.constant 144 : index
        %get3A_561 = tpu.vector_load %arg12[%get3A_559, %get3A_560] {strides = array<i32>} : memref<64x256xf32, #tpu.memory_space<vmem>>, vector<1x16xf32>,
        %get3A_562 = vector.shape_cast %get3A_561 : vector<1x16xf32> to vector<16xf32>
        %swap3A_563 = arith.index_cast %scan3A_398 : i32 to index
        %swap3A_564 = arith.constant 400 : index
        %swap3A_565 = tpu.vector_load %arg13[%swap3A_563, %swap3A_564] {strides = array<i32>} : memref<64x512xf32, #tpu.memory_space<vmem>>, vector<1x16xf32>,
        %swap3A_566 = vector.shape_cast %swap3A_565 : vector<1x16xf32> to vector<16xf32>
        %swap3A_567 = vector.shape_cast %get3A_562 : vector<16xf32> to vector<1x16xf32>
        tpu.vector_store %arg13[%swap3A_563, %swap3A_564], %swap3A_567 {strides = array<i32>} : memref<64x512xf32, #tpu.memory_space<vmem>>, vector<1x16xf32>,
        %get3A_568 = arith.index_cast %scan3A_398 : i32 to index
        %get3A_569 = arith.constant 160 : index
        %get3A_570 = tpu.vector_load %arg12[%get3A_568, %get3A_569] {strides = array<i32>} : memref<64x256xf32, #tpu.memory_space<vmem>>, vector<1x16xf32>,
        %get3A_571 = vector.shape_cast %get3A_570 : vector<1x16xf32> to vector<16xf32>
        %swap3A_572 = arith.index_cast %scan3A_398 : i32 to index
        %swap3A_573 = arith.constant 416 : index
        %swap3A_574 = tpu.vector_load %arg13[%swap3A_572, %swap3A_573] {strides = array<i32>} : memref<64x512xf32, #tpu.memory_space<vmem>>, vector<1x16xf32>,
        %swap3A_575 = vector.shape_cast %swap3A_574 : vector<1x16xf32> to vector<16xf32>
        %swap3A_576 = vector.shape_cast %get3A_571 : vector<16xf32> to vector<1x16xf32>
        tpu.vector_store %arg13[%swap3A_572, %swap3A_573], %swap3A_576 {strides = array<i32>} : memref<64x512xf32, #tpu.memory_space<vmem>>, vector<1x16xf32>,
        %get3A_577 = arith.index_cast %scan3A_398 : i32 to index
        %get3A_578 = arith.constant 176 : index
        %get3A_579 = tpu.vector_load %arg12[%get3A_577, %get3A_578] {strides = array<i32>} : memref<64x256xf32, #tpu.memory_space<vmem>>, vector<1x16xf32>,
        %get3A_580 = vector.shape_cast %get3A_579 : vector<1x16xf32> to vector<16xf32>
        %swap3A_581 = arith.index_cast %scan3A_398 : i32 to index
        %swap3A_582 = arith.constant 432 : index
        %swap3A_583 = tpu.vector_load %arg13[%swap3A_581, %swap3A_582] {strides = array<i32>} : memref<64x512xf32, #tpu.memory_space<vmem>>, vector<1x16xf32>,
        %swap3A_584 = vector.shape_cast %swap3A_583 : vector<1x16xf32> to vector<16xf32>
        %swap3A_585 = vector.shape_cast %get3A_580 : vector<16xf32> to vector<1x16xf32>
        tpu.vector_store %arg13[%swap3A_581, %swap3A_582], %swap3A_585 {strides = array<i32>} : memref<64x512xf32, #tpu.memory_space<vmem>>, vector<1x16xf32>,
        %get3A_586 = arith.index_cast %scan3A_398 : i32 to index
        %get3A_587 = arith.constant 192 : index
        %get3A_588 = tpu.vector_load %arg12[%get3A_586, %get3A_587] {strides = array<i32>} : memref<64x256xf32, #tpu.memory_space<vmem>>, vector<1x16xf32>,
        %get3A_589 = vector.shape_cast %get3A_588 : vector<1x16xf32> to vector<16xf32>
        %swap3A_590 = arith.index_cast %scan3A_398 : i32 to index
        %swap3A_591 = arith.constant 448 : index
        %swap3A_592 = tpu.vector_load %arg13[%swap3A_590, %swap3A_591] {strides = array<i32>} : memref<64x512xf32, #tpu.memory_space<vmem>>, vector<1x16xf32>,
        %swap3A_593 = vector.shape_cast %swap3A_592 : vector<1x16xf32> to vector<16xf32>
        %swap3A_594 = vector.shape_cast %get3A_589 : vector<16xf32> to vector<1x16xf32>
        tpu.vector_store %arg13[%swap3A_590, %swap3A_591], %swap3A_594 {strides = array<i32>} : memref<64x512xf32, #tpu.memory_space<vmem>>, vector<1x16xf32>,
        %get3A_595 = arith.index_cast %scan3A_398 : i32 to index
        %get3A_596 = arith.constant 208 : index
        %get3A_597 = tpu.vector_load %arg12[%get3A_595, %get3A_596] {strides = array<i32>} : memref<64x256xf32, #tpu.memory_space<vmem>>, vector<1x16xf32>,
        %get3A_598 = vector.shape_cast %get3A_597 : vector<1x16xf32> to vector<16xf32>
        %swap3A_599 = arith.index_cast %scan3A_398 : i32 to index
        %swap3A_600 = arith.constant 464 : index
        %swap3A_601 = tpu.vector_load %arg13[%swap3A_599, %swap3A_600] {strides = array<i32>} : memref<64x512xf32, #tpu.memory_space<vmem>>, vector<1x16xf32>,
        %swap3A_602 = vector.shape_cast %swap3A_601 : vector<1x16xf32> to vector<16xf32>
        %swap3A_603 = vector.shape_cast %get3A_598 : vector<16xf32> to vector<1x16xf32>
        tpu.vector_store %arg13[%swap3A_599, %swap3A_600], %swap3A_603 {strides = array<i32>} : memref<64x512xf32, #tpu.memory_space<vmem>>, vector<1x16xf32>,
        %get3A_604 = arith.index_cast %scan3A_398 : i32 to index
        %get3A_605 = arith.constant 224 : index
        %get3A_606 = tpu.vector_load %arg12[%get3A_604, %get3A_605] {strides = array<i32>} : memref<64x256xf32, #tpu.memory_space<vmem>>, vector<1x16xf32>,
        %get3A_607 = vector.shape_cast %get3A_606 : vector<1x16xf32> to vector<16xf32>
        %swap3A_608 = arith.index_cast %scan3A_398 : i32 to index
        %swap3A_609 = arith.constant 480 : index
        %swap3A_610 = tpu.vector_load %arg13[%swap3A_608, %swap3A_609] {strides = array<i32>} : memref<64x512xf32, #tpu.memory_space<vmem>>, vector<1x16xf32>,
        %swap3A_611 = vector.shape_cast %swap3A_610 : vector<1x16xf32> to vector<16xf32>
        %swap3A_612 = vector.shape_cast %get3A_607 : vector<16xf32> to vector<1x16xf32>
        tpu.vector_store %arg13[%swap3A_608, %swap3A_609], %swap3A_612 {strides = array<i32>} : memref<64x512xf32, #tpu.memory_space<vmem>>, vector<1x16xf32>,
        %get3A_613 = arith.index_cast %scan3A_398 : i32 to index
        %get3A_614 = arith.constant 240 : index
        %get3A_615 = tpu.vector_load %arg12[%get3A_613, %get3A_614] {strides = array<i32>} : memref<64x256xf32, #tpu.memory_space<vmem>>, vector<1x16xf32>,
        %get3A_616 = vector.shape_cast %get3A_615 : vector<1x16xf32> to vector<16xf32>
        %swap3A_617 = arith.index_cast %scan3A_398 : i32 to index
        %swap3A_618 = arith.constant 496 : index
        %swap3A_619 = tpu.vector_load %arg13[%swap3A_617, %swap3A_618] {strides = array<i32>} : memref<64x512xf32, #tpu.memory_space<vmem>>, vector<1x16xf32>,
        %swap3A_620 = vector.shape_cast %swap3A_619 : vector<1x16xf32> to vector<16xf32>
        %swap3A_621 = vector.shape_cast %get3A_616 : vector<16xf32> to vector<1x16xf32>
        tpu.vector_store %arg13[%swap3A_617, %swap3A_618], %swap3A_621 {strides = array<i32>} : memref<64x512xf32, #tpu.memory_space<vmem>>, vector<1x16xf32>,
      }
      %scan3A_207 = arith.constant 64 : i32
      %mul3A_208 = arith.constant 4 : i32
      %mul3A_209 = arith.muli %arg1, %mul3A_208 : i32
      %add3A_210 = arith.constant 1 : i32
      %add3A_211 = arith.addi %mul3A_209, %add3A_210 : i32
      %mul3A_212 = arith.constant 64 : i32
      %mul3A_213 = arith.muli %add3A_211, %mul3A_212 : i32
      "tpu.region"() ({
        %run_scoped3A = tpu.sem_alloc : memref<!tpu.dma_semaphore, #tpu.memory_space<semaphore_mem>>
        %dma_start3A = arith.constant 0 : i32
        %dma_start3A_398 = tpu.memref_slice %arg8[%mul3A_213, %dma_start3A] : memref<4096x512xf32, #tpu.memory_space<hbm>> -> memref<64x512xf32, #tpu.memory_space<hbm>>
        %dma_start3A_399 = arith.constant 0 : i32
        %dma_start3A_400 = tpu.memref_slice %arg8[%mul3A_213, %dma_start3A_399] : memref<4096x512xf32, #tpu.memory_space<hbm>> -> memref<64x512xf32, #tpu.memory_space<hbm>>
        tpu.enqueue_dma source(%arg13 : memref<64x512xf32, #tpu.memory_space<vmem>>) target(%dma_start3A_400 : memref<64x512xf32, #tpu.memory_space<hbm>>) target_semaphore(%run_scoped3A : memref<!tpu.dma_semaphore, #tpu.memory_space<semaphore_mem>>)
        %dma_wait3A = arith.constant 0 : i32
        %dma_wait3A_401 = tpu.memref_slice %arg8[%mul3A_213, %dma_wait3A] : memref<4096x512xf32, #tpu.memory_space<hbm>> -> memref<64x512xf32, #tpu.memory_space<hbm>>
        %dma_wait3A_402 = arith.constant 0 : i32
        %dma_wait3A_403 = tpu.memref_slice %arg8[%mul3A_213, %dma_wait3A_402] : memref<4096x512xf32, #tpu.memory_space<hbm>> -> memref<64x512xf32, #tpu.memory_space<hbm>>
        tpu.wait_dma2 semaphore(%run_scoped3A : memref<!tpu.dma_semaphore, #tpu.memory_space<semaphore_mem>>) src(%arg13 : memref<64x512xf32, #tpu.memory_space<vmem>>) dst(%dma_wait3A_403 : memref<64x512xf32, #tpu.memory_space<hbm>>)
        tpu.yield
      }) : () -> ()
      %get3A_214 = arith.constant 2 : i32
      %get3A_215 = arith.index_cast %get3A_214 : i32 to index
      %get3A_216 = arith.constant 0 : index
      %get3A_217 = tpu.vector_load %arg11[%get3A_215, %get3A_216] {strides = array<i32>} : memref<4x256xf32, #tpu.memory_space<vmem>>, vector<1x16xf32>,
      %get3A_218 = vector.shape_cast %get3A_217 : vector<1x16xf32> to vector<16xf32>
      %get3A_219 = arith.constant 2 : i32
      %get3A_220 = arith.index_cast %get3A_219 : i32 to index
      %get3A_221 = arith.constant 16 : index
      %get3A_222 = tpu.vector_load %arg11[%get3A_220, %get3A_221] {strides = array<i32>} : memref<4x256xf32, #tpu.memory_space<vmem>>, vector<1x16xf32>,
      %get3A_223 = vector.shape_cast %get3A_222 : vector<1x16xf32> to vector<16xf32>
      %get3A_224 = arith.constant 2 : i32
      %get3A_225 = arith.index_cast %get3A_224 : i32 to index
      %get3A_226 = arith.constant 32 : index
      %get3A_227 = tpu.vector_load %arg11[%get3A_225, %get3A_226] {strides = array<i32>} : memref<4x256xf32, #tpu.memory_space<vmem>>, vector<1x16xf32>,
      %get3A_228 = vector.shape_cast %get3A_227 : vector<1x16xf32> to vector<16xf32>
      %get3A_229 = arith.constant 2 : i32
      %get3A_230 = arith.index_cast %get3A_229 : i32 to index
      %get3A_231 = arith.constant 48 : index
      %get3A_232 = tpu.vector_load %arg11[%get3A_230, %get3A_231] {strides = array<i32>} : memref<4x256xf32, #tpu.memory_space<vmem>>, vector<1x16xf32>,
      %get3A_233 = vector.shape_cast %get3A_232 : vector<1x16xf32> to vector<16xf32>
      %get3A_234 = arith.constant 2 : i32
      %get3A_235 = arith.index_cast %get3A_234 : i32 to index
      %get3A_236 = arith.constant 64 : index
      %get3A_237 = tpu.vector_load %arg11[%get3A_235, %get3A_236] {strides = array<i32>} : memref<4x256xf32, #tpu.memory_space<vmem>>, vector<1x16xf32>,
      %get3A_238 = vector.shape_cast %get3A_237 : vector<1x16xf32> to vector<16xf32>
      %get3A_239 = arith.constant 2 : i32
      %get3A_240 = arith.index_cast %get3A_239 : i32 to index
      %get3A_241 = arith.constant 80 : index
      %get3A_242 = tpu.vector_load %arg11[%get3A_240, %get3A_241] {strides = array<i32>} : memref<4x256xf32, #tpu.memory_space<vmem>>, vector<1x16xf32>,
      %get3A_243 = vector.shape_cast %get3A_242 : vector<1x16xf32> to vector<16xf32>
      %get3A_244 = arith.constant 2 : i32
      %get3A_245 = arith.index_cast %get3A_244 : i32 to index
      %get3A_246 = arith.constant 96 : index
      %get3A_247 = tpu.vector_load %arg11[%get3A_245, %get3A_246] {strides = array<i32>} : memref<4x256xf32, #tpu.memory_space<vmem>>, vector<1x16xf32>,
      %get3A_248 = vector.shape_cast %get3A_247 : vector<1x16xf32> to vector<16xf32>
      %get3A_249 = arith.constant 2 : i32
      %get3A_250 = arith.index_cast %get3A_249 : i32 to index
      %get3A_251 = arith.constant 112 : index
      %get3A_252 = tpu.vector_load %arg11[%get3A_250, %get3A_251] {strides = array<i32>} : memref<4x256xf32, #tpu.memory_space<vmem>>, vector<1x16xf32>,
      %get3A_253 = vector.shape_cast %get3A_252 : vector<1x16xf32> to vector<16xf32>
      %get3A_254 = arith.constant 2 : i32
      %get3A_255 = arith.index_cast %get3A_254 : i32 to index
      %get3A_256 = arith.constant 128 : index
      %get3A_257 = tpu.vector_load %arg11[%get3A_255, %get3A_256] {strides = array<i32>} : memref<4x256xf32, #tpu.memory_space<vmem>>, vector<1x16xf32>,
      %get3A_258 = vector.shape_cast %get3A_257 : vector<1x16xf32> to vector<16xf32>
      %get3A_259 = arith.constant 2 : i32
      %get3A_260 = arith.index_cast %get3A_259 : i32 to index
      %get3A_261 = arith.constant 144 : index
      %get3A_262 = tpu.vector_load %arg11[%get3A_260, %get3A_261] {strides = array<i32>} : memref<4x256xf32, #tpu.memory_space<vmem>>, vector<1x16xf32>,
      %get3A_263 = vector.shape_cast %get3A_262 : vector<1x16xf32> to vector<16xf32>
      %get3A_264 = arith.constant 2 : i32
      %get3A_265 = arith.index_cast %get3A_264 : i32 to index
      %get3A_266 = arith.constant 160 : index
      %get3A_267 = tpu.vector_load %arg11[%get3A_265, %get3A_266] {strides = array<i32>} : memref<4x256xf32, #tpu.memory_space<vmem>>, vector<1x16xf32>,
      %get3A_268 = vector.shape_cast %get3A_267 : vector<1x16xf32> to vector<16xf32>
      %get3A_269 = arith.constant 2 : i32
      %get3A_270 = arith.index_cast %get3A_269 : i32 to index
      %get3A_271 = arith.constant 176 : index
      %get3A_272 = tpu.vector_load %arg11[%get3A_270, %get3A_271] {strides = array<i32>} : memref<4x256xf32, #tpu.memory_space<vmem>>, vector<1x16xf32>,
      %get3A_273 = vector.shape_cast %get3A_272 : vector<1x16xf32> to vector<16xf32>
      %get3A_274 = arith.constant 2 : i32
      %get3A_275 = arith.index_cast %get3A_274 : i32 to index
      %get3A_276 = arith.constant 192 : index
      %get3A_277 = tpu.vector_load %arg11[%get3A_275, %get3A_276] {strides = array<i32>} : memref<4x256xf32, #tpu.memory_space<vmem>>, vector<1x16xf32>,
      %get3A_278 = vector.shape_cast %get3A_277 : vector<1x16xf32> to vector<16xf32>
      %get3A_279 = arith.constant 2 : i32
      %get3A_280 = arith.index_cast %get3A_279 : i32 to index
      %get3A_281 = arith.constant 208 : index
      %get3A_282 = tpu.vector_load %arg11[%get3A_280, %get3A_281] {strides = array<i32>} : memref<4x256xf32, #tpu.memory_space<vmem>>, vector<1x16xf32>,
      %get3A_283 = vector.shape_cast %get3A_282 : vector<1x16xf32> to vector<16xf32>
      %get3A_284 = arith.constant 2 : i32
      %get3A_285 = arith.index_cast %get3A_284 : i32 to index
      %get3A_286 = arith.constant 224 : index
      %get3A_287 = tpu.vector_load %arg11[%get3A_285, %get3A_286] {strides = array<i32>} : memref<4x256xf32, #tpu.memory_space<vmem>>, vector<1x16xf32>,
      %get3A_288 = vector.shape_cast %get3A_287 : vector<1x16xf32> to vector<16xf32>
      %get3A_289 = arith.constant 2 : i32
      %get3A_290 = arith.index_cast %get3A_289 : i32 to index
      %get3A_291 = arith.constant 240 : index
      %get3A_292 = tpu.vector_load %arg11[%get3A_290, %get3A_291] {strides = array<i32>} : memref<4x256xf32, #tpu.memory_space<vmem>>, vector<1x16xf32>,
      %get3A_293 = vector.shape_cast %get3A_292 : vector<1x16xf32> to vector<16xf32>
      %scan3A_294 = arith.constant 0 : i32
      %scan3A_295 = arith.constant 0 : i32
      %scan3A_296 = arith.constant 64 : i32
      %scan3A_297 = arith.addi %scan3A_295, %scan3A_296 : i32
      %scan3A_298 = arith.constant 1 : i32
      scf.for %scan3A_398 = %scan3A_295 to %scan3A_297 step %scan3A_298  : i32 {
        %swap3A = arith.index_cast %scan3A_398 : i32 to index
        %swap3A_399 = arith.constant 0 : index
        %swap3A_400 = tpu.vector_load %arg13[%swap3A, %swap3A_399] {strides = array<i32>} : memref<64x512xf32, #tpu.memory_space<vmem>>, vector<1x16xf32>,
        %swap3A_401 = vector.shape_cast %swap3A_400 : vector<1x16xf32> to vector<16xf32>
        %swap3A_402 = vector.shape_cast %get3A_218 : vector<16xf32> to vector<1x16xf32>
        tpu.vector_store %arg13[%swap3A, %swap3A_399], %swap3A_402 {strides = array<i32>} : memref<64x512xf32, #tpu.memory_space<vmem>>, vector<1x16xf32>,
        %swap3A_403 = arith.index_cast %scan3A_398 : i32 to index
        %swap3A_404 = arith.constant 16 : index
        %swap3A_405 = tpu.vector_load %arg13[%swap3A_403, %swap3A_404] {strides = array<i32>} : memref<64x512xf32, #tpu.memory_space<vmem>>, vector<1x16xf32>,
        %swap3A_406 = vector.shape_cast %swap3A_405 : vector<1x16xf32> to vector<16xf32>
        %swap3A_407 = vector.shape_cast %get3A_223 : vector<16xf32> to vector<1x16xf32>
        tpu.vector_store %arg13[%swap3A_403, %swap3A_404], %swap3A_407 {strides = array<i32>} : memref<64x512xf32, #tpu.memory_space<vmem>>, vector<1x16xf32>,
        %swap3A_408 = arith.index_cast %scan3A_398 : i32 to index
        %swap3A_409 = arith.constant 32 : index
        %swap3A_410 = tpu.vector_load %arg13[%swap3A_408, %swap3A_409] {strides = array<i32>} : memref<64x512xf32, #tpu.memory_space<vmem>>, vector<1x16xf32>,
        %swap3A_411 = vector.shape_cast %swap3A_410 : vector<1x16xf32> to vector<16xf32>
        %swap3A_412 = vector.shape_cast %get3A_228 : vector<16xf32> to vector<1x16xf32>
        tpu.vector_store %arg13[%swap3A_408, %swap3A_409], %swap3A_412 {strides = array<i32>} : memref<64x512xf32, #tpu.memory_space<vmem>>, vector<1x16xf32>,
        %swap3A_413 = arith.index_cast %scan3A_398 : i32 to index
        %swap3A_414 = arith.constant 48 : index
        %swap3A_415 = tpu.vector_load %arg13[%swap3A_413, %swap3A_414] {strides = array<i32>} : memref<64x512xf32, #tpu.memory_space<vmem>>, vector<1x16xf32>,
        %swap3A_416 = vector.shape_cast %swap3A_415 : vector<1x16xf32> to vector<16xf32>
        %swap3A_417 = vector.shape_cast %get3A_233 : vector<16xf32> to vector<1x16xf32>
        tpu.vector_store %arg13[%swap3A_413, %swap3A_414], %swap3A_417 {strides = array<i32>} : memref<64x512xf32, #tpu.memory_space<vmem>>, vector<1x16xf32>,
        %swap3A_418 = arith.index_cast %scan3A_398 : i32 to index
        %swap3A_419 = arith.constant 64 : index
        %swap3A_420 = tpu.vector_load %arg13[%swap3A_418, %swap3A_419] {strides = array<i32>} : memref<64x512xf32, #tpu.memory_space<vmem>>, vector<1x16xf32>,
        %swap3A_421 = vector.shape_cast %swap3A_420 : vector<1x16xf32> to vector<16xf32>
        %swap3A_422 = vector.shape_cast %get3A_238 : vector<16xf32> to vector<1x16xf32>
        tpu.vector_store %arg13[%swap3A_418, %swap3A_419], %swap3A_422 {strides = array<i32>} : memref<64x512xf32, #tpu.memory_space<vmem>>, vector<1x16xf32>,
        %swap3A_423 = arith.index_cast %scan3A_398 : i32 to index
        %swap3A_424 = arith.constant 80 : index
        %swap3A_425 = tpu.vector_load %arg13[%swap3A_423, %swap3A_424] {strides = array<i32>} : memref<64x512xf32, #tpu.memory_space<vmem>>, vector<1x16xf32>,
        %swap3A_426 = vector.shape_cast %swap3A_425 : vector<1x16xf32> to vector<16xf32>
        %swap3A_427 = vector.shape_cast %get3A_243 : vector<16xf32> to vector<1x16xf32>
        tpu.vector_store %arg13[%swap3A_423, %swap3A_424], %swap3A_427 {strides = array<i32>} : memref<64x512xf32, #tpu.memory_space<vmem>>, vector<1x16xf32>,
        %swap3A_428 = arith.index_cast %scan3A_398 : i32 to index
        %swap3A_429 = arith.constant 96 : index
        %swap3A_430 = tpu.vector_load %arg13[%swap3A_428, %swap3A_429] {strides = array<i32>} : memref<64x512xf32, #tpu.memory_space<vmem>>, vector<1x16xf32>,
        %swap3A_431 = vector.shape_cast %swap3A_430 : vector<1x16xf32> to vector<16xf32>
        %swap3A_432 = vector.shape_cast %get3A_248 : vector<16xf32> to vector<1x16xf32>
        tpu.vector_store %arg13[%swap3A_428, %swap3A_429], %swap3A_432 {strides = array<i32>} : memref<64x512xf32, #tpu.memory_space<vmem>>, vector<1x16xf32>,
        %swap3A_433 = arith.index_cast %scan3A_398 : i32 to index
        %swap3A_434 = arith.constant 112 : index
        %swap3A_435 = tpu.vector_load %arg13[%swap3A_433, %swap3A_434] {strides = array<i32>} : memref<64x512xf32, #tpu.memory_space<vmem>>, vector<1x16xf32>,
        %swap3A_436 = vector.shape_cast %swap3A_435 : vector<1x16xf32> to vector<16xf32>
        %swap3A_437 = vector.shape_cast %get3A_253 : vector<16xf32> to vector<1x16xf32>
        tpu.vector_store %arg13[%swap3A_433, %swap3A_434], %swap3A_437 {strides = array<i32>} : memref<64x512xf32, #tpu.memory_space<vmem>>, vector<1x16xf32>,
        %swap3A_438 = arith.index_cast %scan3A_398 : i32 to index
        %swap3A_439 = arith.constant 128 : index
        %swap3A_440 = tpu.vector_load %arg13[%swap3A_438, %swap3A_439] {strides = array<i32>} : memref<64x512xf32, #tpu.memory_space<vmem>>, vector<1x16xf32>,
        %swap3A_441 = vector.shape_cast %swap3A_440 : vector<1x16xf32> to vector<16xf32>
        %swap3A_442 = vector.shape_cast %get3A_258 : vector<16xf32> to vector<1x16xf32>
        tpu.vector_store %arg13[%swap3A_438, %swap3A_439], %swap3A_442 {strides = array<i32>} : memref<64x512xf32, #tpu.memory_space<vmem>>, vector<1x16xf32>,
        %swap3A_443 = arith.index_cast %scan3A_398 : i32 to index
        %swap3A_444 = arith.constant 144 : index
        %swap3A_445 = tpu.vector_load %arg13[%swap3A_443, %swap3A_444] {strides = array<i32>} : memref<64x512xf32, #tpu.memory_space<vmem>>, vector<1x16xf32>,
        %swap3A_446 = vector.shape_cast %swap3A_445 : vector<1x16xf32> to vector<16xf32>
        %swap3A_447 = vector.shape_cast %get3A_263 : vector<16xf32> to vector<1x16xf32>
        tpu.vector_store %arg13[%swap3A_443, %swap3A_444], %swap3A_447 {strides = array<i32>} : memref<64x512xf32, #tpu.memory_space<vmem>>, vector<1x16xf32>,
        %swap3A_448 = arith.index_cast %scan3A_398 : i32 to index
        %swap3A_449 = arith.constant 160 : index
        %swap3A_450 = tpu.vector_load %arg13[%swap3A_448, %swap3A_449] {strides = array<i32>} : memref<64x512xf32, #tpu.memory_space<vmem>>, vector<1x16xf32>,
        %swap3A_451 = vector.shape_cast %swap3A_450 : vector<1x16xf32> to vector<16xf32>
        %swap3A_452 = vector.shape_cast %get3A_268 : vector<16xf32> to vector<1x16xf32>
        tpu.vector_store %arg13[%swap3A_448, %swap3A_449], %swap3A_452 {strides = array<i32>} : memref<64x512xf32, #tpu.memory_space<vmem>>, vector<1x16xf32>,
        %swap3A_453 = arith.index_cast %scan3A_398 : i32 to index
        %swap3A_454 = arith.constant 176 : index
        %swap3A_455 = tpu.vector_load %arg13[%swap3A_453, %swap3A_454] {strides = array<i32>} : memref<64x512xf32, #tpu.memory_space<vmem>>, vector<1x16xf32>,
        %swap3A_456 = vector.shape_cast %swap3A_455 : vector<1x16xf32> to vector<16xf32>
        %swap3A_457 = vector.shape_cast %get3A_273 : vector<16xf32> to vector<1x16xf32>
        tpu.vector_store %arg13[%swap3A_453, %swap3A_454], %swap3A_457 {strides = array<i32>} : memref<64x512xf32, #tpu.memory_space<vmem>>, vector<1x16xf32>,
        %swap3A_458 = arith.index_cast %scan3A_398 : i32 to index
        %swap3A_459 = arith.constant 192 : index
        %swap3A_460 = tpu.vector_load %arg13[%swap3A_458, %swap3A_459] {strides = array<i32>} : memref<64x512xf32, #tpu.memory_space<vmem>>, vector<1x16xf32>,
        %swap3A_461 = vector.shape_cast %swap3A_460 : vector<1x16xf32> to vector<16xf32>
        %swap3A_462 = vector.shape_cast %get3A_278 : vector<16xf32> to vector<1x16xf32>
        tpu.vector_store %arg13[%swap3A_458, %swap3A_459], %swap3A_462 {strides = array<i32>} : memref<64x512xf32, #tpu.memory_space<vmem>>, vector<1x16xf32>,
        %swap3A_463 = arith.index_cast %scan3A_398 : i32 to index
        %swap3A_464 = arith.constant 208 : index
        %swap3A_465 = tpu.vector_load %arg13[%swap3A_463, %swap3A_464] {strides = array<i32>} : memref<64x512xf32, #tpu.memory_space<vmem>>, vector<1x16xf32>,
        %swap3A_466 = vector.shape_cast %swap3A_465 : vector<1x16xf32> to vector<16xf32>
        %swap3A_467 = vector.shape_cast %get3A_283 : vector<16xf32> to vector<1x16xf32>
        tpu.vector_store %arg13[%swap3A_463, %swap3A_464], %swap3A_467 {strides = array<i32>} : memref<64x512xf32, #tpu.memory_space<vmem>>, vector<1x16xf32>,
        %swap3A_468 = arith.index_cast %scan3A_398 : i32 to index
        %swap3A_469 = arith.constant 224 : index
        %swap3A_470 = tpu.vector_load %arg13[%swap3A_468, %swap3A_469] {strides = array<i32>} : memref<64x512xf32, #tpu.memory_space<vmem>>, vector<1x16xf32>,
        %swap3A_471 = vector.shape_cast %swap3A_470 : vector<1x16xf32> to vector<16xf32>
        %swap3A_472 = vector.shape_cast %get3A_288 : vector<16xf32> to vector<1x16xf32>
        tpu.vector_store %arg13[%swap3A_468, %swap3A_469], %swap3A_472 {strides = array<i32>} : memref<64x512xf32, #tpu.memory_space<vmem>>, vector<1x16xf32>,
        %swap3A_473 = arith.index_cast %scan3A_398 : i32 to index
        %swap3A_474 = arith.constant 240 : index
        %swap3A_475 = tpu.vector_load %arg13[%swap3A_473, %swap3A_474] {strides = array<i32>} : memref<64x512xf32, #tpu.memory_space<vmem>>, vector<1x16xf32>,
        %swap3A_476 = vector.shape_cast %swap3A_475 : vector<1x16xf32> to vector<16xf32>
        %swap3A_477 = vector.shape_cast %get3A_293 : vector<16xf32> to vector<1x16xf32>
        tpu.vector_store %arg13[%swap3A_473, %swap3A_474], %swap3A_477 {strides = array<i32>} : memref<64x512xf32, #tpu.memory_space<vmem>>, vector<1x16xf32>,
        %get3A_478 = arith.index_cast %scan3A_398 : i32 to index
        %get3A_479 = arith.constant 0 : index
        %get3A_480 = tpu.vector_load %arg12[%get3A_478, %get3A_479] {strides = array<i32>} : memref<64x256xf32, #tpu.memory_space<vmem>>, vector<1x16xf32>,
        %get3A_481 = vector.shape_cast %get3A_480 : vector<1x16xf32> to vector<16xf32>
        %swap3A_482 = arith.index_cast %scan3A_398 : i32 to index
        %swap3A_483 = arith.constant 256 : index
        %swap3A_484 = tpu.vector_load %arg13[%swap3A_482, %swap3A_483] {strides = array<i32>} : memref<64x512xf32, #tpu.memory_space<vmem>>, vector<1x16xf32>,
        %swap3A_485 = vector.shape_cast %swap3A_484 : vector<1x16xf32> to vector<16xf32>
        %swap3A_486 = vector.shape_cast %get3A_481 : vector<16xf32> to vector<1x16xf32>
        tpu.vector_store %arg13[%swap3A_482, %swap3A_483], %swap3A_486 {strides = array<i32>} : memref<64x512xf32, #tpu.memory_space<vmem>>, vector<1x16xf32>,
        %get3A_487 = arith.index_cast %scan3A_398 : i32 to index
        %get3A_488 = arith.constant 16 : index
        %get3A_489 = tpu.vector_load %arg12[%get3A_487, %get3A_488] {strides = array<i32>} : memref<64x256xf32, #tpu.memory_space<vmem>>, vector<1x16xf32>,
        %get3A_490 = vector.shape_cast %get3A_489 : vector<1x16xf32> to vector<16xf32>
        %swap3A_491 = arith.index_cast %scan3A_398 : i32 to index
        %swap3A_492 = arith.constant 272 : index
        %swap3A_493 = tpu.vector_load %arg13[%swap3A_491, %swap3A_492] {strides = array<i32>} : memref<64x512xf32, #tpu.memory_space<vmem>>, vector<1x16xf32>,
        %swap3A_494 = vector.shape_cast %swap3A_493 : vector<1x16xf32> to vector<16xf32>
        %swap3A_495 = vector.shape_cast %get3A_490 : vector<16xf32> to vector<1x16xf32>
        tpu.vector_store %arg13[%swap3A_491, %swap3A_492], %swap3A_495 {strides = array<i32>} : memref<64x512xf32, #tpu.memory_space<vmem>>, vector<1x16xf32>,
        %get3A_496 = arith.index_cast %scan3A_398 : i32 to index
        %get3A_497 = arith.constant 32 : index
        %get3A_498 = tpu.vector_load %arg12[%get3A_496, %get3A_497] {strides = array<i32>} : memref<64x256xf32, #tpu.memory_space<vmem>>, vector<1x16xf32>,
        %get3A_499 = vector.shape_cast %get3A_498 : vector<1x16xf32> to vector<16xf32>
        %swap3A_500 = arith.index_cast %scan3A_398 : i32 to index
        %swap3A_501 = arith.constant 288 : index
        %swap3A_502 = tpu.vector_load %arg13[%swap3A_500, %swap3A_501] {strides = array<i32>} : memref<64x512xf32, #tpu.memory_space<vmem>>, vector<1x16xf32>,
        %swap3A_503 = vector.shape_cast %swap3A_502 : vector<1x16xf32> to vector<16xf32>
        %swap3A_504 = vector.shape_cast %get3A_499 : vector<16xf32> to vector<1x16xf32>
        tpu.vector_store %arg13[%swap3A_500, %swap3A_501], %swap3A_504 {strides = array<i32>} : memref<64x512xf32, #tpu.memory_space<vmem>>, vector<1x16xf32>,
        %get3A_505 = arith.index_cast %scan3A_398 : i32 to index
        %get3A_506 = arith.constant 48 : index
        %get3A_507 = tpu.vector_load %arg12[%get3A_505, %get3A_506] {strides = array<i32>} : memref<64x256xf32, #tpu.memory_space<vmem>>, vector<1x16xf32>,
        %get3A_508 = vector.shape_cast %get3A_507 : vector<1x16xf32> to vector<16xf32>
        %swap3A_509 = arith.index_cast %scan3A_398 : i32 to index
        %swap3A_510 = arith.constant 304 : index
        %swap3A_511 = tpu.vector_load %arg13[%swap3A_509, %swap3A_510] {strides = array<i32>} : memref<64x512xf32, #tpu.memory_space<vmem>>, vector<1x16xf32>,
        %swap3A_512 = vector.shape_cast %swap3A_511 : vector<1x16xf32> to vector<16xf32>
        %swap3A_513 = vector.shape_cast %get3A_508 : vector<16xf32> to vector<1x16xf32>
        tpu.vector_store %arg13[%swap3A_509, %swap3A_510], %swap3A_513 {strides = array<i32>} : memref<64x512xf32, #tpu.memory_space<vmem>>, vector<1x16xf32>,
        %get3A_514 = arith.index_cast %scan3A_398 : i32 to index
        %get3A_515 = arith.constant 64 : index
        %get3A_516 = tpu.vector_load %arg12[%get3A_514, %get3A_515] {strides = array<i32>} : memref<64x256xf32, #tpu.memory_space<vmem>>, vector<1x16xf32>,
        %get3A_517 = vector.shape_cast %get3A_516 : vector<1x16xf32> to vector<16xf32>
        %swap3A_518 = arith.index_cast %scan3A_398 : i32 to index
        %swap3A_519 = arith.constant 320 : index
        %swap3A_520 = tpu.vector_load %arg13[%swap3A_518, %swap3A_519] {strides = array<i32>} : memref<64x512xf32, #tpu.memory_space<vmem>>, vector<1x16xf32>,
        %swap3A_521 = vector.shape_cast %swap3A_520 : vector<1x16xf32> to vector<16xf32>
        %swap3A_522 = vector.shape_cast %get3A_517 : vector<16xf32> to vector<1x16xf32>
        tpu.vector_store %arg13[%swap3A_518, %swap3A_519], %swap3A_522 {strides = array<i32>} : memref<64x512xf32, #tpu.memory_space<vmem>>, vector<1x16xf32>,
        %get3A_523 = arith.index_cast %scan3A_398 : i32 to index
        %get3A_524 = arith.constant 80 : index
        %get3A_525 = tpu.vector_load %arg12[%get3A_523, %get3A_524] {strides = array<i32>} : memref<64x256xf32, #tpu.memory_space<vmem>>, vector<1x16xf32>,
        %get3A_526 = vector.shape_cast %get3A_525 : vector<1x16xf32> to vector<16xf32>
        %swap3A_527 = arith.index_cast %scan3A_398 : i32 to index
        %swap3A_528 = arith.constant 336 : index
        %swap3A_529 = tpu.vector_load %arg13[%swap3A_527, %swap3A_528] {strides = array<i32>} : memref<64x512xf32, #tpu.memory_space<vmem>>, vector<1x16xf32>,
        %swap3A_530 = vector.shape_cast %swap3A_529 : vector<1x16xf32> to vector<16xf32>
        %swap3A_531 = vector.shape_cast %get3A_526 : vector<16xf32> to vector<1x16xf32>
        tpu.vector_store %arg13[%swap3A_527, %swap3A_528], %swap3A_531 {strides = array<i32>} : memref<64x512xf32, #tpu.memory_space<vmem>>, vector<1x16xf32>,
        %get3A_532 = arith.index_cast %scan3A_398 : i32 to index
        %get3A_533 = arith.constant 96 : index
        %get3A_534 = tpu.vector_load %arg12[%get3A_532, %get3A_533] {strides = array<i32>} : memref<64x256xf32, #tpu.memory_space<vmem>>, vector<1x16xf32>,
        %get3A_535 = vector.shape_cast %get3A_534 : vector<1x16xf32> to vector<16xf32>
        %swap3A_536 = arith.index_cast %scan3A_398 : i32 to index
        %swap3A_537 = arith.constant 352 : index
        %swap3A_538 = tpu.vector_load %arg13[%swap3A_536, %swap3A_537] {strides = array<i32>} : memref<64x512xf32, #tpu.memory_space<vmem>>, vector<1x16xf32>,
        %swap3A_539 = vector.shape_cast %swap3A_538 : vector<1x16xf32> to vector<16xf32>
        %swap3A_540 = vector.shape_cast %get3A_535 : vector<16xf32> to vector<1x16xf32>
        tpu.vector_store %arg13[%swap3A_536, %swap3A_537], %swap3A_540 {strides = array<i32>} : memref<64x512xf32, #tpu.memory_space<vmem>>, vector<1x16xf32>,
        %get3A_541 = arith.index_cast %scan3A_398 : i32 to index
        %get3A_542 = arith.constant 112 : index
        %get3A_543 = tpu.vector_load %arg12[%get3A_541, %get3A_542] {strides = array<i32>} : memref<64x256xf32, #tpu.memory_space<vmem>>, vector<1x16xf32>,
        %get3A_544 = vector.shape_cast %get3A_543 : vector<1x16xf32> to vector<16xf32>
        %swap3A_545 = arith.index_cast %scan3A_398 : i32 to index
        %swap3A_546 = arith.constant 368 : index
        %swap3A_547 = tpu.vector_load %arg13[%swap3A_545, %swap3A_546] {strides = array<i32>} : memref<64x512xf32, #tpu.memory_space<vmem>>, vector<1x16xf32>,
        %swap3A_548 = vector.shape_cast %swap3A_547 : vector<1x16xf32> to vector<16xf32>
        %swap3A_549 = vector.shape_cast %get3A_544 : vector<16xf32> to vector<1x16xf32>
        tpu.vector_store %arg13[%swap3A_545, %swap3A_546], %swap3A_549 {strides = array<i32>} : memref<64x512xf32, #tpu.memory_space<vmem>>, vector<1x16xf32>,
        %get3A_550 = arith.index_cast %scan3A_398 : i32 to index
        %get3A_551 = arith.constant 128 : index
        %get3A_552 = tpu.vector_load %arg12[%get3A_550, %get3A_551] {strides = array<i32>} : memref<64x256xf32, #tpu.memory_space<vmem>>, vector<1x16xf32>,
        %get3A_553 = vector.shape_cast %get3A_552 : vector<1x16xf32> to vector<16xf32>
        %swap3A_554 = arith.index_cast %scan3A_398 : i32 to index
        %swap3A_555 = arith.constant 384 : index
        %swap3A_556 = tpu.vector_load %arg13[%swap3A_554, %swap3A_555] {strides = array<i32>} : memref<64x512xf32, #tpu.memory_space<vmem>>, vector<1x16xf32>,
        %swap3A_557 = vector.shape_cast %swap3A_556 : vector<1x16xf32> to vector<16xf32>
        %swap3A_558 = vector.shape_cast %get3A_553 : vector<16xf32> to vector<1x16xf32>
        tpu.vector_store %arg13[%swap3A_554, %swap3A_555], %swap3A_558 {strides = array<i32>} : memref<64x512xf32, #tpu.memory_space<vmem>>, vector<1x16xf32>,
        %get3A_559 = arith.index_cast %scan3A_398 : i32 to index
        %get3A_560 = arith.constant 144 : index
        %get3A_561 = tpu.vector_load %arg12[%get3A_559, %get3A_560] {strides = array<i32>} : memref<64x256xf32, #tpu.memory_space<vmem>>, vector<1x16xf32>,
        %get3A_562 = vector.shape_cast %get3A_561 : vector<1x16xf32> to vector<16xf32>
        %swap3A_563 = arith.index_cast %scan3A_398 : i32 to index
        %swap3A_564 = arith.constant 400 : index
        %swap3A_565 = tpu.vector_load %arg13[%swap3A_563, %swap3A_564] {strides = array<i32>} : memref<64x512xf32, #tpu.memory_space<vmem>>, vector<1x16xf32>,
        %swap3A_566 = vector.shape_cast %swap3A_565 : vector<1x16xf32> to vector<16xf32>
        %swap3A_567 = vector.shape_cast %get3A_562 : vector<16xf32> to vector<1x16xf32>
        tpu.vector_store %arg13[%swap3A_563, %swap3A_564], %swap3A_567 {strides = array<i32>} : memref<64x512xf32, #tpu.memory_space<vmem>>, vector<1x16xf32>,
        %get3A_568 = arith.index_cast %scan3A_398 : i32 to index
        %get3A_569 = arith.constant 160 : index
        %get3A_570 = tpu.vector_load %arg12[%get3A_568, %get3A_569] {strides = array<i32>} : memref<64x256xf32, #tpu.memory_space<vmem>>, vector<1x16xf32>,
        %get3A_571 = vector.shape_cast %get3A_570 : vector<1x16xf32> to vector<16xf32>
        %swap3A_572 = arith.index_cast %scan3A_398 : i32 to index
        %swap3A_573 = arith.constant 416 : index
        %swap3A_574 = tpu.vector_load %arg13[%swap3A_572, %swap3A_573] {strides = array<i32>} : memref<64x512xf32, #tpu.memory_space<vmem>>, vector<1x16xf32>,
        %swap3A_575 = vector.shape_cast %swap3A_574 : vector<1x16xf32> to vector<16xf32>
        %swap3A_576 = vector.shape_cast %get3A_571 : vector<16xf32> to vector<1x16xf32>
        tpu.vector_store %arg13[%swap3A_572, %swap3A_573], %swap3A_576 {strides = array<i32>} : memref<64x512xf32, #tpu.memory_space<vmem>>, vector<1x16xf32>,
        %get3A_577 = arith.index_cast %scan3A_398 : i32 to index
        %get3A_578 = arith.constant 176 : index
        %get3A_579 = tpu.vector_load %arg12[%get3A_577, %get3A_578] {strides = array<i32>} : memref<64x256xf32, #tpu.memory_space<vmem>>, vector<1x16xf32>,
        %get3A_580 = vector.shape_cast %get3A_579 : vector<1x16xf32> to vector<16xf32>
        %swap3A_581 = arith.index_cast %scan3A_398 : i32 to index
        %swap3A_582 = arith.constant 432 : index
        %swap3A_583 = tpu.vector_load %arg13[%swap3A_581, %swap3A_582] {strides = array<i32>} : memref<64x512xf32, #tpu.memory_space<vmem>>, vector<1x16xf32>,
        %swap3A_584 = vector.shape_cast %swap3A_583 : vector<1x16xf32> to vector<16xf32>
        %swap3A_585 = vector.shape_cast %get3A_580 : vector<16xf32> to vector<1x16xf32>
        tpu.vector_store %arg13[%swap3A_581, %swap3A_582], %swap3A_585 {strides = array<i32>} : memref<64x512xf32, #tpu.memory_space<vmem>>, vector<1x16xf32>,
        %get3A_586 = arith.index_cast %scan3A_398 : i32 to index
        %get3A_587 = arith.constant 192 : index
        %get3A_588 = tpu.vector_load %arg12[%get3A_586, %get3A_587] {strides = array<i32>} : memref<64x256xf32, #tpu.memory_space<vmem>>, vector<1x16xf32>,
        %get3A_589 = vector.shape_cast %get3A_588 : vector<1x16xf32> to vector<16xf32>
        %swap3A_590 = arith.index_cast %scan3A_398 : i32 to index
        %swap3A_591 = arith.constant 448 : index
        %swap3A_592 = tpu.vector_load %arg13[%swap3A_590, %swap3A_591] {strides = array<i32>} : memref<64x512xf32, #tpu.memory_space<vmem>>, vector<1x16xf32>,
        %swap3A_593 = vector.shape_cast %swap3A_592 : vector<1x16xf32> to vector<16xf32>
        %swap3A_594 = vector.shape_cast %get3A_589 : vector<16xf32> to vector<1x16xf32>
        tpu.vector_store %arg13[%swap3A_590, %swap3A_591], %swap3A_594 {strides = array<i32>} : memref<64x512xf32, #tpu.memory_space<vmem>>, vector<1x16xf32>,
        %get3A_595 = arith.index_cast %scan3A_398 : i32 to index
        %get3A_596 = arith.constant 208 : index
        %get3A_597 = tpu.vector_load %arg12[%get3A_595, %get3A_596] {strides = array<i32>} : memref<64x256xf32, #tpu.memory_space<vmem>>, vector<1x16xf32>,
        %get3A_598 = vector.shape_cast %get3A_597 : vector<1x16xf32> to vector<16xf32>
        %swap3A_599 = arith.index_cast %scan3A_398 : i32 to index
        %swap3A_600 = arith.constant 464 : index
        %swap3A_601 = tpu.vector_load %arg13[%swap3A_599, %swap3A_600] {strides = array<i32>} : memref<64x512xf32, #tpu.memory_space<vmem>>, vector<1x16xf32>,
        %swap3A_602 = vector.shape_cast %swap3A_601 : vector<1x16xf32> to vector<16xf32>
        %swap3A_603 = vector.shape_cast %get3A_598 : vector<16xf32> to vector<1x16xf32>
        tpu.vector_store %arg13[%swap3A_599, %swap3A_600], %swap3A_603 {strides = array<i32>} : memref<64x512xf32, #tpu.memory_space<vmem>>, vector<1x16xf32>,
        %get3A_604 = arith.index_cast %scan3A_398 : i32 to index
        %get3A_605 = arith.constant 224 : index
        %get3A_606 = tpu.vector_load %arg12[%get3A_604, %get3A_605] {strides = array<i32>} : memref<64x256xf32, #tpu.memory_space<vmem>>, vector<1x16xf32>,
        %get3A_607 = vector.shape_cast %get3A_606 : vector<1x16xf32> to vector<16xf32>
        %swap3A_608 = arith.index_cast %scan3A_398 : i32 to index
        %swap3A_609 = arith.constant 480 : index
        %swap3A_610 = tpu.vector_load %arg13[%swap3A_608, %swap3A_609] {strides = array<i32>} : memref<64x512xf32, #tpu.memory_space<vmem>>, vector<1x16xf32>,
        %swap3A_611 = vector.shape_cast %swap3A_610 : vector<1x16xf32> to vector<16xf32>
        %swap3A_612 = vector.shape_cast %get3A_607 : vector<16xf32> to vector<1x16xf32>
        tpu.vector_store %arg13[%swap3A_608, %swap3A_609], %swap3A_612 {strides = array<i32>} : memref<64x512xf32, #tpu.memory_space<vmem>>, vector<1x16xf32>,
        %get3A_613 = arith.index_cast %scan3A_398 : i32 to index
        %get3A_614 = arith.constant 240 : index
        %get3A_615 = tpu.vector_load %arg12[%get3A_613, %get3A_614] {strides = array<i32>} : memref<64x256xf32, #tpu.memory_space<vmem>>, vector<1x16xf32>,
        %get3A_616 = vector.shape_cast %get3A_615 : vector<1x16xf32> to vector<16xf32>
        %swap3A_617 = arith.index_cast %scan3A_398 : i32 to index
        %swap3A_618 = arith.constant 496 : index
        %swap3A_619 = tpu.vector_load %arg13[%swap3A_617, %swap3A_618] {strides = array<i32>} : memref<64x512xf32, #tpu.memory_space<vmem>>, vector<1x16xf32>,
        %swap3A_620 = vector.shape_cast %swap3A_619 : vector<1x16xf32> to vector<16xf32>
        %swap3A_621 = vector.shape_cast %get3A_616 : vector<16xf32> to vector<1x16xf32>
        tpu.vector_store %arg13[%swap3A_617, %swap3A_618], %swap3A_621 {strides = array<i32>} : memref<64x512xf32, #tpu.memory_space<vmem>>, vector<1x16xf32>,
      }
      %scan3A_299 = arith.constant 64 : i32
      %mul3A_300 = arith.constant 4 : i32
      %mul3A_301 = arith.muli %arg1, %mul3A_300 : i32
      %add3A_302 = arith.constant 2 : i32
      %add3A_303 = arith.addi %mul3A_301, %add3A_302 : i32
      %mul3A_304 = arith.constant 64 : i32
      %mul3A_305 = arith.muli %add3A_303, %mul3A_304 : i32
      "tpu.region"() ({
        %run_scoped3A = tpu.sem_alloc : memref<!tpu.dma_semaphore, #tpu.memory_space<semaphore_mem>>
        %dma_start3A = arith.constant 0 : i32
        %dma_start3A_398 = tpu.memref_slice %arg8[%mul3A_305, %dma_start3A] : memref<4096x512xf32, #tpu.memory_space<hbm>> -> memref<64x512xf32, #tpu.memory_space<hbm>>
        %dma_start3A_399 = arith.constant 0 : i32
        %dma_start3A_400 = tpu.memref_slice %arg8[%mul3A_305, %dma_start3A_399] : memref<4096x512xf32, #tpu.memory_space<hbm>> -> memref<64x512xf32, #tpu.memory_space<hbm>>
        tpu.enqueue_dma source(%arg13 : memref<64x512xf32, #tpu.memory_space<vmem>>) target(%dma_start3A_400 : memref<64x512xf32, #tpu.memory_space<hbm>>) target_semaphore(%run_scoped3A : memref<!tpu.dma_semaphore, #tpu.memory_space<semaphore_mem>>)
        %dma_wait3A = arith.constant 0 : i32
        %dma_wait3A_401 = tpu.memref_slice %arg8[%mul3A_305, %dma_wait3A] : memref<4096x512xf32, #tpu.memory_space<hbm>> -> memref<64x512xf32, #tpu.memory_space<hbm>>
        %dma_wait3A_402 = arith.constant 0 : i32
        %dma_wait3A_403 = tpu.memref_slice %arg8[%mul3A_305, %dma_wait3A_402] : memref<4096x512xf32, #tpu.memory_space<hbm>> -> memref<64x512xf32, #tpu.memory_space<hbm>>
        tpu.wait_dma2 semaphore(%run_scoped3A : memref<!tpu.dma_semaphore, #tpu.memory_space<semaphore_mem>>) src(%arg13 : memref<64x512xf32, #tpu.memory_space<vmem>>) dst(%dma_wait3A_403 : memref<64x512xf32, #tpu.memory_space<hbm>>)
        tpu.yield
      }) : () -> ()
      %get3A_306 = arith.constant 3 : i32
      %get3A_307 = arith.index_cast %get3A_306 : i32 to index
      %get3A_308 = arith.constant 0 : index
      %get3A_309 = tpu.vector_load %arg11[%get3A_307, %get3A_308] {strides = array<i32>} : memref<4x256xf32, #tpu.memory_space<vmem>>, vector<1x16xf32>,
      %get3A_310 = vector.shape_cast %get3A_309 : vector<1x16xf32> to vector<16xf32>
      %get3A_311 = arith.constant 3 : i32
      %get3A_312 = arith.index_cast %get3A_311 : i32 to index
      %get3A_313 = arith.constant 16 : index
      %get3A_314 = tpu.vector_load %arg11[%get3A_312, %get3A_313] {strides = array<i32>} : memref<4x256xf32, #tpu.memory_space<vmem>>, vector<1x16xf32>,
      %get3A_315 = vector.shape_cast %get3A_314 : vector<1x16xf32> to vector<16xf32>
      %get3A_316 = arith.constant 3 : i32
      %get3A_317 = arith.index_cast %get3A_316 : i32 to index
      %get3A_318 = arith.constant 32 : index
      %get3A_319 = tpu.vector_load %arg11[%get3A_317, %get3A_318] {strides = array<i32>} : memref<4x256xf32, #tpu.memory_space<vmem>>, vector<1x16xf32>,
      %get3A_320 = vector.shape_cast %get3A_319 : vector<1x16xf32> to vector<16xf32>
      %get3A_321 = arith.constant 3 : i32
      %get3A_322 = arith.index_cast %get3A_321 : i32 to index
      %get3A_323 = arith.constant 48 : index
      %get3A_324 = tpu.vector_load %arg11[%get3A_322, %get3A_323] {strides = array<i32>} : memref<4x256xf32, #tpu.memory_space<vmem>>, vector<1x16xf32>,
      %get3A_325 = vector.shape_cast %get3A_324 : vector<1x16xf32> to vector<16xf32>
      %get3A_326 = arith.constant 3 : i32
      %get3A_327 = arith.index_cast %get3A_326 : i32 to index
      %get3A_328 = arith.constant 64 : index
      %get3A_329 = tpu.vector_load %arg11[%get3A_327, %get3A_328] {strides = array<i32>} : memref<4x256xf32, #tpu.memory_space<vmem>>, vector<1x16xf32>,
      %get3A_330 = vector.shape_cast %get3A_329 : vector<1x16xf32> to vector<16xf32>
      %get3A_331 = arith.constant 3 : i32
      %get3A_332 = arith.index_cast %get3A_331 : i32 to index
      %get3A_333 = arith.constant 80 : index
      %get3A_334 = tpu.vector_load %arg11[%get3A_332, %get3A_333] {strides = array<i32>} : memref<4x256xf32, #tpu.memory_space<vmem>>, vector<1x16xf32>,
      %get3A_335 = vector.shape_cast %get3A_334 : vector<1x16xf32> to vector<16xf32>
      %get3A_336 = arith.constant 3 : i32
      %get3A_337 = arith.index_cast %get3A_336 : i32 to index
      %get3A_338 = arith.constant 96 : index
      %get3A_339 = tpu.vector_load %arg11[%get3A_337, %get3A_338] {strides = array<i32>} : memref<4x256xf32, #tpu.memory_space<vmem>>, vector<1x16xf32>,
      %get3A_340 = vector.shape_cast %get3A_339 : vector<1x16xf32> to vector<16xf32>
      %get3A_341 = arith.constant 3 : i32
      %get3A_342 = arith.index_cast %get3A_341 : i32 to index
      %get3A_343 = arith.constant 112 : index
      %get3A_344 = tpu.vector_load %arg11[%get3A_342, %get3A_343] {strides = array<i32>} : memref<4x256xf32, #tpu.memory_space<vmem>>, vector<1x16xf32>,
      %get3A_345 = vector.shape_cast %get3A_344 : vector<1x16xf32> to vector<16xf32>
      %get3A_346 = arith.constant 3 : i32
      %get3A_347 = arith.index_cast %get3A_346 : i32 to index
      %get3A_348 = arith.constant 128 : index
      %get3A_349 = tpu.vector_load %arg11[%get3A_347, %get3A_348] {strides = array<i32>} : memref<4x256xf32, #tpu.memory_space<vmem>>, vector<1x16xf32>,
      %get3A_350 = vector.shape_cast %get3A_349 : vector<1x16xf32> to vector<16xf32>
      %get3A_351 = arith.constant 3 : i32
      %get3A_352 = arith.index_cast %get3A_351 : i32 to index
      %get3A_353 = arith.constant 144 : index
      %get3A_354 = tpu.vector_load %arg11[%get3A_352, %get3A_353] {strides = array<i32>} : memref<4x256xf32, #tpu.memory_space<vmem>>, vector<1x16xf32>,
      %get3A_355 = vector.shape_cast %get3A_354 : vector<1x16xf32> to vector<16xf32>
      %get3A_356 = arith.constant 3 : i32
      %get3A_357 = arith.index_cast %get3A_356 : i32 to index
      %get3A_358 = arith.constant 160 : index
      %get3A_359 = tpu.vector_load %arg11[%get3A_357, %get3A_358] {strides = array<i32>} : memref<4x256xf32, #tpu.memory_space<vmem>>, vector<1x16xf32>,
      %get3A_360 = vector.shape_cast %get3A_359 : vector<1x16xf32> to vector<16xf32>
      %get3A_361 = arith.constant 3 : i32
      %get3A_362 = arith.index_cast %get3A_361 : i32 to index
      %get3A_363 = arith.constant 176 : index
      %get3A_364 = tpu.vector_load %arg11[%get3A_362, %get3A_363] {strides = array<i32>} : memref<4x256xf32, #tpu.memory_space<vmem>>, vector<1x16xf32>,
      %get3A_365 = vector.shape_cast %get3A_364 : vector<1x16xf32> to vector<16xf32>
      %get3A_366 = arith.constant 3 : i32
      %get3A_367 = arith.index_cast %get3A_366 : i32 to index
      %get3A_368 = arith.constant 192 : index
      %get3A_369 = tpu.vector_load %arg11[%get3A_367, %get3A_368] {strides = array<i32>} : memref<4x256xf32, #tpu.memory_space<vmem>>, vector<1x16xf32>,
      %get3A_370 = vector.shape_cast %get3A_369 : vector<1x16xf32> to vector<16xf32>
      %get3A_371 = arith.constant 3 : i32
      %get3A_372 = arith.index_cast %get3A_371 : i32 to index
      %get3A_373 = arith.constant 208 : index
      %get3A_374 = tpu.vector_load %arg11[%get3A_372, %get3A_373] {strides = array<i32>} : memref<4x256xf32, #tpu.memory_space<vmem>>, vector<1x16xf32>,
      %get3A_375 = vector.shape_cast %get3A_374 : vector<1x16xf32> to vector<16xf32>
      %get3A_376 = arith.constant 3 : i32
      %get3A_377 = arith.index_cast %get3A_376 : i32 to index
      %get3A_378 = arith.constant 224 : index
      %get3A_379 = tpu.vector_load %arg11[%get3A_377, %get3A_378] {strides = array<i32>} : memref<4x256xf32, #tpu.memory_space<vmem>>, vector<1x16xf32>,
      %get3A_380 = vector.shape_cast %get3A_379 : vector<1x16xf32> to vector<16xf32>
      %get3A_381 = arith.constant 3 : i32
      %get3A_382 = arith.index_cast %get3A_381 : i32 to index
      %get3A_383 = arith.constant 240 : index
      %get3A_384 = tpu.vector_load %arg11[%get3A_382, %get3A_383] {strides = array<i32>} : memref<4x256xf32, #tpu.memory_space<vmem>>, vector<1x16xf32>,
      %get3A_385 = vector.shape_cast %get3A_384 : vector<1x16xf32> to vector<16xf32>
      %scan3A_386 = arith.constant 0 : i32
      %scan3A_387 = arith.constant 0 : i32
      %scan3A_388 = arith.constant 64 : i32
      %scan3A_389 = arith.addi %scan3A_387, %scan3A_388 : i32
      %scan3A_390 = arith.constant 1 : i32
      scf.for %scan3A_398 = %scan3A_387 to %scan3A_389 step %scan3A_390  : i32 {
        %swap3A = arith.index_cast %scan3A_398 : i32 to index
        %swap3A_399 = arith.constant 0 : index
        %swap3A_400 = tpu.vector_load %arg13[%swap3A, %swap3A_399] {strides = array<i32>} : memref<64x512xf32, #tpu.memory_space<vmem>>, vector<1x16xf32>,
        %swap3A_401 = vector.shape_cast %swap3A_400 : vector<1x16xf32> to vector<16xf32>
        %swap3A_402 = vector.shape_cast %get3A_310 : vector<16xf32> to vector<1x16xf32>
        tpu.vector_store %arg13[%swap3A, %swap3A_399], %swap3A_402 {strides = array<i32>} : memref<64x512xf32, #tpu.memory_space<vmem>>, vector<1x16xf32>,
        %swap3A_403 = arith.index_cast %scan3A_398 : i32 to index
        %swap3A_404 = arith.constant 16 : index
        %swap3A_405 = tpu.vector_load %arg13[%swap3A_403, %swap3A_404] {strides = array<i32>} : memref<64x512xf32, #tpu.memory_space<vmem>>, vector<1x16xf32>,
        %swap3A_406 = vector.shape_cast %swap3A_405 : vector<1x16xf32> to vector<16xf32>
        %swap3A_407 = vector.shape_cast %get3A_315 : vector<16xf32> to vector<1x16xf32>
        tpu.vector_store %arg13[%swap3A_403, %swap3A_404], %swap3A_407 {strides = array<i32>} : memref<64x512xf32, #tpu.memory_space<vmem>>, vector<1x16xf32>,
        %swap3A_408 = arith.index_cast %scan3A_398 : i32 to index
        %swap3A_409 = arith.constant 32 : index
        %swap3A_410 = tpu.vector_load %arg13[%swap3A_408, %swap3A_409] {strides = array<i32>} : memref<64x512xf32, #tpu.memory_space<vmem>>, vector<1x16xf32>,
        %swap3A_411 = vector.shape_cast %swap3A_410 : vector<1x16xf32> to vector<16xf32>
        %swap3A_412 = vector.shape_cast %get3A_320 : vector<16xf32> to vector<1x16xf32>
        tpu.vector_store %arg13[%swap3A_408, %swap3A_409], %swap3A_412 {strides = array<i32>} : memref<64x512xf32, #tpu.memory_space<vmem>>, vector<1x16xf32>,
        %swap3A_413 = arith.index_cast %scan3A_398 : i32 to index
        %swap3A_414 = arith.constant 48 : index
        %swap3A_415 = tpu.vector_load %arg13[%swap3A_413, %swap3A_414] {strides = array<i32>} : memref<64x512xf32, #tpu.memory_space<vmem>>, vector<1x16xf32>,
        %swap3A_416 = vector.shape_cast %swap3A_415 : vector<1x16xf32> to vector<16xf32>
        %swap3A_417 = vector.shape_cast %get3A_325 : vector<16xf32> to vector<1x16xf32>
        tpu.vector_store %arg13[%swap3A_413, %swap3A_414], %swap3A_417 {strides = array<i32>} : memref<64x512xf32, #tpu.memory_space<vmem>>, vector<1x16xf32>,
        %swap3A_418 = arith.index_cast %scan3A_398 : i32 to index
        %swap3A_419 = arith.constant 64 : index
        %swap3A_420 = tpu.vector_load %arg13[%swap3A_418, %swap3A_419] {strides = array<i32>} : memref<64x512xf32, #tpu.memory_space<vmem>>, vector<1x16xf32>,
        %swap3A_421 = vector.shape_cast %swap3A_420 : vector<1x16xf32> to vector<16xf32>
        %swap3A_422 = vector.shape_cast %get3A_330 : vector<16xf32> to vector<1x16xf32>
        tpu.vector_store %arg13[%swap3A_418, %swap3A_419], %swap3A_422 {strides = array<i32>} : memref<64x512xf32, #tpu.memory_space<vmem>>, vector<1x16xf32>,
        %swap3A_423 = arith.index_cast %scan3A_398 : i32 to index
        %swap3A_424 = arith.constant 80 : index
        %swap3A_425 = tpu.vector_load %arg13[%swap3A_423, %swap3A_424] {strides = array<i32>} : memref<64x512xf32, #tpu.memory_space<vmem>>, vector<1x16xf32>,
        %swap3A_426 = vector.shape_cast %swap3A_425 : vector<1x16xf32> to vector<16xf32>
        %swap3A_427 = vector.shape_cast %get3A_335 : vector<16xf32> to vector<1x16xf32>
        tpu.vector_store %arg13[%swap3A_423, %swap3A_424], %swap3A_427 {strides = array<i32>} : memref<64x512xf32, #tpu.memory_space<vmem>>, vector<1x16xf32>,
        %swap3A_428 = arith.index_cast %scan3A_398 : i32 to index
        %swap3A_429 = arith.constant 96 : index
        %swap3A_430 = tpu.vector_load %arg13[%swap3A_428, %swap3A_429] {strides = array<i32>} : memref<64x512xf32, #tpu.memory_space<vmem>>, vector<1x16xf32>,
        %swap3A_431 = vector.shape_cast %swap3A_430 : vector<1x16xf32> to vector<16xf32>
        %swap3A_432 = vector.shape_cast %get3A_340 : vector<16xf32> to vector<1x16xf32>
        tpu.vector_store %arg13[%swap3A_428, %swap3A_429], %swap3A_432 {strides = array<i32>} : memref<64x512xf32, #tpu.memory_space<vmem>>, vector<1x16xf32>,
        %swap3A_433 = arith.index_cast %scan3A_398 : i32 to index
        %swap3A_434 = arith.constant 112 : index
        %swap3A_435 = tpu.vector_load %arg13[%swap3A_433, %swap3A_434] {strides = array<i32>} : memref<64x512xf32, #tpu.memory_space<vmem>>, vector<1x16xf32>,
        %swap3A_436 = vector.shape_cast %swap3A_435 : vector<1x16xf32> to vector<16xf32>
        %swap3A_437 = vector.shape_cast %get3A_345 : vector<16xf32> to vector<1x16xf32>
        tpu.vector_store %arg13[%swap3A_433, %swap3A_434], %swap3A_437 {strides = array<i32>} : memref<64x512xf32, #tpu.memory_space<vmem>>, vector<1x16xf32>,
        %swap3A_438 = arith.index_cast %scan3A_398 : i32 to index
        %swap3A_439 = arith.constant 128 : index
        %swap3A_440 = tpu.vector_load %arg13[%swap3A_438, %swap3A_439] {strides = array<i32>} : memref<64x512xf32, #tpu.memory_space<vmem>>, vector<1x16xf32>,
        %swap3A_441 = vector.shape_cast %swap3A_440 : vector<1x16xf32> to vector<16xf32>
        %swap3A_442 = vector.shape_cast %get3A_350 : vector<16xf32> to vector<1x16xf32>
        tpu.vector_store %arg13[%swap3A_438, %swap3A_439], %swap3A_442 {strides = array<i32>} : memref<64x512xf32, #tpu.memory_space<vmem>>, vector<1x16xf32>,
        %swap3A_443 = arith.index_cast %scan3A_398 : i32 to index
        %swap3A_444 = arith.constant 144 : index
        %swap3A_445 = tpu.vector_load %arg13[%swap3A_443, %swap3A_444] {strides = array<i32>} : memref<64x512xf32, #tpu.memory_space<vmem>>, vector<1x16xf32>,
        %swap3A_446 = vector.shape_cast %swap3A_445 : vector<1x16xf32> to vector<16xf32>
        %swap3A_447 = vector.shape_cast %get3A_355 : vector<16xf32> to vector<1x16xf32>
        tpu.vector_store %arg13[%swap3A_443, %swap3A_444], %swap3A_447 {strides = array<i32>} : memref<64x512xf32, #tpu.memory_space<vmem>>, vector<1x16xf32>,
        %swap3A_448 = arith.index_cast %scan3A_398 : i32 to index
        %swap3A_449 = arith.constant 160 : index
        %swap3A_450 = tpu.vector_load %arg13[%swap3A_448, %swap3A_449] {strides = array<i32>} : memref<64x512xf32, #tpu.memory_space<vmem>>, vector<1x16xf32>,
        %swap3A_451 = vector.shape_cast %swap3A_450 : vector<1x16xf32> to vector<16xf32>
        %swap3A_452 = vector.shape_cast %get3A_360 : vector<16xf32> to vector<1x16xf32>
        tpu.vector_store %arg13[%swap3A_448, %swap3A_449], %swap3A_452 {strides = array<i32>} : memref<64x512xf32, #tpu.memory_space<vmem>>, vector<1x16xf32>,
        %swap3A_453 = arith.index_cast %scan3A_398 : i32 to index
        %swap3A_454 = arith.constant 176 : index
        %swap3A_455 = tpu.vector_load %arg13[%swap3A_453, %swap3A_454] {strides = array<i32>} : memref<64x512xf32, #tpu.memory_space<vmem>>, vector<1x16xf32>,
        %swap3A_456 = vector.shape_cast %swap3A_455 : vector<1x16xf32> to vector<16xf32>
        %swap3A_457 = vector.shape_cast %get3A_365 : vector<16xf32> to vector<1x16xf32>
        tpu.vector_store %arg13[%swap3A_453, %swap3A_454], %swap3A_457 {strides = array<i32>} : memref<64x512xf32, #tpu.memory_space<vmem>>, vector<1x16xf32>,
        %swap3A_458 = arith.index_cast %scan3A_398 : i32 to index
        %swap3A_459 = arith.constant 192 : index
        %swap3A_460 = tpu.vector_load %arg13[%swap3A_458, %swap3A_459] {strides = array<i32>} : memref<64x512xf32, #tpu.memory_space<vmem>>, vector<1x16xf32>,
        %swap3A_461 = vector.shape_cast %swap3A_460 : vector<1x16xf32> to vector<16xf32>
        %swap3A_462 = vector.shape_cast %get3A_370 : vector<16xf32> to vector<1x16xf32>
        tpu.vector_store %arg13[%swap3A_458, %swap3A_459], %swap3A_462 {strides = array<i32>} : memref<64x512xf32, #tpu.memory_space<vmem>>, vector<1x16xf32>,
        %swap3A_463 = arith.index_cast %scan3A_398 : i32 to index
        %swap3A_464 = arith.constant 208 : index
        %swap3A_465 = tpu.vector_load %arg13[%swap3A_463, %swap3A_464] {strides = array<i32>} : memref<64x512xf32, #tpu.memory_space<vmem>>, vector<1x16xf32>,
        %swap3A_466 = vector.shape_cast %swap3A_465 : vector<1x16xf32> to vector<16xf32>
        %swap3A_467 = vector.shape_cast %get3A_375 : vector<16xf32> to vector<1x16xf32>
        tpu.vector_store %arg13[%swap3A_463, %swap3A_464], %swap3A_467 {strides = array<i32>} : memref<64x512xf32, #tpu.memory_space<vmem>>, vector<1x16xf32>,
        %swap3A_468 = arith.index_cast %scan3A_398 : i32 to index
        %swap3A_469 = arith.constant 224 : index
        %swap3A_470 = tpu.vector_load %arg13[%swap3A_468, %swap3A_469] {strides = array<i32>} : memref<64x512xf32, #tpu.memory_space<vmem>>, vector<1x16xf32>,
        %swap3A_471 = vector.shape_cast %swap3A_470 : vector<1x16xf32> to vector<16xf32>
        %swap3A_472 = vector.shape_cast %get3A_380 : vector<16xf32> to vector<1x16xf32>
        tpu.vector_store %arg13[%swap3A_468, %swap3A_469], %swap3A_472 {strides = array<i32>} : memref<64x512xf32, #tpu.memory_space<vmem>>, vector<1x16xf32>,
        %swap3A_473 = arith.index_cast %scan3A_398 : i32 to index
        %swap3A_474 = arith.constant 240 : index
        %swap3A_475 = tpu.vector_load %arg13[%swap3A_473, %swap3A_474] {strides = array<i32>} : memref<64x512xf32, #tpu.memory_space<vmem>>, vector<1x16xf32>,
        %swap3A_476 = vector.shape_cast %swap3A_475 : vector<1x16xf32> to vector<16xf32>
        %swap3A_477 = vector.shape_cast %get3A_385 : vector<16xf32> to vector<1x16xf32>
        tpu.vector_store %arg13[%swap3A_473, %swap3A_474], %swap3A_477 {strides = array<i32>} : memref<64x512xf32, #tpu.memory_space<vmem>>, vector<1x16xf32>,
        %get3A_478 = arith.index_cast %scan3A_398 : i32 to index
        %get3A_479 = arith.constant 0 : index
        %get3A_480 = tpu.vector_load %arg12[%get3A_478, %get3A_479] {strides = array<i32>} : memref<64x256xf32, #tpu.memory_space<vmem>>, vector<1x16xf32>,
        %get3A_481 = vector.shape_cast %get3A_480 : vector<1x16xf32> to vector<16xf32>
        %swap3A_482 = arith.index_cast %scan3A_398 : i32 to index
        %swap3A_483 = arith.constant 256 : index
        %swap3A_484 = tpu.vector_load %arg13[%swap3A_482, %swap3A_483] {strides = array<i32>} : memref<64x512xf32, #tpu.memory_space<vmem>>, vector<1x16xf32>,
        %swap3A_485 = vector.shape_cast %swap3A_484 : vector<1x16xf32> to vector<16xf32>
        %swap3A_486 = vector.shape_cast %get3A_481 : vector<16xf32> to vector<1x16xf32>
        tpu.vector_store %arg13[%swap3A_482, %swap3A_483], %swap3A_486 {strides = array<i32>} : memref<64x512xf32, #tpu.memory_space<vmem>>, vector<1x16xf32>,
        %get3A_487 = arith.index_cast %scan3A_398 : i32 to index
        %get3A_488 = arith.constant 16 : index
        %get3A_489 = tpu.vector_load %arg12[%get3A_487, %get3A_488] {strides = array<i32>} : memref<64x256xf32, #tpu.memory_space<vmem>>, vector<1x16xf32>,
        %get3A_490 = vector.shape_cast %get3A_489 : vector<1x16xf32> to vector<16xf32>
        %swap3A_491 = arith.index_cast %scan3A_398 : i32 to index
        %swap3A_492 = arith.constant 272 : index
        %swap3A_493 = tpu.vector_load %arg13[%swap3A_491, %swap3A_492] {strides = array<i32>} : memref<64x512xf32, #tpu.memory_space<vmem>>, vector<1x16xf32>,
        %swap3A_494 = vector.shape_cast %swap3A_493 : vector<1x16xf32> to vector<16xf32>
        %swap3A_495 = vector.shape_cast %get3A_490 : vector<16xf32> to vector<1x16xf32>
        tpu.vector_store %arg13[%swap3A_491, %swap3A_492], %swap3A_495 {strides = array<i32>} : memref<64x512xf32, #tpu.memory_space<vmem>>, vector<1x16xf32>,
        %get3A_496 = arith.index_cast %scan3A_398 : i32 to index
        %get3A_497 = arith.constant 32 : index
        %get3A_498 = tpu.vector_load %arg12[%get3A_496, %get3A_497] {strides = array<i32>} : memref<64x256xf32, #tpu.memory_space<vmem>>, vector<1x16xf32>,
        %get3A_499 = vector.shape_cast %get3A_498 : vector<1x16xf32> to vector<16xf32>
        %swap3A_500 = arith.index_cast %scan3A_398 : i32 to index
        %swap3A_501 = arith.constant 288 : index
        %swap3A_502 = tpu.vector_load %arg13[%swap3A_500, %swap3A_501] {strides = array<i32>} : memref<64x512xf32, #tpu.memory_space<vmem>>, vector<1x16xf32>,
        %swap3A_503 = vector.shape_cast %swap3A_502 : vector<1x16xf32> to vector<16xf32>
        %swap3A_504 = vector.shape_cast %get3A_499 : vector<16xf32> to vector<1x16xf32>
        tpu.vector_store %arg13[%swap3A_500, %swap3A_501], %swap3A_504 {strides = array<i32>} : memref<64x512xf32, #tpu.memory_space<vmem>>, vector<1x16xf32>,
        %get3A_505 = arith.index_cast %scan3A_398 : i32 to index
        %get3A_506 = arith.constant 48 : index
        %get3A_507 = tpu.vector_load %arg12[%get3A_505, %get3A_506] {strides = array<i32>} : memref<64x256xf32, #tpu.memory_space<vmem>>, vector<1x16xf32>,
        %get3A_508 = vector.shape_cast %get3A_507 : vector<1x16xf32> to vector<16xf32>
        %swap3A_509 = arith.index_cast %scan3A_398 : i32 to index
        %swap3A_510 = arith.constant 304 : index
        %swap3A_511 = tpu.vector_load %arg13[%swap3A_509, %swap3A_510] {strides = array<i32>} : memref<64x512xf32, #tpu.memory_space<vmem>>, vector<1x16xf32>,
        %swap3A_512 = vector.shape_cast %swap3A_511 : vector<1x16xf32> to vector<16xf32>
        %swap3A_513 = vector.shape_cast %get3A_508 : vector<16xf32> to vector<1x16xf32>
        tpu.vector_store %arg13[%swap3A_509, %swap3A_510], %swap3A_513 {strides = array<i32>} : memref<64x512xf32, #tpu.memory_space<vmem>>, vector<1x16xf32>,
        %get3A_514 = arith.index_cast %scan3A_398 : i32 to index
        %get3A_515 = arith.constant 64 : index
        %get3A_516 = tpu.vector_load %arg12[%get3A_514, %get3A_515] {strides = array<i32>} : memref<64x256xf32, #tpu.memory_space<vmem>>, vector<1x16xf32>,
        %get3A_517 = vector.shape_cast %get3A_516 : vector<1x16xf32> to vector<16xf32>
        %swap3A_518 = arith.index_cast %scan3A_398 : i32 to index
        %swap3A_519 = arith.constant 320 : index
        %swap3A_520 = tpu.vector_load %arg13[%swap3A_518, %swap3A_519] {strides = array<i32>} : memref<64x512xf32, #tpu.memory_space<vmem>>, vector<1x16xf32>,
        %swap3A_521 = vector.shape_cast %swap3A_520 : vector<1x16xf32> to vector<16xf32>
        %swap3A_522 = vector.shape_cast %get3A_517 : vector<16xf32> to vector<1x16xf32>
        tpu.vector_store %arg13[%swap3A_518, %swap3A_519], %swap3A_522 {strides = array<i32>} : memref<64x512xf32, #tpu.memory_space<vmem>>, vector<1x16xf32>,
        %get3A_523 = arith.index_cast %scan3A_398 : i32 to index
        %get3A_524 = arith.constant 80 : index
        %get3A_525 = tpu.vector_load %arg12[%get3A_523, %get3A_524] {strides = array<i32>} : memref<64x256xf32, #tpu.memory_space<vmem>>, vector<1x16xf32>,
        %get3A_526 = vector.shape_cast %get3A_525 : vector<1x16xf32> to vector<16xf32>
        %swap3A_527 = arith.index_cast %scan3A_398 : i32 to index
        %swap3A_528 = arith.constant 336 : index
        %swap3A_529 = tpu.vector_load %arg13[%swap3A_527, %swap3A_528] {strides = array<i32>} : memref<64x512xf32, #tpu.memory_space<vmem>>, vector<1x16xf32>,
        %swap3A_530 = vector.shape_cast %swap3A_529 : vector<1x16xf32> to vector<16xf32>
        %swap3A_531 = vector.shape_cast %get3A_526 : vector<16xf32> to vector<1x16xf32>
        tpu.vector_store %arg13[%swap3A_527, %swap3A_528], %swap3A_531 {strides = array<i32>} : memref<64x512xf32, #tpu.memory_space<vmem>>, vector<1x16xf32>,
        %get3A_532 = arith.index_cast %scan3A_398 : i32 to index
        %get3A_533 = arith.constant 96 : index
        %get3A_534 = tpu.vector_load %arg12[%get3A_532, %get3A_533] {strides = array<i32>} : memref<64x256xf32, #tpu.memory_space<vmem>>, vector<1x16xf32>,
        %get3A_535 = vector.shape_cast %get3A_534 : vector<1x16xf32> to vector<16xf32>
        %swap3A_536 = arith.index_cast %scan3A_398 : i32 to index
        %swap3A_537 = arith.constant 352 : index
        %swap3A_538 = tpu.vector_load %arg13[%swap3A_536, %swap3A_537] {strides = array<i32>} : memref<64x512xf32, #tpu.memory_space<vmem>>, vector<1x16xf32>,
        %swap3A_539 = vector.shape_cast %swap3A_538 : vector<1x16xf32> to vector<16xf32>
        %swap3A_540 = vector.shape_cast %get3A_535 : vector<16xf32> to vector<1x16xf32>
        tpu.vector_store %arg13[%swap3A_536, %swap3A_537], %swap3A_540 {strides = array<i32>} : memref<64x512xf32, #tpu.memory_space<vmem>>, vector<1x16xf32>,
        %get3A_541 = arith.index_cast %scan3A_398 : i32 to index
        %get3A_542 = arith.constant 112 : index
        %get3A_543 = tpu.vector_load %arg12[%get3A_541, %get3A_542] {strides = array<i32>} : memref<64x256xf32, #tpu.memory_space<vmem>>, vector<1x16xf32>,
        %get3A_544 = vector.shape_cast %get3A_543 : vector<1x16xf32> to vector<16xf32>
        %swap3A_545 = arith.index_cast %scan3A_398 : i32 to index
        %swap3A_546 = arith.constant 368 : index
        %swap3A_547 = tpu.vector_load %arg13[%swap3A_545, %swap3A_546] {strides = array<i32>} : memref<64x512xf32, #tpu.memory_space<vmem>>, vector<1x16xf32>,
        %swap3A_548 = vector.shape_cast %swap3A_547 : vector<1x16xf32> to vector<16xf32>
        %swap3A_549 = vector.shape_cast %get3A_544 : vector<16xf32> to vector<1x16xf32>
        tpu.vector_store %arg13[%swap3A_545, %swap3A_546], %swap3A_549 {strides = array<i32>} : memref<64x512xf32, #tpu.memory_space<vmem>>, vector<1x16xf32>,
        %get3A_550 = arith.index_cast %scan3A_398 : i32 to index
        %get3A_551 = arith.constant 128 : index
        %get3A_552 = tpu.vector_load %arg12[%get3A_550, %get3A_551] {strides = array<i32>} : memref<64x256xf32, #tpu.memory_space<vmem>>, vector<1x16xf32>,
        %get3A_553 = vector.shape_cast %get3A_552 : vector<1x16xf32> to vector<16xf32>
        %swap3A_554 = arith.index_cast %scan3A_398 : i32 to index
        %swap3A_555 = arith.constant 384 : index
        %swap3A_556 = tpu.vector_load %arg13[%swap3A_554, %swap3A_555] {strides = array<i32>} : memref<64x512xf32, #tpu.memory_space<vmem>>, vector<1x16xf32>,
        %swap3A_557 = vector.shape_cast %swap3A_556 : vector<1x16xf32> to vector<16xf32>
        %swap3A_558 = vector.shape_cast %get3A_553 : vector<16xf32> to vector<1x16xf32>
        tpu.vector_store %arg13[%swap3A_554, %swap3A_555], %swap3A_558 {strides = array<i32>} : memref<64x512xf32, #tpu.memory_space<vmem>>, vector<1x16xf32>,
        %get3A_559 = arith.index_cast %scan3A_398 : i32 to index
        %get3A_560 = arith.constant 144 : index
        %get3A_561 = tpu.vector_load %arg12[%get3A_559, %get3A_560] {strides = array<i32>} : memref<64x256xf32, #tpu.memory_space<vmem>>, vector<1x16xf32>,
        %get3A_562 = vector.shape_cast %get3A_561 : vector<1x16xf32> to vector<16xf32>
        %swap3A_563 = arith.index_cast %scan3A_398 : i32 to index
        %swap3A_564 = arith.constant 400 : index
        %swap3A_565 = tpu.vector_load %arg13[%swap3A_563, %swap3A_564] {strides = array<i32>} : memref<64x512xf32, #tpu.memory_space<vmem>>, vector<1x16xf32>,
        %swap3A_566 = vector.shape_cast %swap3A_565 : vector<1x16xf32> to vector<16xf32>
        %swap3A_567 = vector.shape_cast %get3A_562 : vector<16xf32> to vector<1x16xf32>
        tpu.vector_store %arg13[%swap3A_563, %swap3A_564], %swap3A_567 {strides = array<i32>} : memref<64x512xf32, #tpu.memory_space<vmem>>, vector<1x16xf32>,
        %get3A_568 = arith.index_cast %scan3A_398 : i32 to index
        %get3A_569 = arith.constant 160 : index
        %get3A_570 = tpu.vector_load %arg12[%get3A_568, %get3A_569] {strides = array<i32>} : memref<64x256xf32, #tpu.memory_space<vmem>>, vector<1x16xf32>,
        %get3A_571 = vector.shape_cast %get3A_570 : vector<1x16xf32> to vector<16xf32>
        %swap3A_572 = arith.index_cast %scan3A_398 : i32 to index
        %swap3A_573 = arith.constant 416 : index
        %swap3A_574 = tpu.vector_load %arg13[%swap3A_572, %swap3A_573] {strides = array<i32>} : memref<64x512xf32, #tpu.memory_space<vmem>>, vector<1x16xf32>,
        %swap3A_575 = vector.shape_cast %swap3A_574 : vector<1x16xf32> to vector<16xf32>
        %swap3A_576 = vector.shape_cast %get3A_571 : vector<16xf32> to vector<1x16xf32>
        tpu.vector_store %arg13[%swap3A_572, %swap3A_573], %swap3A_576 {strides = array<i32>} : memref<64x512xf32, #tpu.memory_space<vmem>>, vector<1x16xf32>,
        %get3A_577 = arith.index_cast %scan3A_398 : i32 to index
        %get3A_578 = arith.constant 176 : index
        %get3A_579 = tpu.vector_load %arg12[%get3A_577, %get3A_578] {strides = array<i32>} : memref<64x256xf32, #tpu.memory_space<vmem>>, vector<1x16xf32>,
        %get3A_580 = vector.shape_cast %get3A_579 : vector<1x16xf32> to vector<16xf32>
        %swap3A_581 = arith.index_cast %scan3A_398 : i32 to index
        %swap3A_582 = arith.constant 432 : index
        %swap3A_583 = tpu.vector_load %arg13[%swap3A_581, %swap3A_582] {strides = array<i32>} : memref<64x512xf32, #tpu.memory_space<vmem>>, vector<1x16xf32>,
        %swap3A_584 = vector.shape_cast %swap3A_583 : vector<1x16xf32> to vector<16xf32>
        %swap3A_585 = vector.shape_cast %get3A_580 : vector<16xf32> to vector<1x16xf32>
        tpu.vector_store %arg13[%swap3A_581, %swap3A_582], %swap3A_585 {strides = array<i32>} : memref<64x512xf32, #tpu.memory_space<vmem>>, vector<1x16xf32>,
        %get3A_586 = arith.index_cast %scan3A_398 : i32 to index
        %get3A_587 = arith.constant 192 : index
        %get3A_588 = tpu.vector_load %arg12[%get3A_586, %get3A_587] {strides = array<i32>} : memref<64x256xf32, #tpu.memory_space<vmem>>, vector<1x16xf32>,
        %get3A_589 = vector.shape_cast %get3A_588 : vector<1x16xf32> to vector<16xf32>
        %swap3A_590 = arith.index_cast %scan3A_398 : i32 to index
        %swap3A_591 = arith.constant 448 : index
        %swap3A_592 = tpu.vector_load %arg13[%swap3A_590, %swap3A_591] {strides = array<i32>} : memref<64x512xf32, #tpu.memory_space<vmem>>, vector<1x16xf32>,
        %swap3A_593 = vector.shape_cast %swap3A_592 : vector<1x16xf32> to vector<16xf32>
        %swap3A_594 = vector.shape_cast %get3A_589 : vector<16xf32> to vector<1x16xf32>
        tpu.vector_store %arg13[%swap3A_590, %swap3A_591], %swap3A_594 {strides = array<i32>} : memref<64x512xf32, #tpu.memory_space<vmem>>, vector<1x16xf32>,
        %get3A_595 = arith.index_cast %scan3A_398 : i32 to index
        %get3A_596 = arith.constant 208 : index
        %get3A_597 = tpu.vector_load %arg12[%get3A_595, %get3A_596] {strides = array<i32>} : memref<64x256xf32, #tpu.memory_space<vmem>>, vector<1x16xf32>,
        %get3A_598 = vector.shape_cast %get3A_597 : vector<1x16xf32> to vector<16xf32>
        %swap3A_599 = arith.index_cast %scan3A_398 : i32 to index
        %swap3A_600 = arith.constant 464 : index
        %swap3A_601 = tpu.vector_load %arg13[%swap3A_599, %swap3A_600] {strides = array<i32>} : memref<64x512xf32, #tpu.memory_space<vmem>>, vector<1x16xf32>,
        %swap3A_602 = vector.shape_cast %swap3A_601 : vector<1x16xf32> to vector<16xf32>
        %swap3A_603 = vector.shape_cast %get3A_598 : vector<16xf32> to vector<1x16xf32>
        tpu.vector_store %arg13[%swap3A_599, %swap3A_600], %swap3A_603 {strides = array<i32>} : memref<64x512xf32, #tpu.memory_space<vmem>>, vector<1x16xf32>,
        %get3A_604 = arith.index_cast %scan3A_398 : i32 to index
        %get3A_605 = arith.constant 224 : index
        %get3A_606 = tpu.vector_load %arg12[%get3A_604, %get3A_605] {strides = array<i32>} : memref<64x256xf32, #tpu.memory_space<vmem>>, vector<1x16xf32>,
        %get3A_607 = vector.shape_cast %get3A_606 : vector<1x16xf32> to vector<16xf32>
        %swap3A_608 = arith.index_cast %scan3A_398 : i32 to index
        %swap3A_609 = arith.constant 480 : index
        %swap3A_610 = tpu.vector_load %arg13[%swap3A_608, %swap3A_609] {strides = array<i32>} : memref<64x512xf32, #tpu.memory_space<vmem>>, vector<1x16xf32>,
        %swap3A_611 = vector.shape_cast %swap3A_610 : vector<1x16xf32> to vector<16xf32>
        %swap3A_612 = vector.shape_cast %get3A_607 : vector<16xf32> to vector<1x16xf32>
        tpu.vector_store %arg13[%swap3A_608, %swap3A_609], %swap3A_612 {strides = array<i32>} : memref<64x512xf32, #tpu.memory_space<vmem>>, vector<1x16xf32>,
        %get3A_613 = arith.index_cast %scan3A_398 : i32 to index
        %get3A_614 = arith.constant 240 : index
        %get3A_615 = tpu.vector_load %arg12[%get3A_613, %get3A_614] {strides = array<i32>} : memref<64x256xf32, #tpu.memory_space<vmem>>, vector<1x16xf32>,
        %get3A_616 = vector.shape_cast %get3A_615 : vector<1x16xf32> to vector<16xf32>
        %swap3A_617 = arith.index_cast %scan3A_398 : i32 to index
        %swap3A_618 = arith.constant 496 : index
        %swap3A_619 = tpu.vector_load %arg13[%swap3A_617, %swap3A_618] {strides = array<i32>} : memref<64x512xf32, #tpu.memory_space<vmem>>, vector<1x16xf32>,
        %swap3A_620 = vector.shape_cast %swap3A_619 : vector<1x16xf32> to vector<16xf32>
        %swap3A_621 = vector.shape_cast %get3A_616 : vector<16xf32> to vector<1x16xf32>
        tpu.vector_store %arg13[%swap3A_617, %swap3A_618], %swap3A_621 {strides = array<i32>} : memref<64x512xf32, #tpu.memory_space<vmem>>, vector<1x16xf32>,
      }
      %scan3A_391 = arith.constant 64 : i32
      %mul3A_392 = arith.constant 4 : i32
      %mul3A_393 = arith.muli %arg1, %mul3A_392 : i32
      %add3A_394 = arith.constant 3 : i32
      %add3A_395 = arith.addi %mul3A_393, %add3A_394 : i32
      %mul3A_396 = arith.constant 64 : i32
      %mul3A_397 = arith.muli %add3A_395, %mul3A_396 : i32
      "tpu.region"() ({
        %run_scoped3A = tpu.sem_alloc : memref<!tpu.dma_semaphore, #tpu.memory_space<semaphore_mem>>
        %dma_start3A = arith.constant 0 : i32
        %dma_start3A_398 = tpu.memref_slice %arg8[%mul3A_397, %dma_start3A] : memref<4096x512xf32, #tpu.memory_space<hbm>> -> memref<64x512xf32, #tpu.memory_space<hbm>>
        %dma_start3A_399 = arith.constant 0 : i32
        %dma_start3A_400 = tpu.memref_slice %arg8[%mul3A_397, %dma_start3A_399] : memref<4096x512xf32, #tpu.memory_space<hbm>> -> memref<64x512xf32, #tpu.memory_space<hbm>>
        tpu.enqueue_dma source(%arg13 : memref<64x512xf32, #tpu.memory_space<vmem>>) target(%dma_start3A_400 : memref<64x512xf32, #tpu.memory_space<hbm>>) target_semaphore(%run_scoped3A : memref<!tpu.dma_semaphore, #tpu.memory_space<semaphore_mem>>)
        %dma_wait3A = arith.constant 0 : i32
        %dma_wait3A_401 = tpu.memref_slice %arg8[%mul3A_397, %dma_wait3A] : memref<4096x512xf32, #tpu.memory_space<hbm>> -> memref<64x512xf32, #tpu.memory_space<hbm>>
        %dma_wait3A_402 = arith.constant 0 : i32
        %dma_wait3A_403 = tpu.memref_slice %arg8[%mul3A_397, %dma_wait3A_402] : memref<4096x512xf32, #tpu.memory_space<hbm>> -> memref<64x512xf32, #tpu.memory_space<hbm>>
        tpu.wait_dma2 semaphore(%run_scoped3A : memref<!tpu.dma_semaphore, #tpu.memory_space<semaphore_mem>>) src(%arg13 : memref<64x512xf32, #tpu.memory_space<vmem>>) dst(%dma_wait3A_403 : memref<64x512xf32, #tpu.memory_space<hbm>>)
        tpu.yield
      }) : () -> ()
    } else {
    }
    %mul3A_12 = arith.constant 32 : i32
    %mul3A_13 = arith.muli %add3A, %mul3A_12 : i32
    "tpu.region"() ({
      %run_scoped3A = tpu.sem_alloc : memref<!tpu.dma_semaphore, #tpu.memory_space<semaphore_mem>>
      %dma_start3A = arith.constant 0 : i32
      %dma_start3A_31 = tpu.memref_slice %arg2[%mul3A_13, %dma_start3A] : memref<1024x64xi32, #tpu.memory_space<hbm>> -> memref<32x64xi32, #tpu.memory_space<hbm>>
      %dma_start3A_32 = arith.constant 0 : i32
      %dma_start3A_33 = tpu.memref_slice %arg2[%mul3A_13, %dma_start3A_32] : memref<1024x64xi32, #tpu.memory_space<hbm>> -> memref<32x64xi32, #tpu.memory_space<hbm>>
      tpu.enqueue_dma source(%dma_start3A_33 : memref<32x64xi32, #tpu.memory_space<hbm>>) target(%arg9 : memref<32x64xi32, #tpu.memory_space<vmem>>) target_semaphore(%run_scoped3A : memref<!tpu.dma_semaphore, #tpu.memory_space<semaphore_mem>>)
      %dma_wait3A = arith.constant 0 : i32
      %dma_wait3A_34 = tpu.memref_slice %arg2[%mul3A_13, %dma_wait3A] : memref<1024x64xi32, #tpu.memory_space<hbm>> -> memref<32x64xi32, #tpu.memory_space<hbm>>
      %dma_wait3A_35 = arith.constant 0 : i32
      %dma_wait3A_36 = tpu.memref_slice %arg2[%mul3A_13, %dma_wait3A_35] : memref<1024x64xi32, #tpu.memory_space<hbm>> -> memref<32x64xi32, #tpu.memory_space<hbm>>
      tpu.wait_dma2 semaphore(%run_scoped3A : memref<!tpu.dma_semaphore, #tpu.memory_space<semaphore_mem>>) src(%dma_wait3A_36 : memref<32x64xi32, #tpu.memory_space<hbm>>) dst(%arg9 : memref<32x64xi32, #tpu.memory_space<vmem>>)
      tpu.yield
    }) : () -> ()
    %mul3A_14 = arith.constant 32 : i32
    %mul3A_15 = arith.muli %add3A, %mul3A_14 : i32
    "tpu.region"() ({
      %run_scoped3A = tpu.sem_alloc : memref<!tpu.dma_semaphore, #tpu.memory_space<semaphore_mem>>
      %dma_start3A = arith.constant 0 : i32
      %dma_start3A_31 = tpu.memref_slice %arg3[%mul3A_15, %dma_start3A] : memref<1024x64xi32, #tpu.memory_space<hbm>> -> memref<32x64xi32, #tpu.memory_space<hbm>>
      %dma_start3A_32 = arith.constant 0 : i32
      %dma_start3A_33 = tpu.memref_slice %arg3[%mul3A_15, %dma_start3A_32] : memref<1024x64xi32, #tpu.memory_space<hbm>> -> memref<32x64xi32, #tpu.memory_space<hbm>>
      tpu.enqueue_dma source(%dma_start3A_33 : memref<32x64xi32, #tpu.memory_space<hbm>>) target(%arg10 : memref<32x64xi32, #tpu.memory_space<vmem>>) target_semaphore(%run_scoped3A : memref<!tpu.dma_semaphore, #tpu.memory_space<semaphore_mem>>)
      %dma_wait3A = arith.constant 0 : i32
      %dma_wait3A_34 = tpu.memref_slice %arg3[%mul3A_15, %dma_wait3A] : memref<1024x64xi32, #tpu.memory_space<hbm>> -> memref<32x64xi32, #tpu.memory_space<hbm>>
      %dma_wait3A_35 = arith.constant 0 : i32
      %dma_wait3A_36 = tpu.memref_slice %arg3[%mul3A_15, %dma_wait3A_35] : memref<1024x64xi32, #tpu.memory_space<hbm>> -> memref<32x64xi32, #tpu.memory_space<hbm>>
      tpu.wait_dma2 semaphore(%run_scoped3A : memref<!tpu.dma_semaphore, #tpu.memory_space<semaphore_mem>>) src(%dma_wait3A_36 : memref<32x64xi32, #tpu.memory_space<hbm>>) dst(%arg10 : memref<32x64xi32, #tpu.memory_space<vmem>>)
      tpu.yield
    }) : () -> ()
    %scan3A = arith.constant 0 : i32
    %scan3A_16 = arith.constant 0 : i32
    %scan3A_17 = arith.constant 32 : i32
    %scan3A_18 = arith.addi %scan3A_16, %scan3A_17 : i32
    %scan3A_19 = arith.constant 1 : i32
    scf.for %scan3A_31 = %scan3A_16 to %scan3A_18 step %scan3A_19  : i32 {
      %scan3A_32 = arith.constant 0 : i32
      %scan3A_33 = arith.constant 4 : i32
      %scan3A_34 = arith.addi %scan3A_32, %scan3A_33 : i32
      %scan3A_35 = arith.constant 1 : i32
      scf.for %scan3A_37 = %scan3A_32 to %scan3A_34 step %scan3A_35  : i32 {
        %mul3A_38 = arith.constant 16 : i32
        %mul3A_39 = arith.muli %scan3A_37, %mul3A_38 : i32
        %get3A = arith.index_cast %scan3A_31 : i32 to index
        %get3A_40 = arith.index_cast %mul3A_39 : i32 to index
        %get3A_41 = tpu.vector_load %arg9[%get3A, %get3A_40] {strides = array<i32>} : memref<32x64xi32, #tpu.memory_space<vmem>>, vector<1x16xi32>,
        %get3A_42 = vector.shape_cast %get3A_41 : vector<1x16xi32> to vector<16xi32>
        %mul3A_43 = arith.constant 64 : i32
        %mul3A_44 = vector.broadcast %mul3A_43 : i32 to vector<16xi32>
        %mul3A_45 = arith.muli %get3A_42, %mul3A_44 : vector<16xi32>
        %get3A_46 = arith.index_cast %scan3A_31 : i32 to index
        %get3A_47 = arith.index_cast %mul3A_39 : i32 to index
        %get3A_48 = tpu.vector_load %arg10[%get3A_46, %get3A_47] {strides = array<i32>} : memref<32x64xi32, #tpu.memory_space<vmem>>, vector<1x16xi32>,
        %get3A_49 = vector.shape_cast %get3A_48 : vector<1x16xi32> to vector<16xi32>
        %add3A_50 = arith.addi %mul3A_45, %get3A_49 : vector<16xi32>
        %swap3A = arith.index_cast %scan3A_31 : i32 to index
        %swap3A_51 = arith.index_cast %mul3A_39 : i32 to index
        %swap3A_52 = tpu.vector_load %arg9[%swap3A, %swap3A_51] {strides = array<i32>} : memref<32x64xi32, #tpu.memory_space<vmem>>, vector<1x16xi32>,
        %swap3A_53 = vector.shape_cast %swap3A_52 : vector<1x16xi32> to vector<16xi32>
        %swap3A_54 = vector.shape_cast %add3A_50 : vector<16xi32> to vector<1x16xi32>
        tpu.vector_store %arg9[%swap3A, %swap3A_51], %swap3A_54 {strides = array<i32>} : memref<32x64xi32, #tpu.memory_space<vmem>>, vector<1x16xi32>,
      }
      %scan3A_36 = arith.constant 4 : i32
    }
    %scan3A_20 = arith.constant 32 : i32
    %barrier3A = arith.constant 0 : index
    tpu.barrier barrier_id(%barrier3A)
    %eq3A_21 = arith.constant 0 : i32
    %eq3A_22 = arith.cmpi eq, %arg0, %eq3A_21 : i32
    %convert_element_type3A_23 = arith.extui %eq3A_22 : i1 to i32
    %cond3A_24 = arith.constant 0 : i32
    %cond3A_25 = arith.cmpi ne, %convert_element_type3A_23, %cond3A_24 : i32
    scf.if %cond3A_25 {
      %dma_start3A = arith.constant 0 : i32
      %dma_start3A_31 = arith.constant 0 : i32
      %dma_start3A_32 = tpu.memref_slice %arg9[%dma_start3A, %dma_start3A_31] : memref<32x64xi32, #tpu.memory_space<vmem>> -> memref<1x64xi32, #tpu.memory_space<vmem>>
      %dma_start3A_33 = tpu.memref_squeeze %dma_start3A_32 : memref<1x64xi32, #tpu.memory_space<vmem>> -> memref<64xi32, #tpu.memory_space<vmem>>
      %dma_start3A_34 = arith.constant 0 : i32
      %dma_start3A_35 = arith.constant 0 : i32
      %dma_start3A_36 = tpu.memref_slice %arg7[%dma_start3A_34, %dma_start3A_35] : memref<4096x512xf32, #tpu.memory_space<hbm>> -> memref<4096x512xf32, #tpu.memory_space<hbm>>
      tpu.enqueue_indirect_dma source(%dma_start3A_36 : memref<4096x512xf32, #tpu.memory_space<hbm>>) target(%arg14 : memref<64x512xf32, #tpu.memory_space<vmem>>) offsets(%dma_start3A_33 : memref<64xi32, #tpu.memory_space<vmem>>) semaphore(%arg16 : memref<!tpu.dma_semaphore, #tpu.memory_space<semaphore_mem>>)
      %dma_start3A_37 = arith.constant 1 : i32
      %dma_start3A_38 = arith.constant 0 : i32
      %dma_start3A_39 = tpu.memref_slice %arg9[%dma_start3A_37, %dma_start3A_38] : memref<32x64xi32, #tpu.memory_space<vmem>> -> memref<1x64xi32, #tpu.memory_space<vmem>>
      %dma_start3A_40 = tpu.memref_squeeze %dma_start3A_39 : memref<1x64xi32, #tpu.memory_space<vmem>> -> memref<64xi32, #tpu.memory_space<vmem>>
      %dma_start3A_41 = arith.constant 0 : i32
      %dma_start3A_42 = arith.constant 0 : i32
      %dma_start3A_43 = tpu.memref_slice %arg7[%dma_start3A_41, %dma_start3A_42] : memref<4096x512xf32, #tpu.memory_space<hbm>> -> memref<4096x512xf32, #tpu.memory_space<hbm>>
      tpu.enqueue_indirect_dma source(%dma_start3A_43 : memref<4096x512xf32, #tpu.memory_space<hbm>>) target(%arg15 : memref<64x512xf32, #tpu.memory_space<vmem>>) offsets(%dma_start3A_40 : memref<64xi32, #tpu.memory_space<vmem>>) semaphore(%arg17 : memref<!tpu.dma_semaphore, #tpu.memory_space<semaphore_mem>>)
      %dma_wait3A = arith.constant 0 : i32
      %dma_wait3A_44 = arith.constant 0 : i32
      %dma_wait3A_45 = tpu.memref_slice %arg9[%dma_wait3A, %dma_wait3A_44] : memref<32x64xi32, #tpu.memory_space<vmem>> -> memref<1x64xi32, #tpu.memory_space<vmem>>
      %dma_wait3A_46 = tpu.memref_squeeze %dma_wait3A_45 : memref<1x64xi32, #tpu.memory_space<vmem>> -> memref<64xi32, #tpu.memory_space<vmem>>
      %dma_wait3A_47 = arith.constant 0 : i32
      %dma_wait3A_48 = arith.constant 0 : i32
      %dma_wait3A_49 = tpu.memref_slice %arg7[%dma_wait3A_47, %dma_wait3A_48] : memref<4096x512xf32, #tpu.memory_space<hbm>> -> memref<4096x512xf32, #tpu.memory_space<hbm>>
      tpu.wait_indirect_dma semaphore(%arg16 : memref<!tpu.dma_semaphore, #tpu.memory_space<semaphore_mem>>) src(%dma_wait3A_49 : memref<4096x512xf32, #tpu.memory_space<hbm>>) dst(%arg14 : memref<64x512xf32, #tpu.memory_space<vmem>>)
      %add3A_50 = arith.constant 0 : i32
      %add3A_51 = arith.addi %mul3A_2, %add3A_50 : i32
      %dma_start3A_52 = arith.constant 0 : i32
      %dma_start3A_53 = tpu.memref_slice %arg6[%add3A_51, %dma_start3A_52] : memref<65536x512xf32, #tpu.memory_space<hbm>> -> memref<64x512xf32, #tpu.memory_space<hbm>>
      %dma_start3A_54 = arith.constant 0 : i32
      %dma_start3A_55 = tpu.memref_slice %arg6[%add3A_51, %dma_start3A_54] : memref<65536x512xf32, #tpu.memory_space<hbm>> -> memref<64x512xf32, #tpu.memory_space<hbm>>
      tpu.enqueue_dma source(%arg14 : memref<64x512xf32, #tpu.memory_space<vmem>>) target(%dma_start3A_55 : memref<64x512xf32, #tpu.memory_space<hbm>>) target_semaphore(%arg19 : memref<!tpu.dma_semaphore, #tpu.memory_space<semaphore_mem>>)
      %dma_start3A_56 = arith.constant 2 : i32
      %dma_start3A_57 = arith.constant 0 : i32
      %dma_start3A_58 = tpu.memref_slice %arg9[%dma_start3A_56, %dma_start3A_57] : memref<32x64xi32, #tpu.memory_space<vmem>> -> memref<1x64xi32, #tpu.memory_space<vmem>>
      %dma_start3A_59 = tpu.memref_squeeze %dma_start3A_58 : memref<1x64xi32, #tpu.memory_space<vmem>> -> memref<64xi32, #tpu.memory_space<vmem>>
      %dma_start3A_60 = arith.constant 0 : i32
      %dma_start3A_61 = arith.constant 0 : i32
      %dma_start3A_62 = tpu.memref_slice %arg7[%dma_start3A_60, %dma_start3A_61] : memref<4096x512xf32, #tpu.memory_space<hbm>> -> memref<4096x512xf32, #tpu.memory_space<hbm>>
      tpu.enqueue_indirect_dma source(%dma_start3A_62 : memref<4096x512xf32, #tpu.memory_space<hbm>>) target(%arg13 : memref<64x512xf32, #tpu.memory_space<vmem>>) offsets(%dma_start3A_59 : memref<64xi32, #tpu.memory_space<vmem>>) semaphore(%arg18 : memref<!tpu.dma_semaphore, #tpu.memory_space<semaphore_mem>>)
      %dma_wait3A_63 = arith.constant 0 : i32
      %dma_wait3A_64 = arith.constant 0 : i32
      %dma_wait3A_65 = tpu.memref_slice %arg9[%dma_wait3A_63, %dma_wait3A_64] : memref<32x64xi32, #tpu.memory_space<vmem>> -> memref<1x64xi32, #tpu.memory_space<vmem>>
      %dma_wait3A_66 = tpu.memref_squeeze %dma_wait3A_65 : memref<1x64xi32, #tpu.memory_space<vmem>> -> memref<64xi32, #tpu.memory_space<vmem>>
      %dma_wait3A_67 = arith.constant 0 : i32
      %dma_wait3A_68 = arith.constant 0 : i32
      %dma_wait3A_69 = tpu.memref_slice %arg7[%dma_wait3A_67, %dma_wait3A_68] : memref<4096x512xf32, #tpu.memory_space<hbm>> -> memref<4096x512xf32, #tpu.memory_space<hbm>>
      tpu.wait_indirect_dma semaphore(%arg17 : memref<!tpu.dma_semaphore, #tpu.memory_space<semaphore_mem>>) src(%dma_wait3A_69 : memref<4096x512xf32, #tpu.memory_space<hbm>>) dst(%arg15 : memref<64x512xf32, #tpu.memory_space<vmem>>)
      %add3A_70 = arith.constant 64 : i32
      %add3A_71 = arith.addi %mul3A_2, %add3A_70 : i32
      %dma_start3A_72 = arith.constant 0 : i32
      %dma_start3A_73 = tpu.memref_slice %arg6[%add3A_71, %dma_start3A_72] : memref<65536x512xf32, #tpu.memory_space<hbm>> -> memref<64x512xf32, #tpu.memory_space<hbm>>
      %dma_start3A_74 = arith.constant 0 : i32
      %dma_start3A_75 = tpu.memref_slice %arg6[%add3A_71, %dma_start3A_74] : memref<65536x512xf32, #tpu.memory_space<hbm>> -> memref<64x512xf32, #tpu.memory_space<hbm>>
      tpu.enqueue_dma source(%arg15 : memref<64x512xf32, #tpu.memory_space<vmem>>) target(%dma_start3A_75 : memref<64x512xf32, #tpu.memory_space<hbm>>) target_semaphore(%arg20 : memref<!tpu.dma_semaphore, #tpu.memory_space<semaphore_mem>>)
      %add3A_76 = arith.constant 0 : i32
      %add3A_77 = arith.addi %mul3A_2, %add3A_76 : i32
      %dma_wait3A_78 = arith.constant 0 : i32
      %dma_wait3A_79 = tpu.memref_slice %arg6[%add3A_77, %dma_wait3A_78] : memref<65536x512xf32, #tpu.memory_space<hbm>> -> memref<64x512xf32, #tpu.memory_space<hbm>>
      %dma_wait3A_80 = arith.constant 0 : i32
      %dma_wait3A_81 = tpu.memref_slice %arg6[%add3A_77, %dma_wait3A_80] : memref<65536x512xf32, #tpu.memory_space<hbm>> -> memref<64x512xf32, #tpu.memory_space<hbm>>
      tpu.wait_dma2 semaphore(%arg19 : memref<!tpu.dma_semaphore, #tpu.memory_space<semaphore_mem>>) src(%arg14 : memref<64x512xf32, #tpu.memory_space<vmem>>) dst(%dma_wait3A_81 : memref<64x512xf32, #tpu.memory_space<hbm>>)
      %dma_start3A_82 = arith.constant 3 : i32
      %dma_start3A_83 = arith.constant 0 : i32
      %dma_start3A_84 = tpu.memref_slice %arg9[%dma_start3A_82, %dma_start3A_83] : memref<32x64xi32, #tpu.memory_space<vmem>> -> memref<1x64xi32, #tpu.memory_space<vmem>>
      %dma_start3A_85 = tpu.memref_squeeze %dma_start3A_84 : memref<1x64xi32, #tpu.memory_space<vmem>> -> memref<64xi32, #tpu.memory_space<vmem>>
      %dma_start3A_86 = arith.constant 0 : i32
      %dma_start3A_87 = arith.constant 0 : i32
      %dma_start3A_88 = tpu.memref_slice %arg7[%dma_start3A_86, %dma_start3A_87] : memref<4096x512xf32, #tpu.memory_space<hbm>> -> memref<4096x512xf32, #tpu.memory_space<hbm>>
      tpu.enqueue_indirect_dma source(%dma_start3A_88 : memref<4096x512xf32, #tpu.memory_space<hbm>>) target(%arg14 : memref<64x512xf32, #tpu.memory_space<vmem>>) offsets(%dma_start3A_85 : memref<64xi32, #tpu.memory_space<vmem>>) semaphore(%arg16 : memref<!tpu.dma_semaphore, #tpu.memory_space<semaphore_mem>>)
      %dma_wait3A_89 = arith.constant 0 : i32
      %dma_wait3A_90 = arith.constant 0 : i32
      %dma_wait3A_91 = tpu.memref_slice %arg9[%dma_wait3A_89, %dma_wait3A_90] : memref<32x64xi32, #tpu.memory_space<vmem>> -> memref<1x64xi32, #tpu.memory_space<vmem>>
      %dma_wait3A_92 = tpu.memref_squeeze %dma_wait3A_91 : memref<1x64xi32, #tpu.memory_space<vmem>> -> memref<64xi32, #tpu.memory_space<vmem>>
      %dma_wait3A_93 = arith.constant 0 : i32
      %dma_wait3A_94 = arith.constant 0 : i32
      %dma_wait3A_95 = tpu.memref_slice %arg7[%dma_wait3A_93, %dma_wait3A_94] : memref<4096x512xf32, #tpu.memory_space<hbm>> -> memref<4096x512xf32, #tpu.memory_space<hbm>>
      tpu.wait_indirect_dma semaphore(%arg18 : memref<!tpu.dma_semaphore, #tpu.memory_space<semaphore_mem>>) src(%dma_wait3A_95 : memref<4096x512xf32, #tpu.memory_space<hbm>>) dst(%arg13 : memref<64x512xf32, #tpu.memory_space<vmem>>)
      %add3A_96 = arith.constant 128 : i32
      %add3A_97 = arith.addi %mul3A_2, %add3A_96 : i32
      %dma_start3A_98 = arith.constant 0 : i32
      %dma_start3A_99 = tpu.memref_slice %arg6[%add3A_97, %dma_start3A_98] : memref<65536x512xf32, #tpu.memory_space<hbm>> -> memref<64x512xf32, #tpu.memory_space<hbm>>
      %dma_start3A_100 = arith.constant 0 : i32
      %dma_start3A_101 = tpu.memref_slice %arg6[%add3A_97, %dma_start3A_100] : memref<65536x512xf32, #tpu.memory_space<hbm>> -> memref<64x512xf32, #tpu.memory_space<hbm>>
      tpu.enqueue_dma source(%arg13 : memref<64x512xf32, #tpu.memory_space<vmem>>) target(%dma_start3A_101 : memref<64x512xf32, #tpu.memory_space<hbm>>) target_semaphore(%arg21 : memref<!tpu.dma_semaphore, #tpu.memory_space<semaphore_mem>>)
      %add3A_102 = arith.constant 64 : i32
      %add3A_103 = arith.addi %mul3A_2, %add3A_102 : i32
      %dma_wait3A_104 = arith.constant 0 : i32
      %dma_wait3A_105 = tpu.memref_slice %arg6[%add3A_103, %dma_wait3A_104] : memref<65536x512xf32, #tpu.memory_space<hbm>> -> memref<64x512xf32, #tpu.memory_space<hbm>>
      %dma_wait3A_106 = arith.constant 0 : i32
      %dma_wait3A_107 = tpu.memref_slice %arg6[%add3A_103, %dma_wait3A_106] : memref<65536x512xf32, #tpu.memory_space<hbm>> -> memref<64x512xf32, #tpu.memory_space<hbm>>
      tpu.wait_dma2 semaphore(%arg20 : memref<!tpu.dma_semaphore, #tpu.memory_space<semaphore_mem>>) src(%arg15 : memref<64x512xf32, #tpu.memory_space<vmem>>) dst(%dma_wait3A_107 : memref<64x512xf32, #tpu.memory_space<hbm>>)
      %dma_start3A_108 = arith.constant 4 : i32
      %dma_start3A_109 = arith.constant 0 : i32
      %dma_start3A_110 = tpu.memref_slice %arg9[%dma_start3A_108, %dma_start3A_109] : memref<32x64xi32, #tpu.memory_space<vmem>> -> memref<1x64xi32, #tpu.memory_space<vmem>>
      %dma_start3A_111 = tpu.memref_squeeze %dma_start3A_110 : memref<1x64xi32, #tpu.memory_space<vmem>> -> memref<64xi32, #tpu.memory_space<vmem>>
      %dma_start3A_112 = arith.constant 0 : i32
      %dma_start3A_113 = arith.constant 0 : i32
      %dma_start3A_114 = tpu.memref_slice %arg7[%dma_start3A_112, %dma_start3A_113] : memref<4096x512xf32, #tpu.memory_space<hbm>> -> memref<4096x512xf32, #tpu.memory_space<hbm>>
      tpu.enqueue_indirect_dma source(%dma_start3A_114 : memref<4096x512xf32, #tpu.memory_space<hbm>>) target(%arg15 : memref<64x512xf32, #tpu.memory_space<vmem>>) offsets(%dma_start3A_111 : memref<64xi32, #tpu.memory_space<vmem>>) semaphore(%arg17 : memref<!tpu.dma_semaphore, #tpu.memory_space<semaphore_mem>>)
      %scan3A_115 = arith.constant 0 : i32
      %scan3A_116 = arith.constant 1 : i32
      %scan3A_117 = arith.constant 9 : i32
      %scan3A_118 = arith.addi %scan3A_116, %scan3A_117 : i32
      %scan3A_119 = arith.constant 1 : i32
      scf.for %scan3A_165 = %scan3A_116 to %scan3A_118 step %scan3A_119  : i32 {
        %mul3A_166 = arith.constant 3 : i32
        %mul3A_167 = arith.muli %mul3A_166, %scan3A_165 : i32
        %add3A_168 = arith.constant 0 : i32
        %add3A_169 = arith.addi %mul3A_167, %add3A_168 : i32
        %dma_wait3A_170 = arith.constant 0 : i32
        %dma_wait3A_171 = arith.constant 0 : i32
        %dma_wait3A_172 = tpu.memref_slice %arg9[%dma_wait3A_170, %dma_wait3A_171] : memref<32x64xi32, #tpu.memory_space<vmem>> -> memref<1x64xi32, #tpu.memory_space<vmem>>
        %dma_wait3A_173 = tpu.memref_squeeze %dma_wait3A_172 : memref<1x64xi32, #tpu.memory_space<vmem>> -> memref<64xi32, #tpu.memory_space<vmem>>
        %dma_wait3A_174 = arith.constant 0 : i32
        %dma_wait3A_175 = arith.constant 0 : i32
        %dma_wait3A_176 = tpu.memref_slice %arg7[%dma_wait3A_174, %dma_wait3A_175] : memref<4096x512xf32, #tpu.memory_space<hbm>> -> memref<4096x512xf32, #tpu.memory_space<hbm>>
        tpu.wait_indirect_dma semaphore(%arg16 : memref<!tpu.dma_semaphore, #tpu.memory_space<semaphore_mem>>) src(%dma_wait3A_176 : memref<4096x512xf32, #tpu.memory_space<hbm>>) dst(%arg14 : memref<64x512xf32, #tpu.memory_space<vmem>>)
        %mul3A_177 = arith.constant 64 : i32
        %mul3A_178 = arith.muli %add3A_169, %mul3A_177 : i32
        %add3A_179 = arith.addi %mul3A_2, %mul3A_178 : i32
        %dma_start3A_180 = arith.constant 0 : i32
        %dma_start3A_181 = tpu.memref_slice %arg6[%add3A_179, %dma_start3A_180] : memref<65536x512xf32, #tpu.memory_space<hbm>> -> memref<64x512xf32, #tpu.memory_space<hbm>>
        %dma_start3A_182 = arith.constant 0 : i32
        %dma_start3A_183 = tpu.memref_slice %arg6[%add3A_179, %dma_start3A_182] : memref<65536x512xf32, #tpu.memory_space<hbm>> -> memref<64x512xf32, #tpu.memory_space<hbm>>
        tpu.enqueue_dma source(%arg14 : memref<64x512xf32, #tpu.memory_space<vmem>>) target(%dma_start3A_183 : memref<64x512xf32, #tpu.memory_space<hbm>>) target_semaphore(%arg19 : memref<!tpu.dma_semaphore, #tpu.memory_space<semaphore_mem>>)
        %sub3A = arith.constant 1 : i32
        %sub3A_184 = arith.subi %add3A_169, %sub3A : i32
        %mul3A_185 = arith.constant 64 : i32
        %mul3A_186 = arith.muli %sub3A_184, %mul3A_185 : i32
        %add3A_187 = arith.addi %mul3A_2, %mul3A_186 : i32
        %dma_wait3A_188 = arith.constant 0 : i32
        %dma_wait3A_189 = tpu.memref_slice %arg6[%add3A_187, %dma_wait3A_188] : memref<65536x512xf32, #tpu.memory_space<hbm>> -> memref<64x512xf32, #tpu.memory_space<hbm>>
        %dma_wait3A_190 = arith.constant 0 : i32
        %dma_wait3A_191 = tpu.memref_slice %arg6[%add3A_187, %dma_wait3A_190] : memref<65536x512xf32, #tpu.memory_space<hbm>> -> memref<64x512xf32, #tpu.memory_space<hbm>>
        tpu.wait_dma2 semaphore(%arg21 : memref<!tpu.dma_semaphore, #tpu.memory_space<semaphore_mem>>) src(%arg13 : memref<64x512xf32, #tpu.memory_space<vmem>>) dst(%dma_wait3A_191 : memref<64x512xf32, #tpu.memory_space<hbm>>)
        %add3A_192 = arith.constant 2 : i32
        %add3A_193 = arith.addi %add3A_169, %add3A_192 : i32
        %dma_start3A_194 = arith.constant 0 : i32
        %dma_start3A_195 = tpu.memref_slice %arg9[%add3A_193, %dma_start3A_194] : memref<32x64xi32, #tpu.memory_space<vmem>> -> memref<1x64xi32, #tpu.memory_space<vmem>>
        %dma_start3A_196 = tpu.memref_squeeze %dma_start3A_195 : memref<1x64xi32, #tpu.memory_space<vmem>> -> memref<64xi32, #tpu.memory_space<vmem>>
        %dma_start3A_197 = arith.constant 0 : i32
        %dma_start3A_198 = arith.constant 0 : i32
        %dma_start3A_199 = tpu.memref_slice %arg7[%dma_start3A_197, %dma_start3A_198] : memref<4096x512xf32, #tpu.memory_space<hbm>> -> memref<4096x512xf32, #tpu.memory_space<hbm>>
        tpu.enqueue_indirect_dma source(%dma_start3A_199 : memref<4096x512xf32, #tpu.memory_space<hbm>>) target(%arg13 : memref<64x512xf32, #tpu.memory_space<vmem>>) offsets(%dma_start3A_196 : memref<64xi32, #tpu.memory_space<vmem>>) semaphore(%arg18 : memref<!tpu.dma_semaphore, #tpu.memory_space<semaphore_mem>>)
        %mul3A_200 = arith.constant 3 : i32
        %mul3A_201 = arith.muli %mul3A_200, %scan3A_165 : i32
        %add3A_202 = arith.constant 1 : i32
        %add3A_203 = arith.addi %mul3A_201, %add3A_202 : i32
        %dma_wait3A_204 = arith.constant 0 : i32
        %dma_wait3A_205 = arith.constant 0 : i32
        %dma_wait3A_206 = tpu.memref_slice %arg9[%dma_wait3A_204, %dma_wait3A_205] : memref<32x64xi32, #tpu.memory_space<vmem>> -> memref<1x64xi32, #tpu.memory_space<vmem>>
        %dma_wait3A_207 = tpu.memref_squeeze %dma_wait3A_206 : memref<1x64xi32, #tpu.memory_space<vmem>> -> memref<64xi32, #tpu.memory_space<vmem>>
        %dma_wait3A_208 = arith.constant 0 : i32
        %dma_wait3A_209 = arith.constant 0 : i32
        %dma_wait3A_210 = tpu.memref_slice %arg7[%dma_wait3A_208, %dma_wait3A_209] : memref<4096x512xf32, #tpu.memory_space<hbm>> -> memref<4096x512xf32, #tpu.memory_space<hbm>>
        tpu.wait_indirect_dma semaphore(%arg17 : memref<!tpu.dma_semaphore, #tpu.memory_space<semaphore_mem>>) src(%dma_wait3A_210 : memref<4096x512xf32, #tpu.memory_space<hbm>>) dst(%arg15 : memref<64x512xf32, #tpu.memory_space<vmem>>)
        %mul3A_211 = arith.constant 64 : i32
        %mul3A_212 = arith.muli %add3A_203, %mul3A_211 : i32
        %add3A_213 = arith.addi %mul3A_2, %mul3A_212 : i32
        %dma_start3A_214 = arith.constant 0 : i32
        %dma_start3A_215 = tpu.memref_slice %arg6[%add3A_213, %dma_start3A_214] : memref<65536x512xf32, #tpu.memory_space<hbm>> -> memref<64x512xf32, #tpu.memory_space<hbm>>
        %dma_start3A_216 = arith.constant 0 : i32
        %dma_start3A_217 = tpu.memref_slice %arg6[%add3A_213, %dma_start3A_216] : memref<65536x512xf32, #tpu.memory_space<hbm>> -> memref<64x512xf32, #tpu.memory_space<hbm>>
        tpu.enqueue_dma source(%arg15 : memref<64x512xf32, #tpu.memory_space<vmem>>) target(%dma_start3A_217 : memref<64x512xf32, #tpu.memory_space<hbm>>) target_semaphore(%arg20 : memref<!tpu.dma_semaphore, #tpu.memory_space<semaphore_mem>>)
        %sub3A_218 = arith.constant 1 : i32
        %sub3A_219 = arith.subi %add3A_203, %sub3A_218 : i32
        %mul3A_220 = arith.constant 64 : i32
        %mul3A_221 = arith.muli %sub3A_219, %mul3A_220 : i32
        %add3A_222 = arith.addi %mul3A_2, %mul3A_221 : i32
        %dma_wait3A_223 = arith.constant 0 : i32
        %dma_wait3A_224 = tpu.memref_slice %arg6[%add3A_222, %dma_wait3A_223] : memref<65536x512xf32, #tpu.memory_space<hbm>> -> memref<64x512xf32, #tpu.memory_space<hbm>>
        %dma_wait3A_225 = arith.constant 0 : i32
        %dma_wait3A_226 = tpu.memref_slice %arg6[%add3A_222, %dma_wait3A_225] : memref<65536x512xf32, #tpu.memory_space<hbm>> -> memref<64x512xf32, #tpu.memory_space<hbm>>
        tpu.wait_dma2 semaphore(%arg19 : memref<!tpu.dma_semaphore, #tpu.memory_space<semaphore_mem>>) src(%arg14 : memref<64x512xf32, #tpu.memory_space<vmem>>) dst(%dma_wait3A_226 : memref<64x512xf32, #tpu.memory_space<hbm>>)
        %add3A_227 = arith.constant 2 : i32
        %add3A_228 = arith.addi %add3A_203, %add3A_227 : i32
        %dma_start3A_229 = arith.constant 0 : i32
        %dma_start3A_230 = tpu.memref_slice %arg9[%add3A_228, %dma_start3A_229] : memref<32x64xi32, #tpu.memory_space<vmem>> -> memref<1x64xi32, #tpu.memory_space<vmem>>
        %dma_start3A_231 = tpu.memref_squeeze %dma_start3A_230 : memref<1x64xi32, #tpu.memory_space<vmem>> -> memref<64xi32, #tpu.memory_space<vmem>>
        %dma_start3A_232 = arith.constant 0 : i32
        %dma_start3A_233 = arith.constant 0 : i32
        %dma_start3A_234 = tpu.memref_slice %arg7[%dma_start3A_232, %dma_start3A_233] : memref<4096x512xf32, #tpu.memory_space<hbm>> -> memref<4096x512xf32, #tpu.memory_space<hbm>>
        tpu.enqueue_indirect_dma source(%dma_start3A_234 : memref<4096x512xf32, #tpu.memory_space<hbm>>) target(%arg14 : memref<64x512xf32, #tpu.memory_space<vmem>>) offsets(%dma_start3A_231 : memref<64xi32, #tpu.memory_space<vmem>>) semaphore(%arg16 : memref<!tpu.dma_semaphore, #tpu.memory_space<semaphore_mem>>)
        %mul3A_235 = arith.constant 3 : i32
        %mul3A_236 = arith.muli %mul3A_235, %scan3A_165 : i32
        %add3A_237 = arith.constant 2 : i32
        %add3A_238 = arith.addi %mul3A_236, %add3A_237 : i32
        %dma_wait3A_239 = arith.constant 0 : i32
        %dma_wait3A_240 = arith.constant 0 : i32
        %dma_wait3A_241 = tpu.memref_slice %arg9[%dma_wait3A_239, %dma_wait3A_240] : memref<32x64xi32, #tpu.memory_space<vmem>> -> memref<1x64xi32, #tpu.memory_space<vmem>>
        %dma_wait3A_242 = tpu.memref_squeeze %dma_wait3A_241 : memref<1x64xi32, #tpu.memory_space<vmem>> -> memref<64xi32, #tpu.memory_space<vmem>>
        %dma_wait3A_243 = arith.constant 0 : i32
        %dma_wait3A_244 = arith.constant 0 : i32
        %dma_wait3A_245 = tpu.memref_slice %arg7[%dma_wait3A_243, %dma_wait3A_244] : memref<4096x512xf32, #tpu.memory_space<hbm>> -> memref<4096x512xf32, #tpu.memory_space<hbm>>
        tpu.wait_indirect_dma semaphore(%arg18 : memref<!tpu.dma_semaphore, #tpu.memory_space<semaphore_mem>>) src(%dma_wait3A_245 : memref<4096x512xf32, #tpu.memory_space<hbm>>) dst(%arg13 : memref<64x512xf32, #tpu.memory_space<vmem>>)
        %mul3A_246 = arith.constant 64 : i32
        %mul3A_247 = arith.muli %add3A_238, %mul3A_246 : i32
        %add3A_248 = arith.addi %mul3A_2, %mul3A_247 : i32
        %dma_start3A_249 = arith.constant 0 : i32
        %dma_start3A_250 = tpu.memref_slice %arg6[%add3A_248, %dma_start3A_249] : memref<65536x512xf32, #tpu.memory_space<hbm>> -> memref<64x512xf32, #tpu.memory_space<hbm>>
        %dma_start3A_251 = arith.constant 0 : i32
        %dma_start3A_252 = tpu.memref_slice %arg6[%add3A_248, %dma_start3A_251] : memref<65536x512xf32, #tpu.memory_space<hbm>> -> memref<64x512xf32, #tpu.memory_space<hbm>>
        tpu.enqueue_dma source(%arg13 : memref<64x512xf32, #tpu.memory_space<vmem>>) target(%dma_start3A_252 : memref<64x512xf32, #tpu.memory_space<hbm>>) target_semaphore(%arg21 : memref<!tpu.dma_semaphore, #tpu.memory_space<semaphore_mem>>)
        %sub3A_253 = arith.constant 1 : i32
        %sub3A_254 = arith.subi %add3A_238, %sub3A_253 : i32
        %mul3A_255 = arith.constant 64 : i32
        %mul3A_256 = arith.muli %sub3A_254, %mul3A_255 : i32
        %add3A_257 = arith.addi %mul3A_2, %mul3A_256 : i32
        %dma_wait3A_258 = arith.constant 0 : i32
        %dma_wait3A_259 = tpu.memref_slice %arg6[%add3A_257, %dma_wait3A_258] : memref<65536x512xf32, #tpu.memory_space<hbm>> -> memref<64x512xf32, #tpu.memory_space<hbm>>
        %dma_wait3A_260 = arith.constant 0 : i32
        %dma_wait3A_261 = tpu.memref_slice %arg6[%add3A_257, %dma_wait3A_260] : memref<65536x512xf32, #tpu.memory_space<hbm>> -> memref<64x512xf32, #tpu.memory_space<hbm>>
        tpu.wait_dma2 semaphore(%arg20 : memref<!tpu.dma_semaphore, #tpu.memory_space<semaphore_mem>>) src(%arg15 : memref<64x512xf32, #tpu.memory_space<vmem>>) dst(%dma_wait3A_261 : memref<64x512xf32, #tpu.memory_space<hbm>>)
        %add3A_262 = arith.constant 2 : i32
        %add3A_263 = arith.addi %add3A_238, %add3A_262 : i32
        %dma_start3A_264 = arith.constant 0 : i32
        %dma_start3A_265 = tpu.memref_slice %arg9[%add3A_263, %dma_start3A_264] : memref<32x64xi32, #tpu.memory_space<vmem>> -> memref<1x64xi32, #tpu.memory_space<vmem>>
        %dma_start3A_266 = tpu.memref_squeeze %dma_start3A_265 : memref<1x64xi32, #tpu.memory_space<vmem>> -> memref<64xi32, #tpu.memory_space<vmem>>
        %dma_start3A_267 = arith.constant 0 : i32
        %dma_start3A_268 = arith.constant 0 : i32
        %dma_start3A_269 = tpu.memref_slice %arg7[%dma_start3A_267, %dma_start3A_268] : memref<4096x512xf32, #tpu.memory_space<hbm>> -> memref<4096x512xf32, #tpu.memory_space<hbm>>
        tpu.enqueue_indirect_dma source(%dma_start3A_269 : memref<4096x512xf32, #tpu.memory_space<hbm>>) target(%arg15 : memref<64x512xf32, #tpu.memory_space<vmem>>) offsets(%dma_start3A_266 : memref<64xi32, #tpu.memory_space<vmem>>) semaphore(%arg17 : memref<!tpu.dma_semaphore, #tpu.memory_space<semaphore_mem>>)
      }
      %scan3A_120 = arith.constant 9 : i32
      %dma_wait3A_121 = arith.constant 0 : i32
      %dma_wait3A_122 = arith.constant 0 : i32
      %dma_wait3A_123 = tpu.memref_slice %arg9[%dma_wait3A_121, %dma_wait3A_122] : memref<32x64xi32, #tpu.memory_space<vmem>> -> memref<1x64xi32, #tpu.memory_space<vmem>>
      %dma_wait3A_124 = tpu.memref_squeeze %dma_wait3A_123 : memref<1x64xi32, #tpu.memory_space<vmem>> -> memref<64xi32, #tpu.memory_space<vmem>>
      %dma_wait3A_125 = arith.constant 0 : i32
      %dma_wait3A_126 = arith.constant 0 : i32
      %dma_wait3A_127 = tpu.memref_slice %arg7[%dma_wait3A_125, %dma_wait3A_126] : memref<4096x512xf32, #tpu.memory_space<hbm>> -> memref<4096x512xf32, #tpu.memory_space<hbm>>
      tpu.wait_indirect_dma semaphore(%arg16 : memref<!tpu.dma_semaphore, #tpu.memory_space<semaphore_mem>>) src(%dma_wait3A_127 : memref<4096x512xf32, #tpu.memory_space<hbm>>) dst(%arg14 : memref<64x512xf32, #tpu.memory_space<vmem>>)
      %add3A_128 = arith.constant 1920 : i32
      %add3A_129 = arith.addi %mul3A_2, %add3A_128 : i32
      %dma_start3A_130 = arith.constant 0 : i32
      %dma_start3A_131 = tpu.memref_slice %arg6[%add3A_129, %dma_start3A_130] : memref<65536x512xf32, #tpu.memory_space<hbm>> -> memref<64x512xf32, #tpu.memory_space<hbm>>
      %dma_start3A_132 = arith.constant 0 : i32
      %dma_start3A_133 = tpu.memref_slice %arg6[%add3A_129, %dma_start3A_132] : memref<65536x512xf32, #tpu.memory_space<hbm>> -> memref<64x512xf32, #tpu.memory_space<hbm>>
      tpu.enqueue_dma source(%arg14 : memref<64x512xf32, #tpu.memory_space<vmem>>) target(%dma_start3A_133 : memref<64x512xf32, #tpu.memory_space<hbm>>) target_semaphore(%arg19 : memref<!tpu.dma_semaphore, #tpu.memory_space<semaphore_mem>>)
      %add3A_134 = arith.constant 1856 : i32
      %add3A_135 = arith.addi %mul3A_2, %add3A_134 : i32
      %dma_wait3A_136 = arith.constant 0 : i32
      %dma_wait3A_137 = tpu.memref_slice %arg6[%add3A_135, %dma_wait3A_136] : memref<65536x512xf32, #tpu.memory_space<hbm>> -> memref<64x512xf32, #tpu.memory_space<hbm>>
      %dma_wait3A_138 = arith.constant 0 : i32
      %dma_wait3A_139 = tpu.memref_slice %arg6[%add3A_135, %dma_wait3A_138] : memref<65536x512xf32, #tpu.memory_space<hbm>> -> memref<64x512xf32, #tpu.memory_space<hbm>>
      tpu.wait_dma2 semaphore(%arg21 : memref<!tpu.dma_semaphore, #tpu.memory_space<semaphore_mem>>) src(%arg13 : memref<64x512xf32, #tpu.memory_space<vmem>>) dst(%dma_wait3A_139 : memref<64x512xf32, #tpu.memory_space<hbm>>)
      %dma_wait3A_140 = arith.constant 0 : i32
      %dma_wait3A_141 = arith.constant 0 : i32
      %dma_wait3A_142 = tpu.memref_slice %arg9[%dma_wait3A_140, %dma_wait3A_141] : memref<32x64xi32, #tpu.memory_space<vmem>> -> memref<1x64xi32, #tpu.memory_space<vmem>>
      %dma_wait3A_143 = tpu.memref_squeeze %dma_wait3A_142 : memref<1x64xi32, #tpu.memory_space<vmem>> -> memref<64xi32, #tpu.memory_space<vmem>>
      %dma_wait3A_144 = arith.constant 0 : i32
      %dma_wait3A_145 = arith.constant 0 : i32
      %dma_wait3A_146 = tpu.memref_slice %arg7[%dma_wait3A_144, %dma_wait3A_145] : memref<4096x512xf32, #tpu.memory_space<hbm>> -> memref<4096x512xf32, #tpu.memory_space<hbm>>
      tpu.wait_indirect_dma semaphore(%arg17 : memref<!tpu.dma_semaphore, #tpu.memory_space<semaphore_mem>>) src(%dma_wait3A_146 : memref<4096x512xf32, #tpu.memory_space<hbm>>) dst(%arg15 : memref<64x512xf32, #tpu.memory_space<vmem>>)
      %add3A_147 = arith.constant 1984 : i32
      %add3A_148 = arith.addi %mul3A_2, %add3A_147 : i32
      %dma_start3A_149 = arith.constant 0 : i32
      %dma_start3A_150 = tpu.memref_slice %arg6[%add3A_148, %dma_start3A_149] : memref<65536x512xf32, #tpu.memory_space<hbm>> -> memref<64x512xf32, #tpu.memory_space<hbm>>
      %dma_start3A_151 = arith.constant 0 : i32
      %dma_start3A_152 = tpu.memref_slice %arg6[%add3A_148, %dma_start3A_151] : memref<65536x512xf32, #tpu.memory_space<hbm>> -> memref<64x512xf32, #tpu.memory_space<hbm>>
      tpu.enqueue_dma source(%arg15 : memref<64x512xf32, #tpu.memory_space<vmem>>) target(%dma_start3A_152 : memref<64x512xf32, #tpu.memory_space<hbm>>) target_semaphore(%arg20 : memref<!tpu.dma_semaphore, #tpu.memory_space<semaphore_mem>>)
      %add3A_153 = arith.constant 1920 : i32
      %add3A_154 = arith.addi %mul3A_2, %add3A_153 : i32
      %dma_wait3A_155 = arith.constant 0 : i32
      %dma_wait3A_156 = tpu.memref_slice %arg6[%add3A_154, %dma_wait3A_155] : memref<65536x512xf32, #tpu.memory_space<hbm>> -> memref<64x512xf32, #tpu.memory_space<hbm>>
      %dma_wait3A_157 = arith.constant 0 : i32
      %dma_wait3A_158 = tpu.memref_slice %arg6[%add3A_154, %dma_wait3A_157] : memref<65536x512xf32, #tpu.memory_space<hbm>> -> memref<64x512xf32, #tpu.memory_space<hbm>>
      tpu.wait_dma2 semaphore(%arg19 : memref<!tpu.dma_semaphore, #tpu.memory_space<semaphore_mem>>) src(%arg14 : memref<64x512xf32, #tpu.memory_space<vmem>>) dst(%dma_wait3A_158 : memref<64x512xf32, #tpu.memory_space<hbm>>)
      %add3A_159 = arith.constant 1984 : i32
      %add3A_160 = arith.addi %mul3A_2, %add3A_159 : i32
      %dma_wait3A_161 = arith.constant 0 : i32
      %dma_wait3A_162 = tpu.memref_slice %arg6[%add3A_160, %dma_wait3A_161] : memref<65536x512xf32, #tpu.memory_space<hbm>> -> memref<64x512xf32, #tpu.memory_space<hbm>>
      %dma_wait3A_163 = arith.constant 0 : i32
      %dma_wait3A_164 = tpu.memref_slice %arg6[%add3A_160, %dma_wait3A_163] : memref<65536x512xf32, #tpu.memory_space<hbm>> -> memref<64x512xf32, #tpu.memory_space<hbm>>
      tpu.wait_dma2 semaphore(%arg20 : memref<!tpu.dma_semaphore, #tpu.memory_space<semaphore_mem>>) src(%arg15 : memref<64x512xf32, #tpu.memory_space<vmem>>) dst(%dma_wait3A_164 : memref<64x512xf32, #tpu.memory_space<hbm>>)
    } else {
    }
    %eq3A_26 = arith.constant 1 : i32
    %eq3A_27 = arith.cmpi eq, %arg0, %eq3A_26 : i32
    %convert_element_type3A_28 = arith.extui %eq3A_27 : i1 to i32
    %cond3A_29 = arith.constant 0 : i32
    %cond3A_30 = arith.cmpi ne, %convert_element_type3A_28, %cond3A_29 : i32
    scf.if %cond3A_30 {
      %dma_start3A = arith.constant 0 : i32
      %dma_start3A_31 = arith.constant 0 : i32
      %dma_start3A_32 = tpu.memref_slice %arg9[%dma_start3A, %dma_start3A_31] : memref<32x64xi32, #tpu.memory_space<vmem>> -> memref<1x64xi32, #tpu.memory_space<vmem>>
      %dma_start3A_33 = tpu.memref_squeeze %dma_start3A_32 : memref<1x64xi32, #tpu.memory_space<vmem>> -> memref<64xi32, #tpu.memory_space<vmem>>
      %dma_start3A_34 = arith.constant 0 : i32
      %dma_start3A_35 = arith.constant 0 : i32
      %dma_start3A_36 = tpu.memref_slice %arg8[%dma_start3A_34, %dma_start3A_35] : memref<4096x512xf32, #tpu.memory_space<hbm>> -> memref<4096x512xf32, #tpu.memory_space<hbm>>
      tpu.enqueue_indirect_dma source(%dma_start3A_36 : memref<4096x512xf32, #tpu.memory_space<hbm>>) target(%arg14 : memref<64x512xf32, #tpu.memory_space<vmem>>) offsets(%dma_start3A_33 : memref<64xi32, #tpu.memory_space<vmem>>) semaphore(%arg16 : memref<!tpu.dma_semaphore, #tpu.memory_space<semaphore_mem>>)
      %dma_start3A_37 = arith.constant 1 : i32
      %dma_start3A_38 = arith.constant 0 : i32
      %dma_start3A_39 = tpu.memref_slice %arg9[%dma_start3A_37, %dma_start3A_38] : memref<32x64xi32, #tpu.memory_space<vmem>> -> memref<1x64xi32, #tpu.memory_space<vmem>>
      %dma_start3A_40 = tpu.memref_squeeze %dma_start3A_39 : memref<1x64xi32, #tpu.memory_space<vmem>> -> memref<64xi32, #tpu.memory_space<vmem>>
      %dma_start3A_41 = arith.constant 0 : i32
      %dma_start3A_42 = arith.constant 0 : i32
      %dma_start3A_43 = tpu.memref_slice %arg8[%dma_start3A_41, %dma_start3A_42] : memref<4096x512xf32, #tpu.memory_space<hbm>> -> memref<4096x512xf32, #tpu.memory_space<hbm>>
      tpu.enqueue_indirect_dma source(%dma_start3A_43 : memref<4096x512xf32, #tpu.memory_space<hbm>>) target(%arg15 : memref<64x512xf32, #tpu.memory_space<vmem>>) offsets(%dma_start3A_40 : memref<64xi32, #tpu.memory_space<vmem>>) semaphore(%arg17 : memref<!tpu.dma_semaphore, #tpu.memory_space<semaphore_mem>>)
      %dma_wait3A = arith.constant 0 : i32
      %dma_wait3A_44 = arith.constant 0 : i32
      %dma_wait3A_45 = tpu.memref_slice %arg9[%dma_wait3A, %dma_wait3A_44] : memref<32x64xi32, #tpu.memory_space<vmem>> -> memref<1x64xi32, #tpu.memory_space<vmem>>
      %dma_wait3A_46 = tpu.memref_squeeze %dma_wait3A_45 : memref<1x64xi32, #tpu.memory_space<vmem>> -> memref<64xi32, #tpu.memory_space<vmem>>
      %dma_wait3A_47 = arith.constant 0 : i32
      %dma_wait3A_48 = arith.constant 0 : i32
      %dma_wait3A_49 = tpu.memref_slice %arg8[%dma_wait3A_47, %dma_wait3A_48] : memref<4096x512xf32, #tpu.memory_space<hbm>> -> memref<4096x512xf32, #tpu.memory_space<hbm>>
      tpu.wait_indirect_dma semaphore(%arg16 : memref<!tpu.dma_semaphore, #tpu.memory_space<semaphore_mem>>) src(%dma_wait3A_49 : memref<4096x512xf32, #tpu.memory_space<hbm>>) dst(%arg14 : memref<64x512xf32, #tpu.memory_space<vmem>>)
      %add3A_50 = arith.constant 0 : i32
      %add3A_51 = arith.addi %mul3A_2, %add3A_50 : i32
      %dma_start3A_52 = arith.constant 0 : i32
      %dma_start3A_53 = tpu.memref_slice %arg6[%add3A_51, %dma_start3A_52] : memref<65536x512xf32, #tpu.memory_space<hbm>> -> memref<64x512xf32, #tpu.memory_space<hbm>>
      %dma_start3A_54 = arith.constant 0 : i32
      %dma_start3A_55 = tpu.memref_slice %arg6[%add3A_51, %dma_start3A_54] : memref<65536x512xf32, #tpu.memory_space<hbm>> -> memref<64x512xf32, #tpu.memory_space<hbm>>
      tpu.enqueue_dma source(%arg14 : memref<64x512xf32, #tpu.memory_space<vmem>>) target(%dma_start3A_55 : memref<64x512xf32, #tpu.memory_space<hbm>>) target_semaphore(%arg19 : memref<!tpu.dma_semaphore, #tpu.memory_space<semaphore_mem>>)
      %dma_start3A_56 = arith.constant 2 : i32
      %dma_start3A_57 = arith.constant 0 : i32
      %dma_start3A_58 = tpu.memref_slice %arg9[%dma_start3A_56, %dma_start3A_57] : memref<32x64xi32, #tpu.memory_space<vmem>> -> memref<1x64xi32, #tpu.memory_space<vmem>>
      %dma_start3A_59 = tpu.memref_squeeze %dma_start3A_58 : memref<1x64xi32, #tpu.memory_space<vmem>> -> memref<64xi32, #tpu.memory_space<vmem>>
      %dma_start3A_60 = arith.constant 0 : i32
      %dma_start3A_61 = arith.constant 0 : i32
      %dma_start3A_62 = tpu.memref_slice %arg8[%dma_start3A_60, %dma_start3A_61] : memref<4096x512xf32, #tpu.memory_space<hbm>> -> memref<4096x512xf32, #tpu.memory_space<hbm>>
      tpu.enqueue_indirect_dma source(%dma_start3A_62 : memref<4096x512xf32, #tpu.memory_space<hbm>>) target(%arg13 : memref<64x512xf32, #tpu.memory_space<vmem>>) offsets(%dma_start3A_59 : memref<64xi32, #tpu.memory_space<vmem>>) semaphore(%arg18 : memref<!tpu.dma_semaphore, #tpu.memory_space<semaphore_mem>>)
      %dma_wait3A_63 = arith.constant 0 : i32
      %dma_wait3A_64 = arith.constant 0 : i32
      %dma_wait3A_65 = tpu.memref_slice %arg9[%dma_wait3A_63, %dma_wait3A_64] : memref<32x64xi32, #tpu.memory_space<vmem>> -> memref<1x64xi32, #tpu.memory_space<vmem>>
      %dma_wait3A_66 = tpu.memref_squeeze %dma_wait3A_65 : memref<1x64xi32, #tpu.memory_space<vmem>> -> memref<64xi32, #tpu.memory_space<vmem>>
      %dma_wait3A_67 = arith.constant 0 : i32
      %dma_wait3A_68 = arith.constant 0 : i32
      %dma_wait3A_69 = tpu.memref_slice %arg8[%dma_wait3A_67, %dma_wait3A_68] : memref<4096x512xf32, #tpu.memory_space<hbm>> -> memref<4096x512xf32, #tpu.memory_space<hbm>>
      tpu.wait_indirect_dma semaphore(%arg17 : memref<!tpu.dma_semaphore, #tpu.memory_space<semaphore_mem>>) src(%dma_wait3A_69 : memref<4096x512xf32, #tpu.memory_space<hbm>>) dst(%arg15 : memref<64x512xf32, #tpu.memory_space<vmem>>)
      %add3A_70 = arith.constant 64 : i32
      %add3A_71 = arith.addi %mul3A_2, %add3A_70 : i32
      %dma_start3A_72 = arith.constant 0 : i32
      %dma_start3A_73 = tpu.memref_slice %arg6[%add3A_71, %dma_start3A_72] : memref<65536x512xf32, #tpu.memory_space<hbm>> -> memref<64x512xf32, #tpu.memory_space<hbm>>
      %dma_start3A_74 = arith.constant 0 : i32
      %dma_start3A_75 = tpu.memref_slice %arg6[%add3A_71, %dma_start3A_74] : memref<65536x512xf32, #tpu.memory_space<hbm>> -> memref<64x512xf32, #tpu.memory_space<hbm>>
      tpu.enqueue_dma source(%arg15 : memref<64x512xf32, #tpu.memory_space<vmem>>) target(%dma_start3A_75 : memref<64x512xf32, #tpu.memory_space<hbm>>) target_semaphore(%arg20 : memref<!tpu.dma_semaphore, #tpu.memory_space<semaphore_mem>>)
      %add3A_76 = arith.constant 0 : i32
      %add3A_77 = arith.addi %mul3A_2, %add3A_76 : i32
      %dma_wait3A_78 = arith.constant 0 : i32
      %dma_wait3A_79 = tpu.memref_slice %arg6[%add3A_77, %dma_wait3A_78] : memref<65536x512xf32, #tpu.memory_space<hbm>> -> memref<64x512xf32, #tpu.memory_space<hbm>>
      %dma_wait3A_80 = arith.constant 0 : i32
      %dma_wait3A_81 = tpu.memref_slice %arg6[%add3A_77, %dma_wait3A_80] : memref<65536x512xf32, #tpu.memory_space<hbm>> -> memref<64x512xf32, #tpu.memory_space<hbm>>
      tpu.wait_dma2 semaphore(%arg19 : memref<!tpu.dma_semaphore, #tpu.memory_space<semaphore_mem>>) src(%arg14 : memref<64x512xf32, #tpu.memory_space<vmem>>) dst(%dma_wait3A_81 : memref<64x512xf32, #tpu.memory_space<hbm>>)
      %dma_start3A_82 = arith.constant 3 : i32
      %dma_start3A_83 = arith.constant 0 : i32
      %dma_start3A_84 = tpu.memref_slice %arg9[%dma_start3A_82, %dma_start3A_83] : memref<32x64xi32, #tpu.memory_space<vmem>> -> memref<1x64xi32, #tpu.memory_space<vmem>>
      %dma_start3A_85 = tpu.memref_squeeze %dma_start3A_84 : memref<1x64xi32, #tpu.memory_space<vmem>> -> memref<64xi32, #tpu.memory_space<vmem>>
      %dma_start3A_86 = arith.constant 0 : i32
      %dma_start3A_87 = arith.constant 0 : i32
      %dma_start3A_88 = tpu.memref_slice %arg8[%dma_start3A_86, %dma_start3A_87] : memref<4096x512xf32, #tpu.memory_space<hbm>> -> memref<4096x512xf32, #tpu.memory_space<hbm>>
      tpu.enqueue_indirect_dma source(%dma_start3A_88 : memref<4096x512xf32, #tpu.memory_space<hbm>>) target(%arg14 : memref<64x512xf32, #tpu.memory_space<vmem>>) offsets(%dma_start3A_85 : memref<64xi32, #tpu.memory_space<vmem>>) semaphore(%arg16 : memref<!tpu.dma_semaphore, #tpu.memory_space<semaphore_mem>>)
      %dma_wait3A_89 = arith.constant 0 : i32
      %dma_wait3A_90 = arith.constant 0 : i32
      %dma_wait3A_91 = tpu.memref_slice %arg9[%dma_wait3A_89, %dma_wait3A_90] : memref<32x64xi32, #tpu.memory_space<vmem>> -> memref<1x64xi32, #tpu.memory_space<vmem>>
      %dma_wait3A_92 = tpu.memref_squeeze %dma_wait3A_91 : memref<1x64xi32, #tpu.memory_space<vmem>> -> memref<64xi32, #tpu.memory_space<vmem>>
      %dma_wait3A_93 = arith.constant 0 : i32
      %dma_wait3A_94 = arith.constant 0 : i32
      %dma_wait3A_95 = tpu.memref_slice %arg8[%dma_wait3A_93, %dma_wait3A_94] : memref<4096x512xf32, #tpu.memory_space<hbm>> -> memref<4096x512xf32, #tpu.memory_space<hbm>>
      tpu.wait_indirect_dma semaphore(%arg18 : memref<!tpu.dma_semaphore, #tpu.memory_space<semaphore_mem>>) src(%dma_wait3A_95 : memref<4096x512xf32, #tpu.memory_space<hbm>>) dst(%arg13 : memref<64x512xf32, #tpu.memory_space<vmem>>)
      %add3A_96 = arith.constant 128 : i32
      %add3A_97 = arith.addi %mul3A_2, %add3A_96 : i32
      %dma_start3A_98 = arith.constant 0 : i32
      %dma_start3A_99 = tpu.memref_slice %arg6[%add3A_97, %dma_start3A_98] : memref<65536x512xf32, #tpu.memory_space<hbm>> -> memref<64x512xf32, #tpu.memory_space<hbm>>
      %dma_start3A_100 = arith.constant 0 : i32
      %dma_start3A_101 = tpu.memref_slice %arg6[%add3A_97, %dma_start3A_100] : memref<65536x512xf32, #tpu.memory_space<hbm>> -> memref<64x512xf32, #tpu.memory_space<hbm>>
      tpu.enqueue_dma source(%arg13 : memref<64x512xf32, #tpu.memory_space<vmem>>) target(%dma_start3A_101 : memref<64x512xf32, #tpu.memory_space<hbm>>) target_semaphore(%arg21 : memref<!tpu.dma_semaphore, #tpu.memory_space<semaphore_mem>>)
      %add3A_102 = arith.constant 64 : i32
      %add3A_103 = arith.addi %mul3A_2, %add3A_102 : i32
      %dma_wait3A_104 = arith.constant 0 : i32
      %dma_wait3A_105 = tpu.memref_slice %arg6[%add3A_103, %dma_wait3A_104] : memref<65536x512xf32, #tpu.memory_space<hbm>> -> memref<64x512xf32, #tpu.memory_space<hbm>>
      %dma_wait3A_106 = arith.constant 0 : i32
      %dma_wait3A_107 = tpu.memref_slice %arg6[%add3A_103, %dma_wait3A_106] : memref<65536x512xf32, #tpu.memory_space<hbm>> -> memref<64x512xf32, #tpu.memory_space<hbm>>
      tpu.wait_dma2 semaphore(%arg20 : memref<!tpu.dma_semaphore, #tpu.memory_space<semaphore_mem>>) src(%arg15 : memref<64x512xf32, #tpu.memory_space<vmem>>) dst(%dma_wait3A_107 : memref<64x512xf32, #tpu.memory_space<hbm>>)
      %dma_start3A_108 = arith.constant 4 : i32
      %dma_start3A_109 = arith.constant 0 : i32
      %dma_start3A_110 = tpu.memref_slice %arg9[%dma_start3A_108, %dma_start3A_109] : memref<32x64xi32, #tpu.memory_space<vmem>> -> memref<1x64xi32, #tpu.memory_space<vmem>>
      %dma_start3A_111 = tpu.memref_squeeze %dma_start3A_110 : memref<1x64xi32, #tpu.memory_space<vmem>> -> memref<64xi32, #tpu.memory_space<vmem>>
      %dma_start3A_112 = arith.constant 0 : i32
      %dma_start3A_113 = arith.constant 0 : i32
      %dma_start3A_114 = tpu.memref_slice %arg8[%dma_start3A_112, %dma_start3A_113] : memref<4096x512xf32, #tpu.memory_space<hbm>> -> memref<4096x512xf32, #tpu.memory_space<hbm>>
      tpu.enqueue_indirect_dma source(%dma_start3A_114 : memref<4096x512xf32, #tpu.memory_space<hbm>>) target(%arg15 : memref<64x512xf32, #tpu.memory_space<vmem>>) offsets(%dma_start3A_111 : memref<64xi32, #tpu.memory_space<vmem>>) semaphore(%arg17 : memref<!tpu.dma_semaphore, #tpu.memory_space<semaphore_mem>>)
      %scan3A_115 = arith.constant 0 : i32
      %scan3A_116 = arith.constant 1 : i32
      %scan3A_117 = arith.constant 9 : i32
      %scan3A_118 = arith.addi %scan3A_116, %scan3A_117 : i32
      %scan3A_119 = arith.constant 1 : i32
      scf.for %scan3A_165 = %scan3A_116 to %scan3A_118 step %scan3A_119  : i32 {
        %mul3A_166 = arith.constant 3 : i32
        %mul3A_167 = arith.muli %mul3A_166, %scan3A_165 : i32
        %add3A_168 = arith.constant 0 : i32
        %add3A_169 = arith.addi %mul3A_167, %add3A_168 : i32
        %dma_wait3A_170 = arith.constant 0 : i32
        %dma_wait3A_171 = arith.constant 0 : i32
        %dma_wait3A_172 = tpu.memref_slice %arg9[%dma_wait3A_170, %dma_wait3A_171] : memref<32x64xi32, #tpu.memory_space<vmem>> -> memref<1x64xi32, #tpu.memory_space<vmem>>
        %dma_wait3A_173 = tpu.memref_squeeze %dma_wait3A_172 : memref<1x64xi32, #tpu.memory_space<vmem>> -> memref<64xi32, #tpu.memory_space<vmem>>
        %dma_wait3A_174 = arith.constant 0 : i32
        %dma_wait3A_175 = arith.constant 0 : i32
        %dma_wait3A_176 = tpu.memref_slice %arg8[%dma_wait3A_174, %dma_wait3A_175] : memref<4096x512xf32, #tpu.memory_space<hbm>> -> memref<4096x512xf32, #tpu.memory_space<hbm>>
        tpu.wait_indirect_dma semaphore(%arg16 : memref<!tpu.dma_semaphore, #tpu.memory_space<semaphore_mem>>) src(%dma_wait3A_176 : memref<4096x512xf32, #tpu.memory_space<hbm>>) dst(%arg14 : memref<64x512xf32, #tpu.memory_space<vmem>>)
        %mul3A_177 = arith.constant 64 : i32
        %mul3A_178 = arith.muli %add3A_169, %mul3A_177 : i32
        %add3A_179 = arith.addi %mul3A_2, %mul3A_178 : i32
        %dma_start3A_180 = arith.constant 0 : i32
        %dma_start3A_181 = tpu.memref_slice %arg6[%add3A_179, %dma_start3A_180] : memref<65536x512xf32, #tpu.memory_space<hbm>> -> memref<64x512xf32, #tpu.memory_space<hbm>>
        %dma_start3A_182 = arith.constant 0 : i32
        %dma_start3A_183 = tpu.memref_slice %arg6[%add3A_179, %dma_start3A_182] : memref<65536x512xf32, #tpu.memory_space<hbm>> -> memref<64x512xf32, #tpu.memory_space<hbm>>
        tpu.enqueue_dma source(%arg14 : memref<64x512xf32, #tpu.memory_space<vmem>>) target(%dma_start3A_183 : memref<64x512xf32, #tpu.memory_space<hbm>>) target_semaphore(%arg19 : memref<!tpu.dma_semaphore, #tpu.memory_space<semaphore_mem>>)
        %sub3A = arith.constant 1 : i32
        %sub3A_184 = arith.subi %add3A_169, %sub3A : i32
        %mul3A_185 = arith.constant 64 : i32
        %mul3A_186 = arith.muli %sub3A_184, %mul3A_185 : i32
        %add3A_187 = arith.addi %mul3A_2, %mul3A_186 : i32
        %dma_wait3A_188 = arith.constant 0 : i32
        %dma_wait3A_189 = tpu.memref_slice %arg6[%add3A_187, %dma_wait3A_188] : memref<65536x512xf32, #tpu.memory_space<hbm>> -> memref<64x512xf32, #tpu.memory_space<hbm>>
        %dma_wait3A_190 = arith.constant 0 : i32
        %dma_wait3A_191 = tpu.memref_slice %arg6[%add3A_187, %dma_wait3A_190] : memref<65536x512xf32, #tpu.memory_space<hbm>> -> memref<64x512xf32, #tpu.memory_space<hbm>>
        tpu.wait_dma2 semaphore(%arg21 : memref<!tpu.dma_semaphore, #tpu.memory_space<semaphore_mem>>) src(%arg13 : memref<64x512xf32, #tpu.memory_space<vmem>>) dst(%dma_wait3A_191 : memref<64x512xf32, #tpu.memory_space<hbm>>)
        %add3A_192 = arith.constant 2 : i32
        %add3A_193 = arith.addi %add3A_169, %add3A_192 : i32
        %dma_start3A_194 = arith.constant 0 : i32
        %dma_start3A_195 = tpu.memref_slice %arg9[%add3A_193, %dma_start3A_194] : memref<32x64xi32, #tpu.memory_space<vmem>> -> memref<1x64xi32, #tpu.memory_space<vmem>>
        %dma_start3A_196 = tpu.memref_squeeze %dma_start3A_195 : memref<1x64xi32, #tpu.memory_space<vmem>> -> memref<64xi32, #tpu.memory_space<vmem>>
        %dma_start3A_197 = arith.constant 0 : i32
        %dma_start3A_198 = arith.constant 0 : i32
        %dma_start3A_199 = tpu.memref_slice %arg8[%dma_start3A_197, %dma_start3A_198] : memref<4096x512xf32, #tpu.memory_space<hbm>> -> memref<4096x512xf32, #tpu.memory_space<hbm>>
        tpu.enqueue_indirect_dma source(%dma_start3A_199 : memref<4096x512xf32, #tpu.memory_space<hbm>>) target(%arg13 : memref<64x512xf32, #tpu.memory_space<vmem>>) offsets(%dma_start3A_196 : memref<64xi32, #tpu.memory_space<vmem>>) semaphore(%arg18 : memref<!tpu.dma_semaphore, #tpu.memory_space<semaphore_mem>>)
        %mul3A_200 = arith.constant 3 : i32
        %mul3A_201 = arith.muli %mul3A_200, %scan3A_165 : i32
        %add3A_202 = arith.constant 1 : i32
        %add3A_203 = arith.addi %mul3A_201, %add3A_202 : i32
        %dma_wait3A_204 = arith.constant 0 : i32
        %dma_wait3A_205 = arith.constant 0 : i32
        %dma_wait3A_206 = tpu.memref_slice %arg9[%dma_wait3A_204, %dma_wait3A_205] : memref<32x64xi32, #tpu.memory_space<vmem>> -> memref<1x64xi32, #tpu.memory_space<vmem>>
        %dma_wait3A_207 = tpu.memref_squeeze %dma_wait3A_206 : memref<1x64xi32, #tpu.memory_space<vmem>> -> memref<64xi32, #tpu.memory_space<vmem>>
        %dma_wait3A_208 = arith.constant 0 : i32
        %dma_wait3A_209 = arith.constant 0 : i32
        %dma_wait3A_210 = tpu.memref_slice %arg8[%dma_wait3A_208, %dma_wait3A_209] : memref<4096x512xf32, #tpu.memory_space<hbm>> -> memref<4096x512xf32, #tpu.memory_space<hbm>>
        tpu.wait_indirect_dma semaphore(%arg17 : memref<!tpu.dma_semaphore, #tpu.memory_space<semaphore_mem>>) src(%dma_wait3A_210 : memref<4096x512xf32, #tpu.memory_space<hbm>>) dst(%arg15 : memref<64x512xf32, #tpu.memory_space<vmem>>)
        %mul3A_211 = arith.constant 64 : i32
        %mul3A_212 = arith.muli %add3A_203, %mul3A_211 : i32
        %add3A_213 = arith.addi %mul3A_2, %mul3A_212 : i32
        %dma_start3A_214 = arith.constant 0 : i32
        %dma_start3A_215 = tpu.memref_slice %arg6[%add3A_213, %dma_start3A_214] : memref<65536x512xf32, #tpu.memory_space<hbm>> -> memref<64x512xf32, #tpu.memory_space<hbm>>
        %dma_start3A_216 = arith.constant 0 : i32
        %dma_start3A_217 = tpu.memref_slice %arg6[%add3A_213, %dma_start3A_216] : memref<65536x512xf32, #tpu.memory_space<hbm>> -> memref<64x512xf32, #tpu.memory_space<hbm>>
        tpu.enqueue_dma source(%arg15 : memref<64x512xf32, #tpu.memory_space<vmem>>) target(%dma_start3A_217 : memref<64x512xf32, #tpu.memory_space<hbm>>) target_semaphore(%arg20 : memref<!tpu.dma_semaphore, #tpu.memory_space<semaphore_mem>>)
        %sub3A_218 = arith.constant 1 : i32
        %sub3A_219 = arith.subi %add3A_203, %sub3A_218 : i32
        %mul3A_220 = arith.constant 64 : i32
        %mul3A_221 = arith.muli %sub3A_219, %mul3A_220 : i32
        %add3A_222 = arith.addi %mul3A_2, %mul3A_221 : i32
        %dma_wait3A_223 = arith.constant 0 : i32
        %dma_wait3A_224 = tpu.memref_slice %arg6[%add3A_222, %dma_wait3A_223] : memref<65536x512xf32, #tpu.memory_space<hbm>> -> memref<64x512xf32, #tpu.memory_space<hbm>>
        %dma_wait3A_225 = arith.constant 0 : i32
        %dma_wait3A_226 = tpu.memref_slice %arg6[%add3A_222, %dma_wait3A_225] : memref<65536x512xf32, #tpu.memory_space<hbm>> -> memref<64x512xf32, #tpu.memory_space<hbm>>
        tpu.wait_dma2 semaphore(%arg19 : memref<!tpu.dma_semaphore, #tpu.memory_space<semaphore_mem>>) src(%arg14 : memref<64x512xf32, #tpu.memory_space<vmem>>) dst(%dma_wait3A_226 : memref<64x512xf32, #tpu.memory_space<hbm>>)
        %add3A_227 = arith.constant 2 : i32
        %add3A_228 = arith.addi %add3A_203, %add3A_227 : i32
        %dma_start3A_229 = arith.constant 0 : i32
        %dma_start3A_230 = tpu.memref_slice %arg9[%add3A_228, %dma_start3A_229] : memref<32x64xi32, #tpu.memory_space<vmem>> -> memref<1x64xi32, #tpu.memory_space<vmem>>
        %dma_start3A_231 = tpu.memref_squeeze %dma_start3A_230 : memref<1x64xi32, #tpu.memory_space<vmem>> -> memref<64xi32, #tpu.memory_space<vmem>>
        %dma_start3A_232 = arith.constant 0 : i32
        %dma_start3A_233 = arith.constant 0 : i32
        %dma_start3A_234 = tpu.memref_slice %arg8[%dma_start3A_232, %dma_start3A_233] : memref<4096x512xf32, #tpu.memory_space<hbm>> -> memref<4096x512xf32, #tpu.memory_space<hbm>>
        tpu.enqueue_indirect_dma source(%dma_start3A_234 : memref<4096x512xf32, #tpu.memory_space<hbm>>) target(%arg14 : memref<64x512xf32, #tpu.memory_space<vmem>>) offsets(%dma_start3A_231 : memref<64xi32, #tpu.memory_space<vmem>>) semaphore(%arg16 : memref<!tpu.dma_semaphore, #tpu.memory_space<semaphore_mem>>)
        %mul3A_235 = arith.constant 3 : i32
        %mul3A_236 = arith.muli %mul3A_235, %scan3A_165 : i32
        %add3A_237 = arith.constant 2 : i32
        %add3A_238 = arith.addi %mul3A_236, %add3A_237 : i32
        %dma_wait3A_239 = arith.constant 0 : i32
        %dma_wait3A_240 = arith.constant 0 : i32
        %dma_wait3A_241 = tpu.memref_slice %arg9[%dma_wait3A_239, %dma_wait3A_240] : memref<32x64xi32, #tpu.memory_space<vmem>> -> memref<1x64xi32, #tpu.memory_space<vmem>>
        %dma_wait3A_242 = tpu.memref_squeeze %dma_wait3A_241 : memref<1x64xi32, #tpu.memory_space<vmem>> -> memref<64xi32, #tpu.memory_space<vmem>>
        %dma_wait3A_243 = arith.constant 0 : i32
        %dma_wait3A_244 = arith.constant 0 : i32
        %dma_wait3A_245 = tpu.memref_slice %arg8[%dma_wait3A_243, %dma_wait3A_244] : memref<4096x512xf32, #tpu.memory_space<hbm>> -> memref<4096x512xf32, #tpu.memory_space<hbm>>
        tpu.wait_indirect_dma semaphore(%arg18 : memref<!tpu.dma_semaphore, #tpu.memory_space<semaphore_mem>>) src(%dma_wait3A_245 : memref<4096x512xf32, #tpu.memory_space<hbm>>) dst(%arg13 : memref<64x512xf32, #tpu.memory_space<vmem>>)
        %mul3A_246 = arith.constant 64 : i32
        %mul3A_247 = arith.muli %add3A_238, %mul3A_246 : i32
        %add3A_248 = arith.addi %mul3A_2, %mul3A_247 : i32
        %dma_start3A_249 = arith.constant 0 : i32
        %dma_start3A_250 = tpu.memref_slice %arg6[%add3A_248, %dma_start3A_249] : memref<65536x512xf32, #tpu.memory_space<hbm>> -> memref<64x512xf32, #tpu.memory_space<hbm>>
        %dma_start3A_251 = arith.constant 0 : i32
        %dma_start3A_252 = tpu.memref_slice %arg6[%add3A_248, %dma_start3A_251] : memref<65536x512xf32, #tpu.memory_space<hbm>> -> memref<64x512xf32, #tpu.memory_space<hbm>>
        tpu.enqueue_dma source(%arg13 : memref<64x512xf32, #tpu.memory_space<vmem>>) target(%dma_start3A_252 : memref<64x512xf32, #tpu.memory_space<hbm>>) target_semaphore(%arg21 : memref<!tpu.dma_semaphore, #tpu.memory_space<semaphore_mem>>)
        %sub3A_253 = arith.constant 1 : i32
        %sub3A_254 = arith.subi %add3A_238, %sub3A_253 : i32
        %mul3A_255 = arith.constant 64 : i32
        %mul3A_256 = arith.muli %sub3A_254, %mul3A_255 : i32
        %add3A_257 = arith.addi %mul3A_2, %mul3A_256 : i32
        %dma_wait3A_258 = arith.constant 0 : i32
        %dma_wait3A_259 = tpu.memref_slice %arg6[%add3A_257, %dma_wait3A_258] : memref<65536x512xf32, #tpu.memory_space<hbm>> -> memref<64x512xf32, #tpu.memory_space<hbm>>
        %dma_wait3A_260 = arith.constant 0 : i32
        %dma_wait3A_261 = tpu.memref_slice %arg6[%add3A_257, %dma_wait3A_260] : memref<65536x512xf32, #tpu.memory_space<hbm>> -> memref<64x512xf32, #tpu.memory_space<hbm>>
        tpu.wait_dma2 semaphore(%arg20 : memref<!tpu.dma_semaphore, #tpu.memory_space<semaphore_mem>>) src(%arg15 : memref<64x512xf32, #tpu.memory_space<vmem>>) dst(%dma_wait3A_261 : memref<64x512xf32, #tpu.memory_space<hbm>>)
        %add3A_262 = arith.constant 2 : i32
        %add3A_263 = arith.addi %add3A_238, %add3A_262 : i32
        %dma_start3A_264 = arith.constant 0 : i32
        %dma_start3A_265 = tpu.memref_slice %arg9[%add3A_263, %dma_start3A_264] : memref<32x64xi32, #tpu.memory_space<vmem>> -> memref<1x64xi32, #tpu.memory_space<vmem>>
        %dma_start3A_266 = tpu.memref_squeeze %dma_start3A_265 : memref<1x64xi32, #tpu.memory_space<vmem>> -> memref<64xi32, #tpu.memory_space<vmem>>
        %dma_start3A_267 = arith.constant 0 : i32
        %dma_start3A_268 = arith.constant 0 : i32
        %dma_start3A_269 = tpu.memref_slice %arg8[%dma_start3A_267, %dma_start3A_268] : memref<4096x512xf32, #tpu.memory_space<hbm>> -> memref<4096x512xf32, #tpu.memory_space<hbm>>
        tpu.enqueue_indirect_dma source(%dma_start3A_269 : memref<4096x512xf32, #tpu.memory_space<hbm>>) target(%arg15 : memref<64x512xf32, #tpu.memory_space<vmem>>) offsets(%dma_start3A_266 : memref<64xi32, #tpu.memory_space<vmem>>) semaphore(%arg17 : memref<!tpu.dma_semaphore, #tpu.memory_space<semaphore_mem>>)
      }
      %scan3A_120 = arith.constant 9 : i32
      %dma_wait3A_121 = arith.constant 0 : i32
      %dma_wait3A_122 = arith.constant 0 : i32
      %dma_wait3A_123 = tpu.memref_slice %arg9[%dma_wait3A_121, %dma_wait3A_122] : memref<32x64xi32, #tpu.memory_space<vmem>> -> memref<1x64xi32, #tpu.memory_space<vmem>>
      %dma_wait3A_124 = tpu.memref_squeeze %dma_wait3A_123 : memref<1x64xi32, #tpu.memory_space<vmem>> -> memref<64xi32, #tpu.memory_space<vmem>>
      %dma_wait3A_125 = arith.constant 0 : i32
      %dma_wait3A_126 = arith.constant 0 : i32
      %dma_wait3A_127 = tpu.memref_slice %arg8[%dma_wait3A_125, %dma_wait3A_126] : memref<4096x512xf32, #tpu.memory_space<hbm>> -> memref<4096x512xf32, #tpu.memory_space<hbm>>
      tpu.wait_indirect_dma semaphore(%arg16 : memref<!tpu.dma_semaphore, #tpu.memory_space<semaphore_mem>>) src(%dma_wait3A_127 : memref<4096x512xf32, #tpu.memory_space<hbm>>) dst(%arg14 : memref<64x512xf32, #tpu.memory_space<vmem>>)
      %add3A_128 = arith.constant 1920 : i32
      %add3A_129 = arith.addi %mul3A_2, %add3A_128 : i32
      %dma_start3A_130 = arith.constant 0 : i32
      %dma_start3A_131 = tpu.memref_slice %arg6[%add3A_129, %dma_start3A_130] : memref<65536x512xf32, #tpu.memory_space<hbm>> -> memref<64x512xf32, #tpu.memory_space<hbm>>
      %dma_start3A_132 = arith.constant 0 : i32
      %dma_start3A_133 = tpu.memref_slice %arg6[%add3A_129, %dma_start3A_132] : memref<65536x512xf32, #tpu.memory_space<hbm>> -> memref<64x512xf32, #tpu.memory_space<hbm>>
      tpu.enqueue_dma source(%arg14 : memref<64x512xf32, #tpu.memory_space<vmem>>) target(%dma_start3A_133 : memref<64x512xf32, #tpu.memory_space<hbm>>) target_semaphore(%arg19 : memref<!tpu.dma_semaphore, #tpu.memory_space<semaphore_mem>>)
      %add3A_134 = arith.constant 1856 : i32
      %add3A_135 = arith.addi %mul3A_2, %add3A_134 : i32
      %dma_wait3A_136 = arith.constant 0 : i32
      %dma_wait3A_137 = tpu.memref_slice %arg6[%add3A_135, %dma_wait3A_136] : memref<65536x512xf32, #tpu.memory_space<hbm>> -> memref<64x512xf32, #tpu.memory_space<hbm>>
      %dma_wait3A_138 = arith.constant 0 : i32
      %dma_wait3A_139 = tpu.memref_slice %arg6[%add3A_135, %dma_wait3A_138] : memref<65536x512xf32, #tpu.memory_space<hbm>> -> memref<64x512xf32, #tpu.memory_space<hbm>>
      tpu.wait_dma2 semaphore(%arg21 : memref<!tpu.dma_semaphore, #tpu.memory_space<semaphore_mem>>) src(%arg13 : memref<64x512xf32, #tpu.memory_space<vmem>>) dst(%dma_wait3A_139 : memref<64x512xf32, #tpu.memory_space<hbm>>)
      %dma_wait3A_140 = arith.constant 0 : i32
      %dma_wait3A_141 = arith.constant 0 : i32
      %dma_wait3A_142 = tpu.memref_slice %arg9[%dma_wait3A_140, %dma_wait3A_141] : memref<32x64xi32, #tpu.memory_space<vmem>> -> memref<1x64xi32, #tpu.memory_space<vmem>>
      %dma_wait3A_143 = tpu.memref_squeeze %dma_wait3A_142 : memref<1x64xi32, #tpu.memory_space<vmem>> -> memref<64xi32, #tpu.memory_space<vmem>>
      %dma_wait3A_144 = arith.constant 0 : i32
      %dma_wait3A_145 = arith.constant 0 : i32
      %dma_wait3A_146 = tpu.memref_slice %arg8[%dma_wait3A_144, %dma_wait3A_145] : memref<4096x512xf32, #tpu.memory_space<hbm>> -> memref<4096x512xf32, #tpu.memory_space<hbm>>
      tpu.wait_indirect_dma semaphore(%arg17 : memref<!tpu.dma_semaphore, #tpu.memory_space<semaphore_mem>>) src(%dma_wait3A_146 : memref<4096x512xf32, #tpu.memory_space<hbm>>) dst(%arg15 : memref<64x512xf32, #tpu.memory_space<vmem>>)
      %add3A_147 = arith.constant 1984 : i32
      %add3A_148 = arith.addi %mul3A_2, %add3A_147 : i32
      %dma_start3A_149 = arith.constant 0 : i32
      %dma_start3A_150 = tpu.memref_slice %arg6[%add3A_148, %dma_start3A_149] : memref<65536x512xf32, #tpu.memory_space<hbm>> -> memref<64x512xf32, #tpu.memory_space<hbm>>
      %dma_start3A_151 = arith.constant 0 : i32
      %dma_start3A_152 = tpu.memref_slice %arg6[%add3A_148, %dma_start3A_151] : memref<65536x512xf32, #tpu.memory_space<hbm>> -> memref<64x512xf32, #tpu.memory_space<hbm>>
      tpu.enqueue_dma source(%arg15 : memref<64x512xf32, #tpu.memory_space<vmem>>) target(%dma_start3A_152 : memref<64x512xf32, #tpu.memory_space<hbm>>) target_semaphore(%arg20 : memref<!tpu.dma_semaphore, #tpu.memory_space<semaphore_mem>>)
      %add3A_153 = arith.constant 1920 : i32
      %add3A_154 = arith.addi %mul3A_2, %add3A_153 : i32
      %dma_wait3A_155 = arith.constant 0 : i32
      %dma_wait3A_156 = tpu.memref_slice %arg6[%add3A_154, %dma_wait3A_155] : memref<65536x512xf32, #tpu.memory_space<hbm>> -> memref<64x512xf32, #tpu.memory_space<hbm>>
      %dma_wait3A_157 = arith.constant 0 : i32
      %dma_wait3A_158 = tpu.memref_slice %arg6[%add3A_154, %dma_wait3A_157] : memref<65536x512xf32, #tpu.memory_space<hbm>> -> memref<64x512xf32, #tpu.memory_space<hbm>>
      tpu.wait_dma2 semaphore(%arg19 : memref<!tpu.dma_semaphore, #tpu.memory_space<semaphore_mem>>) src(%arg14 : memref<64x512xf32, #tpu.memory_space<vmem>>) dst(%dma_wait3A_158 : memref<64x512xf32, #tpu.memory_space<hbm>>)
      %add3A_159 = arith.constant 1984 : i32
      %add3A_160 = arith.addi %mul3A_2, %add3A_159 : i32
      %dma_wait3A_161 = arith.constant 0 : i32
      %dma_wait3A_162 = tpu.memref_slice %arg6[%add3A_160, %dma_wait3A_161] : memref<65536x512xf32, #tpu.memory_space<hbm>> -> memref<64x512xf32, #tpu.memory_space<hbm>>
      %dma_wait3A_163 = arith.constant 0 : i32
      %dma_wait3A_164 = tpu.memref_slice %arg6[%add3A_160, %dma_wait3A_163] : memref<65536x512xf32, #tpu.memory_space<hbm>> -> memref<64x512xf32, #tpu.memory_space<hbm>>
      tpu.wait_dma2 semaphore(%arg20 : memref<!tpu.dma_semaphore, #tpu.memory_space<semaphore_mem>>) src(%arg15 : memref<64x512xf32, #tpu.memory_space<vmem>>) dst(%dma_wait3A_164 : memref<64x512xf32, #tpu.memory_space<hbm>>)
    } else {
    }
    return
  }
}

</mosaic_0001>

<sc_bundles>
// kernel: kernel.3.cloned.1.call-start
scs
__scs_entry_jumppad:
0x0: {  	(pc) =	sbr.rel $0x88, $3  }
0x1: {  	(tag) =	ssettag $0x0;
	lr =	simm.s32 $0x1  }
0x2: {  	[smem:$0x3F9E] =	sst lr;
	_ =	strace $0xD0000000  }
0x3: {  	_ = 	snop  }
0x4: {  	_ = 	snop  }
0x5: {  	_ = 	snop  }
0x6: {  	_ = 	snop  }
0x7: {  	_ = 	snop  }
__scs_overlays_trampoline_lowered:
0x8: {  	[smem:$0x3FAD] =	sst s0  }
0x9: {  	[smem:$0x3FAE] =	sst s1  }
0xa: {  	[smem:$0x3FAF] =	sst s2  }
0xb: {  	[smem:$0x3FB0] =	sst s3  }
0xc: {  	[smem:$0x3FB1] =	sst s4  }
0xd: {  	[smem:$0x3FB2] =	sst s5  }
0xe: {  	[smem:$0x3FB3] =	sst s6  }
0xf: {  	[smem:$0x3FB4] =	sst s7  }
0x10: {  	[smem:$0x3FB5] =	sst s8  }
0x11: {  	[smem:$0x3FB6] =	sst s9;
	s0 =	simm.s32 @!p0 $0x0  }
0x12: {  	s1 =	sld [smem:$0x3F9C];
	s0 =	simm.s32 @p0 $0x1  }
0x13: {  	[smem:$0x3FB7] =	sst s0;
	s0 =	simm.s32 @!p1 $0x0  }
0x14: {  	s2 =	sld [smem:$0x3F9B];
	s0 =	simm.s32 @p1 $0x1  }
0x15: {  	[smem:$0x3FB8] =	sst s0;
	s0 =	simm.s32 @!p2 $0x0  }
0x16: {  	s3 =	sld [smem:$0x3FDB];
	s0 =	simm.s32 @p2 $0x1  }
0x17: {  	s4 =	simm.s32 $0x1BF5;
	[smem:$0x3FBA] =	sst s0  }
0x18: {  	s0 =	sld [smem:$0x3F9D];
	_ =	swait.ge [sflag:s4], $0x0  }
0x19: {  	s7 =	sld [smem:$0x3F9E]  }
0x1a: {  	s8 =	sadd.s32 $0xFFFFE003, lr  }
0x1b: {  	s9 =	sadd.s32 $0xFFFFFEF7, lr;
	s5 =	simm.s32 $0xFFFFFFFF;
	p2 =	slt.u32 s8, $0xFFFFF086  }
0x1c: {  	p1 =	slt.u32 s9, $0xF7A;
	s5 =	simm.s32 @!p2 $0x0  }
0x1d: {  	s5 =	simm.s32 @p1 $0x1;
	p0 =	seq.s32 s7, s2  }
0x1e: {  	s7 =	smul.u32 @!p0 $0xF7A, s2;
	p2 =	seq.s32 @!p0 s5, $0x0  }
0x1f: {  	s9 =	smul.u32 $0xF7A, s1;
	s8 =	simm.s32 @!p0 $0x1BF5;
	p2 =	por !p2, p0  }
0x20: {  	[sflag:s8] =	ssyncset.s32 @!p0 $0xFFFFF086;
	s6 =	sadd.s32 @!p0 s3, s7;
	s7 =	simm.s32 @!p0 $0x108  }
0x21: {  	s3 =	sadd.s32 s3, s9;
	s6 =	sadd.s32 @!p0 $0x88, s6;
	s7 =	simm.s32 @p2 $0x1082  }
0x22: {  	[simem:s7], [sflag:s8] =	dma.local @!p0 [hbm:s6], $0xF7A  }
0x23: {  	s9 =	sor.u32 $0xD0000000, s2;
	s6 =	simm.s32 $0x108;
	_ =	swait.ge @!p0 [sflag:s8], $0x0  }
0x24: {  	s3 =	sadd.s32 $0x88, s3;
	s6 =	simm.s32 @!p1 $0x1082;
	[sflag:s4] =	ssyncset.s32 $0xFFFFF086  }
0x25: {  	[simem:s6], [sflag:s4] =	dma.local [hbm:s3], $0xF7A  }
0x26: {  	[smem:$0x3F9E] =	sst s1;
	(tag) =	ssettag s2;
	_ =	strace s9  }
0x27: {  	s1 =	sld [smem:$0x3FAE]  }
0x28: {  	s2 =	sld [smem:$0x3FAF]  }
0x29: {  	s4 =	sld [smem:$0x3FB1]  }
0x2a: {  	p0 =	seq.s32 s5, $0x0;
	s5 =	sld [smem:$0x3FB2]  }
0x2b: {  	s6 =	sld [smem:$0x3FB3]  }
0x2c: {  	s7 =	sld [smem:$0x3FB4]  }
0x2d: {  	s3 =	simm.s32 $0x108;
	s8 =	sld [smem:$0x3FB5]  }
0x2e: {  	s3 =	simm.s32 @!p0 $0x1082;
	s9 =	sld [smem:$0x3FB6]  }
0x2f: {  	lr =	sadd.s32 s0, s3;
	s0 =	sld [smem:$0x3FAD]  }
0x30: {  	s3 =	sld [smem:$0x3FB0]  }
0x31: {  	[smem:$0x3FB9] =	sst s10  }
0x32: {  	s10 =	sld [smem:$0x3FB7];
	_ =	sdelay $0x3  }
0x33: {  	p0 =	seq.s32 s10, $0x1;
	s10 =	sld [smem:$0x3FB9];
	_ =	sdelay $0x3  }
0x34: {  	[smem:$0x3FB9] =	sst s10  }
0x35: {  	s10 =	sld [smem:$0x3FB8];
	_ =	sdelay $0x3  }
0x36: {  	p1 =	seq.s32 s10, $0x1;
	s10 =	sld [smem:$0x3FB9];
	_ =	sdelay $0x3  }
0x37: {  	[smem:$0x3FB9] =	sst s10  }
0x38: {  	s10 =	sld [smem:$0x3FBA]  }
0x39: {  	_ = 	snop;
	(pc) =	sbr.ind lr, $3  }
0x3a: {  	_ = 	snop  }
0x3b: {  	_ = 	snop  }
0x3c: {  	p2 =	seq.s32 s10, $0x1;
	s10 =	sld [smem:$0x3FB9]  }
0x3d: {  	_ =	shalt  }
0x3e: {  	_ =	shalt  }
0x3f: {  	_ =	shalt  }
0x40: {  	_ =	shalt  }
0x41: {  	_ =	shalt  }
0x42: {  	_ =	shalt  }
0x43: {  	_ =	shalt  }
0x44: {  	_ =	shalt  }
0x45: {  	_ =	shalt  }
0x46: {  	_ =	shalt  }
0x47: {  	_ =	shalt  }
0x48: {  	_ =	shalt  }
0x49: {  	_ =	shalt  }
0x4a: {  	_ =	shalt  }
0x4b: {  	_ =	shalt  }
0x4c: {  	_ =	shalt  }
0x4d: {  	_ =	shalt  }
0x4e: {  	_ =	shalt  }
0x4f: {  	_ =	shalt  }
0x50: {  	_ =	shalt  }
0x51: {  	_ =	shalt  }
0x52: {  	_ =	shalt  }
0x53: {  	_ =	shalt  }
0x54: {  	_ =	shalt  }
0x55: {  	_ =	shalt  }
0x56: {  	_ =	shalt  }
0x57: {  	_ =	shalt  }
0x58: {  	_ =	shalt  }
0x59: {  	_ =	shalt  }
0x5a: {  	_ =	shalt  }
0x5b: {  	_ =	shalt  }
0x5c: {  	_ =	shalt  }
0x5d: {  	_ =	shalt  }
0x5e: {  	_ =	shalt  }
0x5f: {  	_ =	shalt  }
0x60: {  	_ =	shalt  }
0x61: {  	_ =	shalt  }
0x62: {  	_ =	shalt  }
0x63: {  	_ =	shalt  }
0x64: {  	_ =	shalt  }
0x65: {  	_ =	shalt  }
0x66: {  	_ =	shalt  }
0x67: {  	_ =	shalt  }
0x68: {  	_ =	shalt  }
0x69: {  	_ =	shalt  }
0x6a: {  	_ =	shalt  }
0x6b: {  	_ =	shalt  }
0x6c: {  	_ =	shalt  }
0x6d: {  	_ =	shalt  }
0x6e: {  	_ =	shalt  }
0x6f: {  	_ =	shalt  }
0x70: {  	_ =	shalt  }
0x71: {  	_ =	shalt  }
0x72: {  	_ =	shalt  }
0x73: {  	_ =	shalt  }
0x74: {  	_ =	shalt  }
0x75: {  	_ =	shalt  }
0x76: {  	_ =	shalt  }
0x77: {  	_ =	shalt  }
0x78: {  	_ =	shalt  }
0x79: {  	_ =	shalt  }
0x7a: {  	_ =	shalt  }
0x7b: {  	_ =	shalt  }
0x7c: {  	_ =	shalt  }
0x7d: {  	_ =	shalt  }
0x7e: {  	_ =	shalt  }
0x7f: {  	_ =	shalt  }
0x80: {  	_ =	shalt  }
0x81: {  	_ =	shalt  }
0x82: {  	_ =	shalt  }
0x83: {  	_ =	shalt  }
0x84: {  	_ =	shalt  }
0x85: {  	_ =	shalt  }
0x86: {  	_ =	shalt  }
0x87: {  	_ =	shalt  }
.Lfunc_end0:
.L_simem_size_0:
called_computation_lowered:
.L_overlay_start_0:
0x88: {  	s2 =	sld [smem:$0x3FD9]  }
0x89: {  	s3 =	sld [smem:$0x3FFE];
	_ =	sdelay $0x1  }
0x8a: {  	s1 =	srdreg.scid  }
0x8b: {  	s0 =	sand.u32 $0x1, s1  }
0x8c: {  	s17 =	sshll.u32 s0, $0xA;
	s2 =	sadd.s32 s3, s2  }
0x8d: {  	s2 =	sadd.s32 s2, s17  }
0x8e: {  	[smem:$0x3FC5] =	sst s2  }
0x8f: {  	_ = 	snop  }
0x90: {  	s2 =	sld [smem:$0x3FC8]  }
0x91: {  	s18 =	sld [smem:$0x3FC7]  }
0x92: {  	s4 =	sld [smem:$0x3FD0];
	(tm) =	ssettm $0x1  }
0x93: {  	s5 =	sld [smem:$0x3FFB];
	_ =	sdelay $0x3  }
0x94: {  	_ =	strace s5  }
0x95: {  	s5 =	sld [smem:$0x3FFC];
	_ =	sdelay $0x3  }
0x96: {  	_ =	strace s5  }
0x97: {  	s5 =	sld [smem:$0x3FFD];
	_ =	sdelay $0x3  }
0x98: {  	_ =	strace s5  }
0x99: {  	_ =	strace $0x8FFFFFFF  }
0x9a: {  	s19 =	sld [smem:$0x3FDB];
	_ =	sdelay $0x1  }
0x9b: {  	s6 =	simm.s32 $_scs_section_size  }
0x9c: {  	s7 =	simm.s32 $_size__tile_overlayer_lowered;
	s8 =	simm.s32 $_tile_overlayer_lowered  }
0x9d: {  	s22 =	simm.s32 $0x1BFF;
	s21 =	sshll.u32 s8, $0x1;
	s5 =	sadd.s32 s6, s19  }
0x9e: {  	s9 =	simm.s32 $0x0;
	s20 =	sshll.u32 s7, $0x1;
	s7 =	sadd.s32 s21, s5  }
0x9f: {  	[timem:s9], [sflag:s22] =	dma.local [hbm:s7], s20  }
0xa0: {  	_ =	swait.ge [sflag:s22], s20  }
0xa1: {  	s6 =	ssub.s32 $0x0, s20;
	[sflag:s22] =	ssyncset.done $0x0  }
0xa2: {  	[sflag:s22] =	ssyncadd.s32 s6;
	_ =	sdelay $0x1  }
0xa3: {  	s23 =	simm.s32 $0x1B8B  }
0xa4: {  	_ =	swait.ge [sflag:s23], $0x1  }
0xa5: {  	[sflag:s23] =	ssyncset.done $0x0  }
0xa6: {  	s25 =	simm.s32 $0x1B8E;
	s24 =	sld [smem:$0x3FFE];
	[sflag:s23] =	ssyncadd.s32 $0xFFFFFFFF  }
0xa7: {  	s26 =	simm.s32 $execute0_lowered;
	[smem:$0x3FD2] =	sst s25  }
0xa8: {  	s7 =	sshll.u32 s26, $0x1;
	_ =	strace $0x80000046;
	[dreg:$0x1] =	wrdreg $0xFFFFFFFF  }
0xa9: {  	s28 =	simm.s32 $_size_execute0_lowered;
	s5 =	sadd.s32 s5, s7;
	[dreg:$0x0] =	wrdreg $0x0  }
0xaa: {  	s7 =	sshll.u32 s28, $0x1;
	[dreg:$0x2] =	wrdreg s5  }
0xab: {  	[dreg:$0x3] =	wrdreg s7  }
0xac: {  	[dreg:$0x4] =	wrdreg $0xC0  }
0xad: {  	_ =	task [dreg:s9], $0x5FFFF  }
0xae: {  	[dreg:$0x1] =	wrdreg $0xFFFFFFFF  }
0xaf: {  	[dreg:$0x0] =	wrdreg $0x60  }
0xb0: {  	[dreg:$0x2] =	wrdreg s24  }
0xb1: {  	[dreg:$0x3] =	wrdreg s2  }
0xb2: {  	[dreg:$0x4] =	wrdreg s18  }
0xb3: {  	[dreg:$0x5] =	wrdreg s4  }
0xb4: {  	[dreg:$0x6] =	wrdreg $0x9  }
0xb5: {  	_ =	task.clear_ibuf [dreg:s9], $0x7FFFF;
	_ =	strace $0x90000046  }
0xb6: {  	s29 =	simm.s32 $0x9;
	_ =	strace $0x80000048  }
0xb7: {  	_ =	swait.ge [sflag:s29], $0x1  }
0xb8: {  	[sflag:s29] =	ssyncadd.s32 $0xFFFFFFFF  }
0xb9: {  	_ =	strace $0x90000048  }
0xba: {  	_ =	sfence  }
0xbb: {  	s30 =	sld [smem:$0x0];
	_ =	sdelay $0x2  }
0xbc: {  	s31 =	sshll.u32 s1, $0xD;
	s1 =	sshrl.u32 s1, $0x2  }
0xbd: {  	s3 =	sand.u32 $0x4000, s31;
	s1 =	sadd.s32 s1, s30  }
0xbe: {  	s0 =	sor.u32 s3, s0;
	s1 =	sshll.u32 s1, $0x11  }
0xbf: {  	s0 =	sor.u32 s1, s0  }
0xc0: {  	s0 =	sadd.s32 $0x8F2B, s0  }
0xc1: {  	[sflag:s0] =	ssyncadd.remote.s32 $0x1  }
0xc2: {  	_ =	sfence.sel $0xFFFF  }
0xc3: {  	[dreg:$0x0] =	wrdreg $0xFFFFFFFF;
	(pc) =	sbr.abs _section_cstart, $3  }
0xc4: {  	[dreg:$0x1] =	wrdreg $0xFFFFFFFF  }
0xc5: {  	_ =	task.clear_ibuf [dreg:s9], $0x2FFFF;
	_ =	strace $0x9FFFFFFF  }
0xc6: {  	(tm) =	ssettm $0x7FFFFFFF  }
0xc7: {  	_ =	shalt  }
tec
execute0_lowered:
.L_overlay_start_1:
0x0: {  	(tag) =	ssettag $0x1  }
0x1: {  	s0 =	rddreg [dreg:$0x0]  }
0x2: {  	s1 =	rddreg [dreg:$0x1]  }
0x3: {  	s3 =	rddreg [dreg:$0x3];
	s2 =	simm.s32 $0x0;
	s4 =	srdreg.scid  }
0x4: {  	s12 =	stileid.u32;
	[smem:$0x7FF] =	sst s2;
	s6 =	sand.u32 $0x1, s4  }
0x5: {  	s4 =	sadd.s32 $0x8000, s0;
	s5 =	sadd.s32 $0x48000, s0;
	s21 =	sshll.u32 s12, $0x1  }
0x6: {  	s9 =	sshll.u32 s12, $0x6;
	s10 =	sshll.u32 s12, $0x7;
	s22 =	sshll.u32 s12, $0xE  }
0x7: {  	s25 =	sadd.s32 $0x1000, s3;
	s30 =	sadd.s32 $0x2000, s3;
	s31 =	sadd.s32 $0x1E000, s3  }
0x8: {  	s16 =	sadd.s32 $0x1F000, s3;
	_ =	strace $0x80000047;
	[dreg:$0xe] =	wrdreg s31  }
0x9: {  	s12 =	sshll.u32 s12, $0x12;
	s7 =	ssub.s32 $0x2, s6;
	[dreg:$0x10] =	wrdreg s16  }
0xa: {  	s9 =	sand.u32 $0x40, s9;
	s17 =	sadd.s32 s12, s25;
	[dreg:$0xf] =	wrdreg s12  }
0xb: {  	s10 =	sand.u32 $0x700, s10;
	s18 =	sadd.s32 s12, s30;
	[dreg:$0x12] =	wrdreg s17  }
0xc: {  	s13 =	sadd.s32 s4, s22;
	s23 =	sadd.s32 s3, s12;
	[dreg:$0x13] =	wrdreg s18  }
0xd: {  	s8 =	sshrl.u32 s7, $0x1;
	s1 =	sadd.s32 s1, s9;
	[dreg:$0x8] =	wrdreg s13  }
0xe: {  	[dreg:$0x11] =	wrdreg s23;
	s7 =	ssub.s32 s7, s8;
	s1 =	sadd.s32 s10, s1  }
0xf: {  	s8 =	sor.u32 s6, s21;
	s21 =	sor.u32 $0x3000, s22;
	[dreg:$0x5] =	wrdreg s1  }
0x10: {  	s10 =	sadd.s32 s5, s22;
	[dreg:$0x15] =	wrdreg s21  }
0x11: {  	s11 =	sadd.s32 $0x1000, s10;
	[dreg:$0x6] =	wrdreg s10  }
0x12: {  	s15 =	sshll.u32 s8, $0x11;
	[dreg:$0x7] =	wrdreg s11  }
0x13: {  	s29 =	simm.s32 $0x15C00;
	s20 =	smax.u32 s7, $0x1;
	[dreg:$0xa] =	wrdreg s15  }
0x14: {  	s24 =	sshll.u32 s8, $0x9;
	s8 =	sadd.s32 s3, s15;
	[dreg:$0x14] =	wrdreg s20  }
0x15: {  	s28 =	simm.s32 $0x16400;
	s26 =	sadd.s32 s15, s25;
	[dreg:$0xb] =	wrdreg s8  }
0x16: {  	s19 =	sadd.s32 $0x8100, s0;
	s15 =	sadd.s32 s15, s30;
	[dreg:$0xc] =	wrdreg s26  }
0x17: {  	s14 =	sadd.s32 s0, s24;
	s24 =	sadd.s32 $0x2000, s10;
	[dreg:$0xd] =	wrdreg s15  }
0x18: {  	p0 =	sne.s32 s6, $0x0;
	s30 =	sadd.s32 $0x2000, s13;
	[dreg:$0x16] =	wrdreg s24  }
.Ltmp0:
0x19: {  	s22 =	sshll.u32 s6, $0x11;
	[dreg:$0x18] =	wrdreg s30;
	(pc) =	sbr.rel .LBB2_1-.Ltmp0, $4  }
0x1a: {  	s16 =	simm.s32 $0xE400;
	s25 =	sadd.s32 s22, s23;
	[dreg:$0x9] =	wrdreg s14  }
0x1b: {  	v0 =	vlaneseq.u32;
	s11 =	sadd.s32 $0x48100, s0;
	s26 =	sadd.s32 $0x1000, s13;
	[dreg:$0x1b] =	wrdreg s25  }
0x1c: {  	v1 =	vand.u32 $0x7, v0;
	v2 =	vshrl.u32 v0, $0x3;
	s0 =	simm.s32 $0x6400;
	s31 =	sadd.s32 $0x4000, s14;
	[dreg:$0x17] =	wrdreg s26  }
0x1d: {  	vm0 =	vmmov $0xffff;
	v2 =	vmul.u32 $0x8, v2;
	v3 =	vor.u32 $0x8, v1;
	s20 =	simm.s32 $0x10400;
	s13 =	simm.s32 $0x0;
	[dreg:$0x19] =	wrdreg s31  }
.LBB2_29:
0x1e: {  	s10 =	simm.s32 $0x1  }
0x1f: {  	_ =	swait.ge [sflag:s10], $0x8000  }
0x20: {  	[sflag:s10] =	ssyncset.done $0x0;
	s1 =	rddreg [dreg:$0xe]  }
0x21: {  	s24 =	simm.s32 $0x6;
	s1 =	sadd.s32 s6, s1;
	[sflag:s10] =	ssyncadd.s32 $0xFFFF8000  }
0x22: {  	[hbm4b:s1+s2] =	stream.linear.scatter [tilespmem:s16], [sflag:$0x4], $0x8000, $0x38;
	[tilespmem:$0x1E400] =	vst v63  }
0x23: {  	_ =	swait.ge [sflag:s24], $0x8000  }
0x24: {  	[sflag:s24] =	ssyncset.done $0x0  }
0x25: {  	s3 =	simm.s32 $0x2;
	[sflag:s24] =	ssyncadd.s32 $0xFFFF8000  }
0x26: {  	_ =	swait.ge [sflag:s3], $0x8000  }
0x27: {  	[sflag:s3] =	ssyncset.done $0x0;
	s25 =	rddreg [dreg:$0x10]  }
0x28: {  	s26 =	simm.s32 $0x4;
	s1 =	sadd.s32 s6, s25;
	[sflag:s3] =	ssyncadd.s32 $0xFFFF8000  }
0x29: {  	[hbm4b:s1+s2] =	stream.linear.scatter [tilespmem:s28], [sflag:$0x5], $0x8000, $0x38;
	[tilespmem:$0x1E400] =	vst v63  }
0x2a: {  	_ =	swait.ge [sflag:s26], $0x8000  }
0x2b: {  	[sflag:s26] =	ssyncset.done $0x0  }
0x2c: {  	s30 =	simm.s32 $0x5;
	[sflag:s26] =	ssyncadd.s32 $0xFFFF8000  }
0x2d: {  	_ =	swait.ge [sflag:s30], $0x8000  }
0x2e: {  	s13 =	sadd.s32 $0x1, s13;
	s31 =	rddreg [dreg:$0x14]  }
0x2f: {  	p1 =	sne.s32 s13, s31  }
.Ltmp1:
0x30: {  	_ = 	snop;
	(pc) =	sbr.rel @!p1 .LBB2_30-.Ltmp1, $3  }
0x31: {  	_ =	sdelay $0x1  }
0x32: {  	[sflag:s30] =	ssyncset.done $0x0  }
0x33: {  	[sflag:s30] =	ssyncadd.s32 $0xFFFF8000  }
.LBB2_1:
0x34: {  	[dreg:$0x1a] =	wrdreg s13  }
0x35: {  	s1 =	rddreg [dreg:$0x5];
	s6 =	simm.s32 $0x200  }
0x36: {  	s10 =	simm.s32 $0x400;
	s18 =	simm.s32 $0x2000;
	s26 =	simm.s32 $0x7  }
0x37: {  	[tilespmem:s18], [sflag:$0x7] =	stream.strided.gather [hbm4b:s1+s6], $0x400, s10, s6, $0x38;
	[tilespmem:$0x1E400] =	vst v63  }
0x38: {  	_ =	swait.ge [sflag:s26], $0x400  }
0x39: {  	[sflag:s26] =	ssyncset.done $0x0  }
0x3a: {  	[sflag:s26] =	ssyncadd.s32 $0xFFFFFC00  }
0x3b: {  	s31 =	simm.s32 $0x2400;
	s30 =	rddreg [dreg:$0x2]  }
0x3c: {  	[tilespmem:s31], [sflag:$0x7] =	stream.linear.gather [hbm4b:s30+s2], $0x4000, $0x38;
	[tilespmem:$0x1E400] =	vst v63  }
0x3d: {  	_ =	swait.ge [sflag:s26], $0x4000  }
0x3e: {  	[sflag:s26] =	ssyncset.done $0x0  }
0x3f: {  	[sflag:s26] =	ssyncadd.s32 $0xFFFFC000  }
0x40: {  	v4 =	vld [tilespmem:$0x2000]  }
0x41: {  	v5 =	vld [tilespmem:$0x2010]  }
0x42: {  	v6 =	vld [tilespmem:$0x2020]  }
0x43: {  	v7 =	vld [tilespmem:$0x2030]  }
0x44: {  	v8 =	vld [tilespmem:$0x2040]  }
0x45: {  	v9 =	vld [tilespmem:$0x2050]  }
0x46: {  	v10 =	vld [tilespmem:$0x2060]  }
0x47: {  	v11 =	vld [tilespmem:$0x2070]  }
0x48: {  	v12 =	vld [tilespmem:$0x2200]  }
0x49: {  	v13 =	vld [tilespmem:$0x2210]  }
0x4a: {  	v14 =	vld [tilespmem:$0x2220]  }
.Ltmp2:
0x4b: {  	v15 =	vld [tilespmem:$0x2230];
	(pc) =	sbr.rel @p0 .LBB2_11-.Ltmp2, $4  }
0x4c: {  	v16 =	vld [tilespmem:$0x2240]  }
0x4d: {  	v17 =	vld [tilespmem:$0x2250]  }
0x4e: {  	v18 =	vld [tilespmem:$0x2260]  }
0x4f: {  	v19 =	vld [tilespmem:$0x2270]  }
0x50: {  	s6 =	simm.s32 $0x0  }
0x51: {  	s18 =	sand.u32 $0x380, s2;
	s6 =	sand.u32 $0x3FFFF000, s6  }
0x52: {  	s6 =	sor.u32 s18, s6  }
0x53: {  	[tilespmem:s6+$0x6420] =	vst v6  }
0x54: {  	[tilespmem:s6+$0x6860] =	vst v18  }
0x55: {  	[tilespmem:s6+$0x6850] =	vst v17  }
0x56: {  	[tilespmem:s6+$0x6840] =	vst v16  }
0x57: {  	[tilespmem:s6+$0x6830] =	vst v15  }
0x58: {  	[tilespmem:s6+$0x6820] =	vst v14  }
0x59: {  	[tilespmem:s6+$0x6810] =	vst v13  }
0x5a: {  	[tilespmem:s6+$0x6800] =	vst v12  }
0x5b: {  	[tilespmem:s6+$0x6470] =	vst v11  }
0x5c: {  	[tilespmem:s6+$0x6460] =	vst v10  }
0x5d: {  	[tilespmem:s6+$0x6450] =	vst v9  }
0x5e: {  	[tilespmem:s6+$0x6440] =	vst v8  }
0x5f: {  	[tilespmem:s6+$0x6430] =	vst v7  }
0x60: {  	s23 =	simm.s32 $0x0;
	[tilespmem:s6+$0x6400] =	vst v4  }
0x61: {  	s23 =	sand.u32 $0x3FFFF800, s23;
	[tilespmem:s6+$0x6410] =	vst v5  }
0x62: {  	s18 =	sor.u32 s18, s23;
	[tilespmem:s6+$0x6870] =	vst v19  }
0x63: {  	v20 =	vld [tilespmem:s18+$0x2400];
	_ =	sdelay $0x4  }
0x64: {  	[tilespmem:s6+$0x6C00] =	vst v20  }
0x65: {  	v20 =	vld [tilespmem:s18+$0x2410];
	_ =	sdelay $0x4  }
0x66: {  	[tilespmem:s6+$0x6C10] =	vst v20  }
0x67: {  	v20 =	vld [tilespmem:s18+$0x2420];
	_ =	sdelay $0x4  }
0x68: {  	[tilespmem:s6+$0x6C20] =	vst v20  }
0x69: {  	v20 =	vld [tilespmem:s18+$0x2430];
	_ =	sdelay $0x4  }
0x6a: {  	[tilespmem:s6+$0x6C30] =	vst v20  }
0x6b: {  	v20 =	vld [tilespmem:s18+$0x2440];
	_ =	sdelay $0x4  }
0x6c: {  	[tilespmem:s6+$0x6C40] =	vst v20  }
0x6d: {  	v20 =	vld [tilespmem:s18+$0x2450];
	_ =	sdelay $0x4  }
0x6e: {  	[tilespmem:s6+$0x6C50] =	vst v20  }
0x6f: {  	v20 =	vld [tilespmem:s18+$0x2460];
	_ =	sdelay $0x4  }
0x70: {  	[tilespmem:s6+$0x6C60] =	vst v20  }
0x71: {  	v20 =	vld [tilespmem:s18+$0x2470];
	_ =	sdelay $0x4  }
0x72: {  	[tilespmem:s6+$0x6C70] =	vst v20  }
0x73: {  	v20 =	vld [tilespmem:s18+$0x2800];
	_ =	sdelay $0x4  }
0x74: {  	[tilespmem:s6+$0x7000] =	vst v20  }
0x75: {  	v20 =	vld [tilespmem:s18+$0x2810];
	_ =	sdelay $0x4  }
0x76: {  	[tilespmem:s6+$0x7010] =	vst v20  }
0x77: {  	v20 =	vld [tilespmem:s18+$0x2820];
	_ =	sdelay $0x4  }
0x78: {  	[tilespmem:s6+$0x7020] =	vst v20  }
0x79: {  	v20 =	vld [tilespmem:s18+$0x2830];
	_ =	sdelay $0x4  }
0x7a: {  	[tilespmem:s6+$0x7030] =	vst v20  }
0x7b: {  	v20 =	vld [tilespmem:s18+$0x2840];
	_ =	sdelay $0x4  }
0x7c: {  	[tilespmem:s6+$0x7040] =	vst v20  }
0x7d: {  	s24 =	simm.s32 $0x0;
	s23 =	simm.s32 $0x1;
	v20 =	vld [tilespmem:s18+$0x2850]  }
.LBB2_3:
0x7e: {  	p1 =	sne.s32 s23, $0x3F  }
0x7f: {  	s24 =	sadd.s32 $0x80, s24;
	s30 =	smov.u32 s23;
	s23 =	sadd.s32 $0x1, s23  }
0x80: {  	_ =	sdelay $0x2  }
0x81: {  	[tilespmem:s6+$0x7050] =	vst v20  }
0x82: {  	v20 =	vld [tilespmem:s18+$0x2860];
	_ =	sdelay $0x3  }
0x83: {  	s10 =	sshll.u32 s30, $0x9  }
0x84: {  	s1 =	sand.u32 $0x380, s24;
	s10 =	sand.u32 $0x3FFFF000, s10;
	[tilespmem:s6+$0x7060] =	vst v20  }
0x85: {  	s10 =	sor.u32 s1, s10;
	v20 =	vld [tilespmem:s18+$0x2870]  }
0x86: {  	[tilespmem:s10+$0x6420] =	vst v6  }
0x87: {  	[tilespmem:s10+$0x6870] =	vst v19  }
0x88: {  	[tilespmem:s10+$0x6860] =	vst v18  }
0x89: {  	[tilespmem:s10+$0x6850] =	vst v17  }
0x8a: {  	[tilespmem:s6+$0x7070] =	vst v20;
	s6 =	smov.u32 s10  }
0x8b: {  	[tilespmem:s6+$0x6840] =	vst v16  }
0x8c: {  	[tilespmem:s6+$0x6830] =	vst v15  }
0x8d: {  	s10 =	sshll.u32 s30, $0x8;
	[tilespmem:s6+$0x6820] =	vst v14  }
0x8e: {  	s10 =	sand.u32 $0x3FFFF800, s10;
	[tilespmem:s6+$0x6810] =	vst v13  }
0x8f: {  	s18 =	sor.u32 s1, s10;
	[tilespmem:s6+$0x6800] =	vst v12  }
0x90: {  	[tilespmem:s6+$0x6470] =	vst v11  }
0x91: {  	[tilespmem:s6+$0x6460] =	vst v10  }
0x92: {  	[tilespmem:s6+$0x6450] =	vst v9  }
0x93: {  	[tilespmem:s6+$0x6440] =	vst v8  }
0x94: {  	[tilespmem:s6+$0x6430] =	vst v7  }
0x95: {  	[tilespmem:s6+$0x6400] =	vst v4  }
0x96: {  	[tilespmem:s6+$0x6410] =	vst v5  }
0x97: {  	v20 =	vld [tilespmem:s18+$0x2400];
	_ =	sdelay $0x4  }
0x98: {  	[tilespmem:s6+$0x6C00] =	vst v20  }
0x99: {  	v20 =	vld [tilespmem:s18+$0x2410];
	_ =	sdelay $0x4  }
0x9a: {  	[tilespmem:s6+$0x6C10] =	vst v20  }
0x9b: {  	v20 =	vld [tilespmem:s18+$0x2420];
	_ =	sdelay $0x4  }
0x9c: {  	[tilespmem:s6+$0x6C20] =	vst v20  }
0x9d: {  	v20 =	vld [tilespmem:s18+$0x2430];
	_ =	sdelay $0x4  }
0x9e: {  	[tilespmem:s6+$0x6C30] =	vst v20  }
0x9f: {  	v20 =	vld [tilespmem:s18+$0x2440];
	_ =	sdelay $0x4  }
0xa0: {  	[tilespmem:s6+$0x6C40] =	vst v20  }
0xa1: {  	v20 =	vld [tilespmem:s18+$0x2450];
	_ =	sdelay $0x4  }
0xa2: {  	[tilespmem:s6+$0x6C50] =	vst v20  }
0xa3: {  	v20 =	vld [tilespmem:s18+$0x2460];
	_ =	sdelay $0x4  }
0xa4: {  	[tilespmem:s6+$0x6C60] =	vst v20  }
0xa5: {  	v20 =	vld [tilespmem:s18+$0x2470];
	_ =	sdelay $0x4  }
0xa6: {  	[tilespmem:s6+$0x6C70] =	vst v20  }
0xa7: {  	v20 =	vld [tilespmem:s18+$0x2800];
	_ =	sdelay $0x4  }
0xa8: {  	[tilespmem:s6+$0x7000] =	vst v20  }
0xa9: {  	v20 =	vld [tilespmem:s18+$0x2810];
	_ =	sdelay $0x4  }
0xaa: {  	[tilespmem:s6+$0x7010] =	vst v20  }
0xab: {  	v20 =	vld [tilespmem:s18+$0x2820];
	_ =	sdelay $0x4  }
0xac: {  	[tilespmem:s6+$0x7020] =	vst v20  }
0xad: {  	v20 =	vld [tilespmem:s18+$0x2830];
	_ =	sdelay $0x4  }
0xae: {  	[tilespmem:s6+$0x7030] =	vst v20  }
0xaf: {  	v20 =	vld [tilespmem:s18+$0x2840];
	_ =	sdelay $0x1  }
.Ltmp3:
0xb0: {  	(pc) =	sbr.rel @p1 .LBB2_3-.Ltmp3, $3  }
0xb1: {  	_ =	sdelay $0x1  }
0xb2: {  	[tilespmem:s6+$0x7040] =	vst v20  }
0xb3: {  	v20 =	vld [tilespmem:s18+$0x2850]  }
0xb4: {  	_ =	sdelay $0x3  }
0xb5: {  	[tilespmem:s6+$0x7050] =	vst v20  }
0xb6: {  	v4 =	vld [tilespmem:s18+$0x2860];
	_ =	sdelay $0x4  }
0xb7: {  	[tilespmem:s6+$0x7060] =	vst v4  }
0xb8: {  	v4 =	vld [tilespmem:s18+$0x2870];
	_ =	sdelay $0x4  }
0xb9: {  	s1 =	rddreg [dreg:$0x8];
	s26 =	simm.s32 $0x7;
	[tilespmem:s6+$0x7070] =	vst v4;
	s6 =	simm.s32 $0x0  }
0xba: {  	[hbm4b:s1+s6] =	stream.linear.scatter [tilespmem:s0], [sflag:$0x7], $0x8000, $0x38;
	[tilespmem:$0x1E400] =	vst v63  }
0xbb: {  	_ =	swait.ge [sflag:s26], $0x8000  }
0xbc: {  	[sflag:s26] =	ssyncset.done $0x0  }
0xbd: {  	[sflag:s26] =	ssyncadd.s32 $0xFFFF8000  }
0xbe: {  	v4 =	vld [tilespmem:$0x2080]  }
0xbf: {  	v5 =	vld [tilespmem:$0x2090]  }
0xc0: {  	v6 =	vld [tilespmem:$0x20A0]  }
0xc1: {  	v7 =	vld [tilespmem:$0x20B0]  }
0xc2: {  	v8 =	vld [tilespmem:$0x20C0]  }
0xc3: {  	v9 =	vld [tilespmem:$0x20D0]  }
0xc4: {  	v10 =	vld [tilespmem:$0x20E0]  }
0xc5: {  	v11 =	vld [tilespmem:$0x20F0]  }
0xc6: {  	v12 =	vld [tilespmem:$0x2280]  }
0xc7: {  	v13 =	vld [tilespmem:$0x2290]  }
0xc8: {  	v14 =	vld [tilespmem:$0x22A0]  }
0xc9: {  	v16 =	vld [tilespmem:$0x22F0]  }
0xca: {  	s30 =	simm.s32 $0x0;
	v17 =	vld [tilespmem:$0x22E0]  }
0xcb: {  	s10 =	sand.u32 $0x380, s6;
	s1 =	sand.u32 $0x3FFFF000, s30;
	v18 =	vld [tilespmem:$0x22D0]  }
0xcc: {  	s18 =	sor.u32 s10, s1;
	v19 =	vld [tilespmem:$0x22C0]  }
0xcd: {  	v15 =	vld [tilespmem:$0x22B0];
	[tilespmem:s18+$0x6420] =	vst v6  }
0xce: {  	[tilespmem:s18+$0x6870] =	vst v16  }
0xcf: {  	[tilespmem:s18+$0x6860] =	vst v17  }
0xd0: {  	[tilespmem:s18+$0x6850] =	vst v18  }
0xd1: {  	[tilespmem:s18+$0x6840] =	vst v19  }
0xd2: {  	[tilespmem:s18+$0x6830] =	vst v15  }
0xd3: {  	[tilespmem:s18+$0x6820] =	vst v14  }
0xd4: {  	[tilespmem:s18+$0x6810] =	vst v13  }
0xd5: {  	[tilespmem:s18+$0x6800] =	vst v12  }
0xd6: {  	[tilespmem:s18+$0x6470] =	vst v11  }
0xd7: {  	[tilespmem:s18+$0x6460] =	vst v10  }
0xd8: {  	[tilespmem:s18+$0x6450] =	vst v9  }
0xd9: {  	[tilespmem:s18+$0x6440] =	vst v8  }
0xda: {  	s31 =	simm.s32 $0x0;
	[tilespmem:s18+$0x6430] =	vst v7  }
0xdb: {  	s1 =	sand.u32 $0x3FFFF800, s31;
	[tilespmem:s18+$0x6400] =	vst v4  }
0xdc: {  	s23 =	sor.u32 s10, s1;
	[tilespmem:s18+$0x6410] =	vst v5  }
0xdd: {  	v20 =	vld [tilespmem:s23+$0x2400];
	_ =	sdelay $0x4  }
0xde: {  	[tilespmem:s18+$0x6C00] =	vst v20  }
0xdf: {  	v20 =	vld [tilespmem:s23+$0x2410];
	_ =	sdelay $0x4  }
0xe0: {  	[tilespmem:s18+$0x6C10] =	vst v20  }
0xe1: {  	v20 =	vld [tilespmem:s23+$0x2420];
	_ =	sdelay $0x4  }
0xe2: {  	[tilespmem:s18+$0x6C20] =	vst v20  }
0xe3: {  	v20 =	vld [tilespmem:s23+$0x2430];
	_ =	sdelay $0x4  }
0xe4: {  	[tilespmem:s18+$0x6C30] =	vst v20  }
0xe5: {  	v20 =	vld [tilespmem:s23+$0x2440];
	_ =	sdelay $0x4  }
0xe6: {  	[tilespmem:s18+$0x6C40] =	vst v20  }
0xe7: {  	v20 =	vld [tilespmem:s23+$0x2450];
	_ =	sdelay $0x4  }
0xe8: {  	[tilespmem:s18+$0x6C50] =	vst v20  }
0xe9: {  	v20 =	vld [tilespmem:s23+$0x2460];
	_ =	sdelay $0x4  }
0xea: {  	[tilespmem:s18+$0x6C60] =	vst v20  }
0xeb: {  	v20 =	vld [tilespmem:s23+$0x2470];
	_ =	sdelay $0x4  }
0xec: {  	[tilespmem:s18+$0x6C70] =	vst v20  }
0xed: {  	v20 =	vld [tilespmem:s23+$0x2800];
	_ =	sdelay $0x4  }
0xee: {  	[tilespmem:s18+$0x7000] =	vst v20  }
0xef: {  	v20 =	vld [tilespmem:s23+$0x2810];
	_ =	sdelay $0x4  }
0xf0: {  	[tilespmem:s18+$0x7010] =	vst v20  }
0xf1: {  	v20 =	vld [tilespmem:s23+$0x2820];
	_ =	sdelay $0x4  }
0xf2: {  	[tilespmem:s18+$0x7020] =	vst v20  }
0xf3: {  	v20 =	vld [tilespmem:s23+$0x2830];
	_ =	sdelay $0x4  }
0xf4: {  	[tilespmem:s18+$0x7030] =	vst v20  }
0xf5: {  	v20 =	vld [tilespmem:s23+$0x2840];
	_ =	sdelay $0x4  }
0xf6: {  	[tilespmem:s18+$0x7040] =	vst v20  }
0xf7: {  	s24 =	simm.s32 $0x1;
	v20 =	vld [tilespmem:s23+$0x2850]  }
.LBB2_5:
0xf8: {  	p1 =	sne.s32 s24, $0x3F  }
0xf9: {  	s6 =	sadd.s32 $0x80, s6;
	s1 =	smov.u32 s24;
	s24 =	sadd.s32 $0x1, s24  }
0xfa: {  	_ =	sdelay $0x2  }
0xfb: {  	[tilespmem:s18+$0x7050] =	vst v20  }
0xfc: {  	v20 =	vld [tilespmem:s23+$0x2860];
	_ =	sdelay $0x3  }
0xfd: {  	s10 =	sshll.u32 s1, $0x9  }
0xfe: {  	s30 =	sand.u32 $0x380, s6;
	s10 =	sand.u32 $0x3FFFF000, s10;
	[tilespmem:s18+$0x7060] =	vst v20  }
0xff: {  	s10 =	sor.u32 s30, s10;
	v20 =	vld [tilespmem:s23+$0x2870]  }
0x100: {  	[tilespmem:s10+$0x6420] =	vst v6  }
0x101: {  	[tilespmem:s10+$0x6870] =	vst v16  }
0x102: {  	[tilespmem:s10+$0x6860] =	vst v17  }
0x103: {  	[tilespmem:s10+$0x6850] =	vst v18  }
0x104: {  	[tilespmem:s18+$0x7070] =	vst v20;
	s18 =	smov.u32 s10  }
0x105: {  	[tilespmem:s18+$0x6840] =	vst v19  }
0x106: {  	[tilespmem:s18+$0x6830] =	vst v15  }
0x107: {  	s1 =	sshll.u32 s1, $0x8;
	[tilespmem:s18+$0x6820] =	vst v14  }
0x108: {  	s1 =	sand.u32 $0x3FFFF800, s1;
	[tilespmem:s18+$0x6810] =	vst v13  }
0x109: {  	s23 =	sor.u32 s30, s1;
	[tilespmem:s18+$0x6800] =	vst v12  }
0x10a: {  	[tilespmem:s18+$0x6470] =	vst v11  }
0x10b: {  	[tilespmem:s18+$0x6460] =	vst v10  }
0x10c: {  	[tilespmem:s18+$0x6450] =	vst v9  }
0x10d: {  	[tilespmem:s18+$0x6440] =	vst v8  }
0x10e: {  	[tilespmem:s18+$0x6430] =	vst v7  }
0x10f: {  	[tilespmem:s18+$0x6400] =	vst v4  }
0x110: {  	[tilespmem:s18+$0x6410] =	vst v5  }
0x111: {  	v20 =	vld [tilespmem:s23+$0x2400];
	_ =	sdelay $0x4  }
0x112: {  	[tilespmem:s18+$0x6C00] =	vst v20  }
0x113: {  	v20 =	vld [tilespmem:s23+$0x2410];
	_ =	sdelay $0x4  }
0x114: {  	[tilespmem:s18+$0x6C10] =	vst v20  }
0x115: {  	v20 =	vld [tilespmem:s23+$0x2420];
	_ =	sdelay $0x4  }
0x116: {  	[tilespmem:s18+$0x6C20] =	vst v20  }
0x117: {  	v20 =	vld [tilespmem:s23+$0x2430];
	_ =	sdelay $0x4  }
0x118: {  	[tilespmem:s18+$0x6C30] =	vst v20  }
0x119: {  	v20 =	vld [tilespmem:s23+$0x2440];
	_ =	sdelay $0x4  }
0x11a: {  	[tilespmem:s18+$0x6C40] =	vst v20  }
0x11b: {  	v20 =	vld [tilespmem:s23+$0x2450];
	_ =	sdelay $0x4  }
0x11c: {  	[tilespmem:s18+$0x6C50] =	vst v20  }
0x11d: {  	v20 =	vld [tilespmem:s23+$0x2460];
	_ =	sdelay $0x4  }
0x11e: {  	[tilespmem:s18+$0x6C60] =	vst v20  }
0x11f: {  	v20 =	vld [tilespmem:s23+$0x2470];
	_ =	sdelay $0x4  }
0x120: {  	[tilespmem:s18+$0x6C70] =	vst v20  }
0x121: {  	v20 =	vld [tilespmem:s23+$0x2800];
	_ =	sdelay $0x4  }
0x122: {  	[tilespmem:s18+$0x7000] =	vst v20  }
0x123: {  	v20 =	vld [tilespmem:s23+$0x2810];
	_ =	sdelay $0x4  }
0x124: {  	[tilespmem:s18+$0x7010] =	vst v20  }
0x125: {  	v20 =	vld [tilespmem:s23+$0x2820];
	_ =	sdelay $0x4  }
0x126: {  	[tilespmem:s18+$0x7020] =	vst v20  }
0x127: {  	v20 =	vld [tilespmem:s23+$0x2830];
	_ =	sdelay $0x4  }
0x128: {  	[tilespmem:s18+$0x7030] =	vst v20  }
0x129: {  	v20 =	vld [tilespmem:s23+$0x2840];
	_ =	sdelay $0x1  }
.Ltmp4:
0x12a: {  	(pc) =	sbr.rel @p1 .LBB2_5-.Ltmp4, $3  }
0x12b: {  	_ =	sdelay $0x1  }
0x12c: {  	[tilespmem:s18+$0x7040] =	vst v20  }
0x12d: {  	v20 =	vld [tilespmem:s23+$0x2850]  }
0x12e: {  	_ =	sdelay $0x3  }
0x12f: {  	[tilespmem:s18+$0x7050] =	vst v20  }
0x130: {  	v4 =	vld [tilespmem:s23+$0x2860];
	_ =	sdelay $0x4  }
0x131: {  	[tilespmem:s18+$0x7060] =	vst v4  }
0x132: {  	v4 =	vld [tilespmem:s23+$0x2870];
	_ =	sdelay $0x4  }
0x133: {  	s6 =	simm.s32 $0x0;
	s1 =	rddreg [dreg:$0x17];
	s25 =	simm.s32 $0x7;
	[tilespmem:s18+$0x7070] =	vst v4  }
0x134: {  	[hbm4b:s1+s6] =	stream.linear.scatter [tilespmem:s0], [sflag:$0x7], $0x8000, $0x38;
	[tilespmem:$0x1E400] =	vst v63  }
0x135: {  	_ =	swait.ge [sflag:s25], $0x8000  }
0x136: {  	[sflag:s25] =	ssyncset.done $0x0  }
0x137: {  	[sflag:s25] =	ssyncadd.s32 $0xFFFF8000  }
0x138: {  	v4 =	vld [tilespmem:$0x2100]  }
0x139: {  	v5 =	vld [tilespmem:$0x2110]  }
0x13a: {  	v6 =	vld [tilespmem:$0x2120]  }
0x13b: {  	v7 =	vld [tilespmem:$0x2130]  }
0x13c: {  	v8 =	vld [tilespmem:$0x2140]  }
0x13d: {  	v9 =	vld [tilespmem:$0x2150]  }
0x13e: {  	v10 =	vld [tilespmem:$0x2160]  }
0x13f: {  	v11 =	vld [tilespmem:$0x2170]  }
0x140: {  	v12 =	vld [tilespmem:$0x2300]  }
0x141: {  	v13 =	vld [tilespmem:$0x2310]  }
0x142: {  	v14 =	vld [tilespmem:$0x2320]  }
0x143: {  	v16 =	vld [tilespmem:$0x2370]  }
0x144: {  	s26 =	simm.s32 $0x0;
	v17 =	vld [tilespmem:$0x2360]  }
0x145: {  	s10 =	sand.u32 $0x380, s6;
	s1 =	sand.u32 $0x3FFFF000, s26;
	v18 =	vld [tilespmem:$0x2350]  }
0x146: {  	s18 =	sor.u32 s10, s1;
	v19 =	vld [tilespmem:$0x2340]  }
0x147: {  	v15 =	vld [tilespmem:$0x2330];
	[tilespmem:s18+$0x6420] =	vst v6  }
0x148: {  	[tilespmem:s18+$0x6870] =	vst v16  }
0x149: {  	[tilespmem:s18+$0x6860] =	vst v17  }
0x14a: {  	[tilespmem:s18+$0x6850] =	vst v18  }
0x14b: {  	[tilespmem:s18+$0x6840] =	vst v19  }
0x14c: {  	[tilespmem:s18+$0x6830] =	vst v15  }
0x14d: {  	[tilespmem:s18+$0x6820] =	vst v14  }
0x14e: {  	[tilespmem:s18+$0x6810] =	vst v13  }
0x14f: {  	[tilespmem:s18+$0x6800] =	vst v12  }
0x150: {  	[tilespmem:s18+$0x6470] =	vst v11  }
0x151: {  	[tilespmem:s18+$0x6460] =	vst v10  }
0x152: {  	[tilespmem:s18+$0x6450] =	vst v9  }
0x153: {  	[tilespmem:s18+$0x6440] =	vst v8  }
0x154: {  	s30 =	simm.s32 $0x0;
	[tilespmem:s18+$0x6430] =	vst v7  }
0x155: {  	s1 =	sand.u32 $0x3FFFF800, s30;
	[tilespmem:s18+$0x6400] =	vst v4  }
0x156: {  	s23 =	sor.u32 s10, s1;
	[tilespmem:s18+$0x6410] =	vst v5  }
0x157: {  	v20 =	vld [tilespmem:s23+$0x2400];
	_ =	sdelay $0x4  }
0x158: {  	[tilespmem:s18+$0x6C00] =	vst v20  }
0x159: {  	v20 =	vld [tilespmem:s23+$0x2410];
	_ =	sdelay $0x4  }
0x15a: {  	[tilespmem:s18+$0x6C10] =	vst v20  }
0x15b: {  	v20 =	vld [tilespmem:s23+$0x2420];
	_ =	sdelay $0x4  }
0x15c: {  	[tilespmem:s18+$0x6C20] =	vst v20  }
0x15d: {  	v20 =	vld [tilespmem:s23+$0x2430];
	_ =	sdelay $0x4  }
0x15e: {  	[tilespmem:s18+$0x6C30] =	vst v20  }
0x15f: {  	v20 =	vld [tilespmem:s23+$0x2440];
	_ =	sdelay $0x4  }
0x160: {  	[tilespmem:s18+$0x6C40] =	vst v20  }
0x161: {  	v20 =	vld [tilespmem:s23+$0x2450];
	_ =	sdelay $0x4  }
0x162: {  	[tilespmem:s18+$0x6C50] =	vst v20  }
0x163: {  	v20 =	vld [tilespmem:s23+$0x2460];
	_ =	sdelay $0x4  }
0x164: {  	[tilespmem:s18+$0x6C60] =	vst v20  }
0x165: {  	v20 =	vld [tilespmem:s23+$0x2470];
	_ =	sdelay $0x4  }
0x166: {  	[tilespmem:s18+$0x6C70] =	vst v20  }
0x167: {  	v20 =	vld [tilespmem:s23+$0x2800];
	_ =	sdelay $0x4  }
0x168: {  	[tilespmem:s18+$0x7000] =	vst v20  }
0x169: {  	v20 =	vld [tilespmem:s23+$0x2810];
	_ =	sdelay $0x4  }
0x16a: {  	[tilespmem:s18+$0x7010] =	vst v20  }
0x16b: {  	v20 =	vld [tilespmem:s23+$0x2820];
	_ =	sdelay $0x4  }
0x16c: {  	[tilespmem:s18+$0x7020] =	vst v20  }
0x16d: {  	v20 =	vld [tilespmem:s23+$0x2830];
	_ =	sdelay $0x4  }
0x16e: {  	[tilespmem:s18+$0x7030] =	vst v20  }
0x16f: {  	v20 =	vld [tilespmem:s23+$0x2840];
	_ =	sdelay $0x3  }
0x170: {  	s9 =	simm.s32 $0x11C00  }
0x171: {  	s15 =	simm.s32 $0x13C00;
	s13 =	simm.s32 $0x13400;
	s14 =	simm.s32 $0x14400;
	[tilespmem:s18+$0x7040] =	vst v20  }
0x172: {  	s31 =	simm.s32 $0x10C00;
	s12 =	simm.s32 $0x11400;
	s24 =	simm.s32 $0x1;
	v20 =	vld [tilespmem:s23+$0x2850]  }
.LBB2_7:
0x173: {  	p1 =	sne.s32 s24, $0x3F  }
0x174: {  	s6 =	sadd.s32 $0x80, s6;
	s1 =	smov.u32 s24;
	s24 =	sadd.s32 $0x1, s24  }
0x175: {  	_ =	sdelay $0x2  }
0x176: {  	[tilespmem:s18+$0x7050] =	vst v20  }
0x177: {  	v20 =	vld [tilespmem:s23+$0x2860];
	_ =	sdelay $0x3  }
0x178: {  	s10 =	sshll.u32 s1, $0x9  }
0x179: {  	s30 =	sand.u32 $0x380, s6;
	s10 =	sand.u32 $0x3FFFF000, s10;
	[tilespmem:s18+$0x7060] =	vst v20  }
0x17a: {  	s10 =	sor.u32 s30, s10;
	v20 =	vld [tilespmem:s23+$0x2870]  }
0x17b: {  	[tilespmem:s10+$0x6420] =	vst v6  }
0x17c: {  	[tilespmem:s10+$0x6870] =	vst v16  }
0x17d: {  	[tilespmem:s10+$0x6860] =	vst v17  }
0x17e: {  	[tilespmem:s10+$0x6850] =	vst v18  }
0x17f: {  	[tilespmem:s18+$0x7070] =	vst v20;
	s18 =	smov.u32 s10  }
0x180: {  	[tilespmem:s18+$0x6840] =	vst v19  }
0x181: {  	[tilespmem:s18+$0x6830] =	vst v15  }
0x182: {  	s1 =	sshll.u32 s1, $0x8;
	[tilespmem:s18+$0x6820] =	vst v14  }
0x183: {  	s1 =	sand.u32 $0x3FFFF800, s1;
	[tilespmem:s18+$0x6810] =	vst v13  }
0x184: {  	s23 =	sor.u32 s30, s1;
	[tilespmem:s18+$0x6800] =	vst v12  }
0x185: {  	[tilespmem:s18+$0x6470] =	vst v11  }
0x186: {  	[tilespmem:s18+$0x6460] =	vst v10  }
0x187: {  	[tilespmem:s18+$0x6450] =	vst v9  }
0x188: {  	[tilespmem:s18+$0x6440] =	vst v8  }
0x189: {  	[tilespmem:s18+$0x6430] =	vst v7  }
0x18a: {  	[tilespmem:s18+$0x6400] =	vst v4  }
0x18b: {  	[tilespmem:s18+$0x6410] =	vst v5  }
0x18c: {  	v20 =	vld [tilespmem:s23+$0x2400];
	_ =	sdelay $0x4  }
0x18d: {  	[tilespmem:s18+$0x6C00] =	vst v20  }
0x18e: {  	v20 =	vld [tilespmem:s23+$0x2410];
	_ =	sdelay $0x4  }
0x18f: {  	[tilespmem:s18+$0x6C10] =	vst v20  }
0x190: {  	v20 =	vld [tilespmem:s23+$0x2420];
	_ =	sdelay $0x4  }
0x191: {  	[tilespmem:s18+$0x6C20] =	vst v20  }
0x192: {  	v20 =	vld [tilespmem:s23+$0x2430];
	_ =	sdelay $0x4  }
0x193: {  	[tilespmem:s18+$0x6C30] =	vst v20  }
0x194: {  	v20 =	vld [tilespmem:s23+$0x2440];
	_ =	sdelay $0x4  }
0x195: {  	[tilespmem:s18+$0x6C40] =	vst v20  }
0x196: {  	v20 =	vld [tilespmem:s23+$0x2450];
	_ =	sdelay $0x4  }
0x197: {  	[tilespmem:s18+$0x6C50] =	vst v20  }
0x198: {  	v20 =	vld [tilespmem:s23+$0x2460];
	_ =	sdelay $0x4  }
0x199: {  	[tilespmem:s18+$0x6C60] =	vst v20  }
0x19a: {  	v20 =	vld [tilespmem:s23+$0x2470];
	_ =	sdelay $0x4  }
0x19b: {  	[tilespmem:s18+$0x6C70] =	vst v20  }
0x19c: {  	v20 =	vld [tilespmem:s23+$0x2800];
	_ =	sdelay $0x4  }
0x19d: {  	[tilespmem:s18+$0x7000] =	vst v20  }
0x19e: {  	v20 =	vld [tilespmem:s23+$0x2810];
	_ =	sdelay $0x4  }
0x19f: {  	[tilespmem:s18+$0x7010] =	vst v20  }
0x1a0: {  	v20 =	vld [tilespmem:s23+$0x2820];
	_ =	sdelay $0x4  }
0x1a1: {  	[tilespmem:s18+$0x7020] =	vst v20  }
0x1a2: {  	v20 =	vld [tilespmem:s23+$0x2830];
	_ =	sdelay $0x4  }
0x1a3: {  	[tilespmem:s18+$0x7030] =	vst v20  }
0x1a4: {  	v20 =	vld [tilespmem:s23+$0x2840];
	_ =	sdelay $0x1  }
.Ltmp5:
0x1a5: {  	(pc) =	sbr.rel @p1 .LBB2_7-.Ltmp5, $3  }
0x1a6: {  	_ =	sdelay $0x1  }
0x1a7: {  	[tilespmem:s18+$0x7040] =	vst v20  }
0x1a8: {  	v20 =	vld [tilespmem:s23+$0x2850]  }
0x1a9: {  	_ =	sdelay $0x3  }
0x1aa: {  	[tilespmem:s18+$0x7050] =	vst v20  }
0x1ab: {  	v4 =	vld [tilespmem:s23+$0x2860];
	_ =	sdelay $0x4  }
0x1ac: {  	[tilespmem:s18+$0x7060] =	vst v4  }
0x1ad: {  	v4 =	vld [tilespmem:s23+$0x2870];
	_ =	sdelay $0x4  }
0x1ae: {  	s6 =	simm.s32 $0x0;
	s1 =	rddreg [dreg:$0x18];
	s25 =	simm.s32 $0x7;
	[tilespmem:s18+$0x7070] =	vst v4  }
0x1af: {  	[hbm4b:s1+s6] =	stream.linear.scatter [tilespmem:s0], [sflag:$0x7], $0x8000, $0x38;
	[tilespmem:$0x1E400] =	vst v63  }
0x1b0: {  	_ =	swait.ge [sflag:s25], $0x8000  }
0x1b1: {  	[sflag:s25] =	ssyncset.done $0x0  }
0x1b2: {  	[sflag:s25] =	ssyncadd.s32 $0xFFFF8000  }
0x1b3: {  	v4 =	vld [tilespmem:$0x2180]  }
0x1b4: {  	v5 =	vld [tilespmem:$0x2190]  }
0x1b5: {  	v6 =	vld [tilespmem:$0x21A0]  }
0x1b6: {  	v7 =	vld [tilespmem:$0x21B0]  }
0x1b7: {  	v8 =	vld [tilespmem:$0x21C0]  }
0x1b8: {  	v9 =	vld [tilespmem:$0x21D0]  }
0x1b9: {  	v10 =	vld [tilespmem:$0x21E0]  }
0x1ba: {  	v11 =	vld [tilespmem:$0x21F0]  }
0x1bb: {  	v12 =	vld [tilespmem:$0x2380]  }
0x1bc: {  	v13 =	vld [tilespmem:$0x2390]  }
0x1bd: {  	v14 =	vld [tilespmem:$0x23A0]  }
0x1be: {  	v16 =	vld [tilespmem:$0x23F0]  }
0x1bf: {  	s26 =	simm.s32 $0x0;
	v17 =	vld [tilespmem:$0x23E0]  }
0x1c0: {  	s10 =	sand.u32 $0x380, s6;
	s1 =	sand.u32 $0x3FFFF000, s26;
	v18 =	vld [tilespmem:$0x23D0]  }
0x1c1: {  	s18 =	sor.u32 s10, s1;
	v19 =	vld [tilespmem:$0x23C0]  }
0x1c2: {  	v15 =	vld [tilespmem:$0x23B0];
	[tilespmem:s18+$0x6420] =	vst v6  }
0x1c3: {  	[tilespmem:s18+$0x6870] =	vst v16  }
0x1c4: {  	[tilespmem:s18+$0x6860] =	vst v17  }
0x1c5: {  	[tilespmem:s18+$0x6850] =	vst v18  }
0x1c6: {  	[tilespmem:s18+$0x6840] =	vst v19  }
0x1c7: {  	[tilespmem:s18+$0x6830] =	vst v15  }
0x1c8: {  	[tilespmem:s18+$0x6820] =	vst v14  }
0x1c9: {  	[tilespmem:s18+$0x6810] =	vst v13  }
0x1ca: {  	[tilespmem:s18+$0x6800] =	vst v12  }
0x1cb: {  	[tilespmem:s18+$0x6470] =	vst v11  }
0x1cc: {  	[tilespmem:s18+$0x6460] =	vst v10  }
0x1cd: {  	[tilespmem:s18+$0x6450] =	vst v9  }
0x1ce: {  	[tilespmem:s18+$0x6440] =	vst v8  }
0x1cf: {  	s30 =	simm.s32 $0x0;
	[tilespmem:s18+$0x6430] =	vst v7  }
0x1d0: {  	s1 =	sand.u32 $0x3FFFF800, s30;
	[tilespmem:s18+$0x6400] =	vst v4  }
0x1d1: {  	s23 =	sor.u32 s10, s1;
	[tilespmem:s18+$0x6410] =	vst v5  }
0x1d2: {  	v20 =	vld [tilespmem:s23+$0x2400];
	_ =	sdelay $0x4  }
0x1d3: {  	[tilespmem:s18+$0x6C00] =	vst v20  }
0x1d4: {  	v20 =	vld [tilespmem:s23+$0x2410];
	_ =	sdelay $0x4  }
0x1d5: {  	[tilespmem:s18+$0x6C10] =	vst v20  }
0x1d6: {  	v20 =	vld [tilespmem:s23+$0x2420];
	_ =	sdelay $0x4  }
0x1d7: {  	[tilespmem:s18+$0x6C20] =	vst v20  }
0x1d8: {  	v20 =	vld [tilespmem:s23+$0x2430];
	_ =	sdelay $0x4  }
0x1d9: {  	[tilespmem:s18+$0x6C30] =	vst v20  }
0x1da: {  	v20 =	vld [tilespmem:s23+$0x2440];
	_ =	sdelay $0x4  }
0x1db: {  	[tilespmem:s18+$0x6C40] =	vst v20  }
0x1dc: {  	v20 =	vld [tilespmem:s23+$0x2450];
	_ =	sdelay $0x4  }
0x1dd: {  	[tilespmem:s18+$0x6C50] =	vst v20  }
0x1de: {  	v20 =	vld [tilespmem:s23+$0x2460];
	_ =	sdelay $0x4  }
0x1df: {  	[tilespmem:s18+$0x6C60] =	vst v20  }
0x1e0: {  	v20 =	vld [tilespmem:s23+$0x2470];
	_ =	sdelay $0x4  }
0x1e1: {  	[tilespmem:s18+$0x6C70] =	vst v20  }
0x1e2: {  	v20 =	vld [tilespmem:s23+$0x2800];
	_ =	sdelay $0x4  }
0x1e3: {  	[tilespmem:s18+$0x7000] =	vst v20  }
0x1e4: {  	v20 =	vld [tilespmem:s23+$0x2810];
	_ =	sdelay $0x4  }
0x1e5: {  	[tilespmem:s18+$0x7010] =	vst v20  }
0x1e6: {  	v20 =	vld [tilespmem:s23+$0x2820];
	_ =	sdelay $0x4  }
0x1e7: {  	[tilespmem:s18+$0x7020] =	vst v20  }
0x1e8: {  	v20 =	vld [tilespmem:s23+$0x2830];
	_ =	sdelay $0x4  }
0x1e9: {  	[tilespmem:s18+$0x7030] =	vst v20  }
0x1ea: {  	v20 =	vld [tilespmem:s23+$0x2840];
	_ =	sdelay $0x4  }
0x1eb: {  	[tilespmem:s18+$0x7040] =	vst v20  }
0x1ec: {  	s3 =	simm.s32 $0x12C00;
	s7 =	simm.s32 $0x12400;
	s24 =	simm.s32 $0x1;
	v20 =	vld [tilespmem:s23+$0x2850]  }
.LBB2_9:
0x1ed: {  	p1 =	seq.s32 s24, $0x3F  }
0x1ee: {  	s6 =	sadd.s32 $0x80, s6;
	s1 =	smov.u32 s24;
	s24 =	sadd.s32 $0x1, s24  }
0x1ef: {  	_ =	sdelay $0x2  }
0x1f0: {  	[tilespmem:s18+$0x7050] =	vst v20  }
0x1f1: {  	v20 =	vld [tilespmem:s23+$0x2860];
	_ =	sdelay $0x3  }
0x1f2: {  	s10 =	sshll.u32 s1, $0x9  }
0x1f3: {  	s30 =	sand.u32 $0x380, s6;
	s10 =	sand.u32 $0x3FFFF000, s10;
	[tilespmem:s18+$0x7060] =	vst v20  }
0x1f4: {  	s10 =	sor.u32 s30, s10;
	v20 =	vld [tilespmem:s23+$0x2870]  }
0x1f5: {  	[tilespmem:s10+$0x6420] =	vst v6  }
0x1f6: {  	[tilespmem:s10+$0x6870] =	vst v16  }
0x1f7: {  	[tilespmem:s10+$0x6860] =	vst v17  }
0x1f8: {  	[tilespmem:s10+$0x6850] =	vst v18  }
0x1f9: {  	[tilespmem:s18+$0x7070] =	vst v20;
	s18 =	smov.u32 s10  }
0x1fa: {  	[tilespmem:s18+$0x6840] =	vst v19  }
0x1fb: {  	[tilespmem:s18+$0x6830] =	vst v15  }
0x1fc: {  	s1 =	sshll.u32 s1, $0x8;
	[tilespmem:s18+$0x6820] =	vst v14  }
0x1fd: {  	s1 =	sand.u32 $0x3FFFF800, s1;
	[tilespmem:s18+$0x6810] =	vst v13  }
0x1fe: {  	s23 =	sor.u32 s30, s1;
	[tilespmem:s18+$0x6800] =	vst v12  }
0x1ff: {  	[tilespmem:s18+$0x6470] =	vst v11  }
0x200: {  	[tilespmem:s18+$0x6460] =	vst v10  }
0x201: {  	[tilespmem:s18+$0x6450] =	vst v9  }
0x202: {  	[tilespmem:s18+$0x6440] =	vst v8  }
0x203: {  	[tilespmem:s18+$0x6430] =	vst v7  }
0x204: {  	[tilespmem:s18+$0x6400] =	vst v4  }
0x205: {  	[tilespmem:s18+$0x6410] =	vst v5  }
0x206: {  	v20 =	vld [tilespmem:s23+$0x2400];
	_ =	sdelay $0x4  }
0x207: {  	[tilespmem:s18+$0x6C00] =	vst v20  }
0x208: {  	v20 =	vld [tilespmem:s23+$0x2410];
	_ =	sdelay $0x4  }
0x209: {  	[tilespmem:s18+$0x6C10] =	vst v20  }
0x20a: {  	v20 =	vld [tilespmem:s23+$0x2420];
	_ =	sdelay $0x4  }
0x20b: {  	[tilespmem:s18+$0x6C20] =	vst v20  }
0x20c: {  	v20 =	vld [tilespmem:s23+$0x2430];
	_ =	sdelay $0x4  }
0x20d: {  	[tilespmem:s18+$0x6C30] =	vst v20  }
0x20e: {  	v20 =	vld [tilespmem:s23+$0x2440];
	_ =	sdelay $0x4  }
0x20f: {  	[tilespmem:s18+$0x6C40] =	vst v20  }
0x210: {  	v20 =	vld [tilespmem:s23+$0x2450];
	_ =	sdelay $0x4  }
0x211: {  	[tilespmem:s18+$0x6C50] =	vst v20  }
0x212: {  	v20 =	vld [tilespmem:s23+$0x2460];
	_ =	sdelay $0x4  }
0x213: {  	[tilespmem:s18+$0x6C60] =	vst v20  }
0x214: {  	v20 =	vld [tilespmem:s23+$0x2470];
	_ =	sdelay $0x4  }
0x215: {  	[tilespmem:s18+$0x6C70] =	vst v20  }
0x216: {  	v20 =	vld [tilespmem:s23+$0x2800];
	_ =	sdelay $0x4  }
0x217: {  	[tilespmem:s18+$0x7000] =	vst v20  }
0x218: {  	v20 =	vld [tilespmem:s23+$0x2810];
	_ =	sdelay $0x4  }
0x219: {  	[tilespmem:s18+$0x7010] =	vst v20  }
0x21a: {  	v20 =	vld [tilespmem:s23+$0x2820];
	_ =	sdelay $0x4  }
0x21b: {  	[tilespmem:s18+$0x7020] =	vst v20  }
0x21c: {  	v20 =	vld [tilespmem:s23+$0x2830];
	_ =	sdelay $0x4  }
0x21d: {  	[tilespmem:s18+$0x7030] =	vst v20  }
0x21e: {  	v20 =	vld [tilespmem:s23+$0x2840];
	_ =	sdelay $0x1  }
.Ltmp6:
0x21f: {  	(pc) =	sbr.rel @!p1 .LBB2_9-.Ltmp6, $3  }
0x220: {  	_ =	sdelay $0x1  }
0x221: {  	[tilespmem:s18+$0x7040] =	vst v20  }
0x222: {  	v20 =	vld [tilespmem:s23+$0x2850]  }
0x223: {  	_ =	sdelay $0x3  }
0x224: {  	[tilespmem:s18+$0x7050] =	vst v20  }
0x225: {  	v4 =	vld [tilespmem:s23+$0x2860];
	_ =	sdelay $0x4  }
0x226: {  	[tilespmem:s18+$0x7060] =	vst v4  }
0x227: {  	v4 =	vld [tilespmem:s23+$0x2870]  }
.Ltmp7:
0x228: {  	_ = 	snop;
	(pc) =	sbr.rel .LBB2_20-.Ltmp7, $2  }
0x229: {  	_ =	sdelay $0x2  }
0x22a: {  	s8 =	simm.s32 $0x14C00;
	s6 =	smov.u32 s4;
	[tilespmem:s18+$0x7070] =	vst v4  }
.LBB2_11:
0x22b: {  	s1 =	simm.s32 $0x0  }
0x22c: {  	s10 =	sand.u32 $0x380, s2;
	s1 =	sand.u32 $0x3FFFF000, s1  }
0x22d: {  	s6 =	sor.u32 s10, s1  }
0x22e: {  	[tilespmem:s6+$0x6420] =	vst v6  }
0x22f: {  	[tilespmem:s6+$0x6860] =	vst v18  }
0x230: {  	[tilespmem:s6+$0x6850] =	vst v17  }
0x231: {  	[tilespmem:s6+$0x6840] =	vst v16  }
0x232: {  	[tilespmem:s6+$0x6830] =	vst v15  }
0x233: {  	[tilespmem:s6+$0x6820] =	vst v14  }
0x234: {  	[tilespmem:s6+$0x6810] =	vst v13  }
0x235: {  	[tilespmem:s6+$0x6800] =	vst v12  }
0x236: {  	[tilespmem:s6+$0x6470] =	vst v11  }
0x237: {  	[tilespmem:s6+$0x6460] =	vst v10  }
0x238: {  	[tilespmem:s6+$0x6450] =	vst v9  }
0x239: {  	[tilespmem:s6+$0x6440] =	vst v8  }
0x23a: {  	[tilespmem:s6+$0x6430] =	vst v7  }
0x23b: {  	s31 =	simm.s32 $0x0;
	[tilespmem:s6+$0x6400] =	vst v4  }
0x23c: {  	s1 =	sand.u32 $0x3FFFF800, s31;
	[tilespmem:s6+$0x6410] =	vst v5  }
0x23d: {  	s18 =	sor.u32 s10, s1;
	[tilespmem:s6+$0x6870] =	vst v19  }
0x23e: {  	v20 =	vld [tilespmem:s18+$0x2400];
	_ =	sdelay $0x4  }
0x23f: {  	[tilespmem:s6+$0x6C00] =	vst v20  }
0x240: {  	v20 =	vld [tilespmem:s18+$0x2410];
	_ =	sdelay $0x4  }
0x241: {  	[tilespmem:s6+$0x6C10] =	vst v20  }
0x242: {  	v20 =	vld [tilespmem:s18+$0x2420];
	_ =	sdelay $0x4  }
0x243: {  	[tilespmem:s6+$0x6C20] =	vst v20  }
0x244: {  	v20 =	vld [tilespmem:s18+$0x2430];
	_ =	sdelay $0x4  }
0x245: {  	[tilespmem:s6+$0x6C30] =	vst v20  }
0x246: {  	v20 =	vld [tilespmem:s18+$0x2440];
	_ =	sdelay $0x4  }
0x247: {  	[tilespmem:s6+$0x6C40] =	vst v20  }
0x248: {  	v20 =	vld [tilespmem:s18+$0x2450];
	_ =	sdelay $0x4  }
0x249: {  	[tilespmem:s6+$0x6C50] =	vst v20  }
0x24a: {  	v20 =	vld [tilespmem:s18+$0x2460];
	_ =	sdelay $0x4  }
0x24b: {  	[tilespmem:s6+$0x6C60] =	vst v20  }
0x24c: {  	v20 =	vld [tilespmem:s18+$0x2470];
	_ =	sdelay $0x4  }
0x24d: {  	[tilespmem:s6+$0x6C70] =	vst v20  }
0x24e: {  	v20 =	vld [tilespmem:s18+$0x2800];
	_ =	sdelay $0x4  }
0x24f: {  	[tilespmem:s6+$0x7000] =	vst v20  }
0x250: {  	v20 =	vld [tilespmem:s18+$0x2810];
	_ =	sdelay $0x4  }
0x251: {  	[tilespmem:s6+$0x7010] =	vst v20  }
0x252: {  	v20 =	vld [tilespmem:s18+$0x2820];
	_ =	sdelay $0x4  }
0x253: {  	[tilespmem:s6+$0x7020] =	vst v20  }
0x254: {  	v20 =	vld [tilespmem:s18+$0x2830];
	_ =	sdelay $0x4  }
0x255: {  	[tilespmem:s6+$0x7030] =	vst v20  }
0x256: {  	v20 =	vld [tilespmem:s18+$0x2840];
	_ =	sdelay $0x4  }
0x257: {  	[tilespmem:s6+$0x7040] =	vst v20  }
0x258: {  	s23 =	simm.s32 $0x1;
	s24 =	simm.s32 $0x0;
	v20 =	vld [tilespmem:s18+$0x2850]  }
.LBB2_12:
0x259: {  	p1 =	sne.s32 s23, $0x3F  }
0x25a: {  	s24 =	sadd.s32 $0x80, s24;
	s1 =	smov.u32 s23;
	s23 =	sadd.s32 $0x1, s23  }
0x25b: {  	_ =	sdelay $0x2  }
0x25c: {  	[tilespmem:s6+$0x7050] =	vst v20  }
0x25d: {  	v20 =	vld [tilespmem:s18+$0x2860];
	_ =	sdelay $0x3  }
0x25e: {  	s10 =	sshll.u32 s1, $0x9  }
0x25f: {  	s30 =	sand.u32 $0x380, s24;
	s10 =	sand.u32 $0x3FFFF000, s10;
	[tilespmem:s6+$0x7060] =	vst v20  }
0x260: {  	s10 =	sor.u32 s30, s10;
	v20 =	vld [tilespmem:s18+$0x2870]  }
0x261: {  	[tilespmem:s10+$0x6420] =	vst v6  }
0x262: {  	[tilespmem:s10+$0x6870] =	vst v19  }
0x263: {  	[tilespmem:s10+$0x6860] =	vst v18  }
0x264: {  	[tilespmem:s10+$0x6850] =	vst v17  }
0x265: {  	[tilespmem:s6+$0x7070] =	vst v20;
	s6 =	smov.u32 s10  }
0x266: {  	[tilespmem:s6+$0x6840] =	vst v16  }
0x267: {  	[tilespmem:s6+$0x6830] =	vst v15  }
0x268: {  	s1 =	sshll.u32 s1, $0x8;
	[tilespmem:s6+$0x6820] =	vst v14  }
0x269: {  	s1 =	sand.u32 $0x3FFFF800, s1;
	[tilespmem:s6+$0x6810] =	vst v13  }
0x26a: {  	s18 =	sor.u32 s30, s1;
	[tilespmem:s6+$0x6800] =	vst v12  }
0x26b: {  	[tilespmem:s6+$0x6470] =	vst v11  }
0x26c: {  	[tilespmem:s6+$0x6460] =	vst v10  }
0x26d: {  	[tilespmem:s6+$0x6450] =	vst v9  }
0x26e: {  	[tilespmem:s6+$0x6440] =	vst v8  }
0x26f: {  	[tilespmem:s6+$0x6430] =	vst v7  }
0x270: {  	[tilespmem:s6+$0x6400] =	vst v4  }
0x271: {  	[tilespmem:s6+$0x6410] =	vst v5  }
0x272: {  	v20 =	vld [tilespmem:s18+$0x2400];
	_ =	sdelay $0x4  }
0x273: {  	[tilespmem:s6+$0x6C00] =	vst v20  }
0x274: {  	v20 =	vld [tilespmem:s18+$0x2410];
	_ =	sdelay $0x4  }
0x275: {  	[tilespmem:s6+$0x6C10] =	vst v20  }
0x276: {  	v20 =	vld [tilespmem:s18+$0x2420];
	_ =	sdelay $0x4  }
0x277: {  	[tilespmem:s6+$0x6C20] =	vst v20  }
0x278: {  	v20 =	vld [tilespmem:s18+$0x2430];
	_ =	sdelay $0x4  }
0x279: {  	[tilespmem:s6+$0x6C30] =	vst v20  }
0x27a: {  	v20 =	vld [tilespmem:s18+$0x2440];
	_ =	sdelay $0x4  }
0x27b: {  	[tilespmem:s6+$0x6C40] =	vst v20  }
0x27c: {  	v20 =	vld [tilespmem:s18+$0x2450];
	_ =	sdelay $0x4  }
0x27d: {  	[tilespmem:s6+$0x6C50] =	vst v20  }
0x27e: {  	v20 =	vld [tilespmem:s18+$0x2460];
	_ =	sdelay $0x4  }
0x27f: {  	[tilespmem:s6+$0x6C60] =	vst v20  }
0x280: {  	v20 =	vld [tilespmem:s18+$0x2470];
	_ =	sdelay $0x4  }
0x281: {  	[tilespmem:s6+$0x6C70] =	vst v20  }
0x282: {  	v20 =	vld [tilespmem:s18+$0x2800];
	_ =	sdelay $0x4  }
0x283: {  	[tilespmem:s6+$0x7000] =	vst v20  }
0x284: {  	v20 =	vld [tilespmem:s18+$0x2810];
	_ =	sdelay $0x4  }
0x285: {  	[tilespmem:s6+$0x7010] =	vst v20  }
0x286: {  	v20 =	vld [tilespmem:s18+$0x2820];
	_ =	sdelay $0x4  }
0x287: {  	[tilespmem:s6+$0x7020] =	vst v20  }
0x288: {  	v20 =	vld [tilespmem:s18+$0x2830];
	_ =	sdelay $0x4  }
0x289: {  	[tilespmem:s6+$0x7030] =	vst v20  }
0x28a: {  	v20 =	vld [tilespmem:s18+$0x2840];
	_ =	sdelay $0x1  }
.Ltmp8:
0x28b: {  	(pc) =	sbr.rel @p1 .LBB2_12-.Ltmp8, $3  }
0x28c: {  	_ =	sdelay $0x1  }
0x28d: {  	[tilespmem:s6+$0x7040] =	vst v20  }
0x28e: {  	v20 =	vld [tilespmem:s18+$0x2850]  }
0x28f: {  	_ =	sdelay $0x3  }
0x290: {  	[tilespmem:s6+$0x7050] =	vst v20  }
0x291: {  	v4 =	vld [tilespmem:s18+$0x2860];
	_ =	sdelay $0x4  }
0x292: {  	[tilespmem:s6+$0x7060] =	vst v4  }
0x293: {  	v4 =	vld [tilespmem:s18+$0x2870];
	_ =	sdelay $0x4  }
0x294: {  	s1 =	rddreg [dreg:$0x6];
	s26 =	simm.s32 $0x7;
	[tilespmem:s6+$0x7070] =	vst v4;
	s6 =	simm.s32 $0x0  }
0x295: {  	[hbm4b:s1+s6] =	stream.linear.scatter [tilespmem:s0], [sflag:$0x7], $0x8000, $0x38;
	[tilespmem:$0x1E400] =	vst v63  }
0x296: {  	_ =	swait.ge [sflag:s26], $0x8000  }
0x297: {  	[sflag:s26] =	ssyncset.done $0x0  }
0x298: {  	[sflag:s26] =	ssyncadd.s32 $0xFFFF8000  }
0x299: {  	v4 =	vld [tilespmem:$0x2080]  }
0x29a: {  	v5 =	vld [tilespmem:$0x2090]  }
0x29b: {  	v6 =	vld [tilespmem:$0x20A0]  }
0x29c: {  	v7 =	vld [tilespmem:$0x20B0]  }
0x29d: {  	v8 =	vld [tilespmem:$0x20C0]  }
0x29e: {  	v9 =	vld [tilespmem:$0x20D0]  }
0x29f: {  	v10 =	vld [tilespmem:$0x20E0]  }
0x2a0: {  	v11 =	vld [tilespmem:$0x20F0]  }
0x2a1: {  	v12 =	vld [tilespmem:$0x2280]  }
0x2a2: {  	v13 =	vld [tilespmem:$0x2290]  }
0x2a3: {  	v14 =	vld [tilespmem:$0x22A0]  }
0x2a4: {  	v16 =	vld [tilespmem:$0x22F0]  }
0x2a5: {  	s30 =	simm.s32 $0x0;
	v17 =	vld [tilespmem:$0x22E0]  }
0x2a6: {  	s10 =	sand.u32 $0x380, s6;
	s1 =	sand.u32 $0x3FFFF000, s30;
	v18 =	vld [tilespmem:$0x22D0]  }
0x2a7: {  	s18 =	sor.u32 s10, s1;
	v19 =	vld [tilespmem:$0x22C0]  }
0x2a8: {  	v15 =	vld [tilespmem:$0x22B0];
	[tilespmem:s18+$0x6420] =	vst v6  }
0x2a9: {  	[tilespmem:s18+$0x6870] =	vst v16  }
0x2aa: {  	[tilespmem:s18+$0x6860] =	vst v17  }
0x2ab: {  	[tilespmem:s18+$0x6850] =	vst v18  }
0x2ac: {  	[tilespmem:s18+$0x6840] =	vst v19  }
0x2ad: {  	[tilespmem:s18+$0x6830] =	vst v15  }
0x2ae: {  	[tilespmem:s18+$0x6820] =	vst v14  }
0x2af: {  	[tilespmem:s18+$0x6810] =	vst v13  }
0x2b0: {  	[tilespmem:s18+$0x6800] =	vst v12  }
0x2b1: {  	[tilespmem:s18+$0x6470] =	vst v11  }
0x2b2: {  	[tilespmem:s18+$0x6460] =	vst v10  }
0x2b3: {  	[tilespmem:s18+$0x6450] =	vst v9  }
0x2b4: {  	[tilespmem:s18+$0x6440] =	vst v8  }
0x2b5: {  	s31 =	simm.s32 $0x0;
	[tilespmem:s18+$0x6430] =	vst v7  }
0x2b6: {  	s1 =	sand.u32 $0x3FFFF800, s31;
	[tilespmem:s18+$0x6400] =	vst v4  }
0x2b7: {  	s23 =	sor.u32 s10, s1;
	[tilespmem:s18+$0x6410] =	vst v5  }
0x2b8: {  	v20 =	vld [tilespmem:s23+$0x2400];
	_ =	sdelay $0x4  }
0x2b9: {  	[tilespmem:s18+$0x6C00] =	vst v20  }
0x2ba: {  	v20 =	vld [tilespmem:s23+$0x2410];
	_ =	sdelay $0x4  }
0x2bb: {  	[tilespmem:s18+$0x6C10] =	vst v20  }
0x2bc: {  	v20 =	vld [tilespmem:s23+$0x2420];
	_ =	sdelay $0x4  }
0x2bd: {  	[tilespmem:s18+$0x6C20] =	vst v20  }
0x2be: {  	v20 =	vld [tilespmem:s23+$0x2430];
	_ =	sdelay $0x4  }
0x2bf: {  	[tilespmem:s18+$0x6C30] =	vst v20  }
0x2c0: {  	v20 =	vld [tilespmem:s23+$0x2440];
	_ =	sdelay $0x4  }
0x2c1: {  	[tilespmem:s18+$0x6C40] =	vst v20  }
0x2c2: {  	v20 =	vld [tilespmem:s23+$0x2450];
	_ =	sdelay $0x4  }
0x2c3: {  	[tilespmem:s18+$0x6C50] =	vst v20  }
0x2c4: {  	v20 =	vld [tilespmem:s23+$0x2460];
	_ =	sdelay $0x4  }
0x2c5: {  	[tilespmem:s18+$0x6C60] =	vst v20  }
0x2c6: {  	v20 =	vld [tilespmem:s23+$0x2470];
	_ =	sdelay $0x4  }
0x2c7: {  	[tilespmem:s18+$0x6C70] =	vst v20  }
0x2c8: {  	v20 =	vld [tilespmem:s23+$0x2800];
	_ =	sdelay $0x4  }
0x2c9: {  	[tilespmem:s18+$0x7000] =	vst v20  }
0x2ca: {  	v20 =	vld [tilespmem:s23+$0x2810];
	_ =	sdelay $0x4  }
0x2cb: {  	[tilespmem:s18+$0x7010] =	vst v20  }
0x2cc: {  	v20 =	vld [tilespmem:s23+$0x2820];
	_ =	sdelay $0x4  }
0x2cd: {  	[tilespmem:s18+$0x7020] =	vst v20  }
0x2ce: {  	v20 =	vld [tilespmem:s23+$0x2830];
	_ =	sdelay $0x4  }
0x2cf: {  	[tilespmem:s18+$0x7030] =	vst v20  }
0x2d0: {  	v20 =	vld [tilespmem:s23+$0x2840];
	_ =	sdelay $0x4  }
0x2d1: {  	[tilespmem:s18+$0x7040] =	vst v20  }
0x2d2: {  	s24 =	simm.s32 $0x1;
	v20 =	vld [tilespmem:s23+$0x2850]  }
.LBB2_14:
0x2d3: {  	p1 =	sne.s32 s24, $0x3F  }
0x2d4: {  	s6 =	sadd.s32 $0x80, s6;
	s1 =	smov.u32 s24;
	s24 =	sadd.s32 $0x1, s24  }
0x2d5: {  	_ =	sdelay $0x2  }
0x2d6: {  	[tilespmem:s18+$0x7050] =	vst v20  }
0x2d7: {  	v20 =	vld [tilespmem:s23+$0x2860];
	_ =	sdelay $0x3  }
0x2d8: {  	s10 =	sshll.u32 s1, $0x9  }
0x2d9: {  	s30 =	sand.u32 $0x380, s6;
	s10 =	sand.u32 $0x3FFFF000, s10;
	[tilespmem:s18+$0x7060] =	vst v20  }
0x2da: {  	s10 =	sor.u32 s30, s10;
	v20 =	vld [tilespmem:s23+$0x2870]  }
0x2db: {  	[tilespmem:s10+$0x6420] =	vst v6  }
0x2dc: {  	[tilespmem:s10+$0x6870] =	vst v16  }
0x2dd: {  	[tilespmem:s10+$0x6860] =	vst v17  }
0x2de: {  	[tilespmem:s10+$0x6850] =	vst v18  }
0x2df: {  	[tilespmem:s18+$0x7070] =	vst v20;
	s18 =	smov.u32 s10  }
0x2e0: {  	[tilespmem:s18+$0x6840] =	vst v19  }
0x2e1: {  	[tilespmem:s18+$0x6830] =	vst v15  }
0x2e2: {  	s1 =	sshll.u32 s1, $0x8;
	[tilespmem:s18+$0x6820] =	vst v14  }
0x2e3: {  	s1 =	sand.u32 $0x3FFFF800, s1;
	[tilespmem:s18+$0x6810] =	vst v13  }
0x2e4: {  	s23 =	sor.u32 s30, s1;
	[tilespmem:s18+$0x6800] =	vst v12  }
0x2e5: {  	[tilespmem:s18+$0x6470] =	vst v11  }
0x2e6: {  	[tilespmem:s18+$0x6460] =	vst v10  }
0x2e7: {  	[tilespmem:s18+$0x6450] =	vst v9  }
0x2e8: {  	[tilespmem:s18+$0x6440] =	vst v8  }
0x2e9: {  	[tilespmem:s18+$0x6430] =	vst v7  }
0x2ea: {  	[tilespmem:s18+$0x6400] =	vst v4  }
0x2eb: {  	[tilespmem:s18+$0x6410] =	vst v5  }
0x2ec: {  	v20 =	vld [tilespmem:s23+$0x2400];
	_ =	sdelay $0x4  }
0x2ed: {  	[tilespmem:s18+$0x6C00] =	vst v20  }
0x2ee: {  	v20 =	vld [tilespmem:s23+$0x2410];
	_ =	sdelay $0x4  }
0x2ef: {  	[tilespmem:s18+$0x6C10] =	vst v20  }
0x2f0: {  	v20 =	vld [tilespmem:s23+$0x2420];
	_ =	sdelay $0x4  }
0x2f1: {  	[tilespmem:s18+$0x6C20] =	vst v20  }
0x2f2: {  	v20 =	vld [tilespmem:s23+$0x2430];
	_ =	sdelay $0x4  }
0x2f3: {  	[tilespmem:s18+$0x6C30] =	vst v20  }
0x2f4: {  	v20 =	vld [tilespmem:s23+$0x2440];
	_ =	sdelay $0x4  }
0x2f5: {  	[tilespmem:s18+$0x6C40] =	vst v20  }
0x2f6: {  	v20 =	vld [tilespmem:s23+$0x2450];
	_ =	sdelay $0x4  }
0x2f7: {  	[tilespmem:s18+$0x6C50] =	vst v20  }
0x2f8: {  	v20 =	vld [tilespmem:s23+$0x2460];
	_ =	sdelay $0x4  }
0x2f9: {  	[tilespmem:s18+$0x6C60] =	vst v20  }
0x2fa: {  	v20 =	vld [tilespmem:s23+$0x2470];
	_ =	sdelay $0x4  }
0x2fb: {  	[tilespmem:s18+$0x6C70] =	vst v20  }
0x2fc: {  	v20 =	vld [tilespmem:s23+$0x2800];
	_ =	sdelay $0x4  }
0x2fd: {  	[tilespmem:s18+$0x7000] =	vst v20  }
0x2fe: {  	v20 =	vld [tilespmem:s23+$0x2810];
	_ =	sdelay $0x4  }
0x2ff: {  	[tilespmem:s18+$0x7010] =	vst v20  }
0x300: {  	v20 =	vld [tilespmem:s23+$0x2820];
	_ =	sdelay $0x4  }
0x301: {  	[tilespmem:s18+$0x7020] =	vst v20  }
0x302: {  	v20 =	vld [tilespmem:s23+$0x2830];
	_ =	sdelay $0x4  }
0x303: {  	[tilespmem:s18+$0x7030] =	vst v20  }
0x304: {  	v20 =	vld [tilespmem:s23+$0x2840];
	_ =	sdelay $0x1  }
.Ltmp9:
0x305: {  	(pc) =	sbr.rel @p1 .LBB2_14-.Ltmp9, $3  }
0x306: {  	_ =	sdelay $0x1  }
0x307: {  	[tilespmem:s18+$0x7040] =	vst v20  }
0x308: {  	v20 =	vld [tilespmem:s23+$0x2850]  }
0x309: {  	_ =	sdelay $0x3  }
0x30a: {  	[tilespmem:s18+$0x7050] =	vst v20  }
0x30b: {  	v4 =	vld [tilespmem:s23+$0x2860];
	_ =	sdelay $0x4  }
0x30c: {  	[tilespmem:s18+$0x7060] =	vst v4  }
0x30d: {  	v4 =	vld [tilespmem:s23+$0x2870];
	_ =	sdelay $0x4  }
0x30e: {  	s6 =	simm.s32 $0x0;
	s1 =	rddreg [dreg:$0x7];
	s25 =	simm.s32 $0x7;
	[tilespmem:s18+$0x7070] =	vst v4  }
0x30f: {  	[hbm4b:s1+s6] =	stream.linear.scatter [tilespmem:s0], [sflag:$0x7], $0x8000, $0x38;
	[tilespmem:$0x1E400] =	vst v63  }
0x310: {  	_ =	swait.ge [sflag:s25], $0x8000  }
0x311: {  	[sflag:s25] =	ssyncset.done $0x0  }
0x312: {  	[sflag:s25] =	ssyncadd.s32 $0xFFFF8000  }
0x313: {  	v4 =	vld [tilespmem:$0x2100]  }
0x314: {  	v5 =	vld [tilespmem:$0x2110]  }
0x315: {  	v6 =	vld [tilespmem:$0x2120]  }
0x316: {  	v7 =	vld [tilespmem:$0x2130]  }
0x317: {  	v8 =	vld [tilespmem:$0x2140]  }
0x318: {  	v9 =	vld [tilespmem:$0x2150]  }
0x319: {  	v10 =	vld [tilespmem:$0x2160]  }
0x31a: {  	v11 =	vld [tilespmem:$0x2170]  }
0x31b: {  	v12 =	vld [tilespmem:$0x2300]  }
0x31c: {  	v13 =	vld [tilespmem:$0x2310]  }
0x31d: {  	v14 =	vld [tilespmem:$0x2320]  }
0x31e: {  	v16 =	vld [tilespmem:$0x2370]  }
0x31f: {  	s26 =	simm.s32 $0x0;
	v17 =	vld [tilespmem:$0x2360]  }
0x320: {  	s10 =	sand.u32 $0x380, s6;
	s1 =	sand.u32 $0x3FFFF000, s26;
	v18 =	vld [tilespmem:$0x2350]  }
0x321: {  	s18 =	sor.u32 s10, s1;
	v19 =	vld [tilespmem:$0x2340]  }
0x322: {  	v15 =	vld [tilespmem:$0x2330];
	[tilespmem:s18+$0x6420] =	vst v6  }
0x323: {  	[tilespmem:s18+$0x6870] =	vst v16  }
0x324: {  	[tilespmem:s18+$0x6860] =	vst v17  }
0x325: {  	[tilespmem:s18+$0x6850] =	vst v18  }
0x326: {  	[tilespmem:s18+$0x6840] =	vst v19  }
0x327: {  	[tilespmem:s18+$0x6830] =	vst v15  }
0x328: {  	[tilespmem:s18+$0x6820] =	vst v14  }
0x329: {  	[tilespmem:s18+$0x6810] =	vst v13  }
0x32a: {  	[tilespmem:s18+$0x6800] =	vst v12  }
0x32b: {  	[tilespmem:s18+$0x6470] =	vst v11  }
0x32c: {  	[tilespmem:s18+$0x6460] =	vst v10  }
0x32d: {  	[tilespmem:s18+$0x6450] =	vst v9  }
0x32e: {  	[tilespmem:s18+$0x6440] =	vst v8  }
0x32f: {  	s30 =	simm.s32 $0x0;
	[tilespmem:s18+$0x6430] =	vst v7  }
0x330: {  	s1 =	sand.u32 $0x3FFFF800, s30;
	[tilespmem:s18+$0x6400] =	vst v4  }
0x331: {  	s23 =	sor.u32 s10, s1;
	[tilespmem:s18+$0x6410] =	vst v5  }
0x332: {  	v20 =	vld [tilespmem:s23+$0x2400];
	_ =	sdelay $0x4  }
0x333: {  	[tilespmem:s18+$0x6C00] =	vst v20  }
0x334: {  	v20 =	vld [tilespmem:s23+$0x2410];
	_ =	sdelay $0x4  }
0x335: {  	[tilespmem:s18+$0x6C10] =	vst v20  }
0x336: {  	v20 =	vld [tilespmem:s23+$0x2420];
	_ =	sdelay $0x4  }
0x337: {  	[tilespmem:s18+$0x6C20] =	vst v20  }
0x338: {  	v20 =	vld [tilespmem:s23+$0x2430];
	_ =	sdelay $0x4  }
0x339: {  	[tilespmem:s18+$0x6C30] =	vst v20  }
0x33a: {  	v20 =	vld [tilespmem:s23+$0x2440];
	_ =	sdelay $0x4  }
0x33b: {  	[tilespmem:s18+$0x6C40] =	vst v20  }
0x33c: {  	v20 =	vld [tilespmem:s23+$0x2450];
	_ =	sdelay $0x4  }
0x33d: {  	[tilespmem:s18+$0x6C50] =	vst v20  }
0x33e: {  	v20 =	vld [tilespmem:s23+$0x2460];
	_ =	sdelay $0x4  }
0x33f: {  	[tilespmem:s18+$0x6C60] =	vst v20  }
0x340: {  	v20 =	vld [tilespmem:s23+$0x2470];
	_ =	sdelay $0x4  }
0x341: {  	[tilespmem:s18+$0x6C70] =	vst v20  }
0x342: {  	v20 =	vld [tilespmem:s23+$0x2800];
	_ =	sdelay $0x4  }
0x343: {  	[tilespmem:s18+$0x7000] =	vst v20  }
0x344: {  	v20 =	vld [tilespmem:s23+$0x2810];
	_ =	sdelay $0x4  }
0x345: {  	[tilespmem:s18+$0x7010] =	vst v20  }
0x346: {  	v20 =	vld [tilespmem:s23+$0x2820];
	_ =	sdelay $0x4  }
0x347: {  	[tilespmem:s18+$0x7020] =	vst v20  }
0x348: {  	v20 =	vld [tilespmem:s23+$0x2830];
	_ =	sdelay $0x4  }
0x349: {  	[tilespmem:s18+$0x7030] =	vst v20  }
0x34a: {  	v20 =	vld [tilespmem:s23+$0x2840];
	_ =	sdelay $0x3  }
0x34b: {  	s9 =	simm.s32 $0x11C00  }
0x34c: {  	s15 =	simm.s32 $0x13C00;
	s13 =	simm.s32 $0x13400;
	s14 =	simm.s32 $0x14400;
	[tilespmem:s18+$0x7040] =	vst v20  }
0x34d: {  	s31 =	simm.s32 $0x10C00;
	s12 =	simm.s32 $0x11400;
	s24 =	simm.s32 $0x1;
	v20 =	vld [tilespmem:s23+$0x2850]  }
.LBB2_16:
0x34e: {  	p1 =	sne.s32 s24, $0x3F  }
0x34f: {  	s6 =	sadd.s32 $0x80, s6;
	s1 =	smov.u32 s24;
	s24 =	sadd.s32 $0x1, s24  }
0x350: {  	_ =	sdelay $0x2  }
0x351: {  	[tilespmem:s18+$0x7050] =	vst v20  }
0x352: {  	v20 =	vld [tilespmem:s23+$0x2860];
	_ =	sdelay $0x3  }
0x353: {  	s10 =	sshll.u32 s1, $0x9  }
0x354: {  	s30 =	sand.u32 $0x380, s6;
	s10 =	sand.u32 $0x3FFFF000, s10;
	[tilespmem:s18+$0x7060] =	vst v20  }
0x355: {  	s10 =	sor.u32 s30, s10;
	v20 =	vld [tilespmem:s23+$0x2870]  }
0x356: {  	[tilespmem:s10+$0x6420] =	vst v6  }
0x357: {  	[tilespmem:s10+$0x6870] =	vst v16  }
0x358: {  	[tilespmem:s10+$0x6860] =	vst v17  }
0x359: {  	[tilespmem:s10+$0x6850] =	vst v18  }
0x35a: {  	[tilespmem:s18+$0x7070] =	vst v20;
	s18 =	smov.u32 s10  }
0x35b: {  	[tilespmem:s18+$0x6840] =	vst v19  }
0x35c: {  	[tilespmem:s18+$0x6830] =	vst v15  }
0x35d: {  	s1 =	sshll.u32 s1, $0x8;
	[tilespmem:s18+$0x6820] =	vst v14  }
0x35e: {  	s1 =	sand.u32 $0x3FFFF800, s1;
	[tilespmem:s18+$0x6810] =	vst v13  }
0x35f: {  	s23 =	sor.u32 s30, s1;
	[tilespmem:s18+$0x6800] =	vst v12  }
0x360: {  	[tilespmem:s18+$0x6470] =	vst v11  }
0x361: {  	[tilespmem:s18+$0x6460] =	vst v10  }
0x362: {  	[tilespmem:s18+$0x6450] =	vst v9  }
0x363: {  	[tilespmem:s18+$0x6440] =	vst v8  }
0x364: {  	[tilespmem:s18+$0x6430] =	vst v7  }
0x365: {  	[tilespmem:s18+$0x6400] =	vst v4  }
0x366: {  	[tilespmem:s18+$0x6410] =	vst v5  }
0x367: {  	v20 =	vld [tilespmem:s23+$0x2400];
	_ =	sdelay $0x4  }
0x368: {  	[tilespmem:s18+$0x6C00] =	vst v20  }
0x369: {  	v20 =	vld [tilespmem:s23+$0x2410];
	_ =	sdelay $0x4  }
0x36a: {  	[tilespmem:s18+$0x6C10] =	vst v20  }
0x36b: {  	v20 =	vld [tilespmem:s23+$0x2420];
	_ =	sdelay $0x4  }
0x36c: {  	[tilespmem:s18+$0x6C20] =	vst v20  }
0x36d: {  	v20 =	vld [tilespmem:s23+$0x2430];
	_ =	sdelay $0x4  }
0x36e: {  	[tilespmem:s18+$0x6C30] =	vst v20  }
0x36f: {  	v20 =	vld [tilespmem:s23+$0x2440];
	_ =	sdelay $0x4  }
0x370: {  	[tilespmem:s18+$0x6C40] =	vst v20  }
0x371: {  	v20 =	vld [tilespmem:s23+$0x2450];
	_ =	sdelay $0x4  }
0x372: {  	[tilespmem:s18+$0x6C50] =	vst v20  }
0x373: {  	v20 =	vld [tilespmem:s23+$0x2460];
	_ =	sdelay $0x4  }
0x374: {  	[tilespmem:s18+$0x6C60] =	vst v20  }
0x375: {  	v20 =	vld [tilespmem:s23+$0x2470];
	_ =	sdelay $0x4  }
0x376: {  	[tilespmem:s18+$0x6C70] =	vst v20  }
0x377: {  	v20 =	vld [tilespmem:s23+$0x2800];
	_ =	sdelay $0x4  }
0x378: {  	[tilespmem:s18+$0x7000] =	vst v20  }
0x379: {  	v20 =	vld [tilespmem:s23+$0x2810];
	_ =	sdelay $0x4  }
0x37a: {  	[tilespmem:s18+$0x7010] =	vst v20  }
0x37b: {  	v20 =	vld [tilespmem:s23+$0x2820];
	_ =	sdelay $0x4  }
0x37c: {  	[tilespmem:s18+$0x7020] =	vst v20  }
0x37d: {  	v20 =	vld [tilespmem:s23+$0x2830];
	_ =	sdelay $0x4  }
0x37e: {  	[tilespmem:s18+$0x7030] =	vst v20  }
0x37f: {  	v20 =	vld [tilespmem:s23+$0x2840];
	_ =	sdelay $0x1  }
.Ltmp10:
0x380: {  	(pc) =	sbr.rel @p1 .LBB2_16-.Ltmp10, $3  }
0x381: {  	_ =	sdelay $0x1  }
0x382: {  	[tilespmem:s18+$0x7040] =	vst v20  }
0x383: {  	v20 =	vld [tilespmem:s23+$0x2850]  }
0x384: {  	_ =	sdelay $0x3  }
0x385: {  	[tilespmem:s18+$0x7050] =	vst v20  }
0x386: {  	v4 =	vld [tilespmem:s23+$0x2860];
	_ =	sdelay $0x4  }
0x387: {  	[tilespmem:s18+$0x7060] =	vst v4  }
0x388: {  	v4 =	vld [tilespmem:s23+$0x2870];
	_ =	sdelay $0x4  }
0x389: {  	s6 =	simm.s32 $0x0;
	s1 =	rddreg [dreg:$0x16];
	s25 =	simm.s32 $0x7;
	[tilespmem:s18+$0x7070] =	vst v4  }
0x38a: {  	[hbm4b:s1+s6] =	stream.linear.scatter [tilespmem:s0], [sflag:$0x7], $0x8000, $0x38;
	[tilespmem:$0x1E400] =	vst v63  }
0x38b: {  	_ =	swait.ge [sflag:s25], $0x8000  }
0x38c: {  	[sflag:s25] =	ssyncset.done $0x0  }
0x38d: {  	[sflag:s25] =	ssyncadd.s32 $0xFFFF8000  }
0x38e: {  	v4 =	vld [tilespmem:$0x2180]  }
0x38f: {  	v5 =	vld [tilespmem:$0x2190]  }
0x390: {  	v6 =	vld [tilespmem:$0x21A0]  }
0x391: {  	v7 =	vld [tilespmem:$0x21B0]  }
0x392: {  	v8 =	vld [tilespmem:$0x21C0]  }
0x393: {  	v9 =	vld [tilespmem:$0x21D0]  }
0x394: {  	v10 =	vld [tilespmem:$0x21E0]  }
0x395: {  	v11 =	vld [tilespmem:$0x21F0]  }
0x396: {  	v12 =	vld [tilespmem:$0x2380]  }
0x397: {  	v13 =	vld [tilespmem:$0x2390]  }
0x398: {  	v14 =	vld [tilespmem:$0x23A0]  }
0x399: {  	v16 =	vld [tilespmem:$0x23F0]  }
0x39a: {  	s26 =	simm.s32 $0x0;
	v17 =	vld [tilespmem:$0x23E0]  }
0x39b: {  	s10 =	sand.u32 $0x380, s6;
	s1 =	sand.u32 $0x3FFFF000, s26;
	v18 =	vld [tilespmem:$0x23D0]  }
0x39c: {  	s18 =	sor.u32 s10, s1;
	v19 =	vld [tilespmem:$0x23C0]  }
0x39d: {  	v15 =	vld [tilespmem:$0x23B0];
	[tilespmem:s18+$0x6420] =	vst v6  }
0x39e: {  	[tilespmem:s18+$0x6870] =	vst v16  }
0x39f: {  	[tilespmem:s18+$0x6860] =	vst v17  }
0x3a0: {  	[tilespmem:s18+$0x6850] =	vst v18  }
0x3a1: {  	[tilespmem:s18+$0x6840] =	vst v19  }
0x3a2: {  	[tilespmem:s18+$0x6830] =	vst v15  }
0x3a3: {  	[tilespmem:s18+$0x6820] =	vst v14  }
0x3a4: {  	[tilespmem:s18+$0x6810] =	vst v13  }
0x3a5: {  	[tilespmem:s18+$0x6800] =	vst v12  }
0x3a6: {  	[tilespmem:s18+$0x6470] =	vst v11  }
0x3a7: {  	[tilespmem:s18+$0x6460] =	vst v10  }
0x3a8: {  	[tilespmem:s18+$0x6450] =	vst v9  }
0x3a9: {  	[tilespmem:s18+$0x6440] =	vst v8  }
0x3aa: {  	s30 =	simm.s32 $0x0;
	[tilespmem:s18+$0x6430] =	vst v7  }
0x3ab: {  	s1 =	sand.u32 $0x3FFFF800, s30;
	[tilespmem:s18+$0x6400] =	vst v4  }
0x3ac: {  	s23 =	sor.u32 s10, s1;
	[tilespmem:s18+$0x6410] =	vst v5  }
0x3ad: {  	v20 =	vld [tilespmem:s23+$0x2400];
	_ =	sdelay $0x4  }
0x3ae: {  	[tilespmem:s18+$0x6C00] =	vst v20  }
0x3af: {  	v20 =	vld [tilespmem:s23+$0x2410];
	_ =	sdelay $0x4  }
0x3b0: {  	[tilespmem:s18+$0x6C10] =	vst v20  }
0x3b1: {  	v20 =	vld [tilespmem:s23+$0x2420];
	_ =	sdelay $0x4  }
0x3b2: {  	[tilespmem:s18+$0x6C20] =	vst v20  }
0x3b3: {  	v20 =	vld [tilespmem:s23+$0x2430];
	_ =	sdelay $0x4  }
0x3b4: {  	[tilespmem:s18+$0x6C30] =	vst v20  }
0x3b5: {  	v20 =	vld [tilespmem:s23+$0x2440];
	_ =	sdelay $0x4  }
0x3b6: {  	[tilespmem:s18+$0x6C40] =	vst v20  }
0x3b7: {  	v20 =	vld [tilespmem:s23+$0x2450];
	_ =	sdelay $0x4  }
0x3b8: {  	[tilespmem:s18+$0x6C50] =	vst v20  }
0x3b9: {  	v20 =	vld [tilespmem:s23+$0x2460];
	_ =	sdelay $0x4  }
0x3ba: {  	[tilespmem:s18+$0x6C60] =	vst v20  }
0x3bb: {  	v20 =	vld [tilespmem:s23+$0x2470];
	_ =	sdelay $0x4  }
0x3bc: {  	[tilespmem:s18+$0x6C70] =	vst v20  }
0x3bd: {  	v20 =	vld [tilespmem:s23+$0x2800];
	_ =	sdelay $0x4  }
0x3be: {  	[tilespmem:s18+$0x7000] =	vst v20  }
0x3bf: {  	v20 =	vld [tilespmem:s23+$0x2810];
	_ =	sdelay $0x4  }
0x3c0: {  	[tilespmem:s18+$0x7010] =	vst v20  }
0x3c1: {  	v20 =	vld [tilespmem:s23+$0x2820];
	_ =	sdelay $0x4  }
0x3c2: {  	[tilespmem:s18+$0x7020] =	vst v20  }
0x3c3: {  	v20 =	vld [tilespmem:s23+$0x2830];
	_ =	sdelay $0x4  }
0x3c4: {  	[tilespmem:s18+$0x7030] =	vst v20  }
0x3c5: {  	v20 =	vld [tilespmem:s23+$0x2840];
	_ =	sdelay $0x4  }
0x3c6: {  	[tilespmem:s18+$0x7040] =	vst v20  }
0x3c7: {  	s3 =	simm.s32 $0x12C00;
	s7 =	simm.s32 $0x12400;
	s24 =	simm.s32 $0x1;
	v20 =	vld [tilespmem:s23+$0x2850]  }
.LBB2_18:
0x3c8: {  	p1 =	sne.s32 s24, $0x3F  }
0x3c9: {  	s6 =	sadd.s32 $0x80, s6;
	s1 =	smov.u32 s24;
	s24 =	sadd.s32 $0x1, s24  }
0x3ca: {  	_ =	sdelay $0x2  }
0x3cb: {  	[tilespmem:s18+$0x7050] =	vst v20  }
0x3cc: {  	v20 =	vld [tilespmem:s23+$0x2860];
	_ =	sdelay $0x3  }
0x3cd: {  	s10 =	sshll.u32 s1, $0x9  }
0x3ce: {  	s30 =	sand.u32 $0x380, s6;
	s10 =	sand.u32 $0x3FFFF000, s10;
	[tilespmem:s18+$0x7060] =	vst v20  }
0x3cf: {  	s10 =	sor.u32 s30, s10;
	v20 =	vld [tilespmem:s23+$0x2870]  }
0x3d0: {  	[tilespmem:s10+$0x6420] =	vst v6  }
0x3d1: {  	[tilespmem:s10+$0x6870] =	vst v16  }
0x3d2: {  	[tilespmem:s10+$0x6860] =	vst v17  }
0x3d3: {  	[tilespmem:s10+$0x6850] =	vst v18  }
0x3d4: {  	[tilespmem:s18+$0x7070] =	vst v20;
	s18 =	smov.u32 s10  }
0x3d5: {  	[tilespmem:s18+$0x6840] =	vst v19  }
0x3d6: {  	[tilespmem:s18+$0x6830] =	vst v15  }
0x3d7: {  	s1 =	sshll.u32 s1, $0x8;
	[tilespmem:s18+$0x6820] =	vst v14  }
0x3d8: {  	s1 =	sand.u32 $0x3FFFF800, s1;
	[tilespmem:s18+$0x6810] =	vst v13  }
0x3d9: {  	s23 =	sor.u32 s30, s1;
	[tilespmem:s18+$0x6800] =	vst v12  }
0x3da: {  	[tilespmem:s18+$0x6470] =	vst v11  }
0x3db: {  	[tilespmem:s18+$0x6460] =	vst v10  }
0x3dc: {  	[tilespmem:s18+$0x6450] =	vst v9  }
0x3dd: {  	[tilespmem:s18+$0x6440] =	vst v8  }
0x3de: {  	[tilespmem:s18+$0x6430] =	vst v7  }
0x3df: {  	[tilespmem:s18+$0x6400] =	vst v4  }
0x3e0: {  	[tilespmem:s18+$0x6410] =	vst v5  }
0x3e1: {  	v20 =	vld [tilespmem:s23+$0x2400];
	_ =	sdelay $0x4  }
0x3e2: {  	[tilespmem:s18+$0x6C00] =	vst v20  }
0x3e3: {  	v20 =	vld [tilespmem:s23+$0x2410];
	_ =	sdelay $0x4  }
0x3e4: {  	[tilespmem:s18+$0x6C10] =	vst v20  }
0x3e5: {  	v20 =	vld [tilespmem:s23+$0x2420];
	_ =	sdelay $0x4  }
0x3e6: {  	[tilespmem:s18+$0x6C20] =	vst v20  }
0x3e7: {  	v20 =	vld [tilespmem:s23+$0x2430];
	_ =	sdelay $0x4  }
0x3e8: {  	[tilespmem:s18+$0x6C30] =	vst v20  }
0x3e9: {  	v20 =	vld [tilespmem:s23+$0x2440];
	_ =	sdelay $0x4  }
0x3ea: {  	[tilespmem:s18+$0x6C40] =	vst v20  }
0x3eb: {  	v20 =	vld [tilespmem:s23+$0x2450];
	_ =	sdelay $0x4  }
0x3ec: {  	[tilespmem:s18+$0x6C50] =	vst v20  }
0x3ed: {  	v20 =	vld [tilespmem:s23+$0x2460];
	_ =	sdelay $0x4  }
0x3ee: {  	[tilespmem:s18+$0x6C60] =	vst v20  }
0x3ef: {  	v20 =	vld [tilespmem:s23+$0x2470];
	_ =	sdelay $0x4  }
0x3f0: {  	[tilespmem:s18+$0x6C70] =	vst v20  }
0x3f1: {  	v20 =	vld [tilespmem:s23+$0x2800];
	_ =	sdelay $0x4  }
0x3f2: {  	[tilespmem:s18+$0x7000] =	vst v20  }
0x3f3: {  	v20 =	vld [tilespmem:s23+$0x2810];
	_ =	sdelay $0x4  }
0x3f4: {  	[tilespmem:s18+$0x7010] =	vst v20  }
0x3f5: {  	v20 =	vld [tilespmem:s23+$0x2820];
	_ =	sdelay $0x4  }
0x3f6: {  	[tilespmem:s18+$0x7020] =	vst v20  }
0x3f7: {  	v20 =	vld [tilespmem:s23+$0x2830];
	_ =	sdelay $0x4  }
0x3f8: {  	[tilespmem:s18+$0x7030] =	vst v20  }
0x3f9: {  	v20 =	vld [tilespmem:s23+$0x2840];
	_ =	sdelay $0x1  }
.Ltmp11:
0x3fa: {  	(pc) =	sbr.rel @p1 .LBB2_18-.Ltmp11, $3  }
0x3fb: {  	_ =	sdelay $0x1  }
0x3fc: {  	[tilespmem:s18+$0x7040] =	vst v20  }
0x3fd: {  	v20 =	vld [tilespmem:s23+$0x2850]  }
0x3fe: {  	_ =	sdelay $0x3  }
0x3ff: {  	[tilespmem:s18+$0x7050] =	vst v20  }
0x400: {  	v4 =	vld [tilespmem:s23+$0x2860];
	_ =	sdelay $0x4  }
0x401: {  	[tilespmem:s18+$0x7060] =	vst v4  }
0x402: {  	v4 =	vld [tilespmem:s23+$0x2870];
	_ =	sdelay $0x4  }
0x403: {  	s8 =	simm.s32 $0x14C00;
	s6 =	smov.u32 s5;
	[tilespmem:s18+$0x7070] =	vst v4  }
.LBB2_20:
0x404: {  	s1 =	rddreg [dreg:$0x15]  }
0x405: {  	s24 =	simm.s32 $0x0;
	s10 =	simm.s32 $0x7;
	s1 =	sadd.s32 s1, s6  }
0x406: {  	[hbm4b:s1+s24] =	stream.linear.scatter [tilespmem:s0], [sflag:$0x7], $0x8000, $0x38;
	[tilespmem:$0x1E400] =	vst v63  }
0x407: {  	_ =	swait.ge [sflag:s10], $0x8000  }
0x408: {  	[sflag:s10] =	ssyncset.done $0x0  }
0x409: {  	s25 =	rddreg [dreg:$0x19];
	[sflag:s10] =	ssyncadd.s32 $0xFFFF8000  }
0x40a: {  	[tilespmem:s24], [sflag:$0x7] =	stream.linear.gather [hbm4b:s25+s24], $0x1000, $0x38;
	[tilespmem:$0x1E400] =	vst v63  }
0x40b: {  	_ =	swait.ge [sflag:s10], $0x1000  }
0x40c: {  	[sflag:s10] =	ssyncset.done $0x0  }
0x40d: {  	s18 =	simm.s32 $0x1000;
	s26 =	rddreg [dreg:$0x9];
	[sflag:s10] =	ssyncadd.s32 $0xFFFFF000  }
0x40e: {  	[tilespmem:s18], [sflag:$0x7] =	stream.linear.gather [hbm4b:s26+s24], $0x1000, $0x38;
	[tilespmem:$0x1E400] =	vst v63  }
0x40f: {  	_ =	swait.ge [sflag:s10], $0x1000  }
0x410: {  	[sflag:s10] =	ssyncset.done $0x0  }
0x411: {  	s6 =	simm.s32 $0x0;
	[sflag:s10] =	ssyncadd.s32 $0xFFFFF000  }
0x412: {  	v9 =	vld [tilespmem:s6+$0x1000]  }
0x413: {  	v5 =	vld [tilespmem:s6+$0x1010]  }
0x414: {  	v4 =	vld [tilespmem:s6+$0x1020]  }
0x415: {  	v7 =	vld [tilespmem:s6+$0x0]  }
0x416: {  	s30 =	simm.s32 $0xF400;
	s21 =	simm.s32 $0x18400;
	s25 =	simm.s32 $0x18C00;
	v8 =	vld [tilespmem:s6+$0x10]  }
0x417: {  	s18 =	simm.s32 $0x200;
	s26 =	simm.s32 $0xFC00;
	s24 =	rddreg [dreg:$0x11];
	v6 =	vld [tilespmem:s6+$0x20]  }
.LBB2_21:
0x418: {  	p1 =	sne.s32 s18, $0x3E00;
	v10 =	vld [tilespmem:s6+$0x30];
	v11 =	vmov v5  }
0x419: {  	s1 =	sshra.s32 s18, $0x2;
	v12 =	vld [tilespmem:s6+$0x1030];
	v13 =	vmov v4  }
0x41a: {  	v14 =	vld [tilespmem:s1+$0x1000];
	v4 =	vshll.u32 v7, $0x6  }
.Ltmp12:
0x41b: {  	v5 =	vld [tilespmem:s1+$0x1010];
	v7 =	vadd.s32 v9, v4;
	v8 =	vshll.u32 v8, $0x6;
	(pc) =	sbr.rel @p1 .LBB2_21-.Ltmp12, $4  }
0x41c: {  	v4 =	vld [tilespmem:s1+$0x1020];
	[tilespmem:s6+$0x0] =	vst v7;
	v8 =	vadd.s32 v11, v8;
	v6 =	vshll.u32 v6, $0x6  }
0x41d: {  	v7 =	vld [tilespmem:s1+$0x0];
	[tilespmem:s6+$0x10] =	vst v8;
	v6 =	vadd.s32 v13, v6;
	v11 =	vshll.u32 v10, $0x6  }
0x41e: {  	v8 =	vld [tilespmem:s1+$0x10];
	[tilespmem:s6+$0x20] =	vst v6;
	v10 =	vadd.s32 v12, v11  }
0x41f: {  	s18 =	sadd.s32 $0x200, s18;
	v6 =	vld [tilespmem:s1+$0x20];
	[tilespmem:s6+$0x30] =	vst v10;
	v9 =	vmov v14;
	s6 =	smov.u32 s1  }
0x420: {  	v10 =	vld [tilespmem:s6+$0x30]  }
0x421: {  	v11 =	vld [tilespmem:s6+$0x1030]  }
0x422: {  	v7 =	vshll.u32 v7, $0x6  }
0x423: {  	v7 =	vadd.s32 v9, v7;
	v8 =	vshll.u32 v8, $0x6  }
0x424: {  	[tilespmem:s6+$0x0] =	vst v7;
	v5 =	vadd.s32 v5, v8;
	v6 =	vshll.u32 v6, $0x6  }
0x425: {  	[tilespmem:s6+$0x10] =	vst v5;
	v4 =	vadd.s32 v4, v6;
	v5 =	vshll.u32 v10, $0x6  }
0x426: {  	[tilespmem:s6+$0x20] =	vst v4;
	v4 =	vadd.s32 v11, v5  }
0x427: {  	[tilespmem:s6+$0x30] =	vst v4  }
0x428: {  	[bflag:$0x0] =	sbarrier.arrive $0xFFFF  }
0x429: {  	v4 =	vld [tilespmem:$0x0];
	_ =	sdelay $0x4  }
0x42a: {  	v5 =	vshll.u32 v4, $0x2  }
.Ltmp13:
0x42b: {  	v4 =	vand.u32 $0x7, v4;
	v5 =	vand.u32 $0xFFFFFFE0, v5;
	(pc) =	sbr.rel @p0 .LBB2_26-.Ltmp13, $3  }
0x42c: {  	v5 =	vor.u32 v4, v5  }
0x42d: {  	v4 =	vperm.xlane v5, v1;
	v5 =	vperm.xlane v5, v3;
	_ =	sdelay $0x1  }
0x42e: {  	s22 =	simm.s32 $0x16C00;
	s6 =	simm.s32 $0x0;
	v4 =	vadd.s32 v2, v4;
	v5 =	vadd.s32 v2, v5  }
0x42f: {  	_ =	sdelay $0x3  }
0x430: {  	[tilespmem:s16], [sflag:$0x1] =	stream.indirect_vreg.gather [hbm4b:s4+s6], $0x80, v4, vm0, $0xb8;
	[tilespmem:$0x1E400] =	vst v63  }
0x431: {  	s18 =	simm.s32 $0xEC00  }
0x432: {  	[tilespmem:s18], [sflag:$0x1] =	stream.indirect_vreg.gather [hbm4b:s19+s6], $0x80, v4, vm0, $0xb8;
	[tilespmem:$0x1E400] =	vst v63  }
0x433: {  	_ = 	snop  }
0x434: {  	[tilespmem:s30], [sflag:$0x1] =	stream.indirect_vreg.gather [hbm4b:s4+s6], $0x80, v5, vm0, $0xb8;
	[tilespmem:$0x1E400] =	vst v63  }
0x435: {  	_ = 	snop  }
0x436: {  	[tilespmem:s26], [sflag:$0x1] =	stream.indirect_vreg.gather [hbm4b:s19+s6], $0x80, v5, vm0, $0xb8;
	[tilespmem:$0x1E400] =	vst v63  }
0x437: {  	v4 =	vld [tilespmem:$0x10];
	_ =	sdelay $0x4  }
0x438: {  	v5 =	vshll.u32 v4, $0x2  }
0x439: {  	v4 =	vand.u32 $0x7, v4;
	v5 =	vand.u32 $0xFFFFFFE0, v5  }
0x43a: {  	v4 =	vor.u32 v4, v5  }
0x43b: {  	v5 =	vperm.xlane v4, v1;
	_ =	sdelay $0x1  }
0x43c: {  	v5 =	vadd.s32 v2, v5;
	_ =	sdelay $0x1  }
0x43d: {  	v4 =	vperm.xlane v4, v3;
	_ =	sdelay $0x1  }
0x43e: {  	v4 =	vadd.s32 v2, v4  }
0x43f: {  	[tilespmem:s20], [sflag:$0x1] =	stream.indirect_vreg.gather [hbm4b:s4+s6], $0x80, v5, vm0, $0xb8;
	[tilespmem:$0x1E400] =	vst v63  }
0x440: {  	_ = 	snop  }
0x441: {  	[tilespmem:s31], [sflag:$0x1] =	stream.indirect_vreg.gather [hbm4b:s19+s6], $0x80, v5, vm0, $0xb8;
	[tilespmem:$0x1E400] =	vst v63  }
0x442: {  	_ = 	snop  }
0x443: {  	[tilespmem:s12], [sflag:$0x1] =	stream.indirect_vreg.gather [hbm4b:s4+s6], $0x80, v4, vm0, $0xb8;
	[tilespmem:$0x1E400] =	vst v63  }
0x444: {  	s0 =	simm.s32 $0x11C00  }
0x445: {  	[tilespmem:s0], [sflag:$0x1] =	stream.indirect_vreg.gather [hbm4b:s19+s6], $0x80, v4, vm0, $0xb8;
	[tilespmem:$0x1E400] =	vst v63  }
0x446: {  	v4 =	vld [tilespmem:$0x20];
	_ =	sdelay $0x4  }
0x447: {  	v5 =	vshll.u32 v4, $0x2  }
0x448: {  	v4 =	vand.u32 $0x7, v4;
	v5 =	vand.u32 $0xFFFFFFE0, v5  }
0x449: {  	v4 =	vor.u32 v4, v5  }
0x44a: {  	v5 =	vperm.xlane v4, v1;
	_ =	sdelay $0x1  }
0x44b: {  	v5 =	vadd.s32 v2, v5;
	_ =	sdelay $0x1  }
0x44c: {  	v4 =	vperm.xlane v4, v3;
	_ =	sdelay $0x1  }
0x44d: {  	v4 =	vadd.s32 v2, v4  }
0x44e: {  	[tilespmem:s7], [sflag:$0x1] =	stream.indirect_vreg.gather [hbm4b:s4+s6], $0x80, v5, vm0, $0xb8;
	[tilespmem:$0x1E400] =	vst v63  }
0x44f: {  	_ = 	snop  }
0x450: {  	[tilespmem:s3], [sflag:$0x1] =	stream.indirect_vreg.gather [hbm4b:s19+s6], $0x80, v5, vm0, $0xb8;
	[tilespmem:$0x1E400] =	vst v63  }
0x451: {  	s12 =	simm.s32 $0x13400  }
0x452: {  	[tilespmem:s12], [sflag:$0x1] =	stream.indirect_vreg.gather [hbm4b:s4+s6], $0x80, v4, vm0, $0xb8;
	[tilespmem:$0x1E400] =	vst v63  }
0x453: {  	s13 =	simm.s32 $0x13C00  }
0x454: {  	[tilespmem:s13], [sflag:$0x1] =	stream.indirect_vreg.gather [hbm4b:s19+s6], $0x80, v4, vm0, $0xb8;
	[tilespmem:$0x1E400] =	vst v63  }
0x455: {  	v4 =	vld [tilespmem:$0x30];
	_ =	sdelay $0x4  }
0x456: {  	v5 =	vshll.u32 v4, $0x2  }
0x457: {  	v4 =	vand.u32 $0x7, v4;
	v5 =	vand.u32 $0xFFFFFFE0, v5  }
0x458: {  	v4 =	vor.u32 v4, v5  }
0x459: {  	v5 =	vperm.xlane v4, v1;
	_ =	sdelay $0x1  }
0x45a: {  	v5 =	vadd.s32 v2, v5;
	_ =	sdelay $0x1  }
0x45b: {  	v4 =	vperm.xlane v4, v3;
	_ =	sdelay $0x1  }
0x45c: {  	s14 =	simm.s32 $0x14400;
	v4 =	vadd.s32 v2, v4  }
0x45d: {  	[tilespmem:s14], [sflag:$0x1] =	stream.indirect_vreg.gather [hbm4b:s4+s6], $0x80, v5, vm0, $0xb8;
	[tilespmem:$0x1E400] =	vst v63  }
0x45e: {  	_ = 	snop  }
0x45f: {  	[tilespmem:s8], [sflag:$0x1] =	stream.indirect_vreg.gather [hbm4b:s19+s6], $0x80, v5, vm0, $0xb8;
	[tilespmem:$0x1E400] =	vst v63  }
0x460: {  	s31 =	simm.s32 $0x15400  }
0x461: {  	[tilespmem:s31], [sflag:$0x1] =	stream.indirect_vreg.gather [hbm4b:s4+s6], $0x80, v4, vm0, $0xb8;
	[tilespmem:$0x1E400] =	vst v63  }
0x462: {  	_ = 	snop  }
0x463: {  	[tilespmem:s29], [sflag:$0x1] =	stream.indirect_vreg.gather [hbm4b:s19+s6], $0x80, v4, vm0, $0xb8;
	[tilespmem:$0x1E400] =	vst v63  }
0x464: {  	v4 =	vld [tilespmem:$0x80];
	_ =	sdelay $0x4  }
0x465: {  	v5 =	vshll.u32 v4, $0x2  }
0x466: {  	v4 =	vand.u32 $0x7, v4;
	v5 =	vand.u32 $0xFFFFFFE0, v5  }
0x467: {  	v4 =	vor.u32 v4, v5  }
0x468: {  	v5 =	vperm.xlane v4, v1;
	_ =	sdelay $0x1  }
0x469: {  	v5 =	vadd.s32 v2, v5;
	_ =	sdelay $0x1  }
0x46a: {  	v4 =	vperm.xlane v4, v3;
	_ =	sdelay $0x1  }
0x46b: {  	v4 =	vadd.s32 v2, v4  }
0x46c: {  	[tilespmem:s28], [sflag:$0x2] =	stream.indirect_vreg.gather [hbm4b:s4+s6], $0x80, v5, vm0, $0xb8;
	[tilespmem:$0x1E400] =	vst v63  }
0x46d: {  	_ = 	snop  }
0x46e: {  	[tilespmem:s22], [sflag:$0x2] =	stream.indirect_vreg.gather [hbm4b:s19+s6], $0x80, v5, vm0, $0xb8;
	[tilespmem:$0x1E400] =	vst v63  }
0x46f: {  	s15 =	simm.s32 $0x17400  }
0x470: {  	[tilespmem:s15], [sflag:$0x2] =	stream.indirect_vreg.gather [hbm4b:s4+s6], $0x80, v4, vm0, $0xb8;
	[tilespmem:$0x1E400] =	vst v63  }
0x471: {  	s16 =	simm.s32 $0x17C00  }
0x472: {  	[tilespmem:s16], [sflag:$0x2] =	stream.indirect_vreg.gather [hbm4b:s19+s6], $0x80, v4, vm0, $0xb8;
	[tilespmem:$0x1E400] =	vst v63  }
0x473: {  	v4 =	vld [tilespmem:$0x90];
	_ =	sdelay $0x4  }
0x474: {  	v5 =	vshll.u32 v4, $0x2  }
0x475: {  	v4 =	vand.u32 $0x7, v4;
	v5 =	vand.u32 $0xFFFFFFE0, v5  }
0x476: {  	v4 =	vor.u32 v4, v5  }
0x477: {  	v5 =	vperm.xlane v4, v1;
	_ =	sdelay $0x1  }
0x478: {  	v5 =	vadd.s32 v2, v5;
	_ =	sdelay $0x1  }
0x479: {  	v4 =	vperm.xlane v4, v3;
	_ =	sdelay $0x1  }
0x47a: {  	v4 =	vadd.s32 v2, v4  }
0x47b: {  	[tilespmem:s21], [sflag:$0x2] =	stream.indirect_vreg.gather [hbm4b:s4+s6], $0x80, v5, vm0, $0xb8;
	[tilespmem:$0x1E400] =	vst v63  }
0x47c: {  	_ = 	snop  }
0x47d: {  	[tilespmem:s25], [sflag:$0x2] =	stream.indirect_vreg.gather [hbm4b:s19+s6], $0x80, v5, vm0, $0xb8;
	[tilespmem:$0x1E400] =	vst v63  }
0x47e: {  	s8 =	simm.s32 $0x19400  }
0x47f: {  	[tilespmem:s8], [sflag:$0x2] =	stream.indirect_vreg.gather [hbm4b:s4+s6], $0x80, v4, vm0, $0xb8;
	[tilespmem:$0x1E400] =	vst v63  }
0x480: {  	s1 =	simm.s32 $0x19C00  }
0x481: {  	[tilespmem:s1], [sflag:$0x2] =	stream.indirect_vreg.gather [hbm4b:s19+s6], $0x80, v4, vm0, $0xb8;
	[tilespmem:$0x1E400] =	vst v63  }
0x482: {  	v4 =	vld [tilespmem:$0xA0];
	_ =	sdelay $0x4  }
0x483: {  	v5 =	vshll.u32 v4, $0x2  }
0x484: {  	v4 =	vand.u32 $0x7, v4;
	v5 =	vand.u32 $0xFFFFFFE0, v5  }
0x485: {  	v4 =	vor.u32 v4, v5  }
0x486: {  	v5 =	vperm.xlane v4, v1;
	_ =	sdelay $0x1  }
0x487: {  	v5 =	vadd.s32 v2, v5;
	_ =	sdelay $0x1  }
0x488: {  	v4 =	vperm.xlane v4, v3;
	_ =	sdelay $0x1  }
0x489: {  	s17 =	simm.s32 $0x1A400;
	v4 =	vadd.s32 v2, v4  }
0x48a: {  	[tilespmem:s17], [sflag:$0x2] =	stream.indirect_vreg.gather [hbm4b:s4+s6], $0x80, v5, vm0, $0xb8;
	[tilespmem:$0x1E400] =	vst v63  }
0x48b: {  	s21 =	simm.s32 $0x1AC00  }
0x48c: {  	[tilespmem:s21], [sflag:$0x2] =	stream.indirect_vreg.gather [hbm4b:s19+s6], $0x80, v5, vm0, $0xb8;
	[tilespmem:$0x1E400] =	vst v63  }
0x48d: {  	s22 =	simm.s32 $0x1B400  }
0x48e: {  	[tilespmem:s22], [sflag:$0x2] =	stream.indirect_vreg.gather [hbm4b:s4+s6], $0x80, v4, vm0, $0xb8;
	[tilespmem:$0x1E400] =	vst v63  }
0x48f: {  	s23 =	simm.s32 $0x1BC00  }
0x490: {  	[tilespmem:s23], [sflag:$0x2] =	stream.indirect_vreg.gather [hbm4b:s19+s6], $0x80, v4, vm0, $0xb8;
	[tilespmem:$0x1E400] =	vst v63  }
0x491: {  	v4 =	vld [tilespmem:$0xB0];
	_ =	sdelay $0x4  }
0x492: {  	v5 =	vshll.u32 v4, $0x2  }
0x493: {  	v4 =	vand.u32 $0x7, v4;
	v5 =	vand.u32 $0xFFFFFFE0, v5  }
0x494: {  	v4 =	vor.u32 v4, v5  }
0x495: {  	v5 =	vperm.xlane v4, v1;
	_ =	sdelay $0x1  }
0x496: {  	v5 =	vadd.s32 v2, v5;
	_ =	sdelay $0x1  }
0x497: {  	v4 =	vperm.xlane v4, v3;
	_ =	sdelay $0x1  }
0x498: {  	s25 =	simm.s32 $0x1C400;
	v4 =	vadd.s32 v2, v4  }
0x499: {  	[tilespmem:s25], [sflag:$0x2] =	stream.indirect_vreg.gather [hbm4b:s4+s6], $0x80, v5, vm0, $0xb8;
	[tilespmem:$0x1E400] =	vst v63  }
0x49a: {  	s0 =	simm.s32 $0x1CC00  }
0x49b: {  	[tilespmem:s0], [sflag:$0x2] =	stream.indirect_vreg.gather [hbm4b:s19+s6], $0x80, v5, vm0, $0xb8;
	[tilespmem:$0x1E400] =	vst v63  }
0x49c: {  	s3 =	simm.s32 $0x1D400  }
0x49d: {  	[tilespmem:s3], [sflag:$0x2] =	stream.indirect_vreg.gather [hbm4b:s4+s6], $0x80, v4, vm0, $0xb8;
	[tilespmem:$0x1E400] =	vst v63  }
0x49e: {  	s7 =	simm.s32 $0x1DC00;
	s29 =	simm.s32 $0x1  }
0x49f: {  	[tilespmem:s7], [sflag:$0x2] =	stream.indirect_vreg.gather [hbm4b:s19+s6], $0x80, v4, vm0, $0xb8;
	[tilespmem:$0x1E400] =	vst v63  }
0x4a0: {  	_ =	swait.ge [sflag:s29], $0x8000  }
0x4a1: {  	[sflag:s29] =	ssyncset.done $0x0  }
0x4a2: {  	s3 =	simm.s32 $0xE400;
	[sflag:s29] =	ssyncadd.s32 $0xFFFF8000  }
0x4a3: {  	[hbm4b:s24+s6] =	stream.linear.scatter [tilespmem:s3], [sflag:$0x4], $0x8000, $0x38;
	[tilespmem:$0x1E400] =	vst v63  }
0x4a4: {  	v4 =	vld [tilespmem:$0x100];
	_ =	sdelay $0x4  }
0x4a5: {  	v5 =	vshll.u32 v4, $0x2  }
0x4a6: {  	v4 =	vand.u32 $0x7, v4;
	v5 =	vand.u32 $0xFFFFFFE0, v5  }
0x4a7: {  	v4 =	vor.u32 v4, v5  }
0x4a8: {  	v5 =	vperm.xlane v4, v1;
	_ =	sdelay $0x1  }
0x4a9: {  	v5 =	vadd.s32 v2, v5;
	_ =	sdelay $0x1  }
0x4aa: {  	v4 =	vperm.xlane v4, v3;
	_ =	sdelay $0x1  }
0x4ab: {  	s0 =	simm.s32 $0x6400;
	v4 =	vadd.s32 v2, v4  }
0x4ac: {  	[tilespmem:s0], [sflag:$0x3] =	stream.indirect_vreg.gather [hbm4b:s4+s6], $0x80, v5, vm0, $0xb8;
	[tilespmem:$0x1E400] =	vst v63  }
0x4ad: {  	s30 =	simm.s32 $0x6C00  }
0x4ae: {  	[tilespmem:s30], [sflag:$0x3] =	stream.indirect_vreg.gather [hbm4b:s19+s6], $0x80, v5, vm0, $0xb8;
	[tilespmem:$0x1E400] =	vst v63  }
0x4af: {  	s17 =	simm.s32 $0x7400  }
0x4b0: {  	[tilespmem:s17], [sflag:$0x3] =	stream.indirect_vreg.gather [hbm4b:s4+s6], $0x80, v4, vm0, $0xb8;
	[tilespmem:$0x1E400] =	vst v63  }
0x4b1: {  	s23 =	simm.s32 $0x7C00  }
0x4b2: {  	[tilespmem:s23], [sflag:$0x3] =	stream.indirect_vreg.gather [hbm4b:s19+s6], $0x80, v4, vm0, $0xb8;
	[tilespmem:$0x1E400] =	vst v63  }
0x4b3: {  	v4 =	vld [tilespmem:$0x110];
	_ =	sdelay $0x4  }
0x4b4: {  	v5 =	vshll.u32 v4, $0x2  }
0x4b5: {  	v4 =	vand.u32 $0x7, v4;
	v5 =	vand.u32 $0xFFFFFFE0, v5  }
0x4b6: {  	v4 =	vor.u32 v4, v5  }
0x4b7: {  	v5 =	vperm.xlane v4, v1;
	_ =	sdelay $0x1  }
0x4b8: {  	v5 =	vadd.s32 v2, v5;
	_ =	sdelay $0x1  }
0x4b9: {  	v4 =	vperm.xlane v4, v3;
	_ =	sdelay $0x1  }
0x4ba: {  	s15 =	simm.s32 $0x8400;
	v4 =	vadd.s32 v2, v4  }
0x4bb: {  	[tilespmem:s15], [sflag:$0x3] =	stream.indirect_vreg.gather [hbm4b:s4+s6], $0x80, v5, vm0, $0xb8;
	[tilespmem:$0x1E400] =	vst v63  }
0x4bc: {  	s14 =	simm.s32 $0x8C00  }
0x4bd: {  	[tilespmem:s14], [sflag:$0x3] =	stream.indirect_vreg.gather [hbm4b:s19+s6], $0x80, v5, vm0, $0xb8;
	[tilespmem:$0x1E400] =	vst v63  }
0x4be: {  	s13 =	simm.s32 $0x9400  }
0x4bf: {  	[tilespmem:s13], [sflag:$0x3] =	stream.indirect_vreg.gather [hbm4b:s4+s6], $0x80, v4, vm0, $0xb8;
	[tilespmem:$0x1E400] =	vst v63  }
0x4c0: {  	s10 =	simm.s32 $0x9C00  }
0x4c1: {  	[tilespmem:s10], [sflag:$0x3] =	stream.indirect_vreg.gather [hbm4b:s19+s6], $0x80, v4, vm0, $0xb8;
	[tilespmem:$0x1E400] =	vst v63  }
0x4c2: {  	v4 =	vld [tilespmem:$0x120];
	_ =	sdelay $0x4  }
0x4c3: {  	v5 =	vshll.u32 v4, $0x2  }
0x4c4: {  	v4 =	vand.u32 $0x7, v4;
	v5 =	vand.u32 $0xFFFFFFE0, v5  }
0x4c5: {  	v4 =	vor.u32 v4, v5  }
0x4c6: {  	v5 =	vperm.xlane v4, v1;
	_ =	sdelay $0x1  }
0x4c7: {  	v5 =	vadd.s32 v2, v5;
	_ =	sdelay $0x1  }
0x4c8: {  	v4 =	vperm.xlane v4, v3;
	_ =	sdelay $0x1  }
0x4c9: {  	s9 =	simm.s32 $0xA400;
	v4 =	vadd.s32 v2, v4  }
0x4ca: {  	[tilespmem:s9], [sflag:$0x3] =	stream.indirect_vreg.gather [hbm4b:s4+s6], $0x80, v5, vm0, $0xb8;
	[tilespmem:$0x1E400] =	vst v63  }
0x4cb: {  	s14 =	simm.s32 $0xAC00  }
0x4cc: {  	[tilespmem:s14], [sflag:$0x3] =	stream.indirect_vreg.gather [hbm4b:s19+s6], $0x80, v5, vm0, $0xb8;
	[tilespmem:$0x1E400] =	vst v63  }
0x4cd: {  	s9 =	simm.s32 $0xB400  }
0x4ce: {  	[tilespmem:s9], [sflag:$0x3] =	stream.indirect_vreg.gather [hbm4b:s4+s6], $0x80, v4, vm0, $0xb8;
	[tilespmem:$0x1E400] =	vst v63  }
0x4cf: {  	s7 =	simm.s32 $0xBC00  }
0x4d0: {  	[tilespmem:s7], [sflag:$0x3] =	stream.indirect_vreg.gather [hbm4b:s19+s6], $0x80, v4, vm0, $0xb8;
	[tilespmem:$0x1E400] =	vst v63  }
0x4d1: {  	v4 =	vld [tilespmem:$0x130];
	_ =	sdelay $0x4  }
0x4d2: {  	v5 =	vshll.u32 v4, $0x2  }
0x4d3: {  	v4 =	vand.u32 $0x7, v4;
	v5 =	vand.u32 $0xFFFFFFE0, v5  }
0x4d4: {  	v4 =	vor.u32 v4, v5  }
0x4d5: {  	v5 =	vperm.xlane v4, v1;
	_ =	sdelay $0x1  }
0x4d6: {  	v5 =	vadd.s32 v2, v5;
	_ =	sdelay $0x1  }
0x4d7: {  	v4 =	vperm.xlane v4, v3;
	_ =	sdelay $0x1  }
0x4d8: {  	s23 =	simm.s32 $0xC400;
	v4 =	vadd.s32 v2, v4  }
0x4d9: {  	[tilespmem:s23], [sflag:$0x3] =	stream.indirect_vreg.gather [hbm4b:s4+s6], $0x80, v5, vm0, $0xb8;
	[tilespmem:$0x1E400] =	vst v63  }
0x4da: {  	s22 =	simm.s32 $0xCC00  }
0x4db: {  	[tilespmem:s22], [sflag:$0x3] =	stream.indirect_vreg.gather [hbm4b:s19+s6], $0x80, v5, vm0, $0xb8;
	[tilespmem:$0x1E400] =	vst v63  }
0x4dc: {  	s21 =	simm.s32 $0xD400  }
0x4dd: {  	[tilespmem:s21], [sflag:$0x3] =	stream.indirect_vreg.gather [hbm4b:s4+s6], $0x80, v4, vm0, $0xb8;
	[tilespmem:$0x1E400] =	vst v63  }
0x4de: {  	s1 =	simm.s32 $0xDC00;
	s30 =	simm.s32 $0x2  }
0x4df: {  	[tilespmem:s1], [sflag:$0x3] =	stream.indirect_vreg.gather [hbm4b:s19+s6], $0x80, v4, vm0, $0xb8;
	[tilespmem:$0x1E400] =	vst v63  }
0x4e0: {  	_ =	swait.ge [sflag:s30], $0x8000  }
0x4e1: {  	s16 =	simm.s32 $0x16400;
	s21 =	smov.u32 s24;
	[sflag:s30] =	ssyncset.done $0x0  }
0x4e2: {  	s24 =	simm.s32 $0x4;
	s23 =	rddreg [dreg:$0x12];
	[sflag:s30] =	ssyncadd.s32 $0xFFFF8000  }
0x4e3: {  	[hbm4b:s23+s6] =	stream.linear.scatter [tilespmem:s16], [sflag:$0x5], $0x8000, $0x38;
	[tilespmem:$0x1E400] =	vst v63  }
0x4e4: {  	_ =	swait.ge [sflag:s24], $0x8000  }
0x4e5: {  	[sflag:s24] =	ssyncset.done $0x0  }
0x4e6: {  	[sflag:s24] =	ssyncadd.s32 $0xFFFF8000  }
0x4e7: {  	v4 =	vld [tilespmem:$0x180];
	_ =	sdelay $0x4  }
0x4e8: {  	v5 =	vshll.u32 v4, $0x2  }
0x4e9: {  	v4 =	vand.u32 $0x7, v4;
	v5 =	vand.u32 $0xFFFFFFE0, v5  }
0x4ea: {  	v4 =	vor.u32 v4, v5  }
0x4eb: {  	v5 =	vperm.xlane v4, v1;
	_ =	sdelay $0x1  }
0x4ec: {  	v5 =	vadd.s32 v2, v5;
	_ =	sdelay $0x1  }
0x4ed: {  	v4 =	vperm.xlane v4, v3;
	_ =	sdelay $0x1  }
0x4ee: {  	v4 =	vadd.s32 v2, v4  }
0x4ef: {  	[tilespmem:s3], [sflag:$0x1] =	stream.indirect_vreg.gather [hbm4b:s4+s6], $0x80, v5, vm0, $0xb8;
	[tilespmem:$0x1E400] =	vst v63  }
0x4f0: {  	_ = 	snop  }
0x4f1: {  	[tilespmem:s18], [sflag:$0x1] =	stream.indirect_vreg.gather [hbm4b:s19+s6], $0x80, v5, vm0, $0xb8;
	[tilespmem:$0x1E400] =	vst v63  }
0x4f2: {  	s10 =	simm.s32 $0xF400  }
0x4f3: {  	[tilespmem:s10], [sflag:$0x1] =	stream.indirect_vreg.gather [hbm4b:s4+s6], $0x80, v4, vm0, $0xb8;
	[tilespmem:$0x1E400] =	vst v63  }
0x4f4: {  	_ = 	snop  }
0x4f5: {  	[tilespmem:s26], [sflag:$0x1] =	stream.indirect_vreg.gather [hbm4b:s19+s6], $0x80, v4, vm0, $0xb8;
	[tilespmem:$0x1E400] =	vst v63  }
0x4f6: {  	v4 =	vld [tilespmem:$0x190];
	_ =	sdelay $0x4  }
0x4f7: {  	v5 =	vshll.u32 v4, $0x2  }
0x4f8: {  	v4 =	vand.u32 $0x7, v4;
	v5 =	vand.u32 $0xFFFFFFE0, v5  }
0x4f9: {  	v4 =	vor.u32 v4, v5  }
0x4fa: {  	v5 =	vperm.xlane v4, v1;
	_ =	sdelay $0x1  }
0x4fb: {  	v5 =	vadd.s32 v2, v5;
	_ =	sdelay $0x1  }
0x4fc: {  	v4 =	vperm.xlane v4, v3;
	_ =	sdelay $0x1  }
0x4fd: {  	v4 =	vadd.s32 v2, v4  }
0x4fe: {  	[tilespmem:s20], [sflag:$0x1] =	stream.indirect_vreg.gather [hbm4b:s4+s6], $0x80, v5, vm0, $0xb8;
	[tilespmem:$0x1E400] =	vst v63  }
0x4ff: {  	s13 =	simm.s32 $0x10C00  }
0x500: {  	[tilespmem:s13], [sflag:$0x1] =	stream.indirect_vreg.gather [hbm4b:s19+s6], $0x80, v5, vm0, $0xb8;
	[tilespmem:$0x1E400] =	vst v63  }
0x501: {  	s25 =	simm.s32 $0x11400  }
0x502: {  	[tilespmem:s25], [sflag:$0x1] =	stream.indirect_vreg.gather [hbm4b:s4+s6], $0x80, v4, vm0, $0xb8;
	[tilespmem:$0x1E400] =	vst v63  }
0x503: {  	s26 =	simm.s32 $0x11C00  }
0x504: {  	[tilespmem:s26], [sflag:$0x1] =	stream.indirect_vreg.gather [hbm4b:s19+s6], $0x80, v4, vm0, $0xb8;
	[tilespmem:$0x1E400] =	vst v63  }
0x505: {  	v4 =	vld [tilespmem:$0x1A0];
	_ =	sdelay $0x4  }
0x506: {  	v5 =	vshll.u32 v4, $0x2  }
0x507: {  	v4 =	vand.u32 $0x7, v4;
	v5 =	vand.u32 $0xFFFFFFE0, v5  }
0x508: {  	v4 =	vor.u32 v4, v5  }
0x509: {  	v5 =	vperm.xlane v4, v1;
	_ =	sdelay $0x1  }
0x50a: {  	v5 =	vadd.s32 v2, v5;
	_ =	sdelay $0x1  }
0x50b: {  	v4 =	vperm.xlane v4, v3;
	_ =	sdelay $0x1  }
0x50c: {  	s12 =	simm.s32 $0x12400;
	v4 =	vadd.s32 v2, v4  }
0x50d: {  	[tilespmem:s12], [sflag:$0x1] =	stream.indirect_vreg.gather [hbm4b:s4+s6], $0x80, v5, vm0, $0xb8;
	[tilespmem:$0x1E400] =	vst v63  }
0x50e: {  	s17 =	simm.s32 $0x12C00  }
0x50f: {  	[tilespmem:s17], [sflag:$0x1] =	stream.indirect_vreg.gather [hbm4b:s19+s6], $0x80, v5, vm0, $0xb8;
	[tilespmem:$0x1E400] =	vst v63  }
0x510: {  	s3 =	simm.s32 $0x13400  }
0x511: {  	[tilespmem:s3], [sflag:$0x1] =	stream.indirect_vreg.gather [hbm4b:s4+s6], $0x80, v4, vm0, $0xb8;
	[tilespmem:$0x1E400] =	vst v63  }
0x512: {  	s7 =	simm.s32 $0x13C00  }
0x513: {  	[tilespmem:s7], [sflag:$0x1] =	stream.indirect_vreg.gather [hbm4b:s19+s6], $0x80, v4, vm0, $0xb8;
	[tilespmem:$0x1E400] =	vst v63  }
0x514: {  	v4 =	vld [tilespmem:$0x1B0];
	_ =	sdelay $0x4  }
0x515: {  	v5 =	vshll.u32 v4, $0x2  }
0x516: {  	v4 =	vand.u32 $0x7, v4;
	v5 =	vand.u32 $0xFFFFFFE0, v5  }
0x517: {  	v4 =	vor.u32 v4, v5  }
0x518: {  	v5 =	vperm.xlane v4, v1;
	_ =	sdelay $0x1  }
0x519: {  	v5 =	vadd.s32 v2, v5;
	_ =	sdelay $0x1  }
0x51a: {  	v4 =	vperm.xlane v4, v3;
	_ =	sdelay $0x1  }
0x51b: {  	s9 =	simm.s32 $0x14400;
	v4 =	vadd.s32 v2, v4  }
0x51c: {  	[tilespmem:s9], [sflag:$0x1] =	stream.indirect_vreg.gather [hbm4b:s4+s6], $0x80, v5, vm0, $0xb8;
	[tilespmem:$0x1E400] =	vst v63  }
0x51d: {  	s15 =	simm.s32 $0x14C00  }
0x51e: {  	[tilespmem:s15], [sflag:$0x1] =	stream.indirect_vreg.gather [hbm4b:s19+s6], $0x80, v5, vm0, $0xb8;
	[tilespmem:$0x1E400] =	vst v63  }
0x51f: {  	_ = 	snop  }
0x520: {  	[tilespmem:s31], [sflag:$0x1] =	stream.indirect_vreg.gather [hbm4b:s4+s6], $0x80, v4, vm0, $0xb8;
	[tilespmem:$0x1E400] =	vst v63  }
0x521: {  	s28 =	simm.s32 $0x15C00  }
0x522: {  	[tilespmem:s28], [sflag:$0x1] =	stream.indirect_vreg.gather [hbm4b:s19+s6], $0x80, v4, vm0, $0xb8;
	[tilespmem:$0x1E400] =	vst v63  }
0x523: {  	s28 =	simm.s32 $0x3  }
0x524: {  	_ =	swait.ge [sflag:s28], $0x8000  }
0x525: {  	[sflag:s28] =	ssyncset.done $0x0  }
0x526: {  	s10 =	rddreg [dreg:$0x13];
	[sflag:s28] =	ssyncadd.s32 $0xFFFF8000  }
0x527: {  	[hbm4b:s10+s6] =	stream.linear.scatter [tilespmem:s0], [sflag:$0x6], $0x8000, $0x38;
	[tilespmem:$0x1E400] =	vst v63  }
0x528: {  	s10 =	simm.s32 $0x5  }
0x529: {  	_ =	swait.ge [sflag:s10], $0x8000  }
0x52a: {  	[sflag:s10] =	ssyncset.done $0x0  }
0x52b: {  	[sflag:s10] =	ssyncadd.s32 $0xFFFF8000  }
0x52c: {  	v4 =	vld [tilespmem:$0x200];
	_ =	sdelay $0x4  }
0x52d: {  	v5 =	vshll.u32 v4, $0x2  }
0x52e: {  	v4 =	vand.u32 $0x7, v4;
	v5 =	vand.u32 $0xFFFFFFE0, v5  }
0x52f: {  	v4 =	vor.u32 v4, v5  }
0x530: {  	v5 =	vperm.xlane v4, v1;
	_ =	sdelay $0x1  }
0x531: {  	v5 =	vadd.s32 v2, v5;
	_ =	sdelay $0x1  }
0x532: {  	v4 =	vperm.xlane v4, v3;
	_ =	sdelay $0x1  }
0x533: {  	s13 =	simm.s32 $0x16400;
	v4 =	vadd.s32 v2, v4  }
0x534: {  	[tilespmem:s13], [sflag:$0x2] =	stream.indirect_vreg.gather [hbm4b:s4+s6], $0x80, v5, vm0, $0xb8;
	[tilespmem:$0x1E400] =	vst v63  }
0x535: {  	s25 =	simm.s32 $0x16C00  }
0x536: {  	[tilespmem:s25], [sflag:$0x2] =	stream.indirect_vreg.gather [hbm4b:s19+s6], $0x80, v5, vm0, $0xb8;
	[tilespmem:$0x1E400] =	vst v63  }
0x537: {  	s12 =	simm.s32 $0x17400  }
0x538: {  	[tilespmem:s12], [sflag:$0x2] =	stream.indirect_vreg.gather [hbm4b:s4+s6], $0x80, v4, vm0, $0xb8;
	[tilespmem:$0x1E400] =	vst v63  }
0x539: {  	s14 =	simm.s32 $0x17C00  }
0x53a: {  	[tilespmem:s14], [sflag:$0x2] =	stream.indirect_vreg.gather [hbm4b:s19+s6], $0x80, v4, vm0, $0xb8;
	[tilespmem:$0x1E400] =	vst v63  }
0x53b: {  	v4 =	vld [tilespmem:$0x210];
	_ =	sdelay $0x4  }
0x53c: {  	v5 =	vshll.u32 v4, $0x2  }
0x53d: {  	v4 =	vand.u32 $0x7, v4;
	v5 =	vand.u32 $0xFFFFFFE0, v5  }
0x53e: {  	v4 =	vor.u32 v4, v5  }
0x53f: {  	v5 =	vperm.xlane v4, v1;
	_ =	sdelay $0x1  }
0x540: {  	v5 =	vadd.s32 v2, v5;
	_ =	sdelay $0x1  }
0x541: {  	v4 =	vperm.xlane v4, v3;
	_ =	sdelay $0x1  }
0x542: {  	s15 =	simm.s32 $0x18400;
	v4 =	vadd.s32 v2, v4  }
0x543: {  	[tilespmem:s15], [sflag:$0x2] =	stream.indirect_vreg.gather [hbm4b:s4+s6], $0x80, v5, vm0, $0xb8;
	[tilespmem:$0x1E400] =	vst v63  }
0x544: {  	s20 =	simm.s32 $0x18C00  }
0x545: {  	[tilespmem:s20], [sflag:$0x2] =	stream.indirect_vreg.gather [hbm4b:s19+s6], $0x80, v5, vm0, $0xb8;
	[tilespmem:$0x1E400] =	vst v63  }
0x546: {  	_ = 	snop  }
0x547: {  	[tilespmem:s8], [sflag:$0x2] =	stream.indirect_vreg.gather [hbm4b:s4+s6], $0x80, v4, vm0, $0xb8;
	[tilespmem:$0x1E400] =	vst v63  }
0x548: {  	s18 =	simm.s32 $0x19C00  }
0x549: {  	[tilespmem:s18], [sflag:$0x2] =	stream.indirect_vreg.gather [hbm4b:s19+s6], $0x80, v4, vm0, $0xb8;
	[tilespmem:$0x1E400] =	vst v63  }
0x54a: {  	v4 =	vld [tilespmem:$0x220];
	_ =	sdelay $0x4  }
0x54b: {  	v5 =	vshll.u32 v4, $0x2  }
0x54c: {  	v4 =	vand.u32 $0x7, v4;
	v5 =	vand.u32 $0xFFFFFFE0, v5  }
0x54d: {  	v4 =	vor.u32 v4, v5  }
0x54e: {  	v5 =	vperm.xlane v4, v1;
	_ =	sdelay $0x1  }
0x54f: {  	v5 =	vadd.s32 v2, v5;
	_ =	sdelay $0x1  }
0x550: {  	v4 =	vperm.xlane v4, v3;
	_ =	sdelay $0x1  }
0x551: {  	s23 =	simm.s32 $0x1A400;
	v4 =	vadd.s32 v2, v4  }
0x552: {  	[tilespmem:s23], [sflag:$0x2] =	stream.indirect_vreg.gather [hbm4b:s4+s6], $0x80, v5, vm0, $0xb8;
	[tilespmem:$0x1E400] =	vst v63  }
0x553: {  	s9 =	simm.s32 $0x1AC00  }
0x554: {  	[tilespmem:s9], [sflag:$0x2] =	stream.indirect_vreg.gather [hbm4b:s19+s6], $0x80, v5, vm0, $0xb8;
	[tilespmem:$0x1E400] =	vst v63  }
0x555: {  	s8 =	simm.s32 $0x1B400  }
0x556: {  	[tilespmem:s8], [sflag:$0x2] =	stream.indirect_vreg.gather [hbm4b:s4+s6], $0x80, v4, vm0, $0xb8;
	[tilespmem:$0x1E400] =	vst v63  }
0x557: {  	s0 =	simm.s32 $0x1BC00  }
0x558: {  	[tilespmem:s0], [sflag:$0x2] =	stream.indirect_vreg.gather [hbm4b:s19+s6], $0x80, v4, vm0, $0xb8;
	[tilespmem:$0x1E400] =	vst v63  }
0x559: {  	v4 =	vld [tilespmem:$0x230];
	_ =	sdelay $0x4  }
0x55a: {  	v5 =	vshll.u32 v4, $0x2  }
0x55b: {  	v4 =	vand.u32 $0x7, v4;
	v5 =	vand.u32 $0xFFFFFFE0, v5  }
0x55c: {  	v4 =	vor.u32 v4, v5  }
0x55d: {  	v5 =	vperm.xlane v4, v1;
	_ =	sdelay $0x1  }
0x55e: {  	v5 =	vadd.s32 v2, v5;
	_ =	sdelay $0x1  }
0x55f: {  	v4 =	vperm.xlane v4, v3  }
0x560: {  	s22 =	simm.s32 $0x17400;
	s16 =	simm.s32 $0x18400;
	s26 =	simm.s32 $0x1C400  }
0x561: {  	s17 =	simm.s32 $0x15400;
	s3 =	simm.s32 $0x13C00;
	s7 =	simm.s32 $0x19400;
	v4 =	vadd.s32 v2, v4  }
0x562: {  	[tilespmem:s26], [sflag:$0x2] =	stream.indirect_vreg.gather [hbm4b:s4+s6], $0x80, v5, vm0, $0xb8;
	[tilespmem:$0x1E400] =	vst v63  }
0x563: {  	s31 =	simm.s32 $0x6;
	s12 =	simm.s32 $0x17C00;
	s26 =	simm.s32 $0x1CC00  }
0x564: {  	[tilespmem:s26], [sflag:$0x2] =	stream.indirect_vreg.gather [hbm4b:s19+s6], $0x80, v5, vm0, $0xb8;
	[tilespmem:$0x1E400] =	vst v63  }
0x565: {  	s14 =	simm.s32 $0x1DC00;
	s15 =	simm.s32 $0x18C00;
	s23 =	simm.s32 $0x1D400  }
0x566: {  	[tilespmem:s23], [sflag:$0x2] =	stream.indirect_vreg.gather [hbm4b:s4+s6], $0x80, v4, vm0, $0xb8;
	[tilespmem:$0x1E400] =	vst v63  }
0x567: {  	s18 =	simm.s32 $0x3B0;
	s9 =	simm.s32 $0x6400;
	s8 =	simm.s32 $0xE400  }
0x568: {  	[tilespmem:s14], [sflag:$0x2] =	stream.indirect_vreg.gather [hbm4b:s19+s6], $0x80, v4, vm0, $0xb8;
	[tilespmem:$0x1E400] =	vst v63  }
0x569: {  	s0 =	rddreg [dreg:$0x1b];
	s26 =	simm.s32 $0x14400;
	s14 =	simm.s32 $0x11C00  }
.LBB2_24:
0x56a: {  	_ =	swait.ge [sflag:s29], $0x8000  }
0x56b: {  	s23 =	sadd.s32 s6, s0;
	[sflag:s29] =	ssyncset.done $0x0  }
0x56c: {  	s1 =	sadd.s32 $0x3000, s23;
	[sflag:s29] =	ssyncadd.s32 $0xFFFF8000  }
0x56d: {  	[hbm4b:s1+s2] =	stream.linear.scatter [tilespmem:s8], [sflag:$0x4], $0x8000, $0x38;
	[tilespmem:$0x1E400] =	vst v63  }
0x56e: {  	_ =	swait.ge [sflag:s31], $0x8000  }
0x56f: {  	[sflag:s31] =	ssyncset.done $0x0  }
0x570: {  	[sflag:s31] =	ssyncadd.s32 $0xFFFF8000  }
0x571: {  	v4 =	vld [tilespmem:s18+$0xFFFFFED0];
	_ =	sdelay $0x4  }
0x572: {  	v5 =	vshll.u32 v4, $0x2  }
0x573: {  	v4 =	vand.u32 $0x7, v4;
	v5 =	vand.u32 $0xFFFFFFE0, v5  }
0x574: {  	v5 =	vor.u32 v4, v5  }
0x575: {  	v4 =	vperm.xlane v5, v1;
	_ =	sdelay $0x1  }
0x576: {  	v6 =	vadd.s32 v2, v4  }
0x577: {  	v4 =	vor.u32 $0x8, v0  }
0x578: {  	v5 =	vperm.xlane v5, v4;
	_ =	sdelay $0x1  }
0x579: {  	v5 =	vadd.s32 v2, v5  }
0x57a: {  	[tilespmem:s9], [sflag:$0x3] =	stream.indirect_vreg.gather [hbm4b:s4+s2], $0x80, v6, vm0, $0xb8;
	[tilespmem:$0x1E400] =	vst v63  }
0x57b: {  	s20 =	simm.s32 $0x6C00  }
0x57c: {  	[tilespmem:s20], [sflag:$0x3] =	stream.indirect_vreg.gather [hbm4b:s19+s2], $0x80, v6, vm0, $0xb8;
	[tilespmem:$0x1E400] =	vst v63  }
0x57d: {  	s20 =	simm.s32 $0x7400  }
0x57e: {  	[tilespmem:s20], [sflag:$0x3] =	stream.indirect_vreg.gather [hbm4b:s4+s2], $0x80, v5, vm0, $0xb8;
	[tilespmem:$0x1E400] =	vst v63  }
0x57f: {  	s20 =	simm.s32 $0x7C00  }
0x580: {  	[tilespmem:s20], [sflag:$0x3] =	stream.indirect_vreg.gather [hbm4b:s19+s2], $0x80, v5, vm0, $0xb8;
	[tilespmem:$0x1E400] =	vst v63  }
0x581: {  	v5 =	vld [tilespmem:s18+$0xFFFFFEE0];
	_ =	sdelay $0x4  }
0x582: {  	v53 =	vshll.u32 v5, $0x2  }
0x583: {  	v5 =	vand.u32 $0x7, v5;
	v6 =	vand.u32 $0xFFFFFFE0, v53  }
0x584: {  	v5 =	vor.u32 v5, v6  }
0x585: {  	v6 =	vperm.xlane v5, v1;
	_ =	sdelay $0x1  }
0x586: {  	v6 =	vadd.s32 v2, v6;
	_ =	sdelay $0x1  }
0x587: {  	v5 =	vperm.xlane v5, v4;
	_ =	sdelay $0x1  }
0x588: {  	s20 =	simm.s32 $0x8400;
	v5 =	vadd.s32 v2, v5  }
0x589: {  	[tilespmem:s20], [sflag:$0x3] =	stream.indirect_vreg.gather [hbm4b:s4+s2], $0x80, v6, vm0, $0xb8;
	[tilespmem:$0x1E400] =	vst v63  }
0x58a: {  	s20 =	simm.s32 $0x8C00  }
0x58b: {  	[tilespmem:s20], [sflag:$0x3] =	stream.indirect_vreg.gather [hbm4b:s19+s2], $0x80, v6, vm0, $0xb8;
	[tilespmem:$0x1E400] =	vst v63  }
0x58c: {  	s20 =	simm.s32 $0x9400  }
0x58d: {  	[tilespmem:s20], [sflag:$0x3] =	stream.indirect_vreg.gather [hbm4b:s4+s2], $0x80, v5, vm0, $0xb8;
	[tilespmem:$0x1E400] =	vst v63  }
0x58e: {  	s20 =	simm.s32 $0x9C00  }
0x58f: {  	[tilespmem:s20], [sflag:$0x3] =	stream.indirect_vreg.gather [hbm4b:s19+s2], $0x80, v5, vm0, $0xb8;
	[tilespmem:$0x1E400] =	vst v63  }
0x590: {  	v5 =	vld [tilespmem:s18+$0xFFFFFEF0];
	_ =	sdelay $0x4  }
0x591: {  	v54 =	vshll.u32 v5, $0x2  }
0x592: {  	v5 =	vand.u32 $0x7, v5;
	v6 =	vand.u32 $0xFFFFFFE0, v54  }
0x593: {  	v5 =	vor.u32 v5, v6  }
0x594: {  	v6 =	vperm.xlane v5, v1;
	_ =	sdelay $0x1  }
0x595: {  	v6 =	vadd.s32 v2, v6;
	_ =	sdelay $0x1  }
0x596: {  	v5 =	vperm.xlane v5, v4;
	_ =	sdelay $0x1  }
0x597: {  	s20 =	simm.s32 $0xA400;
	v5 =	vadd.s32 v2, v5  }
0x598: {  	[tilespmem:s20], [sflag:$0x3] =	stream.indirect_vreg.gather [hbm4b:s4+s2], $0x80, v6, vm0, $0xb8;
	[tilespmem:$0x1E400] =	vst v63  }
0x599: {  	s20 =	simm.s32 $0xAC00  }
0x59a: {  	[tilespmem:s20], [sflag:$0x3] =	stream.indirect_vreg.gather [hbm4b:s19+s2], $0x80, v6, vm0, $0xb8;
	[tilespmem:$0x1E400] =	vst v63  }
0x59b: {  	s20 =	simm.s32 $0xB400  }
0x59c: {  	[tilespmem:s20], [sflag:$0x3] =	stream.indirect_vreg.gather [hbm4b:s4+s2], $0x80, v5, vm0, $0xb8;
	[tilespmem:$0x1E400] =	vst v63  }
0x59d: {  	s20 =	simm.s32 $0xBC00  }
0x59e: {  	[tilespmem:s20], [sflag:$0x3] =	stream.indirect_vreg.gather [hbm4b:s19+s2], $0x80, v5, vm0, $0xb8;
	[tilespmem:$0x1E400] =	vst v63  }
0x59f: {  	v5 =	vld [tilespmem:s18+$0xFFFFFF00];
	_ =	sdelay $0x4  }
0x5a0: {  	v55 =	vshll.u32 v5, $0x2  }
0x5a1: {  	v5 =	vand.u32 $0x7, v5;
	v6 =	vand.u32 $0xFFFFFFE0, v55  }
0x5a2: {  	v5 =	vor.u32 v5, v6  }
0x5a3: {  	v6 =	vperm.xlane v5, v1;
	_ =	sdelay $0x1  }
0x5a4: {  	v6 =	vadd.s32 v2, v6;
	_ =	sdelay $0x1  }
0x5a5: {  	v5 =	vperm.xlane v5, v4;
	_ =	sdelay $0x1  }
0x5a6: {  	s20 =	simm.s32 $0xC400;
	v5 =	vadd.s32 v2, v5  }
0x5a7: {  	[tilespmem:s20], [sflag:$0x3] =	stream.indirect_vreg.gather [hbm4b:s4+s2], $0x80, v6, vm0, $0xb8;
	[tilespmem:$0x1E400] =	vst v63  }
0x5a8: {  	s20 =	simm.s32 $0xCC00  }
0x5a9: {  	[tilespmem:s20], [sflag:$0x3] =	stream.indirect_vreg.gather [hbm4b:s19+s2], $0x80, v6, vm0, $0xb8;
	[tilespmem:$0x1E400] =	vst v63  }
0x5aa: {  	s20 =	simm.s32 $0xD400  }
0x5ab: {  	[tilespmem:s20], [sflag:$0x3] =	stream.indirect_vreg.gather [hbm4b:s4+s2], $0x80, v5, vm0, $0xb8;
	[tilespmem:$0x1E400] =	vst v63  }
0x5ac: {  	s20 =	simm.s32 $0xDC00  }
0x5ad: {  	[tilespmem:s20], [sflag:$0x3] =	stream.indirect_vreg.gather [hbm4b:s19+s2], $0x80, v5, vm0, $0xb8;
	[tilespmem:$0x1E400] =	vst v63  }
0x5ae: {  	_ =	swait.ge [sflag:s30], $0x8000  }
0x5af: {  	[sflag:s30] =	ssyncset.done $0x0  }
0x5b0: {  	s1 =	sadd.s32 $0x4000, s23;
	[sflag:s30] =	ssyncadd.s32 $0xFFFF8000  }
0x5b1: {  	[hbm4b:s1+s2] =	stream.linear.scatter [tilespmem:s13], [sflag:$0x5], $0x8000, $0x38;
	[tilespmem:$0x1E400] =	vst v63  }
0x5b2: {  	_ =	swait.ge [sflag:s24], $0x8000  }
0x5b3: {  	[sflag:s24] =	ssyncset.done $0x0  }
0x5b4: {  	[sflag:s24] =	ssyncadd.s32 $0xFFFF8000  }
0x5b5: {  	v5 =	vld [tilespmem:s18+$0xFFFFFF50];
	_ =	sdelay $0x4  }
0x5b6: {  	v56 =	vshll.u32 v5, $0x2  }
0x5b7: {  	v5 =	vand.u32 $0x7, v5;
	v6 =	vand.u32 $0xFFFFFFE0, v56  }
0x5b8: {  	v5 =	vor.u32 v5, v6  }
0x5b9: {  	v6 =	vperm.xlane v5, v1;
	_ =	sdelay $0x1  }
0x5ba: {  	v6 =	vadd.s32 v2, v6;
	_ =	sdelay $0x1  }
0x5bb: {  	v5 =	vperm.xlane v5, v4;
	_ =	sdelay $0x1  }
0x5bc: {  	v5 =	vadd.s32 v2, v5  }
0x5bd: {  	[tilespmem:s8], [sflag:$0x1] =	stream.indirect_vreg.gather [hbm4b:s4+s2], $0x80, v6, vm0, $0xb8;
	[tilespmem:$0x1E400] =	vst v63  }
0x5be: {  	s1 =	simm.s32 $0xEC00  }
0x5bf: {  	[tilespmem:s1], [sflag:$0x1] =	stream.indirect_vreg.gather [hbm4b:s19+s2], $0x80, v6, vm0, $0xb8;
	[tilespmem:$0x1E400] =	vst v63  }
0x5c0: {  	s1 =	simm.s32 $0xF400  }
0x5c1: {  	[tilespmem:s1], [sflag:$0x1] =	stream.indirect_vreg.gather [hbm4b:s4+s2], $0x80, v5, vm0, $0xb8;
	[tilespmem:$0x1E400] =	vst v63  }
0x5c2: {  	s20 =	simm.s32 $0xFC00  }
0x5c3: {  	[tilespmem:s20], [sflag:$0x1] =	stream.indirect_vreg.gather [hbm4b:s19+s2], $0x80, v5, vm0, $0xb8;
	[tilespmem:$0x1E400] =	vst v63  }
0x5c4: {  	v5 =	vld [tilespmem:s18+$0xFFFFFF60];
	_ =	sdelay $0x4  }
0x5c5: {  	v57 =	vshll.u32 v5, $0x2  }
0x5c6: {  	v5 =	vand.u32 $0x7, v5;
	v6 =	vand.u32 $0xFFFFFFE0, v57  }
0x5c7: {  	v5 =	vor.u32 v5, v6  }
0x5c8: {  	v6 =	vperm.xlane v5, v1;
	_ =	sdelay $0x1  }
0x5c9: {  	v6 =	vadd.s32 v2, v6;
	_ =	sdelay $0x1  }
0x5ca: {  	v5 =	vperm.xlane v5, v4;
	_ =	sdelay $0x1  }
0x5cb: {  	s20 =	simm.s32 $0x10400;
	v5 =	vadd.s32 v2, v5  }
0x5cc: {  	[tilespmem:s20], [sflag:$0x1] =	stream.indirect_vreg.gather [hbm4b:s4+s2], $0x80, v6, vm0, $0xb8;
	[tilespmem:$0x1E400] =	vst v63  }
0x5cd: {  	s1 =	simm.s32 $0x10C00  }
0x5ce: {  	[tilespmem:s1], [sflag:$0x1] =	stream.indirect_vreg.gather [hbm4b:s19+s2], $0x80, v6, vm0, $0xb8;
	[tilespmem:$0x1E400] =	vst v63  }
0x5cf: {  	s1 =	simm.s32 $0x11400  }
0x5d0: {  	[tilespmem:s1], [sflag:$0x1] =	stream.indirect_vreg.gather [hbm4b:s4+s2], $0x80, v5, vm0, $0xb8;
	[tilespmem:$0x1E400] =	vst v63  }
0x5d1: {  	_ = 	snop  }
0x5d2: {  	[tilespmem:s14], [sflag:$0x1] =	stream.indirect_vreg.gather [hbm4b:s19+s2], $0x80, v5, vm0, $0xb8;
	[tilespmem:$0x1E400] =	vst v63  }
0x5d3: {  	v5 =	vld [tilespmem:s18+$0xFFFFFF70];
	_ =	sdelay $0x4  }
0x5d4: {  	v58 =	vshll.u32 v5, $0x2  }
0x5d5: {  	v5 =	vand.u32 $0x7, v5;
	v6 =	vand.u32 $0xFFFFFFE0, v58  }
0x5d6: {  	v5 =	vor.u32 v5, v6  }
0x5d7: {  	v6 =	vperm.xlane v5, v1;
	_ =	sdelay $0x1  }
0x5d8: {  	v6 =	vadd.s32 v2, v6;
	_ =	sdelay $0x1  }
0x5d9: {  	v5 =	vperm.xlane v5, v4;
	_ =	sdelay $0x1  }
0x5da: {  	s1 =	simm.s32 $0x12400;
	v5 =	vadd.s32 v2, v5  }
0x5db: {  	[tilespmem:s1], [sflag:$0x1] =	stream.indirect_vreg.gather [hbm4b:s4+s2], $0x80, v6, vm0, $0xb8;
	[tilespmem:$0x1E400] =	vst v63  }
0x5dc: {  	s1 =	simm.s32 $0x12C00  }
0x5dd: {  	[tilespmem:s1], [sflag:$0x1] =	stream.indirect_vreg.gather [hbm4b:s19+s2], $0x80, v6, vm0, $0xb8;
	[tilespmem:$0x1E400] =	vst v63  }
0x5de: {  	s1 =	simm.s32 $0x13400  }
0x5df: {  	[tilespmem:s1], [sflag:$0x1] =	stream.indirect_vreg.gather [hbm4b:s4+s2], $0x80, v5, vm0, $0xb8;
	[tilespmem:$0x1E400] =	vst v63  }
0x5e0: {  	_ = 	snop  }
0x5e1: {  	[tilespmem:s3], [sflag:$0x1] =	stream.indirect_vreg.gather [hbm4b:s19+s2], $0x80, v5, vm0, $0xb8;
	[tilespmem:$0x1E400] =	vst v63  }
0x5e2: {  	v5 =	vld [tilespmem:s18+$0xFFFFFF80];
	_ =	sdelay $0x4  }
0x5e3: {  	v59 =	vshll.u32 v5, $0x2  }
0x5e4: {  	v5 =	vand.u32 $0x7, v5;
	v6 =	vand.u32 $0xFFFFFFE0, v59  }
0x5e5: {  	v5 =	vor.u32 v5, v6  }
0x5e6: {  	v6 =	vperm.xlane v5, v1;
	_ =	sdelay $0x1  }
0x5e7: {  	v6 =	vadd.s32 v2, v6;
	_ =	sdelay $0x1  }
0x5e8: {  	v5 =	vperm.xlane v5, v4;
	_ =	sdelay $0x1  }
0x5e9: {  	v5 =	vadd.s32 v2, v5  }
0x5ea: {  	[tilespmem:s26], [sflag:$0x1] =	stream.indirect_vreg.gather [hbm4b:s4+s2], $0x80, v6, vm0, $0xb8;
	[tilespmem:$0x1E400] =	vst v63  }
0x5eb: {  	s1 =	simm.s32 $0x14C00  }
0x5ec: {  	[tilespmem:s1], [sflag:$0x1] =	stream.indirect_vreg.gather [hbm4b:s19+s2], $0x80, v6, vm0, $0xb8;
	[tilespmem:$0x1E400] =	vst v63  }
0x5ed: {  	_ = 	snop  }
0x5ee: {  	[tilespmem:s17], [sflag:$0x1] =	stream.indirect_vreg.gather [hbm4b:s4+s2], $0x80, v5, vm0, $0xb8;
	[tilespmem:$0x1E400] =	vst v63  }
0x5ef: {  	s1 =	simm.s32 $0x15C00  }
0x5f0: {  	[tilespmem:s1], [sflag:$0x1] =	stream.indirect_vreg.gather [hbm4b:s19+s2], $0x80, v5, vm0, $0xb8;
	[tilespmem:$0x1E400] =	vst v63  }
0x5f1: {  	_ =	swait.ge [sflag:s28], $0x8000  }
0x5f2: {  	s1 =	sadd.s32 s6, s21;
	[sflag:s28] =	ssyncset.done $0x0  }
0x5f3: {  	s1 =	sadd.s32 $0x5000, s1;
	[sflag:s28] =	ssyncadd.s32 $0xFFFF8000  }
0x5f4: {  	[hbm4b:s1+s2] =	stream.linear.scatter [tilespmem:s9], [sflag:$0x6], $0x8000, $0x38;
	[tilespmem:$0x1E400] =	vst v63  }
0x5f5: {  	_ =	swait.ge [sflag:s10], $0x8000  }
0x5f6: {  	[sflag:s10] =	ssyncset.done $0x0  }
0x5f7: {  	[sflag:s10] =	ssyncadd.s32 $0xFFFF8000  }
0x5f8: {  	v5 =	vld [tilespmem:s18+$0xFFFFFFD0];
	_ =	sdelay $0x4  }
0x5f9: {  	v60 =	vshll.u32 v5, $0x2  }
0x5fa: {  	v5 =	vand.u32 $0x7, v5;
	v6 =	vand.u32 $0xFFFFFFE0, v60  }
0x5fb: {  	v5 =	vor.u32 v5, v6  }
0x5fc: {  	v6 =	vperm.xlane v5, v1;
	_ =	sdelay $0x1  }
0x5fd: {  	v6 =	vadd.s32 v2, v6;
	_ =	sdelay $0x1  }
0x5fe: {  	v5 =	vperm.xlane v5, v4;
	_ =	sdelay $0x1  }
0x5ff: {  	v5 =	vadd.s32 v2, v5  }
0x600: {  	[tilespmem:s13], [sflag:$0x2] =	stream.indirect_vreg.gather [hbm4b:s4+s2], $0x80, v6, vm0, $0xb8;
	[tilespmem:$0x1E400] =	vst v63  }
0x601: {  	_ = 	snop  }
0x602: {  	[tilespmem:s25], [sflag:$0x2] =	stream.indirect_vreg.gather [hbm4b:s19+s2], $0x80, v6, vm0, $0xb8;
	[tilespmem:$0x1E400] =	vst v63  }
0x603: {  	_ = 	snop  }
0x604: {  	[tilespmem:s22], [sflag:$0x2] =	stream.indirect_vreg.gather [hbm4b:s4+s2], $0x80, v5, vm0, $0xb8;
	[tilespmem:$0x1E400] =	vst v63  }
0x605: {  	_ = 	snop  }
0x606: {  	[tilespmem:s12], [sflag:$0x2] =	stream.indirect_vreg.gather [hbm4b:s19+s2], $0x80, v5, vm0, $0xb8;
	[tilespmem:$0x1E400] =	vst v63  }
0x607: {  	v5 =	vld [tilespmem:s18+$0xFFFFFFE0];
	_ =	sdelay $0x4  }
0x608: {  	v61 =	vshll.u32 v5, $0x2  }
0x609: {  	v5 =	vand.u32 $0x7, v5;
	v6 =	vand.u32 $0xFFFFFFE0, v61  }
0x60a: {  	v5 =	vor.u32 v5, v6  }
0x60b: {  	v6 =	vperm.xlane v5, v1;
	_ =	sdelay $0x1  }
0x60c: {  	v6 =	vadd.s32 v2, v6;
	_ =	sdelay $0x1  }
0x60d: {  	v5 =	vperm.xlane v5, v4;
	_ =	sdelay $0x1  }
0x60e: {  	v5 =	vadd.s32 v2, v5  }
0x60f: {  	[tilespmem:s16], [sflag:$0x2] =	stream.indirect_vreg.gather [hbm4b:s4+s2], $0x80, v6, vm0, $0xb8;
	[tilespmem:$0x1E400] =	vst v63  }
0x610: {  	_ = 	snop  }
0x611: {  	[tilespmem:s15], [sflag:$0x2] =	stream.indirect_vreg.gather [hbm4b:s19+s2], $0x80, v6, vm0, $0xb8;
	[tilespmem:$0x1E400] =	vst v63  }
0x612: {  	_ = 	snop  }
0x613: {  	[tilespmem:s7], [sflag:$0x2] =	stream.indirect_vreg.gather [hbm4b:s4+s2], $0x80, v5, vm0, $0xb8;
	[tilespmem:$0x1E400] =	vst v63  }
0x614: {  	s23 =	simm.s32 $0x19C00  }
0x615: {  	[tilespmem:s23], [sflag:$0x2] =	stream.indirect_vreg.gather [hbm4b:s19+s2], $0x80, v5, vm0, $0xb8;
	[tilespmem:$0x1E400] =	vst v63  }
0x616: {  	v5 =	vld [tilespmem:s18+$0xFFFFFFF0];
	_ =	sdelay $0x4  }
0x617: {  	v62 =	vshll.u32 v5, $0x2  }
0x618: {  	v5 =	vand.u32 $0x7, v5;
	v6 =	vand.u32 $0xFFFFFFE0, v62  }
0x619: {  	v5 =	vor.u32 v5, v6  }
0x61a: {  	v6 =	vperm.xlane v5, v1;
	_ =	sdelay $0x1  }
0x61b: {  	v6 =	vadd.s32 v2, v6;
	_ =	sdelay $0x1  }
0x61c: {  	v5 =	vperm.xlane v5, v4;
	_ =	sdelay $0x1  }
0x61d: {  	s1 =	simm.s32 $0x1A400;
	v5 =	vadd.s32 v2, v5  }
0x61e: {  	[tilespmem:s1], [sflag:$0x2] =	stream.indirect_vreg.gather [hbm4b:s4+s2], $0x80, v6, vm0, $0xb8;
	[tilespmem:$0x1E400] =	vst v63  }
0x61f: {  	s23 =	simm.s32 $0x1AC00  }
0x620: {  	[tilespmem:s23], [sflag:$0x2] =	stream.indirect_vreg.gather [hbm4b:s19+s2], $0x80, v6, vm0, $0xb8;
	[tilespmem:$0x1E400] =	vst v63  }
0x621: {  	s1 =	simm.s32 $0x1B400  }
0x622: {  	[tilespmem:s1], [sflag:$0x2] =	stream.indirect_vreg.gather [hbm4b:s4+s2], $0x80, v5, vm0, $0xb8;
	[tilespmem:$0x1E400] =	vst v63  }
0x623: {  	s23 =	simm.s32 $0x1BC00  }
0x624: {  	[tilespmem:s23], [sflag:$0x2] =	stream.indirect_vreg.gather [hbm4b:s19+s2], $0x80, v5, vm0, $0xb8;
	[tilespmem:$0x1E400] =	vst v63  }
0x625: {  	v5 =	vld [tilespmem:s18+$0x0];
	_ =	sdelay $0x4  }
0x626: {  	v63 =	vshll.u32 v5, $0x2  }
0x627: {  	v5 =	vand.u32 $0x7, v5;
	v6 =	vand.u32 $0xFFFFFFE0, v63  }
0x628: {  	v5 =	vor.u32 v5, v6  }
0x629: {  	v6 =	vperm.xlane v5, v1;
	_ =	sdelay $0x1  }
0x62a: {  	v6 =	vadd.s32 v2, v6;
	_ =	sdelay $0x2  }
0x62b: {  	v4 =	vperm.xlane v5, v4  }
0x62c: {  	s1 =	simm.s32 $0x1C400  }
0x62d: {  	v4 =	vadd.s32 v2, v4;
	[tilespmem:s1], [sflag:$0x2] =	stream.indirect_vreg.gather [hbm4b:s4+s2], $0x80, v6, vm0, $0xb8;
	[tilespmem:$0x1E400] =	vst v63  }
0x62e: {  	p1 =	seq.s32 s6, $0x18000;
	s23 =	simm.s32 $0x1CC00  }
0x62f: {  	[tilespmem:s23], [sflag:$0x2] =	stream.indirect_vreg.gather [hbm4b:s19+s2], $0x80, v6, vm0, $0xb8;
	[tilespmem:$0x1E400] =	vst v63  }
.Ltmp14:
0x630: {  	_ = 	snop;
	(pc) =	sbr.rel @!p1 .LBB2_24-.Ltmp14, $4  }
0x631: {  	s1 =	simm.s32 $0x1D400  }
0x632: {  	[tilespmem:s1], [sflag:$0x2] =	stream.indirect_vreg.gather [hbm4b:s4+s2], $0x80, v4, vm0, $0xb8;
	[tilespmem:$0x1E400] =	vst v63  }
0x633: {  	s6 =	sadd.s32 $0x3000, s6;
	s18 =	sadd.s32 $0x180, s18;
	s23 =	simm.s32 $0x1DC00  }
0x634: {  	[tilespmem:s23], [sflag:$0x2] =	stream.indirect_vreg.gather [hbm4b:s19+s2], $0x80, v4, vm0, $0xb8;
	[tilespmem:$0x1E400] =	vst v63  }
.Ltmp15:
0x635: {  	(pc) =	sbr.rel .LBB2_29-.Ltmp15, $4  }
0x636: {  	_ = 	snop  }
0x637: {  	s6 =	rddreg [dreg:$0xf]  }
0x638: {  	s13 =	rddreg [dreg:$0x1a];
	s0 =	simm.s32 $0x6400  }
0x639: {  	s28 =	simm.s32 $0x16400;
	s29 =	simm.s32 $0x15C00;
	s16 =	simm.s32 $0xE400  }
.LBB2_26:
0x63a: {  	_ =	sdelay $0x3  }
0x63b: {  	[tilespmem:s16], [sflag:$0x1] =	stream.indirect_vreg.gather [hbm4b:s5+s6], $0x80, v4, vm0, $0xb8;
	[tilespmem:$0x1E400] =	vst v63  }
0x63c: {  	s29 =	simm.s32 $0xEC00  }
0x63d: {  	[tilespmem:s29], [sflag:$0x1] =	stream.indirect_vreg.gather [hbm4b:s11+s6], $0x80, v4, vm0, $0xb8;
	[tilespmem:$0x1E400] =	vst v63  }
0x63e: {  	_ = 	snop  }
0x63f: {  	[tilespmem:s30], [sflag:$0x1] =	stream.indirect_vreg.gather [hbm4b:s5+s6], $0x80, v5, vm0, $0xb8;
	[tilespmem:$0x1E400] =	vst v63  }
0x640: {  	_ = 	snop  }
0x641: {  	[tilespmem:s26], [sflag:$0x1] =	stream.indirect_vreg.gather [hbm4b:s11+s6], $0x80, v5, vm0, $0xb8;
	[tilespmem:$0x1E400] =	vst v63  }
0x642: {  	v4 =	vld [tilespmem:$0x10];
	_ =	sdelay $0x4  }
0x643: {  	v5 =	vshll.u32 v4, $0x2  }
0x644: {  	v4 =	vand.u32 $0x7, v4;
	v5 =	vand.u32 $0xFFFFFFE0, v5  }
0x645: {  	v4 =	vor.u32 v4, v5  }
0x646: {  	v5 =	vperm.xlane v4, v1;
	_ =	sdelay $0x1  }
0x647: {  	v5 =	vadd.s32 v2, v5;
	_ =	sdelay $0x1  }
0x648: {  	v4 =	vperm.xlane v4, v3;
	_ =	sdelay $0x1  }
0x649: {  	v4 =	vadd.s32 v2, v4  }
0x64a: {  	[tilespmem:s20], [sflag:$0x1] =	stream.indirect_vreg.gather [hbm4b:s5+s6], $0x80, v5, vm0, $0xb8;
	[tilespmem:$0x1E400] =	vst v63  }
0x64b: {  	_ = 	snop  }
0x64c: {  	[tilespmem:s31], [sflag:$0x1] =	stream.indirect_vreg.gather [hbm4b:s11+s6], $0x80, v5, vm0, $0xb8;
	[tilespmem:$0x1E400] =	vst v63  }
0x64d: {  	_ = 	snop  }
0x64e: {  	[tilespmem:s12], [sflag:$0x1] =	stream.indirect_vreg.gather [hbm4b:s5+s6], $0x80, v4, vm0, $0xb8;
	[tilespmem:$0x1E400] =	vst v63  }
0x64f: {  	_ = 	snop  }
0x650: {  	[tilespmem:s9], [sflag:$0x1] =	stream.indirect_vreg.gather [hbm4b:s11+s6], $0x80, v4, vm0, $0xb8;
	[tilespmem:$0x1E400] =	vst v63  }
0x651: {  	v4 =	vld [tilespmem:$0x20];
	_ =	sdelay $0x4  }
0x652: {  	v5 =	vshll.u32 v4, $0x2  }
0x653: {  	v4 =	vand.u32 $0x7, v4;
	v5 =	vand.u32 $0xFFFFFFE0, v5  }
0x654: {  	v4 =	vor.u32 v4, v5  }
0x655: {  	v5 =	vperm.xlane v4, v1;
	_ =	sdelay $0x1  }
0x656: {  	v5 =	vadd.s32 v2, v5;
	_ =	sdelay $0x1  }
0x657: {  	v4 =	vperm.xlane v4, v3;
	_ =	sdelay $0x1  }
0x658: {  	v4 =	vadd.s32 v2, v4  }
0x659: {  	[tilespmem:s7], [sflag:$0x1] =	stream.indirect_vreg.gather [hbm4b:s5+s6], $0x80, v5, vm0, $0xb8;
	[tilespmem:$0x1E400] =	vst v63  }
0x65a: {  	_ = 	snop  }
0x65b: {  	[tilespmem:s3], [sflag:$0x1] =	stream.indirect_vreg.gather [hbm4b:s11+s6], $0x80, v5, vm0, $0xb8;
	[tilespmem:$0x1E400] =	vst v63  }
0x65c: {  	_ = 	snop  }
0x65d: {  	[tilespmem:s13], [sflag:$0x1] =	stream.indirect_vreg.gather [hbm4b:s5+s6], $0x80, v4, vm0, $0xb8;
	[tilespmem:$0x1E400] =	vst v63  }
0x65e: {  	_ = 	snop  }
0x65f: {  	[tilespmem:s15], [sflag:$0x1] =	stream.indirect_vreg.gather [hbm4b:s11+s6], $0x80, v4, vm0, $0xb8;
	[tilespmem:$0x1E400] =	vst v63  }
0x660: {  	v4 =	vld [tilespmem:$0x30];
	_ =	sdelay $0x4  }
0x661: {  	v5 =	vshll.u32 v4, $0x2  }
0x662: {  	v4 =	vand.u32 $0x7, v4;
	v5 =	vand.u32 $0xFFFFFFE0, v5  }
0x663: {  	v4 =	vor.u32 v4, v5  }
0x664: {  	v5 =	vperm.xlane v4, v1;
	_ =	sdelay $0x1  }
0x665: {  	v5 =	vadd.s32 v2, v5;
	_ =	sdelay $0x1  }
0x666: {  	v4 =	vperm.xlane v4, v3;
	_ =	sdelay $0x1  }
0x667: {  	v4 =	vadd.s32 v2, v4  }
0x668: {  	[tilespmem:s14], [sflag:$0x1] =	stream.indirect_vreg.gather [hbm4b:s5+s6], $0x80, v5, vm0, $0xb8;
	[tilespmem:$0x1E400] =	vst v63  }
0x669: {  	_ = 	snop  }
0x66a: {  	[tilespmem:s8], [sflag:$0x1] =	stream.indirect_vreg.gather [hbm4b:s11+s6], $0x80, v5, vm0, $0xb8;
	[tilespmem:$0x1E400] =	vst v63  }
0x66b: {  	s9 =	simm.s32 $0x15400  }
0x66c: {  	[tilespmem:s9], [sflag:$0x1] =	stream.indirect_vreg.gather [hbm4b:s5+s6], $0x80, v4, vm0, $0xb8;
	[tilespmem:$0x1E400] =	vst v63  }
0x66d: {  	s1 =	simm.s32 $0x15C00  }
0x66e: {  	[tilespmem:s1], [sflag:$0x1] =	stream.indirect_vreg.gather [hbm4b:s11+s6], $0x80, v4, vm0, $0xb8;
	[tilespmem:$0x1E400] =	vst v63  }
0x66f: {  	v4 =	vld [tilespmem:$0x80];
	_ =	sdelay $0x4  }
0x670: {  	v5 =	vshll.u32 v4, $0x2  }
0x671: {  	v4 =	vand.u32 $0x7, v4;
	v5 =	vand.u32 $0xFFFFFFE0, v5  }
0x672: {  	v4 =	vor.u32 v4, v5  }
0x673: {  	v5 =	vperm.xlane v4, v1;
	_ =	sdelay $0x1  }
0x674: {  	v5 =	vadd.s32 v2, v5;
	_ =	sdelay $0x1  }
0x675: {  	v4 =	vperm.xlane v4, v3;
	_ =	sdelay $0x1  }
0x676: {  	s0 =	simm.s32 $0x16400;
	v4 =	vadd.s32 v2, v4  }
0x677: {  	[tilespmem:s0], [sflag:$0x2] =	stream.indirect_vreg.gather [hbm4b:s5+s6], $0x80, v5, vm0, $0xb8;
	[tilespmem:$0x1E400] =	vst v63  }
0x678: {  	_ = 	snop  }
0x679: {  	[tilespmem:s22], [sflag:$0x2] =	stream.indirect_vreg.gather [hbm4b:s11+s6], $0x80, v5, vm0, $0xb8;
	[tilespmem:$0x1E400] =	vst v63  }
0x67a: {  	s30 =	simm.s32 $0x17400  }
0x67b: {  	[tilespmem:s30], [sflag:$0x2] =	stream.indirect_vreg.gather [hbm4b:s5+s6], $0x80, v4, vm0, $0xb8;
	[tilespmem:$0x1E400] =	vst v63  }
0x67c: {  	s31 =	simm.s32 $0x17C00  }
0x67d: {  	[tilespmem:s31], [sflag:$0x2] =	stream.indirect_vreg.gather [hbm4b:s11+s6], $0x80, v4, vm0, $0xb8;
	[tilespmem:$0x1E400] =	vst v63  }
0x67e: {  	v4 =	vld [tilespmem:$0x90];
	_ =	sdelay $0x4  }
0x67f: {  	v5 =	vshll.u32 v4, $0x2  }
0x680: {  	v4 =	vand.u32 $0x7, v4;
	v5 =	vand.u32 $0xFFFFFFE0, v5  }
0x681: {  	v4 =	vor.u32 v4, v5  }
0x682: {  	v5 =	vperm.xlane v4, v1;
	_ =	sdelay $0x1  }
0x683: {  	v5 =	vadd.s32 v2, v5;
	_ =	sdelay $0x1  }
0x684: {  	v4 =	vperm.xlane v4, v3;
	_ =	sdelay $0x1  }
0x685: {  	s18 =	simm.s32 $0x18400;
	v4 =	vadd.s32 v2, v4  }
0x686: {  	[tilespmem:s18], [sflag:$0x2] =	stream.indirect_vreg.gather [hbm4b:s5+s6], $0x80, v5, vm0, $0xb8;
	[tilespmem:$0x1E400] =	vst v63  }
0x687: {  	s10 =	simm.s32 $0x18C00  }
0x688: {  	[tilespmem:s10], [sflag:$0x2] =	stream.indirect_vreg.gather [hbm4b:s11+s6], $0x80, v5, vm0, $0xb8;
	[tilespmem:$0x1E400] =	vst v63  }
0x689: {  	s8 =	simm.s32 $0x19400  }
0x68a: {  	[tilespmem:s8], [sflag:$0x2] =	stream.indirect_vreg.gather [hbm4b:s5+s6], $0x80, v4, vm0, $0xb8;
	[tilespmem:$0x1E400] =	vst v63  }
0x68b: {  	s10 =	simm.s32 $0x19C00  }
0x68c: {  	[tilespmem:s10], [sflag:$0x2] =	stream.indirect_vreg.gather [hbm4b:s11+s6], $0x80, v4, vm0, $0xb8;
	[tilespmem:$0x1E400] =	vst v63  }
0x68d: {  	v4 =	vld [tilespmem:$0xA0];
	_ =	sdelay $0x4  }
0x68e: {  	v5 =	vshll.u32 v4, $0x2  }
0x68f: {  	v4 =	vand.u32 $0x7, v4;
	v5 =	vand.u32 $0xFFFFFFE0, v5  }
0x690: {  	v4 =	vor.u32 v4, v5  }
0x691: {  	v5 =	vperm.xlane v4, v1;
	_ =	sdelay $0x1  }
0x692: {  	v5 =	vadd.s32 v2, v5;
	_ =	sdelay $0x1  }
0x693: {  	v4 =	vperm.xlane v4, v3;
	_ =	sdelay $0x1  }
0x694: {  	s12 =	simm.s32 $0x1A400;
	v4 =	vadd.s32 v2, v4  }
0x695: {  	[tilespmem:s12], [sflag:$0x2] =	stream.indirect_vreg.gather [hbm4b:s5+s6], $0x80, v5, vm0, $0xb8;
	[tilespmem:$0x1E400] =	vst v63  }
0x696: {  	s13 =	simm.s32 $0x1AC00  }
0x697: {  	[tilespmem:s13], [sflag:$0x2] =	stream.indirect_vreg.gather [hbm4b:s11+s6], $0x80, v5, vm0, $0xb8;
	[tilespmem:$0x1E400] =	vst v63  }
0x698: {  	s14 =	simm.s32 $0x1B400  }
0x699: {  	[tilespmem:s14], [sflag:$0x2] =	stream.indirect_vreg.gather [hbm4b:s5+s6], $0x80, v4, vm0, $0xb8;
	[tilespmem:$0x1E400] =	vst v63  }
0x69a: {  	s15 =	simm.s32 $0x1BC00  }
0x69b: {  	[tilespmem:s15], [sflag:$0x2] =	stream.indirect_vreg.gather [hbm4b:s11+s6], $0x80, v4, vm0, $0xb8;
	[tilespmem:$0x1E400] =	vst v63  }
0x69c: {  	v4 =	vld [tilespmem:$0xB0];
	_ =	sdelay $0x4  }
0x69d: {  	v5 =	vshll.u32 v4, $0x2  }
0x69e: {  	v4 =	vand.u32 $0x7, v4;
	v5 =	vand.u32 $0xFFFFFFE0, v5  }
0x69f: {  	v4 =	vor.u32 v4, v5  }
0x6a0: {  	v5 =	vperm.xlane v4, v1;
	_ =	sdelay $0x1  }
0x6a1: {  	v5 =	vadd.s32 v2, v5;
	_ =	sdelay $0x1  }
0x6a2: {  	v4 =	vperm.xlane v4, v3;
	_ =	sdelay $0x1  }
0x6a3: {  	s16 =	simm.s32 $0x1C400;
	v4 =	vadd.s32 v2, v4  }
0x6a4: {  	[tilespmem:s16], [sflag:$0x2] =	stream.indirect_vreg.gather [hbm4b:s5+s6], $0x80, v5, vm0, $0xb8;
	[tilespmem:$0x1E400] =	vst v63  }
0x6a5: {  	s17 =	simm.s32 $0x1CC00  }
0x6a6: {  	[tilespmem:s17], [sflag:$0x2] =	stream.indirect_vreg.gather [hbm4b:s11+s6], $0x80, v5, vm0, $0xb8;
	[tilespmem:$0x1E400] =	vst v63  }
0x6a7: {  	s18 =	simm.s32 $0x1D400  }
0x6a8: {  	[tilespmem:s18], [sflag:$0x2] =	stream.indirect_vreg.gather [hbm4b:s5+s6], $0x80, v4, vm0, $0xb8;
	[tilespmem:$0x1E400] =	vst v63  }
0x6a9: {  	s26 =	simm.s32 $0x1DC00;
	s13 =	simm.s32 $0x1  }
0x6aa: {  	[tilespmem:s26], [sflag:$0x2] =	stream.indirect_vreg.gather [hbm4b:s11+s6], $0x80, v4, vm0, $0xb8;
	[tilespmem:$0x1E400] =	vst v63  }
0x6ab: {  	_ =	swait.ge [sflag:s13], $0x8000  }
0x6ac: {  	[sflag:s13] =	ssyncset.done $0x0  }
0x6ad: {  	s18 =	simm.s32 $0xE400;
	s1 =	rddreg [dreg:$0xb];
	[sflag:s13] =	ssyncadd.s32 $0xFFFF8000  }
0x6ae: {  	[hbm4b:s1+s6] =	stream.linear.scatter [tilespmem:s18], [sflag:$0x4], $0x8000, $0x38;
	[tilespmem:$0x1E400] =	vst v63  }
0x6af: {  	v4 =	vld [tilespmem:$0x100];
	_ =	sdelay $0x4  }
0x6b0: {  	v5 =	vshll.u32 v4, $0x2  }
0x6b1: {  	v4 =	vand.u32 $0x7, v4;
	v5 =	vand.u32 $0xFFFFFFE0, v5  }
0x6b2: {  	v4 =	vor.u32 v4, v5  }
0x6b3: {  	v5 =	vperm.xlane v4, v1;
	_ =	sdelay $0x1  }
0x6b4: {  	v5 =	vadd.s32 v2, v5;
	_ =	sdelay $0x1  }
0x6b5: {  	v4 =	vperm.xlane v4, v3;
	_ =	sdelay $0x1  }
0x6b6: {  	s25 =	simm.s32 $0x6400;
	v4 =	vadd.s32 v2, v4  }
0x6b7: {  	[tilespmem:s25], [sflag:$0x3] =	stream.indirect_vreg.gather [hbm4b:s5+s6], $0x80, v5, vm0, $0xb8;
	[tilespmem:$0x1E400] =	vst v63  }
0x6b8: {  	s3 =	simm.s32 $0x6C00  }
0x6b9: {  	[tilespmem:s3], [sflag:$0x3] =	stream.indirect_vreg.gather [hbm4b:s11+s6], $0x80, v5, vm0, $0xb8;
	[tilespmem:$0x1E400] =	vst v63  }
0x6ba: {  	s24 =	simm.s32 $0x7400  }
0x6bb: {  	[tilespmem:s24], [sflag:$0x3] =	stream.indirect_vreg.gather [hbm4b:s5+s6], $0x80, v4, vm0, $0xb8;
	[tilespmem:$0x1E400] =	vst v63  }
0x6bc: {  	s28 =	simm.s32 $0x7C00  }
0x6bd: {  	[tilespmem:s28], [sflag:$0x3] =	stream.indirect_vreg.gather [hbm4b:s11+s6], $0x80, v4, vm0, $0xb8;
	[tilespmem:$0x1E400] =	vst v63  }
0x6be: {  	v4 =	vld [tilespmem:$0x110];
	_ =	sdelay $0x4  }
0x6bf: {  	v5 =	vshll.u32 v4, $0x2  }
0x6c0: {  	v4 =	vand.u32 $0x7, v4;
	v5 =	vand.u32 $0xFFFFFFE0, v5  }
0x6c1: {  	v4 =	vor.u32 v4, v5  }
0x6c2: {  	v5 =	vperm.xlane v4, v1;
	_ =	sdelay $0x1  }
0x6c3: {  	v5 =	vadd.s32 v2, v5;
	_ =	sdelay $0x1  }
0x6c4: {  	v4 =	vperm.xlane v4, v3;
	_ =	sdelay $0x1  }
0x6c5: {  	s3 =	simm.s32 $0x8400;
	v4 =	vadd.s32 v2, v4  }
0x6c6: {  	[tilespmem:s3], [sflag:$0x3] =	stream.indirect_vreg.gather [hbm4b:s5+s6], $0x80, v5, vm0, $0xb8;
	[tilespmem:$0x1E400] =	vst v63  }
0x6c7: {  	s24 =	simm.s32 $0x8C00  }
0x6c8: {  	[tilespmem:s24], [sflag:$0x3] =	stream.indirect_vreg.gather [hbm4b:s11+s6], $0x80, v5, vm0, $0xb8;
	[tilespmem:$0x1E400] =	vst v63  }
0x6c9: {  	s3 =	simm.s32 $0x9400  }
0x6ca: {  	[tilespmem:s3], [sflag:$0x3] =	stream.indirect_vreg.gather [hbm4b:s5+s6], $0x80, v4, vm0, $0xb8;
	[tilespmem:$0x1E400] =	vst v63  }
0x6cb: {  	s24 =	simm.s32 $0x9C00  }
0x6cc: {  	[tilespmem:s24], [sflag:$0x3] =	stream.indirect_vreg.gather [hbm4b:s11+s6], $0x80, v4, vm0, $0xb8;
	[tilespmem:$0x1E400] =	vst v63  }
0x6cd: {  	v4 =	vld [tilespmem:$0x120];
	_ =	sdelay $0x4  }
0x6ce: {  	v5 =	vshll.u32 v4, $0x2  }
0x6cf: {  	v4 =	vand.u32 $0x7, v4;
	v5 =	vand.u32 $0xFFFFFFE0, v5  }
0x6d0: {  	v4 =	vor.u32 v4, v5  }
0x6d1: {  	v5 =	vperm.xlane v4, v1;
	_ =	sdelay $0x1  }
0x6d2: {  	v5 =	vadd.s32 v2, v5;
	_ =	sdelay $0x1  }
0x6d3: {  	v4 =	vperm.xlane v4, v3;
	_ =	sdelay $0x1  }
0x6d4: {  	s3 =	simm.s32 $0xA400;
	v4 =	vadd.s32 v2, v4  }
0x6d5: {  	[tilespmem:s3], [sflag:$0x3] =	stream.indirect_vreg.gather [hbm4b:s5+s6], $0x80, v5, vm0, $0xb8;
	[tilespmem:$0x1E400] =	vst v63  }
0x6d6: {  	s24 =	simm.s32 $0xAC00  }
0x6d7: {  	[tilespmem:s24], [sflag:$0x3] =	stream.indirect_vreg.gather [hbm4b:s11+s6], $0x80, v5, vm0, $0xb8;
	[tilespmem:$0x1E400] =	vst v63  }
0x6d8: {  	s3 =	simm.s32 $0xB400  }
0x6d9: {  	[tilespmem:s3], [sflag:$0x3] =	stream.indirect_vreg.gather [hbm4b:s5+s6], $0x80, v4, vm0, $0xb8;
	[tilespmem:$0x1E400] =	vst v63  }
0x6da: {  	s24 =	simm.s32 $0xBC00  }
0x6db: {  	[tilespmem:s24], [sflag:$0x3] =	stream.indirect_vreg.gather [hbm4b:s11+s6], $0x80, v4, vm0, $0xb8;
	[tilespmem:$0x1E400] =	vst v63  }
0x6dc: {  	v4 =	vld [tilespmem:$0x130];
	_ =	sdelay $0x4  }
0x6dd: {  	v5 =	vshll.u32 v4, $0x2  }
0x6de: {  	v4 =	vand.u32 $0x7, v4;
	v5 =	vand.u32 $0xFFFFFFE0, v5  }
0x6df: {  	v4 =	vor.u32 v4, v5  }
0x6e0: {  	v5 =	vperm.xlane v4, v1;
	_ =	sdelay $0x1  }
0x6e1: {  	v5 =	vadd.s32 v2, v5;
	_ =	sdelay $0x1  }
0x6e2: {  	v4 =	vperm.xlane v4, v3;
	_ =	sdelay $0x1  }
0x6e3: {  	s3 =	simm.s32 $0xC400;
	v4 =	vadd.s32 v2, v4  }
0x6e4: {  	[tilespmem:s3], [sflag:$0x3] =	stream.indirect_vreg.gather [hbm4b:s5+s6], $0x80, v5, vm0, $0xb8;
	[tilespmem:$0x1E400] =	vst v63  }
0x6e5: {  	s24 =	simm.s32 $0xCC00  }
0x6e6: {  	[tilespmem:s24], [sflag:$0x3] =	stream.indirect_vreg.gather [hbm4b:s11+s6], $0x80, v5, vm0, $0xb8;
	[tilespmem:$0x1E400] =	vst v63  }
0x6e7: {  	s3 =	simm.s32 $0xD400  }
0x6e8: {  	[tilespmem:s3], [sflag:$0x3] =	stream.indirect_vreg.gather [hbm4b:s5+s6], $0x80, v4, vm0, $0xb8;
	[tilespmem:$0x1E400] =	vst v63  }
0x6e9: {  	s23 =	simm.s32 $0x2;
	s24 =	simm.s32 $0xDC00  }
0x6ea: {  	[tilespmem:s24], [sflag:$0x3] =	stream.indirect_vreg.gather [hbm4b:s11+s6], $0x80, v4, vm0, $0xb8;
	[tilespmem:$0x1E400] =	vst v63  }
0x6eb: {  	_ =	swait.ge [sflag:s23], $0x8000  }
0x6ec: {  	[sflag:s23] =	ssyncset.done $0x0  }
0x6ed: {  	s24 =	simm.s32 $0x4;
	s3 =	rddreg [dreg:$0xc];
	[sflag:s23] =	ssyncadd.s32 $0xFFFF8000  }
0x6ee: {  	[hbm4b:s3+s6] =	stream.linear.scatter [tilespmem:s0], [sflag:$0x5], $0x8000, $0x38;
	[tilespmem:$0x1E400] =	vst v63  }
0x6ef: {  	_ =	swait.ge [sflag:s24], $0x8000  }
0x6f0: {  	[sflag:s24] =	ssyncset.done $0x0  }
0x6f1: {  	[sflag:s24] =	ssyncadd.s32 $0xFFFF8000  }
0x6f2: {  	v4 =	vld [tilespmem:$0x180];
	_ =	sdelay $0x4  }
0x6f3: {  	v5 =	vshll.u32 v4, $0x2  }
0x6f4: {  	v4 =	vand.u32 $0x7, v4;
	v5 =	vand.u32 $0xFFFFFFE0, v5  }
0x6f5: {  	v4 =	vor.u32 v4, v5  }
0x6f6: {  	v5 =	vperm.xlane v4, v1;
	_ =	sdelay $0x1  }
0x6f7: {  	v5 =	vadd.s32 v2, v5;
	_ =	sdelay $0x1  }
0x6f8: {  	v4 =	vperm.xlane v4, v3;
	_ =	sdelay $0x1  }
0x6f9: {  	v4 =	vadd.s32 v2, v4  }
0x6fa: {  	[tilespmem:s18], [sflag:$0x1] =	stream.indirect_vreg.gather [hbm4b:s5+s6], $0x80, v5, vm0, $0xb8;
	[tilespmem:$0x1E400] =	vst v63  }
0x6fb: {  	_ = 	snop  }
0x6fc: {  	[tilespmem:s29], [sflag:$0x1] =	stream.indirect_vreg.gather [hbm4b:s11+s6], $0x80, v5, vm0, $0xb8;
	[tilespmem:$0x1E400] =	vst v63  }
0x6fd: {  	s21 =	simm.s32 $0xF400  }
0x6fe: {  	[tilespmem:s21], [sflag:$0x1] =	stream.indirect_vreg.gather [hbm4b:s5+s6], $0x80, v4, vm0, $0xb8;
	[tilespmem:$0x1E400] =	vst v63  }
0x6ff: {  	s10 =	simm.s32 $0xFC00  }
0x700: {  	[tilespmem:s10], [sflag:$0x1] =	stream.indirect_vreg.gather [hbm4b:s11+s6], $0x80, v4, vm0, $0xb8;
	[tilespmem:$0x1E400] =	vst v63  }
0x701: {  	v4 =	vld [tilespmem:$0x190];
	_ =	sdelay $0x4  }
0x702: {  	v5 =	vshll.u32 v4, $0x2  }
0x703: {  	v4 =	vand.u32 $0x7, v4;
	v5 =	vand.u32 $0xFFFFFFE0, v5  }
0x704: {  	v4 =	vor.u32 v4, v5  }
0x705: {  	v5 =	vperm.xlane v4, v1;
	_ =	sdelay $0x1  }
0x706: {  	v5 =	vadd.s32 v2, v5;
	_ =	sdelay $0x1  }
0x707: {  	v4 =	vperm.xlane v4, v3;
	_ =	sdelay $0x1  }
0x708: {  	v4 =	vadd.s32 v2, v4  }
0x709: {  	[tilespmem:s20], [sflag:$0x1] =	stream.indirect_vreg.gather [hbm4b:s5+s6], $0x80, v5, vm0, $0xb8;
	[tilespmem:$0x1E400] =	vst v63  }
0x70a: {  	s26 =	simm.s32 $0x10C00  }
0x70b: {  	[tilespmem:s26], [sflag:$0x1] =	stream.indirect_vreg.gather [hbm4b:s11+s6], $0x80, v5, vm0, $0xb8;
	[tilespmem:$0x1E400] =	vst v63  }
0x70c: {  	s9 =	simm.s32 $0x11400  }
0x70d: {  	[tilespmem:s9], [sflag:$0x1] =	stream.indirect_vreg.gather [hbm4b:s5+s6], $0x80, v4, vm0, $0xb8;
	[tilespmem:$0x1E400] =	vst v63  }
0x70e: {  	s16 =	simm.s32 $0x11C00  }
0x70f: {  	[tilespmem:s16], [sflag:$0x1] =	stream.indirect_vreg.gather [hbm4b:s11+s6], $0x80, v4, vm0, $0xb8;
	[tilespmem:$0x1E400] =	vst v63  }
0x710: {  	v4 =	vld [tilespmem:$0x1A0];
	_ =	sdelay $0x4  }
0x711: {  	v5 =	vshll.u32 v4, $0x2  }
0x712: {  	v4 =	vand.u32 $0x7, v4;
	v5 =	vand.u32 $0xFFFFFFE0, v5  }
0x713: {  	v4 =	vor.u32 v4, v5  }
0x714: {  	v5 =	vperm.xlane v4, v1;
	_ =	sdelay $0x1  }
0x715: {  	v5 =	vadd.s32 v2, v5;
	_ =	sdelay $0x1  }
0x716: {  	v4 =	vperm.xlane v4, v3;
	_ =	sdelay $0x1  }
0x717: {  	s17 =	simm.s32 $0x12400;
	v4 =	vadd.s32 v2, v4  }
0x718: {  	[tilespmem:s17], [sflag:$0x1] =	stream.indirect_vreg.gather [hbm4b:s5+s6], $0x80, v5, vm0, $0xb8;
	[tilespmem:$0x1E400] =	vst v63  }
0x719: {  	s15 =	simm.s32 $0x12C00  }
0x71a: {  	[tilespmem:s15], [sflag:$0x1] =	stream.indirect_vreg.gather [hbm4b:s11+s6], $0x80, v5, vm0, $0xb8;
	[tilespmem:$0x1E400] =	vst v63  }
0x71b: {  	s14 =	simm.s32 $0x13400  }
0x71c: {  	[tilespmem:s14], [sflag:$0x1] =	stream.indirect_vreg.gather [hbm4b:s5+s6], $0x80, v4, vm0, $0xb8;
	[tilespmem:$0x1E400] =	vst v63  }
0x71d: {  	s12 =	simm.s32 $0x13C00  }
0x71e: {  	[tilespmem:s12], [sflag:$0x1] =	stream.indirect_vreg.gather [hbm4b:s11+s6], $0x80, v4, vm0, $0xb8;
	[tilespmem:$0x1E400] =	vst v63  }
0x71f: {  	v4 =	vld [tilespmem:$0x1B0];
	_ =	sdelay $0x4  }
0x720: {  	v5 =	vshll.u32 v4, $0x2  }
0x721: {  	v4 =	vand.u32 $0x7, v4;
	v5 =	vand.u32 $0xFFFFFFE0, v5  }
0x722: {  	v4 =	vor.u32 v4, v5  }
0x723: {  	v5 =	vperm.xlane v4, v1;
	_ =	sdelay $0x1  }
0x724: {  	v5 =	vadd.s32 v2, v5;
	_ =	sdelay $0x1  }
0x725: {  	v4 =	vperm.xlane v4, v3;
	_ =	sdelay $0x1  }
0x726: {  	s9 =	simm.s32 $0x14400;
	v4 =	vadd.s32 v2, v4  }
0x727: {  	[tilespmem:s9], [sflag:$0x1] =	stream.indirect_vreg.gather [hbm4b:s5+s6], $0x80, v5, vm0, $0xb8;
	[tilespmem:$0x1E400] =	vst v63  }
0x728: {  	s10 =	simm.s32 $0x14C00  }
0x729: {  	[tilespmem:s10], [sflag:$0x1] =	stream.indirect_vreg.gather [hbm4b:s11+s6], $0x80, v5, vm0, $0xb8;
	[tilespmem:$0x1E400] =	vst v63  }
0x72a: {  	s7 =	simm.s32 $0x15400  }
0x72b: {  	[tilespmem:s7], [sflag:$0x1] =	stream.indirect_vreg.gather [hbm4b:s5+s6], $0x80, v4, vm0, $0xb8;
	[tilespmem:$0x1E400] =	vst v63  }
0x72c: {  	s28 =	simm.s32 $0x3;
	s12 =	simm.s32 $0x15C00  }
0x72d: {  	[tilespmem:s12], [sflag:$0x1] =	stream.indirect_vreg.gather [hbm4b:s11+s6], $0x80, v4, vm0, $0xb8;
	[tilespmem:$0x1E400] =	vst v63  }
0x72e: {  	_ =	swait.ge [sflag:s28], $0x8000  }
0x72f: {  	[sflag:s28] =	ssyncset.done $0x0  }
0x730: {  	s3 =	simm.s32 $0x5;
	s15 =	rddreg [dreg:$0xd];
	[sflag:s28] =	ssyncadd.s32 $0xFFFF8000  }
0x731: {  	[hbm4b:s15+s6] =	stream.linear.scatter [tilespmem:s25], [sflag:$0x6], $0x8000, $0x38;
	[tilespmem:$0x1E400] =	vst v63  }
0x732: {  	_ =	swait.ge [sflag:s3], $0x8000  }
0x733: {  	[sflag:s3] =	ssyncset.done $0x0  }
0x734: {  	[sflag:s3] =	ssyncadd.s32 $0xFFFF8000  }
0x735: {  	v4 =	vld [tilespmem:$0x200];
	_ =	sdelay $0x4  }
0x736: {  	v5 =	vshll.u32 v4, $0x2  }
0x737: {  	v4 =	vand.u32 $0x7, v4;
	v5 =	vand.u32 $0xFFFFFFE0, v5  }
0x738: {  	v4 =	vor.u32 v4, v5  }
0x739: {  	v5 =	vperm.xlane v4, v1;
	_ =	sdelay $0x1  }
0x73a: {  	v5 =	vadd.s32 v2, v5;
	_ =	sdelay $0x1  }
0x73b: {  	v4 =	vperm.xlane v4, v3;
	_ =	sdelay $0x1  }
0x73c: {  	s14 =	simm.s32 $0x16400;
	v4 =	vadd.s32 v2, v4  }
0x73d: {  	[tilespmem:s14], [sflag:$0x2] =	stream.indirect_vreg.gather [hbm4b:s5+s6], $0x80, v5, vm0, $0xb8;
	[tilespmem:$0x1E400] =	vst v63  }
0x73e: {  	_ = 	snop  }
0x73f: {  	[tilespmem:s22], [sflag:$0x2] =	stream.indirect_vreg.gather [hbm4b:s11+s6], $0x80, v5, vm0, $0xb8;
	[tilespmem:$0x1E400] =	vst v63  }
0x740: {  	_ = 	snop  }
0x741: {  	[tilespmem:s30], [sflag:$0x2] =	stream.indirect_vreg.gather [hbm4b:s5+s6], $0x80, v4, vm0, $0xb8;
	[tilespmem:$0x1E400] =	vst v63  }
0x742: {  	_ = 	snop  }
0x743: {  	[tilespmem:s31], [sflag:$0x2] =	stream.indirect_vreg.gather [hbm4b:s11+s6], $0x80, v4, vm0, $0xb8;
	[tilespmem:$0x1E400] =	vst v63  }
0x744: {  	v4 =	vld [tilespmem:$0x210];
	_ =	sdelay $0x4  }
0x745: {  	v5 =	vshll.u32 v4, $0x2  }
0x746: {  	v4 =	vand.u32 $0x7, v4;
	v5 =	vand.u32 $0xFFFFFFE0, v5  }
0x747: {  	v4 =	vor.u32 v4, v5  }
0x748: {  	v5 =	vperm.xlane v4, v1;
	_ =	sdelay $0x1  }
0x749: {  	v5 =	vadd.s32 v2, v5;
	_ =	sdelay $0x1  }
0x74a: {  	v4 =	vperm.xlane v4, v3;
	_ =	sdelay $0x1  }
0x74b: {  	s16 =	simm.s32 $0x18400;
	v4 =	vadd.s32 v2, v4  }
0x74c: {  	[tilespmem:s16], [sflag:$0x2] =	stream.indirect_vreg.gather [hbm4b:s5+s6], $0x80, v5, vm0, $0xb8;
	[tilespmem:$0x1E400] =	vst v63  }
0x74d: {  	s17 =	simm.s32 $0x18C00  }
0x74e: {  	[tilespmem:s17], [sflag:$0x2] =	stream.indirect_vreg.gather [hbm4b:s11+s6], $0x80, v5, vm0, $0xb8;
	[tilespmem:$0x1E400] =	vst v63  }
0x74f: {  	_ = 	snop  }
0x750: {  	[tilespmem:s8], [sflag:$0x2] =	stream.indirect_vreg.gather [hbm4b:s5+s6], $0x80, v4, vm0, $0xb8;
	[tilespmem:$0x1E400] =	vst v63  }
0x751: {  	s21 =	simm.s32 $0x19C00  }
0x752: {  	[tilespmem:s21], [sflag:$0x2] =	stream.indirect_vreg.gather [hbm4b:s11+s6], $0x80, v4, vm0, $0xb8;
	[tilespmem:$0x1E400] =	vst v63  }
0x753: {  	v4 =	vld [tilespmem:$0x220];
	_ =	sdelay $0x4  }
0x754: {  	v5 =	vshll.u32 v4, $0x2  }
0x755: {  	v4 =	vand.u32 $0x7, v4;
	v5 =	vand.u32 $0xFFFFFFE0, v5  }
0x756: {  	v4 =	vor.u32 v4, v5  }
0x757: {  	v5 =	vperm.xlane v4, v1;
	_ =	sdelay $0x1  }
0x758: {  	v5 =	vadd.s32 v2, v5;
	_ =	sdelay $0x1  }
0x759: {  	v4 =	vperm.xlane v4, v3;
	_ =	sdelay $0x1  }
0x75a: {  	s23 =	simm.s32 $0x1A400;
	v4 =	vadd.s32 v2, v4  }
0x75b: {  	[tilespmem:s23], [sflag:$0x2] =	stream.indirect_vreg.gather [hbm4b:s5+s6], $0x80, v5, vm0, $0xb8;
	[tilespmem:$0x1E400] =	vst v63  }
0x75c: {  	s26 =	simm.s32 $0x1AC00  }
0x75d: {  	[tilespmem:s26], [sflag:$0x2] =	stream.indirect_vreg.gather [hbm4b:s11+s6], $0x80, v5, vm0, $0xb8;
	[tilespmem:$0x1E400] =	vst v63  }
0x75e: {  	s25 =	simm.s32 $0x1B400  }
0x75f: {  	[tilespmem:s25], [sflag:$0x2] =	stream.indirect_vreg.gather [hbm4b:s5+s6], $0x80, v4, vm0, $0xb8;
	[tilespmem:$0x1E400] =	vst v63  }
0x760: {  	s23 =	simm.s32 $0x1BC00  }
0x761: {  	[tilespmem:s23], [sflag:$0x2] =	stream.indirect_vreg.gather [hbm4b:s11+s6], $0x80, v4, vm0, $0xb8;
	[tilespmem:$0x1E400] =	vst v63  }
0x762: {  	v4 =	vld [tilespmem:$0x230];
	_ =	sdelay $0x4  }
0x763: {  	v5 =	vshll.u32 v4, $0x2  }
0x764: {  	v4 =	vand.u32 $0x7, v4;
	v5 =	vand.u32 $0xFFFFFFE0, v5  }
0x765: {  	v4 =	vor.u32 v4, v5  }
0x766: {  	v5 =	vperm.xlane v4, v1;
	_ =	sdelay $0x1  }
0x767: {  	v5 =	vadd.s32 v2, v5  }
0x768: {  	s0 =	simm.s32 $0x6;
	s18 =	simm.s32 $0x1DC00  }
0x769: {  	s29 =	simm.s32 $0x16400;
	s20 =	simm.s32 $0x1D400;
	s9 =	simm.s32 $0x6400;
	v4 =	vperm.xlane v4, v3  }
0x76a: {  	s10 =	simm.s32 $0x2;
	s7 =	simm.s32 $0xCC00;
	s12 =	simm.s32 $0x17400  }
0x76b: {  	s15 =	simm.s32 $0x7400;
	s14 =	simm.s32 $0xA400;
	s22 =	simm.s32 $0x1C400;
	v4 =	vadd.s32 v2, v4  }
0x76c: {  	[tilespmem:s22], [sflag:$0x2] =	stream.indirect_vreg.gather [hbm4b:s5+s6], $0x80, v5, vm0, $0xb8;
	[tilespmem:$0x1E400] =	vst v63  }
0x76d: {  	s30 =	simm.s32 $0x18400;
	s31 =	simm.s32 $0x8C00;
	s21 =	simm.s32 $0x1CC00  }
0x76e: {  	[tilespmem:s21], [sflag:$0x2] =	stream.indirect_vreg.gather [hbm4b:s11+s6], $0x80, v5, vm0, $0xb8;
	[tilespmem:$0x1E400] =	vst v63  }
0x76f: {  	s16 =	simm.s32 $0xE400;
	s17 =	simm.s32 $0x15400;
	s8 =	simm.s32 $0x9400  }
0x770: {  	[tilespmem:s20], [sflag:$0x2] =	stream.indirect_vreg.gather [hbm4b:s5+s6], $0x80, v4, vm0, $0xb8;
	[tilespmem:$0x1E400] =	vst v63  }
0x771: {  	s26 =	simm.s32 $0xC400;
	s25 =	rddreg [dreg:$0x1b];
	s22 =	simm.s32 $0x8400  }
0x772: {  	[tilespmem:s18], [sflag:$0x2] =	stream.indirect_vreg.gather [hbm4b:s11+s6], $0x80, v4, vm0, $0xb8;
	[tilespmem:$0x1E400] =	vst v63  }
0x773: {  	s21 =	simm.s32 $0xBC00;
	s20 =	simm.s32 $0xB400;
	s18 =	simm.s32 $0x3B0  }
.LBB2_27:
0x774: {  	_ =	swait.ge [sflag:s13], $0x8000  }
0x775: {  	s23 =	sadd.s32 s6, s25;
	[sflag:s13] =	ssyncset.done $0x0  }
0x776: {  	s1 =	sadd.s32 $0x3000, s23;
	[sflag:s13] =	ssyncadd.s32 $0xFFFF8000  }
0x777: {  	[hbm4b:s1+s2] =	stream.linear.scatter [tilespmem:s16], [sflag:$0x4], $0x8000, $0x38;
	[tilespmem:$0x1E400] =	vst v63  }
0x778: {  	_ =	swait.ge [sflag:s0], $0x8000  }
0x779: {  	[sflag:s0] =	ssyncset.done $0x0  }
0x77a: {  	[sflag:s0] =	ssyncadd.s32 $0xFFFF8000  }
0x77b: {  	v4 =	vld [tilespmem:s18+$0xFFFFFED0];
	_ =	sdelay $0x4  }
0x77c: {  	v5 =	vshll.u32 v4, $0x2  }
0x77d: {  	v4 =	vand.u32 $0x7, v4;
	v5 =	vand.u32 $0xFFFFFFE0, v5  }
0x77e: {  	v5 =	vor.u32 v4, v5  }
0x77f: {  	v4 =	vperm.xlane v5, v1;
	_ =	sdelay $0x1  }
0x780: {  	v6 =	vadd.s32 v2, v4  }
0x781: {  	v4 =	vor.u32 $0x8, v0  }
0x782: {  	v5 =	vperm.xlane v5, v4;
	_ =	sdelay $0x1  }
0x783: {  	v5 =	vadd.s32 v2, v5  }
0x784: {  	[tilespmem:s9], [sflag:$0x3] =	stream.indirect_vreg.gather [hbm4b:s5+s2], $0x80, v6, vm0, $0xb8;
	[tilespmem:$0x1E400] =	vst v63  }
0x785: {  	s1 =	simm.s32 $0x6C00  }
0x786: {  	[tilespmem:s1], [sflag:$0x3] =	stream.indirect_vreg.gather [hbm4b:s11+s2], $0x80, v6, vm0, $0xb8;
	[tilespmem:$0x1E400] =	vst v63  }
0x787: {  	_ = 	snop  }
0x788: {  	[tilespmem:s15], [sflag:$0x3] =	stream.indirect_vreg.gather [hbm4b:s5+s2], $0x80, v5, vm0, $0xb8;
	[tilespmem:$0x1E400] =	vst v63  }
0x789: {  	s1 =	simm.s32 $0x7C00  }
0x78a: {  	[tilespmem:s1], [sflag:$0x3] =	stream.indirect_vreg.gather [hbm4b:s11+s2], $0x80, v5, vm0, $0xb8;
	[tilespmem:$0x1E400] =	vst v63  }
0x78b: {  	v5 =	vld [tilespmem:s18+$0xFFFFFEE0];
	_ =	sdelay $0x4  }
0x78c: {  	v53 =	vshll.u32 v5, $0x2  }
0x78d: {  	v5 =	vand.u32 $0x7, v5;
	v6 =	vand.u32 $0xFFFFFFE0, v53  }
0x78e: {  	v5 =	vor.u32 v5, v6  }
0x78f: {  	v6 =	vperm.xlane v5, v1;
	_ =	sdelay $0x1  }
0x790: {  	v6 =	vadd.s32 v2, v6;
	_ =	sdelay $0x1  }
0x791: {  	v5 =	vperm.xlane v5, v4;
	_ =	sdelay $0x1  }
0x792: {  	v5 =	vadd.s32 v2, v5  }
0x793: {  	[tilespmem:s22], [sflag:$0x3] =	stream.indirect_vreg.gather [hbm4b:s5+s2], $0x80, v6, vm0, $0xb8;
	[tilespmem:$0x1E400] =	vst v63  }
0x794: {  	_ = 	snop  }
0x795: {  	[tilespmem:s31], [sflag:$0x3] =	stream.indirect_vreg.gather [hbm4b:s11+s2], $0x80, v6, vm0, $0xb8;
	[tilespmem:$0x1E400] =	vst v63  }
0x796: {  	_ = 	snop  }
0x797: {  	[tilespmem:s8], [sflag:$0x3] =	stream.indirect_vreg.gather [hbm4b:s5+s2], $0x80, v5, vm0, $0xb8;
	[tilespmem:$0x1E400] =	vst v63  }
0x798: {  	s1 =	simm.s32 $0x9C00  }
0x799: {  	[tilespmem:s1], [sflag:$0x3] =	stream.indirect_vreg.gather [hbm4b:s11+s2], $0x80, v5, vm0, $0xb8;
	[tilespmem:$0x1E400] =	vst v63  }
0x79a: {  	v5 =	vld [tilespmem:s18+$0xFFFFFEF0];
	_ =	sdelay $0x4  }
0x79b: {  	v54 =	vshll.u32 v5, $0x2  }
0x79c: {  	v5 =	vand.u32 $0x7, v5;
	v6 =	vand.u32 $0xFFFFFFE0, v54  }
0x79d: {  	v5 =	vor.u32 v5, v6  }
0x79e: {  	v6 =	vperm.xlane v5, v1;
	_ =	sdelay $0x1  }
0x79f: {  	v6 =	vadd.s32 v2, v6;
	_ =	sdelay $0x1  }
0x7a0: {  	v5 =	vperm.xlane v5, v4;
	_ =	sdelay $0x1  }
0x7a1: {  	v5 =	vadd.s32 v2, v5  }
0x7a2: {  	[tilespmem:s14], [sflag:$0x3] =	stream.indirect_vreg.gather [hbm4b:s5+s2], $0x80, v6, vm0, $0xb8;
	[tilespmem:$0x1E400] =	vst v63  }
0x7a3: {  	s1 =	simm.s32 $0xAC00  }
0x7a4: {  	[tilespmem:s1], [sflag:$0x3] =	stream.indirect_vreg.gather [hbm4b:s11+s2], $0x80, v6, vm0, $0xb8;
	[tilespmem:$0x1E400] =	vst v63  }
0x7a5: {  	_ = 	snop  }
0x7a6: {  	[tilespmem:s20], [sflag:$0x3] =	stream.indirect_vreg.gather [hbm4b:s5+s2], $0x80, v5, vm0, $0xb8;
	[tilespmem:$0x1E400] =	vst v63  }
0x7a7: {  	_ = 	snop  }
0x7a8: {  	[tilespmem:s21], [sflag:$0x3] =	stream.indirect_vreg.gather [hbm4b:s11+s2], $0x80, v5, vm0, $0xb8;
	[tilespmem:$0x1E400] =	vst v63  }
0x7a9: {  	v5 =	vld [tilespmem:s18+$0xFFFFFF00];
	_ =	sdelay $0x4  }
0x7aa: {  	v55 =	vshll.u32 v5, $0x2  }
0x7ab: {  	v5 =	vand.u32 $0x7, v5;
	v6 =	vand.u32 $0xFFFFFFE0, v55  }
0x7ac: {  	v5 =	vor.u32 v5, v6  }
0x7ad: {  	v6 =	vperm.xlane v5, v1;
	_ =	sdelay $0x1  }
0x7ae: {  	v6 =	vadd.s32 v2, v6;
	_ =	sdelay $0x1  }
0x7af: {  	v5 =	vperm.xlane v5, v4;
	_ =	sdelay $0x1  }
0x7b0: {  	v5 =	vadd.s32 v2, v5  }
0x7b1: {  	[tilespmem:s26], [sflag:$0x3] =	stream.indirect_vreg.gather [hbm4b:s5+s2], $0x80, v6, vm0, $0xb8;
	[tilespmem:$0x1E400] =	vst v63  }
0x7b2: {  	_ = 	snop  }
0x7b3: {  	[tilespmem:s7], [sflag:$0x3] =	stream.indirect_vreg.gather [hbm4b:s11+s2], $0x80, v6, vm0, $0xb8;
	[tilespmem:$0x1E400] =	vst v63  }
0x7b4: {  	s1 =	simm.s32 $0xD400  }
0x7b5: {  	[tilespmem:s1], [sflag:$0x3] =	stream.indirect_vreg.gather [hbm4b:s5+s2], $0x80, v5, vm0, $0xb8;
	[tilespmem:$0x1E400] =	vst v63  }
0x7b6: {  	s1 =	simm.s32 $0xDC00  }
0x7b7: {  	[tilespmem:s1], [sflag:$0x3] =	stream.indirect_vreg.gather [hbm4b:s11+s2], $0x80, v5, vm0, $0xb8;
	[tilespmem:$0x1E400] =	vst v63  }
0x7b8: {  	_ =	swait.ge [sflag:s10], $0x8000  }
0x7b9: {  	[sflag:s10] =	ssyncset.done $0x0  }
0x7ba: {  	s1 =	sadd.s32 $0x4000, s23;
	[sflag:s10] =	ssyncadd.s32 $0xFFFF8000  }
0x7bb: {  	[hbm4b:s1+s2] =	stream.linear.scatter [tilespmem:s29], [sflag:$0x5], $0x8000, $0x38;
	[tilespmem:$0x1E400] =	vst v63  }
0x7bc: {  	_ =	swait.ge [sflag:s24], $0x8000  }
0x7bd: {  	[sflag:s24] =	ssyncset.done $0x0  }
0x7be: {  	[sflag:s24] =	ssyncadd.s32 $0xFFFF8000  }
0x7bf: {  	v5 =	vld [tilespmem:s18+$0xFFFFFF50];
	_ =	sdelay $0x4  }
0x7c0: {  	v56 =	vshll.u32 v5, $0x2  }
0x7c1: {  	v5 =	vand.u32 $0x7, v5;
	v6 =	vand.u32 $0xFFFFFFE0, v56  }
0x7c2: {  	v5 =	vor.u32 v5, v6  }
0x7c3: {  	v6 =	vperm.xlane v5, v1;
	_ =	sdelay $0x1  }
0x7c4: {  	v6 =	vadd.s32 v2, v6;
	_ =	sdelay $0x1  }
0x7c5: {  	v5 =	vperm.xlane v5, v4;
	_ =	sdelay $0x1  }
0x7c6: {  	v5 =	vadd.s32 v2, v5  }
0x7c7: {  	[tilespmem:s16], [sflag:$0x1] =	stream.indirect_vreg.gather [hbm4b:s5+s2], $0x80, v6, vm0, $0xb8;
	[tilespmem:$0x1E400] =	vst v63  }
0x7c8: {  	s1 =	simm.s32 $0xEC00  }
0x7c9: {  	[tilespmem:s1], [sflag:$0x1] =	stream.indirect_vreg.gather [hbm4b:s11+s2], $0x80, v6, vm0, $0xb8;
	[tilespmem:$0x1E400] =	vst v63  }
0x7ca: {  	s1 =	simm.s32 $0xF400  }
0x7cb: {  	[tilespmem:s1], [sflag:$0x1] =	stream.indirect_vreg.gather [hbm4b:s5+s2], $0x80, v5, vm0, $0xb8;
	[tilespmem:$0x1E400] =	vst v63  }
0x7cc: {  	s1 =	simm.s32 $0xFC00  }
0x7cd: {  	[tilespmem:s1], [sflag:$0x1] =	stream.indirect_vreg.gather [hbm4b:s11+s2], $0x80, v5, vm0, $0xb8;
	[tilespmem:$0x1E400] =	vst v63  }
0x7ce: {  	v5 =	vld [tilespmem:s18+$0xFFFFFF60];
	_ =	sdelay $0x4  }
0x7cf: {  	v57 =	vshll.u32 v5, $0x2  }
0x7d0: {  	v5 =	vand.u32 $0x7, v5;
	v6 =	vand.u32 $0xFFFFFFE0, v57  }
0x7d1: {  	v5 =	vor.u32 v5, v6  }
0x7d2: {  	v6 =	vperm.xlane v5, v1;
	_ =	sdelay $0x1  }
0x7d3: {  	v6 =	vadd.s32 v2, v6;
	_ =	sdelay $0x1  }
0x7d4: {  	v5 =	vperm.xlane v5, v4;
	_ =	sdelay $0x1  }
0x7d5: {  	s1 =	simm.s32 $0x10400;
	v5 =	vadd.s32 v2, v5  }
0x7d6: {  	[tilespmem:s1], [sflag:$0x1] =	stream.indirect_vreg.gather [hbm4b:s5+s2], $0x80, v6, vm0, $0xb8;
	[tilespmem:$0x1E400] =	vst v63  }
0x7d7: {  	s1 =	simm.s32 $0x10C00  }
0x7d8: {  	[tilespmem:s1], [sflag:$0x1] =	stream.indirect_vreg.gather [hbm4b:s11+s2], $0x80, v6, vm0, $0xb8;
	[tilespmem:$0x1E400] =	vst v63  }
0x7d9: {  	s1 =	simm.s32 $0x11400  }
0x7da: {  	[tilespmem:s1], [sflag:$0x1] =	stream.indirect_vreg.gather [hbm4b:s5+s2], $0x80, v5, vm0, $0xb8;
	[tilespmem:$0x1E400] =	vst v63  }
0x7db: {  	s1 =	simm.s32 $0x11C00  }
0x7dc: {  	[tilespmem:s1], [sflag:$0x1] =	stream.indirect_vreg.gather [hbm4b:s11+s2], $0x80, v5, vm0, $0xb8;
	[tilespmem:$0x1E400] =	vst v63  }
0x7dd: {  	v5 =	vld [tilespmem:s18+$0xFFFFFF70];
	_ =	sdelay $0x4  }
0x7de: {  	v58 =	vshll.u32 v5, $0x2  }
0x7df: {  	v5 =	vand.u32 $0x7, v5;
	v6 =	vand.u32 $0xFFFFFFE0, v58  }
0x7e0: {  	v5 =	vor.u32 v5, v6  }
0x7e1: {  	v6 =	vperm.xlane v5, v1;
	_ =	sdelay $0x1  }
0x7e2: {  	v6 =	vadd.s32 v2, v6;
	_ =	sdelay $0x1  }
0x7e3: {  	v5 =	vperm.xlane v5, v4;
	_ =	sdelay $0x1  }
0x7e4: {  	s1 =	simm.s32 $0x12400;
	v5 =	vadd.s32 v2, v5  }
0x7e5: {  	[tilespmem:s1], [sflag:$0x1] =	stream.indirect_vreg.gather [hbm4b:s5+s2], $0x80, v6, vm0, $0xb8;
	[tilespmem:$0x1E400] =	vst v63  }
0x7e6: {  	s1 =	simm.s32 $0x12C00  }
0x7e7: {  	[tilespmem:s1], [sflag:$0x1] =	stream.indirect_vreg.gather [hbm4b:s11+s2], $0x80, v6, vm0, $0xb8;
	[tilespmem:$0x1E400] =	vst v63  }
0x7e8: {  	s1 =	simm.s32 $0x13400  }
0x7e9: {  	[tilespmem:s1], [sflag:$0x1] =	stream.indirect_vreg.gather [hbm4b:s5+s2], $0x80, v5, vm0, $0xb8;
	[tilespmem:$0x1E400] =	vst v63  }
0x7ea: {  	s1 =	simm.s32 $0x13C00  }
0x7eb: {  	[tilespmem:s1], [sflag:$0x1] =	stream.indirect_vreg.gather [hbm4b:s11+s2], $0x80, v5, vm0, $0xb8;
	[tilespmem:$0x1E400] =	vst v63  }
0x7ec: {  	v5 =	vld [tilespmem:s18+$0xFFFFFF80];
	_ =	sdelay $0x4  }
0x7ed: {  	v59 =	vshll.u32 v5, $0x2  }
0x7ee: {  	v5 =	vand.u32 $0x7, v5;
	v6 =	vand.u32 $0xFFFFFFE0, v59  }
0x7ef: {  	v5 =	vor.u32 v5, v6  }
0x7f0: {  	v6 =	vperm.xlane v5, v1;
	_ =	sdelay $0x1  }
0x7f1: {  	v6 =	vadd.s32 v2, v6;
	_ =	sdelay $0x1  }
0x7f2: {  	v5 =	vperm.xlane v5, v4;
	_ =	sdelay $0x1  }
0x7f3: {  	s1 =	simm.s32 $0x14400;
	v5 =	vadd.s32 v2, v5  }
0x7f4: {  	[tilespmem:s1], [sflag:$0x1] =	stream.indirect_vreg.gather [hbm4b:s5+s2], $0x80, v6, vm0, $0xb8;
	[tilespmem:$0x1E400] =	vst v63  }
0x7f5: {  	s1 =	simm.s32 $0x14C00  }
0x7f6: {  	[tilespmem:s1], [sflag:$0x1] =	stream.indirect_vreg.gather [hbm4b:s11+s2], $0x80, v6, vm0, $0xb8;
	[tilespmem:$0x1E400] =	vst v63  }
0x7f7: {  	_ = 	snop  }
0x7f8: {  	[tilespmem:s17], [sflag:$0x1] =	stream.indirect_vreg.gather [hbm4b:s5+s2], $0x80, v5, vm0, $0xb8;
	[tilespmem:$0x1E400] =	vst v63  }
0x7f9: {  	s1 =	simm.s32 $0x15C00  }
0x7fa: {  	[tilespmem:s1], [sflag:$0x1] =	stream.indirect_vreg.gather [hbm4b:s11+s2], $0x80, v5, vm0, $0xb8;
	[tilespmem:$0x1E400] =	vst v63  }
0x7fb: {  	_ =	swait.ge [sflag:s28], $0x8000  }
0x7fc: {  	[sflag:s28] =	ssyncset.done $0x0  }
0x7fd: {  	s1 =	sadd.s32 $0x5000, s23;
	[sflag:s28] =	ssyncadd.s32 $0xFFFF8000  }
0x7fe: {  	[hbm4b:s1+s2] =	stream.linear.scatter [tilespmem:s9], [sflag:$0x6], $0x8000, $0x38;
	[tilespmem:$0x1E400] =	vst v63  }
0x7ff: {  	_ =	swait.ge [sflag:s3], $0x8000  }
0x800: {  	[sflag:s3] =	ssyncset.done $0x0  }
0x801: {  	[sflag:s3] =	ssyncadd.s32 $0xFFFF8000  }
0x802: {  	v5 =	vld [tilespmem:s18+$0xFFFFFFD0];
	_ =	sdelay $0x4  }
0x803: {  	v60 =	vshll.u32 v5, $0x2  }
0x804: {  	v5 =	vand.u32 $0x7, v5;
	v6 =	vand.u32 $0xFFFFFFE0, v60  }
0x805: {  	v5 =	vor.u32 v5, v6  }
0x806: {  	v6 =	vperm.xlane v5, v1;
	_ =	sdelay $0x1  }
0x807: {  	v6 =	vadd.s32 v2, v6;
	_ =	sdelay $0x1  }
0x808: {  	v5 =	vperm.xlane v5, v4;
	_ =	sdelay $0x1  }
0x809: {  	v5 =	vadd.s32 v2, v5  }
0x80a: {  	[tilespmem:s29], [sflag:$0x2] =	stream.indirect_vreg.gather [hbm4b:s5+s2], $0x80, v6, vm0, $0xb8;
	[tilespmem:$0x1E400] =	vst v63  }
0x80b: {  	s1 =	simm.s32 $0x16C00  }
0x80c: {  	[tilespmem:s1], [sflag:$0x2] =	stream.indirect_vreg.gather [hbm4b:s11+s2], $0x80, v6, vm0, $0xb8;
	[tilespmem:$0x1E400] =	vst v63  }
0x80d: {  	_ = 	snop  }
0x80e: {  	[tilespmem:s12], [sflag:$0x2] =	stream.indirect_vreg.gather [hbm4b:s5+s2], $0x80, v5, vm0, $0xb8;
	[tilespmem:$0x1E400] =	vst v63  }
0x80f: {  	s1 =	simm.s32 $0x17C00  }
0x810: {  	[tilespmem:s1], [sflag:$0x2] =	stream.indirect_vreg.gather [hbm4b:s11+s2], $0x80, v5, vm0, $0xb8;
	[tilespmem:$0x1E400] =	vst v63  }
0x811: {  	v5 =	vld [tilespmem:s18+$0xFFFFFFE0];
	_ =	sdelay $0x4  }
0x812: {  	v61 =	vshll.u32 v5, $0x2  }
0x813: {  	v5 =	vand.u32 $0x7, v5;
	v6 =	vand.u32 $0xFFFFFFE0, v61  }
0x814: {  	v5 =	vor.u32 v5, v6  }
0x815: {  	v6 =	vperm.xlane v5, v1;
	_ =	sdelay $0x1  }
0x816: {  	v6 =	vadd.s32 v2, v6;
	_ =	sdelay $0x1  }
0x817: {  	v5 =	vperm.xlane v5, v4;
	_ =	sdelay $0x1  }
0x818: {  	v5 =	vadd.s32 v2, v5  }
0x819: {  	[tilespmem:s30], [sflag:$0x2] =	stream.indirect_vreg.gather [hbm4b:s5+s2], $0x80, v6, vm0, $0xb8;
	[tilespmem:$0x1E400] =	vst v63  }
0x81a: {  	s1 =	simm.s32 $0x18C00  }
0x81b: {  	[tilespmem:s1], [sflag:$0x2] =	stream.indirect_vreg.gather [hbm4b:s11+s2], $0x80, v6, vm0, $0xb8;
	[tilespmem:$0x1E400] =	vst v63  }
0x81c: {  	s1 =	simm.s32 $0x19400  }
0x81d: {  	[tilespmem:s1], [sflag:$0x2] =	stream.indirect_vreg.gather [hbm4b:s5+s2], $0x80, v5, vm0, $0xb8;
	[tilespmem:$0x1E400] =	vst v63  }
0x81e: {  	s23 =	simm.s32 $0x19C00  }
0x81f: {  	[tilespmem:s23], [sflag:$0x2] =	stream.indirect_vreg.gather [hbm4b:s11+s2], $0x80, v5, vm0, $0xb8;
	[tilespmem:$0x1E400] =	vst v63  }
0x820: {  	v5 =	vld [tilespmem:s18+$0xFFFFFFF0];
	_ =	sdelay $0x4  }
0x821: {  	v62 =	vshll.u32 v5, $0x2  }
0x822: {  	v5 =	vand.u32 $0x7, v5;
	v6 =	vand.u32 $0xFFFFFFE0, v62  }
0x823: {  	v5 =	vor.u32 v5, v6  }
0x824: {  	v6 =	vperm.xlane v5, v1;
	_ =	sdelay $0x1  }
0x825: {  	v6 =	vadd.s32 v2, v6;
	_ =	sdelay $0x1  }
0x826: {  	v5 =	vperm.xlane v5, v4;
	_ =	sdelay $0x1  }
0x827: {  	s1 =	simm.s32 $0x1A400;
	v5 =	vadd.s32 v2, v5  }
0x828: {  	[tilespmem:s1], [sflag:$0x2] =	stream.indirect_vreg.gather [hbm4b:s5+s2], $0x80, v6, vm0, $0xb8;
	[tilespmem:$0x1E400] =	vst v63  }
0x829: {  	s23 =	simm.s32 $0x1AC00  }
0x82a: {  	[tilespmem:s23], [sflag:$0x2] =	stream.indirect_vreg.gather [hbm4b:s11+s2], $0x80, v6, vm0, $0xb8;
	[tilespmem:$0x1E400] =	vst v63  }
0x82b: {  	s1 =	simm.s32 $0x1B400  }
0x82c: {  	[tilespmem:s1], [sflag:$0x2] =	stream.indirect_vreg.gather [hbm4b:s5+s2], $0x80, v5, vm0, $0xb8;
	[tilespmem:$0x1E400] =	vst v63  }
0x82d: {  	s23 =	simm.s32 $0x1BC00  }
0x82e: {  	[tilespmem:s23], [sflag:$0x2] =	stream.indirect_vreg.gather [hbm4b:s11+s2], $0x80, v5, vm0, $0xb8;
	[tilespmem:$0x1E400] =	vst v63  }
0x82f: {  	v5 =	vld [tilespmem:s18+$0x0];
	_ =	sdelay $0x4  }
0x830: {  	v63 =	vshll.u32 v5, $0x2  }
0x831: {  	v5 =	vand.u32 $0x7, v5;
	v6 =	vand.u32 $0xFFFFFFE0, v63  }
0x832: {  	v5 =	vor.u32 v5, v6  }
0x833: {  	v6 =	vperm.xlane v5, v1;
	_ =	sdelay $0x1  }
0x834: {  	v6 =	vadd.s32 v2, v6;
	_ =	sdelay $0x2  }
0x835: {  	v4 =	vperm.xlane v5, v4  }
0x836: {  	s1 =	simm.s32 $0x1C400  }
0x837: {  	v4 =	vadd.s32 v2, v4;
	[tilespmem:s1], [sflag:$0x2] =	stream.indirect_vreg.gather [hbm4b:s5+s2], $0x80, v6, vm0, $0xb8;
	[tilespmem:$0x1E400] =	vst v63  }
0x838: {  	p1 =	sne.s32 s6, $0x18000;
	s23 =	simm.s32 $0x1CC00  }
0x839: {  	[tilespmem:s23], [sflag:$0x2] =	stream.indirect_vreg.gather [hbm4b:s11+s2], $0x80, v6, vm0, $0xb8;
	[tilespmem:$0x1E400] =	vst v63  }
.Ltmp16:
0x83a: {  	_ = 	snop;
	(pc) =	sbr.rel @p1 .LBB2_27-.Ltmp16, $4  }
0x83b: {  	s1 =	simm.s32 $0x1D400  }
0x83c: {  	[tilespmem:s1], [sflag:$0x2] =	stream.indirect_vreg.gather [hbm4b:s5+s2], $0x80, v4, vm0, $0xb8;
	[tilespmem:$0x1E400] =	vst v63  }
0x83d: {  	s6 =	sadd.s32 $0x3000, s6;
	s18 =	sadd.s32 $0x180, s18;
	s23 =	simm.s32 $0x1DC00  }
0x83e: {  	[tilespmem:s23], [sflag:$0x2] =	stream.indirect_vreg.gather [hbm4b:s11+s2], $0x80, v4, vm0, $0xb8;
	[tilespmem:$0x1E400] =	vst v63  }
.Ltmp17:
0x83f: {  	(pc) =	sbr.rel .LBB2_29-.Ltmp17, $4  }
0x840: {  	_ = 	snop  }
0x841: {  	s6 =	rddreg [dreg:$0xa]  }
0x842: {  	s20 =	simm.s32 $0x10400;
	s16 =	simm.s32 $0xE400;
	s0 =	simm.s32 $0x6400  }
0x843: {  	s29 =	simm.s32 $0x15C00;
	s28 =	simm.s32 $0x16400;
	s13 =	rddreg [dreg:$0x1a]  }
.LBB2_30:
0x844: {  	_ =	sfence.sel $0x180000  }
0x845: {  	[bflag:$0x0] =	sbarrier.arrive $0xFFFF  }
0x846: {  	_ =	strace $0x90000047  }
0x847: {  	s0 =	stileid.u32;
	[bflag:$0x2] =	sbarrier.arrive $0xFFFF  }
0x848: {  	p0 =	sne.s32 s0, $0x0;
	s0 =	rddreg [dreg:$0x4]  }
0x849: {  	s0 =	sadd.s32 @!p0 $0x100000, s0  }
0x84a: {  	[sflag:s0] =	ssyncadd.tile.s32 @!p0 $0x1;
	_ =	shalt  }
.Lfunc_end2:
_tile_overlayer_lowered:
.L_overlay_start_2:
0x84b: {  	(tag) =	ssettag $0x2  }
0x84c: {  	s0 =	rddreg [dreg:$0x0];
	s2 =	stileid.u32  }
0x84d: {  	s1 =	rddreg [dreg:$0x1];
	p0 =	sne.s32 s2, $0x0  }
0x84e: {  	s3 =	rddreg [dreg:$0x2];
	[bflag:$0x3] =	sbarrier.arrive $0xFFFF;
	s2 =	simm.s32 @!p0 $0x1C07  }
0x84f: {  	[timem:s3], [sflag:s2] =	dma.local @!p0 [hbm:s0], s1  }
0x850: {  	s0 =	simm.s32 @!p0 $0x7  }
0x851: {  	_ =	swait.ge @!p0 [sflag:s0], s1  }
0x852: {  	s1 =	ssub.s32 @!p0 $0x0, s1;
	[sflag:s0] =	ssyncset.done @!p0 $0x0  }
0x853: {  	[sflag:s0] =	ssyncadd.s32 @!p0 s1  }
0x854: {  	[bflag:$0x3] =	sbarrier.arrive $0xFFFF  }
0x855: {  	_ =	shalt  }

</sc_bundles>
